<compile_context>
chip_gen: v7x
topology: tpu7x:2x2x1
jax: 0.10.2.dev20260603
libtpu: 0.0.44.dev20260713+nightly
codegen_flags: <defaults>
</compile_context>

<pallas_src>
import functools

import jax
import jax.numpy as jnp
from jax import lax
from jax.experimental import pallas as pl
from jax.experimental.pallas import tpu as pltpu
from jax.experimental.pallas import tpu_sc as plsc

N = 10000
D = 128
E = 320000
ALPHA = 0.2
RATE = 0.7

NC = 2
NS = 16
NW = NC * NS
CHUNK = 128
TOTCH = E // CHUNK
NCHK = TOTCH // NW
XW = TOTCH - NCHK * NW
NP = 10240
TROWS = NP // NS
BN = 2048
GRID = NP // BN


def _mm(x, w):
    return lax.dot_general(x, w, (((1,), (0,)), ((), ())),
                           preferred_element_type=jnp.float32,
                           precision=lax.Precision.HIGHEST)


def _lrelu(x):
    return jnp.where(x > 0.0, x, ALPHA * x)



@functools.partial(jax.jit, static_argnames=("nprops",))
def _sc_stage_call(nprops, edges, sups, zeros):
    mesh = plsc.VectorSubcoreMesh(core_axis_name="c", subcore_axis_name="s",
                                  num_cores=NC, num_subcores=NS)

    def body(*refs):
        e_refs = refs[:nprops]
        s_refs = refs[nprops:2 * nprops]
        z_ref = refs[2 * nprops]
        o_refs = refs[2 * nprops + 1: 2 * nprops + 1 + nprops]
        (slab, bufs, acc_sh,
         isem, gsem, ssem, csem) = refs[2 * nprops + 1 + nprops:]
        cid = lax.axis_index("c")
        sid = lax.axis_index("s")
        w = cid * NS + sid
        base = w * NCHK + jnp.minimum(w, XW)

        for p in range(nprops):
            sup = s_refs[p]
            e3 = e_refs[p]

            def _g(sl, pos, bp, sup=sup):
                pltpu.async_copy(sup.at[slab.at[sl, pos, 0]], bufs.at[bp],
                                 gsem)

            def _wg(bp, sup=sup):
                pltpu.make_async_copy(sup.at[slab.at[0, 0, 0]],
                                      bufs.at[bp], gsem).wait()

            def _s(sl, pos, bp):
                pltpu.async_copy(bufs.at[bp],
                                 acc_sh.at[slab.at[sl, pos, 1]],
                                 ssem, add=True)

            def _ds():
                pltpu.make_async_copy(bufs.at[0],
                                      acc_sh.at[slab.at[0, 0, 1]],
                                      ssem).wait()

            def _idxq(k, sl, e3=e3):
                pltpu.async_copy(e3.at[pl.ds(base + 4 * k, 4)],
                                 slab.at[sl], isem)

            def _wi(e3=e3):
                pltpu.make_async_copy(e3.at[pl.ds(base, 4)],
                                      slab.at[0], isem).wait()

            pltpu.sync_copy(e3.at[pl.ds(base, 4)], slab.at[0])
            _idxq(1, 1)
            if p > 0:
                pltpu.make_async_copy(
                    acc_sh.at[pl.ds(sid * TROWS, TROWS)],
                    o_refs[p - 1].at[cid, pl.ds(sid * TROWS, TROWS)],
                    csem).wait()
            pltpu.sync_copy(z_ref.at[pl.ds(sid * TROWS, TROWS)],
                            acc_sh.at[pl.ds(sid * TROWS, TROWS)])
            _g(0, 0, 0)
            plsc.subcore_barrier()

            _g(0, 1, 1)
            _wg(0)
            _s(0, 0, 0)
            _ds(); _g(0, 2, 0); _wg(1); _s(0, 1, 1)
            _ds(); _g(0, 3, 1); _wg(0); _s(0, 2, 0)
            _wi()
            _idxq(2, 2)
            _ds(); _g(1, 0, 0); _wg(1); _s(0, 3, 1)

            def steady(g, carry):
                hs = g % 3
                hn = (g + 1) % 3
                hl = (g + 2) % 3
                _ds(); _g(hs, 1, 1); _wg(0); _s(hs, 0, 0)
                _ds(); _g(hs, 2, 0); _wg(1); _s(hs, 1, 1)
                _ds(); _g(hs, 3, 1); _wg(0); _s(hs, 2, 0)
                _wi()
                _idxq(g + 2, hl)
                _ds(); _g(hn, 0, 0); _wg(1); _s(hs, 3, 1)
                return carry

            lax.fori_loop(1, 17, steady, 0)

            _ds(); _g(2, 1, 1); _wg(0); _s(2, 0, 0)
            _ds(); _g(2, 2, 0); _wg(1); _s(2, 1, 1)
            _ds(); _g(2, 3, 1); _wg(0); _s(2, 2, 0)
            _wi()
            _ds(); _g(0, 0, 0); _wg(1); _s(2, 3, 1)

            pltpu.sync_copy(e3.at[pl.ds(base + 76, 2)],
                            slab.at[1, pl.ds(0, 2)])
            exc = jnp.minimum(base + NCHK, TOTCH - 1)
            pltpu.sync_copy(e3.at[pl.ds(exc, 1)],
                            slab.at[1, pl.ds(2, 1)])

            _ds(); _g(0, 1, 1); _wg(0); _s(0, 0, 0)
            _ds(); _g(0, 2, 0); _wg(1); _s(0, 1, 1)
            _ds(); _g(0, 3, 1); _wg(0); _s(0, 2, 0)
            _ds(); _g(1, 0, 0); _wg(1); _s(0, 3, 1)

            _ds(); _g(1, 1, 1); _wg(0); _s(1, 0, 0)
            _ds(); _wg(1); _s(1, 1, 1)

            @pl.when(w < XW)
            def _extra():
                _g(1, 2, 0); _wg(0); _s(1, 2, 0)

            _ds()

            @pl.when(w < XW)
            def _extra_drain():
                _ds()

            plsc.subcore_barrier()
            if p < nprops - 1:
                pltpu.async_copy(
                    acc_sh.at[pl.ds(sid * TROWS, TROWS)],
                    o_refs[p].at[cid, pl.ds(sid * TROWS, TROWS)], csem)
            else:
                pltpu.sync_copy(
                    acc_sh.at[pl.ds(sid * TROWS, TROWS)],
                    o_refs[p].at[cid, pl.ds(sid * TROWS, TROWS)])

    kern = pl.kernel(
        body,
        out_type=tuple(jax.ShapeDtypeStruct((NC, NP, D), jnp.float32)
                       for _ in range(nprops)),
        mesh=mesh,
        scratch_types=[
            pltpu.VMEM((3, 4, 2, CHUNK), jnp.int32),
            pltpu.VMEM((2, CHUNK, D), jnp.float32),
            pltpu.VMEM_SHARED((NP, D), jnp.float32),
            pltpu.SemaphoreType.DMA,
            pltpu.SemaphoreType.DMA,
            pltpu.SemaphoreType.DMA,
            pltpu.SemaphoreType.DMA,
        ],
    )
    return kern(*edges, *sups, zeros)


def _sc_stage(edge_list, sup_list, zeros):
    outs = _sc_stage_call(len(edge_list), tuple(edge_list), tuple(sup_list),
                          zeros)
    return list(outs)



_ROW = pl.BlockSpec((BN, D), lambda j: (j, 0))
_PART = pl.BlockSpec((NC, BN, D), lambda j: (0, j, 0))
_W = pl.BlockSpec((D, D), lambda j: (0, 0))
_W2 = pl.BlockSpec((2 * D, D), lambda j: (0, 0))
_B = pl.BlockSpec((1, D), lambda j: (0, 0))

_sds = lambda: jax.ShapeDtypeStruct((NP, D), jnp.float32)


def _tc1(su, tu, w1, w2):
    def body(su_r, tu_r, w1_r, w2_r, oa_r, oc_r):
        oa_r[...] = _mm(su_r[...], w1_r[...])
        oc_r[...] = _mm(tu_r[...], w2_r[...])

    return pl.pallas_call(
        body, grid=(GRID,),
        in_specs=[_ROW, _ROW, _W, _W],
        out_specs=[_ROW, _ROW],
        out_shape=[_sds(), _sds()],
    )(su, tu, w1, w2)


def _tc2(pa, pc, b1, b2, w3, w4):
    def body(pa_r, pc_r, b1_r, b2_r, w3_r, w4_r, ob_r, od_r):
        s_h1 = _lrelu(pa_r[0] + pa_r[1] + b1_r[...])
        t_h1 = _lrelu(pc_r[0] + pc_r[1] + b2_r[...])
        ob_r[...] = _mm(s_h1, w3_r[...])
        od_r[...] = _mm(t_h1, w4_r[...])

    return pl.pallas_call(
        body, grid=(GRID,),
        in_specs=[_PART, _PART, _B, _B, _W, _W],
        out_specs=[_ROW, _ROW],
        out_shape=[_sds(), _sds()],
    )(pa, pc, b1.reshape(1, D), b2.reshape(1, D), w3, w4)


def _tc3(pb, pd, b3, b4, su, tu, su_w, su_b, tu_w, tu_b, we, wh):
    def body(pb_r, pd_r, b3_r, b4_r, su_r, tu_r, suw_r, sub_r, tuw_r,
             tub_r, we_r, wh_r, ou_r, oe_r, oh_r):
        s_h2 = _lrelu(pb_r[0] + pb_r[1] + b3_r[...])
        t_h2 = _lrelu(pd_r[0] + pd_r[1] + b4_r[...])
        s_user = (_mm(s_h2, suw_r[:D]) + _mm(su_r[...], suw_r[D:])
                  + sub_r[...])
        t_user = (_mm(t_h2, tuw_r[:D]) + _mm(tu_r[...], tuw_r[D:])
                  + tub_r[...])
        u = (RATE * jnp.maximum(s_user, 0.0)
             + (1.0 - RATE) * jnp.maximum(t_user, 0.0))
        ou_r[...] = u
        oe_r[...] = _mm(u, we_r[...])
        oh_r[...] = _mm(u, wh_r[...])

    return pl.pallas_call(
        body, grid=(GRID,),
        in_specs=[_PART, _PART, _B, _B, _ROW, _ROW, _W2, _B, _W2, _B,
                  _W, _W],
        out_specs=[_ROW, _ROW, _ROW],
        out_shape=[_sds(), _sds(), _sds()],
    )(pb, pd, b3.reshape(1, D), b4.reshape(1, D), su, tu, su_w,
      su_b.reshape(1, D), tu_w, tu_b.reshape(1, D), we, wh)


def _tc4(ps, pt, b1, b2, w3m, w3s, w4m, w4s):
    def body(ps_r, pt_r, b1_r, b2_r, w3m_r, w3s_r, w4m_r, w4s_r,
             of_r, og_r, oi_r, oj_r):
        s_g1 = _lrelu(ps_r[0] + ps_r[1] + b1_r[...])
        t_g1 = _lrelu(pt_r[0] + pt_r[1] + b2_r[...])
        of_r[...] = _mm(s_g1, w3m_r[...])
        og_r[...] = _mm(s_g1, w3s_r[...])
        oi_r[...] = _mm(t_g1, w4m_r[...])
        oj_r[...] = _mm(t_g1, w4s_r[...])

    return pl.pallas_call(
        body, grid=(GRID,),
        in_specs=[_PART, _PART, _B, _B, _W, _W, _W, _W],
        out_specs=[_ROW, _ROW, _ROW, _ROW],
        out_shape=[_sds(), _sds(), _sds(), _sds()],
    )(ps, pt, b1.reshape(1, D), b2.reshape(1, D), w3m, w3s, w4m, w4s)


def _tc5(pf, pg, pi, pj, bm, bs, cm, cs, u,
         sum_w, sum_b, sus_w, sus_b, tum_w, tum_b, tus_w, tus_b):
    def body(pf_r, pg_r, pi_r, pj_r, bm_r, bs_r, cm_r, cs_r, u_r,
             sumw_r, sumb_r, susw_r, susb_r, tumw_r, tumb_r, tusw_r,
             tusb_r, om_r, os_r):
        s_m = _lrelu(pf_r[0] + pf_r[1] + bm_r[...])
        s_s = _lrelu(pg_r[0] + pg_r[1] + bs_r[...])
        t_m = _lrelu(pi_r[0] + pi_r[1] + cm_r[...])
        t_s = _lrelu(pj_r[0] + pj_r[1] + cs_r[...])
        u = u_r[...]
        sm = _mm(s_m, sumw_r[:D]) + _mm(u, sumw_r[D:]) + sumb_r[...]
        ss = _mm(s_s, susw_r[:D]) + _mm(u, susw_r[D:]) + susb_r[...]
        tm = _mm(t_m, tumw_r[:D]) + _mm(u, tumw_r[D:]) + tumb_r[...]
        ts = _mm(t_s, tusw_r[:D]) + _mm(u, tusw_r[D:]) + tusb_r[...]
        om_r[...] = RATE * sm + (1.0 - RATE) * tm
        os_r[...] = RATE * ss + (1.0 - RATE) * ts

    rowN = pl.BlockSpec((N // GRID, D), lambda j: (j, 0))
    partN = pl.BlockSpec((NC, N // GRID, D), lambda j: (0, j, 0))
    sdsN = jax.ShapeDtypeStruct((N, D), jnp.float32)
    return pl.pallas_call(
        body, grid=(GRID,),
        in_specs=[partN, partN, partN, partN, _B, _B, _B, _B, rowN,
                  _W2, _B, _W2, _B, _W2, _B, _W2, _B],
        out_specs=[rowN, rowN],
        out_shape=[sdsN, sdsN],
    )(pf, pg, pi, pj, bm.reshape(1, D), bs.reshape(1, D),
      cm.reshape(1, D), cs.reshape(1, D), u,
      sum_w, sum_b.reshape(1, D), sus_w, sus_b.reshape(1, D),
      tum_w, tum_b.reshape(1, D), tus_w, tus_b.reshape(1, D))




def kernel(source_ufea, target_ufea, source_UV_edge_index,
           source_VU_edge_index, target_UV_edge_index, target_VU_edge_index,
           l1_gc1_W, l1_gc1_b, l1_gc2_W, l1_gc2_b, l1_gc3_W, l1_gc3_b,
           l1_gc4_W, l1_gc4_b, l1_su_W, l1_su_b, l1_tu_W, l1_tu_b,
           l2_gc1_W, l2_gc1_b, l2_gc2_W, l2_gc2_b, l2_gc3m_W, l2_gc3m_b,
           l2_gc3s_W, l2_gc3s_b, l2_gc4m_W, l2_gc4m_b, l2_gc4s_W, l2_gc4s_b,
           l2_sum_W, l2_sum_b, l2_sus_W, l2_sus_b, l2_tum_W, l2_tum_b,
           l2_tus_W, l2_tus_b):
    su = jnp.pad(source_ufea, ((0, NP - N), (0, 0)))
    tu = jnp.pad(target_ufea, ((0, NP - N), (0, 0)))
    def _chunked(e):
        return e.reshape(2, TOTCH, CHUNK).transpose(1, 0, 2)

    e_suv = _chunked(source_UV_edge_index)
    e_svu = _chunked(source_VU_edge_index)
    e_tuv = _chunked(target_UV_edge_index)
    e_tvu = _chunked(target_VU_edge_index)
    zeros = jnp.zeros((NP, D), jnp.float32)

    sup_a, sup_c = _tc1(su, tu, l1_gc1_W, l1_gc2_W)
    part_a, part_c = _sc_stage([e_svu, e_tvu], [sup_a, sup_c], zeros)
    sup_b, sup_d = _tc2(part_a, part_c, l1_gc1_b, l1_gc2_b,
                        l1_gc3_W, l1_gc4_W)
    part_b, part_d = _sc_stage([e_suv, e_tuv], [sup_b, sup_d], zeros)
    u, sup_e, sup_h = _tc3(part_b, part_d, l1_gc3_b, l1_gc4_b, su, tu,
                           l1_su_W, l1_su_b, l1_tu_W, l1_tu_b,
                           l2_gc1_W, l2_gc2_W)
    part_e, part_h = _sc_stage([e_svu, e_tvu], [sup_e, sup_h], zeros)
    sup_f, sup_g, sup_i, sup_j = _tc4(part_e, part_h, l2_gc1_b, l2_gc2_b,
                                      l2_gc3m_W, l2_gc3s_W,
                                      l2_gc4m_W, l2_gc4s_W)
    part_f, part_g, part_i, part_j = _sc_stage(
        [e_suv, e_suv, e_tuv, e_tuv], [sup_f, sup_g, sup_i, sup_j], zeros)
    mean, sigma = _tc5(part_f, part_g, part_i, part_j,
                       l2_gc3m_b, l2_gc3s_b, l2_gc4m_b, l2_gc4s_b, u,
                       l2_sum_W, l2_sum_b, l2_sus_W, l2_sus_b,
                       l2_tum_W, l2_tum_b, l2_tus_W, l2_tus_b)
    return (mean, sigma)

# --- scband reference (transcript-rebuilt; emitter-appended) ---
"""Pipeline reference for scband-cross-vbge-8323646620421 (READ-ONLY COPY).

The authoritative reference and input builder live on the scoring server;
editing this copy changes nothing except your own understanding.
"""

import jax, jax.numpy as jnp
import numpy as np

N = 10000
D = 128
E = 320000
ALPHA = 0.2
RATE = 0.7

def _gcn(x, W, b, edges):
    # GraphConvolution: support = x @ W ; out = spmm(adj, support) + bias ; LeakyReLU(alpha)
    support = x @ W
    msg = jnp.take(support, edges[0], axis=0)
    out = jax.ops.segment_sum(msg, edges[1], num_segments=N)
    out = out + b
    return jnp.where(out > 0.0, out, ALPHA * out)

def _dgcn_layer(su, tu, s_uv, s_vu, t_uv, t_vu, p):
    s_ho = _gcn(su, p['gc1_W'], p['gc1_b'], s_vu)
    s_ho = _gcn(s_ho, p['gc3_W'], p['gc3_b'], s_uv)
    t_ho = _gcn(tu, p['gc2_W'], p['gc2_b'], t_vu)
    t_ho = _gcn(t_ho, p['gc4_W'], p['gc4_b'], t_uv)
    s_user = jnp.concatenate([s_ho, su], axis=1) @ p['su_W'] + p['su_b']
    t_user = jnp.concatenate([t_ho, tu], axis=1) @ p['tu_W'] + p['tu_b']
    out = RATE * jax.nn.relu(s_user) + (1.0 - RATE) * jax.nn.relu(t_user)
    return out, out

def _last_layer(su, tu, s_uv, s_vu, t_uv, t_vu, p):
    s_ho = _gcn(su, p['gc1_W'], p['gc1_b'], s_vu)
    s_mean = _gcn(s_ho, p['gc3m_W'], p['gc3m_b'], s_uv)
    s_logstd = _gcn(s_ho, p['gc3s_W'], p['gc3s_b'], s_uv)
    t_ho = _gcn(tu, p['gc2_W'], p['gc2_b'], t_vu)
    t_mean = _gcn(t_ho, p['gc4m_W'], p['gc4m_b'], t_uv)
    t_logstd = _gcn(t_ho, p['gc4s_W'], p['gc4s_b'], t_uv)
    sm = jnp.concatenate([s_mean, su], axis=1) @ p['sum_W'] + p['sum_b']
    ss = jnp.concatenate([s_logstd, su], axis=1) @ p['sus_W'] + p['sus_b']
    tm = jnp.concatenate([t_mean, tu], axis=1) @ p['tum_W'] + p['tum_b']
    ts = jnp.concatenate([t_logstd, tu], axis=1) @ p['tus_W'] + p['tus_b']
    mean = RATE * sm + (1.0 - RATE) * tm
    sigma = RATE * ss + (1.0 - RATE) * ts
    return mean, sigma

def _param_shapes():
    shapes = {}
    for nm in ['gc1', 'gc2', 'gc3', 'gc4']:
        shapes['l1_' + nm + '_W'] = (D, D)
        shapes['l1_' + nm + '_b'] = (D,)
    for nm in ['su', 'tu']:
        shapes['l1_' + nm + '_W'] = (2 * D, D)
        shapes['l1_' + nm + '_b'] = (D,)
    for nm in ['gc1', 'gc2', 'gc3m', 'gc3s', 'gc4m', 'gc4s']:
        shapes['l2_' + nm + '_W'] = (D, D)
        shapes['l2_' + nm + '_b'] = (D,)
    for nm in ['sum', 'sus', 'tum', 'tus']:
        shapes['l2_' + nm + '_W'] = (2 * D, D)
        shapes['l2_' + nm + '_b'] = (D,)
    return shapes

def setup_inputs(seed=0):
    key = jax.random.key(seed)
    inp = {}
    k1, k2, key = jax.random.split(key, 3)
    inp['source_ufea'] = jax.random.normal(k1, (N, D), dtype=jnp.float32)
    inp['target_ufea'] = jax.random.normal(k2, (N, D), dtype=jnp.float32)
    names = ['source_UV_edge_index', 'source_VU_edge_index', 'target_UV_edge_index', 'target_VU_edge_index']
    for i, nm in enumerate(names):
        inp[nm] = jax.random.randint(jax.random.fold_in(key, i), (2, E), 0, N, dtype=jnp.int32)
    for j, (nm, shp) in enumerate(sorted(_param_shapes().items())):
        if nm.endswith('_W'):
            inp[nm] = 0.02 * jax.random.normal(jax.random.fold_in(key, 100 + j), shp, dtype=jnp.float32)
        else:
            inp[nm] = jnp.zeros(shp, dtype=jnp.float32)
    return inp

def reference(source_ufea, target_ufea,
              source_UV_edge_index, source_VU_edge_index,
              target_UV_edge_index, target_VU_edge_index,
              l1_gc1_W, l1_gc1_b, l1_gc2_W, l1_gc2_b,
              l1_gc3_W, l1_gc3_b, l1_gc4_W, l1_gc4_b,
              l1_su_W, l1_su_b, l1_tu_W, l1_tu_b,
              l2_gc1_W, l2_gc1_b, l2_gc2_W, l2_gc2_b,
              l2_gc3m_W, l2_gc3m_b, l2_gc3s_W, l2_gc3s_b,
              l2_gc4m_W, l2_gc4m_b, l2_gc4s_W, l2_gc4s_b,
              l2_sum_W, l2_sum_b, l2_sus_W, l2_sus_b,
              l2_tum_W, l2_tum_b, l2_tus_W, l2_tus_b):
    inp = dict(locals())
    p1 = {k[3:]: v for k, v in inp.items() if k.startswith('l1_')}
    p2 = {k[3:]: v for k, v in inp.items() if k.startswith('l2_')}
    su = inp['source_ufea']
    tu = inp['target_ufea']
    s_uv = inp['source_UV_edge_index']
    s_vu = inp['source_VU_edge_index']
    t_uv = inp['target_UV_edge_index']
    t_vu = inp['target_VU_edge_index']
    # crossVBGE with GNN=2: one DGCNLayer (dropout is eval-mode identity), then LastLayer
    su, tu = _dgcn_layer(su, tu, s_uv, s_vu, t_uv, t_vu, p1)
    mean, sigma = _last_layer(su, tu, s_uv, s_vu, t_uv, t_vu, p2)
    return (mean, sigma)

if __name__ == "__main__":
    import jax
    _d = setup_inputs()
    print(jax.jit(kernel)(*tuple(_d.values())))

</pallas_src>

<mosaic_0001>
#map = affine_map<(d0, d1) -> (0, 0, 0)>
#map1 = affine_map<(d0, d1) -> (0, 0)>
module attributes {stable_mosaic.version = 14 : i64} {
  func.func @body(%arg0: i32, %arg1: i32, %arg2: memref<2500x2x128xi32, #tpu.memory_space<hbm>>, %arg3: memref<2500x2x128xi32, #tpu.memory_space<hbm>>, %arg4: memref<10240x128xf32, #tpu.memory_space<hbm>>, %arg5: memref<10240x128xf32, #tpu.memory_space<hbm>>, %arg6: memref<10240x128xf32, #tpu.memory_space<hbm>>, %arg7: memref<2x10240x128xf32, #tpu.memory_space<hbm>>, %arg8: memref<2x10240x128xf32, #tpu.memory_space<hbm>>, %arg9: memref<3x4x2x128xi32, #tpu.memory_space<vmem>>, %arg10: memref<2x128x128xf32, #tpu.memory_space<vmem>>, %arg11: memref<10240x128xf32, #tpu.memory_space<vmem_shared>>, %arg12: memref<!tpu.dma_semaphore, #tpu.memory_space<semaphore_mem>>, %arg13: memref<!tpu.dma_semaphore, #tpu.memory_space<semaphore_mem>>, %arg14: memref<!tpu.dma_semaphore, #tpu.memory_space<semaphore_mem>>, %arg15: memref<!tpu.dma_semaphore, #tpu.memory_space<semaphore_mem>>) attributes {dimension_semantics = [#tpu.dimension_semantics<core_parallel>, #tpu.dimension_semantics<subcore_parallel>], iteration_bounds = array<i64: 2, 16>, scalar_prefetch = 0 : i64, scratch_operands = 7 : i64, tpu.core_type = #tpu.core_type<sc_vector_subcore>, window_params = [{transform_indices = #map}, {transform_indices = #map}, {transform_indices = #map1}, {transform_indices = #map1}, {transform_indices = #map1}, {transform_indices = #map}, {transform_indices = #map}]} {
    %mul3A = arith.constant 16 : i32
    %mul3A_0 = arith.muli %arg0, %mul3A : i32
    %add3A = arith.addi %mul3A_0, %arg1 : i32
    %mul3A_1 = arith.constant 78 : i32
    %mul3A_2 = arith.muli %add3A, %mul3A_1 : i32
    %min3A = arith.constant 4 : i32
    %min3A_3 = arith.minsi %add3A, %min3A : i32
    %add3A_4 = arith.addi %mul3A_2, %min3A_3 : i32
    %run_scoped3A = arith.constant 0 : i32
    "tpu.region"() ({
      %run_scoped3A_1793 = tpu.sem_alloc : memref<!tpu.dma_semaphore, #tpu.memory_space<semaphore_mem>>
      %dma_start3A_1794 = arith.constant 0 : i32
      %dma_start3A_1795 = arith.constant 0 : i32
      %dma_start3A_1796 = arith.constant 0 : i32
      %dma_start3A_1797 = tpu.memref_slice %arg9[%run_scoped3A, %dma_start3A_1794, %dma_start3A_1795, %dma_start3A_1796] : memref<3x4x2x128xi32, #tpu.memory_space<vmem>> -> memref<1x4x2x128xi32, #tpu.memory_space<vmem>>
      %dma_start3A_1798 = tpu.memref_squeeze %dma_start3A_1797 : memref<1x4x2x128xi32, #tpu.memory_space<vmem>> -> memref<4x2x128xi32, #tpu.memory_space<vmem>>
      %dma_start3A_1799 = arith.constant 0 : i32
      %dma_start3A_1800 = arith.constant 0 : i32
      %dma_start3A_1801 = tpu.memref_slice %arg2[%add3A_4, %dma_start3A_1799, %dma_start3A_1800] : memref<2500x2x128xi32, #tpu.memory_space<hbm>> -> memref<4x2x128xi32, #tpu.memory_space<hbm>>
      %dma_start3A_1802 = arith.constant 0 : i32
      %dma_start3A_1803 = arith.constant 0 : i32
      %dma_start3A_1804 = arith.constant 0 : i32
      %dma_start3A_1805 = tpu.memref_slice %arg9[%run_scoped3A, %dma_start3A_1802, %dma_start3A_1803, %dma_start3A_1804] : memref<3x4x2x128xi32, #tpu.memory_space<vmem>> -> memref<1x4x2x128xi32, #tpu.memory_space<vmem>>
      %dma_start3A_1806 = tpu.memref_squeeze %dma_start3A_1805 : memref<1x4x2x128xi32, #tpu.memory_space<vmem>> -> memref<4x2x128xi32, #tpu.memory_space<vmem>>
      %dma_start3A_1807 = arith.constant 0 : i32
      %dma_start3A_1808 = arith.constant 0 : i32
      %dma_start3A_1809 = tpu.memref_slice %arg2[%add3A_4, %dma_start3A_1807, %dma_start3A_1808] : memref<2500x2x128xi32, #tpu.memory_space<hbm>> -> memref<4x2x128xi32, #tpu.memory_space<hbm>>
      tpu.enqueue_dma source(%dma_start3A_1809 : memref<4x2x128xi32, #tpu.memory_space<hbm>>) target(%dma_start3A_1806 : memref<4x2x128xi32, #tpu.memory_space<vmem>>) target_semaphore(%run_scoped3A_1793 : memref<!tpu.dma_semaphore, #tpu.memory_space<semaphore_mem>>)
      %dma_wait3A_1810 = arith.constant 0 : i32
      %dma_wait3A_1811 = arith.constant 0 : i32
      %dma_wait3A_1812 = arith.constant 0 : i32
      %dma_wait3A_1813 = tpu.memref_slice %arg9[%run_scoped3A, %dma_wait3A_1810, %dma_wait3A_1811, %dma_wait3A_1812] : memref<3x4x2x128xi32, #tpu.memory_space<vmem>> -> memref<1x4x2x128xi32, #tpu.memory_space<vmem>>
      %dma_wait3A_1814 = tpu.memref_squeeze %dma_wait3A_1813 : memref<1x4x2x128xi32, #tpu.memory_space<vmem>> -> memref<4x2x128xi32, #tpu.memory_space<vmem>>
      %dma_wait3A_1815 = arith.constant 0 : i32
      %dma_wait3A_1816 = arith.constant 0 : i32
      %dma_wait3A_1817 = tpu.memref_slice %arg2[%add3A_4, %dma_wait3A_1815, %dma_wait3A_1816] : memref<2500x2x128xi32, #tpu.memory_space<hbm>> -> memref<4x2x128xi32, #tpu.memory_space<hbm>>
      %dma_wait3A_1818 = arith.constant 0 : i32
      %dma_wait3A_1819 = arith.constant 0 : i32
      %dma_wait3A_1820 = arith.constant 0 : i32
      %dma_wait3A_1821 = tpu.memref_slice %arg9[%run_scoped3A, %dma_wait3A_1818, %dma_wait3A_1819, %dma_wait3A_1820] : memref<3x4x2x128xi32, #tpu.memory_space<vmem>> -> memref<1x4x2x128xi32, #tpu.memory_space<vmem>>
      %dma_wait3A_1822 = tpu.memref_squeeze %dma_wait3A_1821 : memref<1x4x2x128xi32, #tpu.memory_space<vmem>> -> memref<4x2x128xi32, #tpu.memory_space<vmem>>
      %dma_wait3A_1823 = arith.constant 0 : i32
      %dma_wait3A_1824 = arith.constant 0 : i32
      %dma_wait3A_1825 = tpu.memref_slice %arg2[%add3A_4, %dma_wait3A_1823, %dma_wait3A_1824] : memref<2500x2x128xi32, #tpu.memory_space<hbm>> -> memref<4x2x128xi32, #tpu.memory_space<hbm>>
      tpu.wait_dma2 semaphore(%run_scoped3A_1793 : memref<!tpu.dma_semaphore, #tpu.memory_space<semaphore_mem>>) src(%dma_wait3A_1825 : memref<4x2x128xi32, #tpu.memory_space<hbm>>) dst(%dma_wait3A_1822 : memref<4x2x128xi32, #tpu.memory_space<vmem>>)
      tpu.yield
    }) : () -> ()
    %add3A_5 = arith.constant 4 : i32
    %add3A_6 = arith.addi %add3A_4, %add3A_5 : i32
    %dma_start3A = arith.constant 1 : i32
    %dma_start3A_7 = arith.constant 0 : i32
    %dma_start3A_8 = arith.constant 0 : i32
    %dma_start3A_9 = arith.constant 0 : i32
    %dma_start3A_10 = tpu.memref_slice %arg9[%dma_start3A, %dma_start3A_7, %dma_start3A_8, %dma_start3A_9] : memref<3x4x2x128xi32, #tpu.memory_space<vmem>> -> memref<1x4x2x128xi32, #tpu.memory_space<vmem>>
    %dma_start3A_11 = tpu.memref_squeeze %dma_start3A_10 : memref<1x4x2x128xi32, #tpu.memory_space<vmem>> -> memref<4x2x128xi32, #tpu.memory_space<vmem>>
    %dma_start3A_12 = arith.constant 0 : i32
    %dma_start3A_13 = arith.constant 0 : i32
    %dma_start3A_14 = tpu.memref_slice %arg2[%add3A_6, %dma_start3A_12, %dma_start3A_13] : memref<2500x2x128xi32, #tpu.memory_space<hbm>> -> memref<4x2x128xi32, #tpu.memory_space<hbm>>
    %dma_start3A_15 = arith.constant 0 : i32
    %dma_start3A_16 = arith.constant 0 : i32
    %dma_start3A_17 = arith.constant 0 : i32
    %dma_start3A_18 = tpu.memref_slice %arg9[%dma_start3A, %dma_start3A_15, %dma_start3A_16, %dma_start3A_17] : memref<3x4x2x128xi32, #tpu.memory_space<vmem>> -> memref<1x4x2x128xi32, #tpu.memory_space<vmem>>
    %dma_start3A_19 = tpu.memref_squeeze %dma_start3A_18 : memref<1x4x2x128xi32, #tpu.memory_space<vmem>> -> memref<4x2x128xi32, #tpu.memory_space<vmem>>
    %dma_start3A_20 = arith.constant 0 : i32
    %dma_start3A_21 = arith.constant 0 : i32
    %dma_start3A_22 = tpu.memref_slice %arg2[%add3A_6, %dma_start3A_20, %dma_start3A_21] : memref<2500x2x128xi32, #tpu.memory_space<hbm>> -> memref<4x2x128xi32, #tpu.memory_space<hbm>>
    tpu.enqueue_dma source(%dma_start3A_22 : memref<4x2x128xi32, #tpu.memory_space<hbm>>) target(%dma_start3A_19 : memref<4x2x128xi32, #tpu.memory_space<vmem>>) target_semaphore(%arg12 : memref<!tpu.dma_semaphore, #tpu.memory_space<semaphore_mem>>)
    %mul3A_23 = arith.constant 640 : i32
    %mul3A_24 = arith.muli %arg1, %mul3A_23 : i32
    %mul3A_25 = arith.constant 640 : i32
    %mul3A_26 = arith.muli %arg1, %mul3A_25 : i32
    "tpu.region"() ({
      %run_scoped3A_1793 = tpu.sem_alloc : memref<!tpu.dma_semaphore, #tpu.memory_space<semaphore_mem>>
      %dma_start3A_1794 = arith.constant 0 : i32
      %dma_start3A_1795 = tpu.memref_slice %arg11[%mul3A_26, %dma_start3A_1794] : memref<10240x128xf32, #tpu.memory_space<vmem_shared>> -> memref<640x128xf32, #tpu.memory_space<vmem_shared>>
      %dma_start3A_1796 = arith.constant 0 : i32
      %dma_start3A_1797 = tpu.memref_slice %arg6[%mul3A_24, %dma_start3A_1796] : memref<10240x128xf32, #tpu.memory_space<hbm>> -> memref<640x128xf32, #tpu.memory_space<hbm>>
      tpu.enqueue_dma source(%dma_start3A_1797 : memref<640x128xf32, #tpu.memory_space<hbm>>) target(%dma_start3A_1795 : memref<640x128xf32, #tpu.memory_space<vmem_shared>>) target_semaphore(%run_scoped3A_1793 : memref<!tpu.dma_semaphore, #tpu.memory_space<semaphore_mem>>)
      %dma_wait3A_1798 = arith.constant 0 : i32
      %dma_wait3A_1799 = tpu.memref_slice %arg11[%mul3A_26, %dma_wait3A_1798] : memref<10240x128xf32, #tpu.memory_space<vmem_shared>> -> memref<640x128xf32, #tpu.memory_space<vmem_shared>>
      %dma_wait3A_1800 = arith.constant 0 : i32
      %dma_wait3A_1801 = tpu.memref_slice %arg6[%mul3A_24, %dma_wait3A_1800] : memref<10240x128xf32, #tpu.memory_space<hbm>> -> memref<640x128xf32, #tpu.memory_space<hbm>>
      tpu.wait_dma2 semaphore(%run_scoped3A_1793 : memref<!tpu.dma_semaphore, #tpu.memory_space<semaphore_mem>>) src(%dma_wait3A_1801 : memref<640x128xf32, #tpu.memory_space<hbm>>) dst(%dma_wait3A_1799 : memref<640x128xf32, #tpu.memory_space<vmem_shared>>)
      tpu.yield
    }) : () -> ()
    %dma_start3A_27 = arith.constant 0 : i32
    %dma_start3A_28 = arith.constant 0 : i32
    %dma_start3A_29 = arith.constant 0 : i32
    %dma_start3A_30 = arith.constant 0 : i32
    %dma_start3A_31 = arith.constant 0 : i32
    %dma_start3A_32 = arith.constant 0 : i32
    %dma_start3A_33 = tpu.memref_slice %arg10[%dma_start3A_30, %dma_start3A_31, %dma_start3A_32] : memref<2x128x128xf32, #tpu.memory_space<vmem>> -> memref<1x128x128xf32, #tpu.memory_space<vmem>>
    %dma_start3A_34 = tpu.memref_squeeze %dma_start3A_33 : memref<1x128x128xf32, #tpu.memory_space<vmem>> -> memref<128x128xf32, #tpu.memory_space<vmem>>
    %dma_start3A_35 = arith.constant 0 : i32
    %dma_start3A_36 = tpu.memref_slice %arg9[%dma_start3A_27, %dma_start3A_28, %dma_start3A_29, %dma_start3A_35] : memref<3x4x2x128xi32, #tpu.memory_space<vmem>> -> memref<1x1x1x128xi32, #tpu.memory_space<vmem>>
    %dma_start3A_37 = tpu.memref_squeeze %dma_start3A_36 : memref<1x1x1x128xi32, #tpu.memory_space<vmem>> -> memref<128xi32, #tpu.memory_space<vmem>>
    %dma_start3A_38 = arith.constant 0 : i32
    %dma_start3A_39 = arith.constant 0 : i32
    %dma_start3A_40 = tpu.memref_slice %arg4[%dma_start3A_38, %dma_start3A_39] : memref<10240x128xf32, #tpu.memory_space<hbm>> -> memref<10240x128xf32, #tpu.memory_space<hbm>>
    tpu.enqueue_indirect_dma source(%dma_start3A_40 : memref<10240x128xf32, #tpu.memory_space<hbm>>) target(%dma_start3A_34 : memref<128x128xf32, #tpu.memory_space<vmem>>) offsets(%dma_start3A_37 : memref<128xi32, #tpu.memory_space<vmem>>) semaphore(%arg13 : memref<!tpu.dma_semaphore, #tpu.memory_space<semaphore_mem>>)
    %barrier3A = arith.constant 0 : index
    tpu.barrier barrier_id(%barrier3A)
    %dma_start3A_41 = arith.constant 0 : i32
    %dma_start3A_42 = arith.constant 1 : i32
    %dma_start3A_43 = arith.constant 0 : i32
    %dma_start3A_44 = arith.constant 1 : i32
    %dma_start3A_45 = arith.constant 0 : i32
    %dma_start3A_46 = arith.constant 0 : i32
    %dma_start3A_47 = tpu.memref_slice %arg10[%dma_start3A_44, %dma_start3A_45, %dma_start3A_46] : memref<2x128x128xf32, #tpu.memory_space<vmem>> -> memref<1x128x128xf32, #tpu.memory_space<vmem>>
    %dma_start3A_48 = tpu.memref_squeeze %dma_start3A_47 : memref<1x128x128xf32, #tpu.memory_space<vmem>> -> memref<128x128xf32, #tpu.memory_space<vmem>>
    %dma_start3A_49 = arith.constant 0 : i32
    %dma_start3A_50 = tpu.memref_slice %arg9[%dma_start3A_41, %dma_start3A_42, %dma_start3A_43, %dma_start3A_49] : memref<3x4x2x128xi32, #tpu.memory_space<vmem>> -> memref<1x1x1x128xi32, #tpu.memory_space<vmem>>
    %dma_start3A_51 = tpu.memref_squeeze %dma_start3A_50 : memref<1x1x1x128xi32, #tpu.memory_space<vmem>> -> memref<128xi32, #tpu.memory_space<vmem>>
    %dma_start3A_52 = arith.constant 0 : i32
    %dma_start3A_53 = arith.constant 0 : i32
    %dma_start3A_54 = tpu.memref_slice %arg4[%dma_start3A_52, %dma_start3A_53] : memref<10240x128xf32, #tpu.memory_space<hbm>> -> memref<10240x128xf32, #tpu.memory_space<hbm>>
    tpu.enqueue_indirect_dma source(%dma_start3A_54 : memref<10240x128xf32, #tpu.memory_space<hbm>>) target(%dma_start3A_48 : memref<128x128xf32, #tpu.memory_space<vmem>>) offsets(%dma_start3A_51 : memref<128xi32, #tpu.memory_space<vmem>>) semaphore(%arg13 : memref<!tpu.dma_semaphore, #tpu.memory_space<semaphore_mem>>)
    %dma_wait3A = arith.constant 0 : i32
    %dma_wait3A_55 = arith.constant 0 : i32
    %dma_wait3A_56 = arith.constant 0 : i32
    %dma_wait3A_57 = arith.constant 0 : i32
    %dma_wait3A_58 = arith.constant 0 : i32
    %dma_wait3A_59 = arith.constant 0 : i32
    %dma_wait3A_60 = tpu.memref_slice %arg10[%dma_wait3A_57, %dma_wait3A_58, %dma_wait3A_59] : memref<2x128x128xf32, #tpu.memory_space<vmem>> -> memref<1x128x128xf32, #tpu.memory_space<vmem>>
    %dma_wait3A_61 = tpu.memref_squeeze %dma_wait3A_60 : memref<1x128x128xf32, #tpu.memory_space<vmem>> -> memref<128x128xf32, #tpu.memory_space<vmem>>
    %dma_wait3A_62 = arith.constant 0 : i32
    %dma_wait3A_63 = tpu.memref_slice %arg9[%dma_wait3A, %dma_wait3A_55, %dma_wait3A_56, %dma_wait3A_62] : memref<3x4x2x128xi32, #tpu.memory_space<vmem>> -> memref<1x1x1x128xi32, #tpu.memory_space<vmem>>
    %dma_wait3A_64 = tpu.memref_squeeze %dma_wait3A_63 : memref<1x1x1x128xi32, #tpu.memory_space<vmem>> -> memref<128xi32, #tpu.memory_space<vmem>>
    %dma_wait3A_65 = arith.constant 0 : i32
    %dma_wait3A_66 = arith.constant 0 : i32
    %dma_wait3A_67 = tpu.memref_slice %arg4[%dma_wait3A_65, %dma_wait3A_66] : memref<10240x128xf32, #tpu.memory_space<hbm>> -> memref<10240x128xf32, #tpu.memory_space<hbm>>
    tpu.wait_indirect_dma semaphore(%arg13 : memref<!tpu.dma_semaphore, #tpu.memory_space<semaphore_mem>>) src(%dma_wait3A_67 : memref<10240x128xf32, #tpu.memory_space<hbm>>) dst(%dma_wait3A_61 : memref<128x128xf32, #tpu.memory_space<vmem>>)
    %dma_start3A_68 = arith.constant 0 : i32
    %dma_start3A_69 = arith.constant 0 : i32
    %dma_start3A_70 = arith.constant 0 : i32
    %dma_start3A_71 = arith.constant 1 : i32
    %dma_start3A_72 = arith.constant 0 : i32
    %dma_start3A_73 = arith.constant 0 : i32
    %dma_start3A_74 = tpu.memref_slice %arg10[%dma_start3A_68, %dma_start3A_72, %dma_start3A_73] : memref<2x128x128xf32, #tpu.memory_space<vmem>> -> memref<1x128x128xf32, #tpu.memory_space<vmem>>
    %dma_start3A_75 = tpu.memref_squeeze %dma_start3A_74 : memref<1x128x128xf32, #tpu.memory_space<vmem>> -> memref<128x128xf32, #tpu.memory_space<vmem>>
    %dma_start3A_76 = arith.constant 0 : i32
    %dma_start3A_77 = tpu.memref_slice %arg9[%dma_start3A_69, %dma_start3A_70, %dma_start3A_71, %dma_start3A_76] : memref<3x4x2x128xi32, #tpu.memory_space<vmem>> -> memref<1x1x1x128xi32, #tpu.memory_space<vmem>>
    %dma_start3A_78 = tpu.memref_squeeze %dma_start3A_77 : memref<1x1x1x128xi32, #tpu.memory_space<vmem>> -> memref<128xi32, #tpu.memory_space<vmem>>
    %dma_start3A_79 = arith.constant 0 : i32
    %dma_start3A_80 = arith.constant 0 : i32
    %dma_start3A_81 = tpu.memref_slice %arg11[%dma_start3A_79, %dma_start3A_80] : memref<10240x128xf32, #tpu.memory_space<vmem_shared>> -> memref<10240x128xf32, #tpu.memory_space<vmem_shared>>
    tpu.enqueue_indirect_dma source(%dma_start3A_75 : memref<128x128xf32, #tpu.memory_space<vmem>>) target(%dma_start3A_81 : memref<10240x128xf32, #tpu.memory_space<vmem_shared>>) offsets(%dma_start3A_78 : memref<128xi32, #tpu.memory_space<vmem>>) semaphore(%arg14 : memref<!tpu.dma_semaphore, #tpu.memory_space<semaphore_mem>>) {add = true}
    %dma_wait3A_82 = arith.constant 0 : i32
    %dma_wait3A_83 = arith.constant 0 : i32
    %dma_wait3A_84 = arith.constant 0 : i32
    %dma_wait3A_85 = arith.constant 1 : i32
    %dma_wait3A_86 = arith.constant 0 : i32
    %dma_wait3A_87 = arith.constant 0 : i32
    %dma_wait3A_88 = tpu.memref_slice %arg10[%dma_wait3A_82, %dma_wait3A_86, %dma_wait3A_87] : memref<2x128x128xf32, #tpu.memory_space<vmem>> -> memref<1x128x128xf32, #tpu.memory_space<vmem>>
    %dma_wait3A_89 = tpu.memref_squeeze %dma_wait3A_88 : memref<1x128x128xf32, #tpu.memory_space<vmem>> -> memref<128x128xf32, #tpu.memory_space<vmem>>
    %dma_wait3A_90 = arith.constant 0 : i32
    %dma_wait3A_91 = tpu.memref_slice %arg9[%dma_wait3A_83, %dma_wait3A_84, %dma_wait3A_85, %dma_wait3A_90] : memref<3x4x2x128xi32, #tpu.memory_space<vmem>> -> memref<1x1x1x128xi32, #tpu.memory_space<vmem>>
    %dma_wait3A_92 = tpu.memref_squeeze %dma_wait3A_91 : memref<1x1x1x128xi32, #tpu.memory_space<vmem>> -> memref<128xi32, #tpu.memory_space<vmem>>
    %dma_wait3A_93 = arith.constant 0 : i32
    %dma_wait3A_94 = arith.constant 0 : i32
    %dma_wait3A_95 = tpu.memref_slice %arg11[%dma_wait3A_93, %dma_wait3A_94] : memref<10240x128xf32, #tpu.memory_space<vmem_shared>> -> memref<10240x128xf32, #tpu.memory_space<vmem_shared>>
    tpu.wait_indirect_dma semaphore(%arg14 : memref<!tpu.dma_semaphore, #tpu.memory_space<semaphore_mem>>) src(%dma_wait3A_89 : memref<128x128xf32, #tpu.memory_space<vmem>>) dst(%dma_wait3A_95 : memref<10240x128xf32, #tpu.memory_space<vmem_shared>>)
    %dma_start3A_96 = arith.constant 0 : i32
    %dma_start3A_97 = arith.constant 2 : i32
    %dma_start3A_98 = arith.constant 0 : i32
    %dma_start3A_99 = arith.constant 0 : i32
    %dma_start3A_100 = arith.constant 0 : i32
    %dma_start3A_101 = arith.constant 0 : i32
    %dma_start3A_102 = tpu.memref_slice %arg10[%dma_start3A_99, %dma_start3A_100, %dma_start3A_101] : memref<2x128x128xf32, #tpu.memory_space<vmem>> -> memref<1x128x128xf32, #tpu.memory_space<vmem>>
    %dma_start3A_103 = tpu.memref_squeeze %dma_start3A_102 : memref<1x128x128xf32, #tpu.memory_space<vmem>> -> memref<128x128xf32, #tpu.memory_space<vmem>>
    %dma_start3A_104 = arith.constant 0 : i32
    %dma_start3A_105 = tpu.memref_slice %arg9[%dma_start3A_96, %dma_start3A_97, %dma_start3A_98, %dma_start3A_104] : memref<3x4x2x128xi32, #tpu.memory_space<vmem>> -> memref<1x1x1x128xi32, #tpu.memory_space<vmem>>
    %dma_start3A_106 = tpu.memref_squeeze %dma_start3A_105 : memref<1x1x1x128xi32, #tpu.memory_space<vmem>> -> memref<128xi32, #tpu.memory_space<vmem>>
    %dma_start3A_107 = arith.constant 0 : i32
    %dma_start3A_108 = arith.constant 0 : i32
    %dma_start3A_109 = tpu.memref_slice %arg4[%dma_start3A_107, %dma_start3A_108] : memref<10240x128xf32, #tpu.memory_space<hbm>> -> memref<10240x128xf32, #tpu.memory_space<hbm>>
    tpu.enqueue_indirect_dma source(%dma_start3A_109 : memref<10240x128xf32, #tpu.memory_space<hbm>>) target(%dma_start3A_103 : memref<128x128xf32, #tpu.memory_space<vmem>>) offsets(%dma_start3A_106 : memref<128xi32, #tpu.memory_space<vmem>>) semaphore(%arg13 : memref<!tpu.dma_semaphore, #tpu.memory_space<semaphore_mem>>)
    %dma_wait3A_110 = arith.constant 0 : i32
    %dma_wait3A_111 = arith.constant 0 : i32
    %dma_wait3A_112 = arith.constant 0 : i32
    %dma_wait3A_113 = arith.constant 1 : i32
    %dma_wait3A_114 = arith.constant 0 : i32
    %dma_wait3A_115 = arith.constant 0 : i32
    %dma_wait3A_116 = tpu.memref_slice %arg10[%dma_wait3A_113, %dma_wait3A_114, %dma_wait3A_115] : memref<2x128x128xf32, #tpu.memory_space<vmem>> -> memref<1x128x128xf32, #tpu.memory_space<vmem>>
    %dma_wait3A_117 = tpu.memref_squeeze %dma_wait3A_116 : memref<1x128x128xf32, #tpu.memory_space<vmem>> -> memref<128x128xf32, #tpu.memory_space<vmem>>
    %dma_wait3A_118 = arith.constant 0 : i32
    %dma_wait3A_119 = tpu.memref_slice %arg9[%dma_wait3A_110, %dma_wait3A_111, %dma_wait3A_112, %dma_wait3A_118] : memref<3x4x2x128xi32, #tpu.memory_space<vmem>> -> memref<1x1x1x128xi32, #tpu.memory_space<vmem>>
    %dma_wait3A_120 = tpu.memref_squeeze %dma_wait3A_119 : memref<1x1x1x128xi32, #tpu.memory_space<vmem>> -> memref<128xi32, #tpu.memory_space<vmem>>
    %dma_wait3A_121 = arith.constant 0 : i32
    %dma_wait3A_122 = arith.constant 0 : i32
    %dma_wait3A_123 = tpu.memref_slice %arg4[%dma_wait3A_121, %dma_wait3A_122] : memref<10240x128xf32, #tpu.memory_space<hbm>> -> memref<10240x128xf32, #tpu.memory_space<hbm>>
    tpu.wait_indirect_dma semaphore(%arg13 : memref<!tpu.dma_semaphore, #tpu.memory_space<semaphore_mem>>) src(%dma_wait3A_123 : memref<10240x128xf32, #tpu.memory_space<hbm>>) dst(%dma_wait3A_117 : memref<128x128xf32, #tpu.memory_space<vmem>>)
    %dma_start3A_124 = arith.constant 1 : i32
    %dma_start3A_125 = arith.constant 0 : i32
    %dma_start3A_126 = arith.constant 1 : i32
    %dma_start3A_127 = arith.constant 1 : i32
    %dma_start3A_128 = arith.constant 0 : i32
    %dma_start3A_129 = arith.constant 0 : i32
    %dma_start3A_130 = tpu.memref_slice %arg10[%dma_start3A_124, %dma_start3A_128, %dma_start3A_129] : memref<2x128x128xf32, #tpu.memory_space<vmem>> -> memref<1x128x128xf32, #tpu.memory_space<vmem>>
    %dma_start3A_131 = tpu.memref_squeeze %dma_start3A_130 : memref<1x128x128xf32, #tpu.memory_space<vmem>> -> memref<128x128xf32, #tpu.memory_space<vmem>>
    %dma_start3A_132 = arith.constant 0 : i32
    %dma_start3A_133 = tpu.memref_slice %arg9[%dma_start3A_125, %dma_start3A_126, %dma_start3A_127, %dma_start3A_132] : memref<3x4x2x128xi32, #tpu.memory_space<vmem>> -> memref<1x1x1x128xi32, #tpu.memory_space<vmem>>
    %dma_start3A_134 = tpu.memref_squeeze %dma_start3A_133 : memref<1x1x1x128xi32, #tpu.memory_space<vmem>> -> memref<128xi32, #tpu.memory_space<vmem>>
    %dma_start3A_135 = arith.constant 0 : i32
    %dma_start3A_136 = arith.constant 0 : i32
    %dma_start3A_137 = tpu.memref_slice %arg11[%dma_start3A_135, %dma_start3A_136] : memref<10240x128xf32, #tpu.memory_space<vmem_shared>> -> memref<10240x128xf32, #tpu.memory_space<vmem_shared>>
    tpu.enqueue_indirect_dma source(%dma_start3A_131 : memref<128x128xf32, #tpu.memory_space<vmem>>) target(%dma_start3A_137 : memref<10240x128xf32, #tpu.memory_space<vmem_shared>>) offsets(%dma_start3A_134 : memref<128xi32, #tpu.memory_space<vmem>>) semaphore(%arg14 : memref<!tpu.dma_semaphore, #tpu.memory_space<semaphore_mem>>) {add = true}
    %dma_wait3A_138 = arith.constant 0 : i32
    %dma_wait3A_139 = arith.constant 0 : i32
    %dma_wait3A_140 = arith.constant 0 : i32
    %dma_wait3A_141 = arith.constant 1 : i32
    %dma_wait3A_142 = arith.constant 0 : i32
    %dma_wait3A_143 = arith.constant 0 : i32
    %dma_wait3A_144 = tpu.memref_slice %arg10[%dma_wait3A_138, %dma_wait3A_142, %dma_wait3A_143] : memref<2x128x128xf32, #tpu.memory_space<vmem>> -> memref<1x128x128xf32, #tpu.memory_space<vmem>>
    %dma_wait3A_145 = tpu.memref_squeeze %dma_wait3A_144 : memref<1x128x128xf32, #tpu.memory_space<vmem>> -> memref<128x128xf32, #tpu.memory_space<vmem>>
    %dma_wait3A_146 = arith.constant 0 : i32
    %dma_wait3A_147 = tpu.memref_slice %arg9[%dma_wait3A_139, %dma_wait3A_140, %dma_wait3A_141, %dma_wait3A_146] : memref<3x4x2x128xi32, #tpu.memory_space<vmem>> -> memref<1x1x1x128xi32, #tpu.memory_space<vmem>>
    %dma_wait3A_148 = tpu.memref_squeeze %dma_wait3A_147 : memref<1x1x1x128xi32, #tpu.memory_space<vmem>> -> memref<128xi32, #tpu.memory_space<vmem>>
    %dma_wait3A_149 = arith.constant 0 : i32
    %dma_wait3A_150 = arith.constant 0 : i32
    %dma_wait3A_151 = tpu.memref_slice %arg11[%dma_wait3A_149, %dma_wait3A_150] : memref<10240x128xf32, #tpu.memory_space<vmem_shared>> -> memref<10240x128xf32, #tpu.memory_space<vmem_shared>>
    tpu.wait_indirect_dma semaphore(%arg14 : memref<!tpu.dma_semaphore, #tpu.memory_space<semaphore_mem>>) src(%dma_wait3A_145 : memref<128x128xf32, #tpu.memory_space<vmem>>) dst(%dma_wait3A_151 : memref<10240x128xf32, #tpu.memory_space<vmem_shared>>)
    %dma_start3A_152 = arith.constant 0 : i32
    %dma_start3A_153 = arith.constant 3 : i32
    %dma_start3A_154 = arith.constant 0 : i32
    %dma_start3A_155 = arith.constant 1 : i32
    %dma_start3A_156 = arith.constant 0 : i32
    %dma_start3A_157 = arith.constant 0 : i32
    %dma_start3A_158 = tpu.memref_slice %arg10[%dma_start3A_155, %dma_start3A_156, %dma_start3A_157] : memref<2x128x128xf32, #tpu.memory_space<vmem>> -> memref<1x128x128xf32, #tpu.memory_space<vmem>>
    %dma_start3A_159 = tpu.memref_squeeze %dma_start3A_158 : memref<1x128x128xf32, #tpu.memory_space<vmem>> -> memref<128x128xf32, #tpu.memory_space<vmem>>
    %dma_start3A_160 = arith.constant 0 : i32
    %dma_start3A_161 = tpu.memref_slice %arg9[%dma_start3A_152, %dma_start3A_153, %dma_start3A_154, %dma_start3A_160] : memref<3x4x2x128xi32, #tpu.memory_space<vmem>> -> memref<1x1x1x128xi32, #tpu.memory_space<vmem>>
    %dma_start3A_162 = tpu.memref_squeeze %dma_start3A_161 : memref<1x1x1x128xi32, #tpu.memory_space<vmem>> -> memref<128xi32, #tpu.memory_space<vmem>>
    %dma_start3A_163 = arith.constant 0 : i32
    %dma_start3A_164 = arith.constant 0 : i32
    %dma_start3A_165 = tpu.memref_slice %arg4[%dma_start3A_163, %dma_start3A_164] : memref<10240x128xf32, #tpu.memory_space<hbm>> -> memref<10240x128xf32, #tpu.memory_space<hbm>>
    tpu.enqueue_indirect_dma source(%dma_start3A_165 : memref<10240x128xf32, #tpu.memory_space<hbm>>) target(%dma_start3A_159 : memref<128x128xf32, #tpu.memory_space<vmem>>) offsets(%dma_start3A_162 : memref<128xi32, #tpu.memory_space<vmem>>) semaphore(%arg13 : memref<!tpu.dma_semaphore, #tpu.memory_space<semaphore_mem>>)
    %dma_wait3A_166 = arith.constant 0 : i32
    %dma_wait3A_167 = arith.constant 0 : i32
    %dma_wait3A_168 = arith.constant 0 : i32
    %dma_wait3A_169 = arith.constant 0 : i32
    %dma_wait3A_170 = arith.constant 0 : i32
    %dma_wait3A_171 = arith.constant 0 : i32
    %dma_wait3A_172 = tpu.memref_slice %arg10[%dma_wait3A_169, %dma_wait3A_170, %dma_wait3A_171] : memref<2x128x128xf32, #tpu.memory_space<vmem>> -> memref<1x128x128xf32, #tpu.memory_space<vmem>>
    %dma_wait3A_173 = tpu.memref_squeeze %dma_wait3A_172 : memref<1x128x128xf32, #tpu.memory_space<vmem>> -> memref<128x128xf32, #tpu.memory_space<vmem>>
    %dma_wait3A_174 = arith.constant 0 : i32
    %dma_wait3A_175 = tpu.memref_slice %arg9[%dma_wait3A_166, %dma_wait3A_167, %dma_wait3A_168, %dma_wait3A_174] : memref<3x4x2x128xi32, #tpu.memory_space<vmem>> -> memref<1x1x1x128xi32, #tpu.memory_space<vmem>>
    %dma_wait3A_176 = tpu.memref_squeeze %dma_wait3A_175 : memref<1x1x1x128xi32, #tpu.memory_space<vmem>> -> memref<128xi32, #tpu.memory_space<vmem>>
    %dma_wait3A_177 = arith.constant 0 : i32
    %dma_wait3A_178 = arith.constant 0 : i32
    %dma_wait3A_179 = tpu.memref_slice %arg4[%dma_wait3A_177, %dma_wait3A_178] : memref<10240x128xf32, #tpu.memory_space<hbm>> -> memref<10240x128xf32, #tpu.memory_space<hbm>>
    tpu.wait_indirect_dma semaphore(%arg13 : memref<!tpu.dma_semaphore, #tpu.memory_space<semaphore_mem>>) src(%dma_wait3A_179 : memref<10240x128xf32, #tpu.memory_space<hbm>>) dst(%dma_wait3A_173 : memref<128x128xf32, #tpu.memory_space<vmem>>)
    %dma_start3A_180 = arith.constant 0 : i32
    %dma_start3A_181 = arith.constant 0 : i32
    %dma_start3A_182 = arith.constant 2 : i32
    %dma_start3A_183 = arith.constant 1 : i32
    %dma_start3A_184 = arith.constant 0 : i32
    %dma_start3A_185 = arith.constant 0 : i32
    %dma_start3A_186 = tpu.memref_slice %arg10[%dma_start3A_180, %dma_start3A_184, %dma_start3A_185] : memref<2x128x128xf32, #tpu.memory_space<vmem>> -> memref<1x128x128xf32, #tpu.memory_space<vmem>>
    %dma_start3A_187 = tpu.memref_squeeze %dma_start3A_186 : memref<1x128x128xf32, #tpu.memory_space<vmem>> -> memref<128x128xf32, #tpu.memory_space<vmem>>
    %dma_start3A_188 = arith.constant 0 : i32
    %dma_start3A_189 = tpu.memref_slice %arg9[%dma_start3A_181, %dma_start3A_182, %dma_start3A_183, %dma_start3A_188] : memref<3x4x2x128xi32, #tpu.memory_space<vmem>> -> memref<1x1x1x128xi32, #tpu.memory_space<vmem>>
    %dma_start3A_190 = tpu.memref_squeeze %dma_start3A_189 : memref<1x1x1x128xi32, #tpu.memory_space<vmem>> -> memref<128xi32, #tpu.memory_space<vmem>>
    %dma_start3A_191 = arith.constant 0 : i32
    %dma_start3A_192 = arith.constant 0 : i32
    %dma_start3A_193 = tpu.memref_slice %arg11[%dma_start3A_191, %dma_start3A_192] : memref<10240x128xf32, #tpu.memory_space<vmem_shared>> -> memref<10240x128xf32, #tpu.memory_space<vmem_shared>>
    tpu.enqueue_indirect_dma source(%dma_start3A_187 : memref<128x128xf32, #tpu.memory_space<vmem>>) target(%dma_start3A_193 : memref<10240x128xf32, #tpu.memory_space<vmem_shared>>) offsets(%dma_start3A_190 : memref<128xi32, #tpu.memory_space<vmem>>) semaphore(%arg14 : memref<!tpu.dma_semaphore, #tpu.memory_space<semaphore_mem>>) {add = true}
    %dma_wait3A_194 = arith.constant 0 : i32
    %dma_wait3A_195 = arith.constant 0 : i32
    %dma_wait3A_196 = arith.constant 0 : i32
    %dma_wait3A_197 = arith.constant 0 : i32
    %dma_wait3A_198 = tpu.memref_slice %arg9[%dma_wait3A_194, %dma_wait3A_195, %dma_wait3A_196, %dma_wait3A_197] : memref<3x4x2x128xi32, #tpu.memory_space<vmem>> -> memref<1x4x2x128xi32, #tpu.memory_space<vmem>>
    %dma_wait3A_199 = tpu.memref_squeeze %dma_wait3A_198 : memref<1x4x2x128xi32, #tpu.memory_space<vmem>> -> memref<4x2x128xi32, #tpu.memory_space<vmem>>
    %dma_wait3A_200 = arith.constant 0 : i32
    %dma_wait3A_201 = arith.constant 0 : i32
    %dma_wait3A_202 = tpu.memref_slice %arg2[%add3A_4, %dma_wait3A_200, %dma_wait3A_201] : memref<2500x2x128xi32, #tpu.memory_space<hbm>> -> memref<4x2x128xi32, #tpu.memory_space<hbm>>
    %dma_wait3A_203 = arith.constant 0 : i32
    %dma_wait3A_204 = arith.constant 0 : i32
    %dma_wait3A_205 = arith.constant 0 : i32
    %dma_wait3A_206 = tpu.memref_slice %arg9[%dma_wait3A_194, %dma_wait3A_203, %dma_wait3A_204, %dma_wait3A_205] : memref<3x4x2x128xi32, #tpu.memory_space<vmem>> -> memref<1x4x2x128xi32, #tpu.memory_space<vmem>>
    %dma_wait3A_207 = tpu.memref_squeeze %dma_wait3A_206 : memref<1x4x2x128xi32, #tpu.memory_space<vmem>> -> memref<4x2x128xi32, #tpu.memory_space<vmem>>
    %dma_wait3A_208 = arith.constant 0 : i32
    %dma_wait3A_209 = arith.constant 0 : i32
    %dma_wait3A_210 = tpu.memref_slice %arg2[%add3A_4, %dma_wait3A_208, %dma_wait3A_209] : memref<2500x2x128xi32, #tpu.memory_space<hbm>> -> memref<4x2x128xi32, #tpu.memory_space<hbm>>
    tpu.wait_dma2 semaphore(%arg12 : memref<!tpu.dma_semaphore, #tpu.memory_space<semaphore_mem>>) src(%dma_wait3A_210 : memref<4x2x128xi32, #tpu.memory_space<hbm>>) dst(%dma_wait3A_207 : memref<4x2x128xi32, #tpu.memory_space<vmem>>)
    %add3A_211 = arith.constant 8 : i32
    %add3A_212 = arith.addi %add3A_4, %add3A_211 : i32
    %dma_start3A_213 = arith.constant 2 : i32
    %dma_start3A_214 = arith.constant 0 : i32
    %dma_start3A_215 = arith.constant 0 : i32
    %dma_start3A_216 = arith.constant 0 : i32
    %dma_start3A_217 = tpu.memref_slice %arg9[%dma_start3A_213, %dma_start3A_214, %dma_start3A_215, %dma_start3A_216] : memref<3x4x2x128xi32, #tpu.memory_space<vmem>> -> memref<1x4x2x128xi32, #tpu.memory_space<vmem>>
    %dma_start3A_218 = tpu.memref_squeeze %dma_start3A_217 : memref<1x4x2x128xi32, #tpu.memory_space<vmem>> -> memref<4x2x128xi32, #tpu.memory_space<vmem>>
    %dma_start3A_219 = arith.constant 0 : i32
    %dma_start3A_220 = arith.constant 0 : i32
    %dma_start3A_221 = tpu.memref_slice %arg2[%add3A_212, %dma_start3A_219, %dma_start3A_220] : memref<2500x2x128xi32, #tpu.memory_space<hbm>> -> memref<4x2x128xi32, #tpu.memory_space<hbm>>
    %dma_start3A_222 = arith.constant 0 : i32
    %dma_start3A_223 = arith.constant 0 : i32
    %dma_start3A_224 = arith.constant 0 : i32
    %dma_start3A_225 = tpu.memref_slice %arg9[%dma_start3A_213, %dma_start3A_222, %dma_start3A_223, %dma_start3A_224] : memref<3x4x2x128xi32, #tpu.memory_space<vmem>> -> memref<1x4x2x128xi32, #tpu.memory_space<vmem>>
    %dma_start3A_226 = tpu.memref_squeeze %dma_start3A_225 : memref<1x4x2x128xi32, #tpu.memory_space<vmem>> -> memref<4x2x128xi32, #tpu.memory_space<vmem>>
    %dma_start3A_227 = arith.constant 0 : i32
    %dma_start3A_228 = arith.constant 0 : i32
    %dma_start3A_229 = tpu.memref_slice %arg2[%add3A_212, %dma_start3A_227, %dma_start3A_228] : memref<2500x2x128xi32, #tpu.memory_space<hbm>> -> memref<4x2x128xi32, #tpu.memory_space<hbm>>
    tpu.enqueue_dma source(%dma_start3A_229 : memref<4x2x128xi32, #tpu.memory_space<hbm>>) target(%dma_start3A_226 : memref<4x2x128xi32, #tpu.memory_space<vmem>>) target_semaphore(%arg12 : memref<!tpu.dma_semaphore, #tpu.memory_space<semaphore_mem>>)
    %dma_wait3A_230 = arith.constant 0 : i32
    %dma_wait3A_231 = arith.constant 0 : i32
    %dma_wait3A_232 = arith.constant 0 : i32
    %dma_wait3A_233 = arith.constant 1 : i32
    %dma_wait3A_234 = arith.constant 0 : i32
    %dma_wait3A_235 = arith.constant 0 : i32
    %dma_wait3A_236 = tpu.memref_slice %arg10[%dma_wait3A_230, %dma_wait3A_234, %dma_wait3A_235] : memref<2x128x128xf32, #tpu.memory_space<vmem>> -> memref<1x128x128xf32, #tpu.memory_space<vmem>>
    %dma_wait3A_237 = tpu.memref_squeeze %dma_wait3A_236 : memref<1x128x128xf32, #tpu.memory_space<vmem>> -> memref<128x128xf32, #tpu.memory_space<vmem>>
    %dma_wait3A_238 = arith.constant 0 : i32
    %dma_wait3A_239 = tpu.memref_slice %arg9[%dma_wait3A_231, %dma_wait3A_232, %dma_wait3A_233, %dma_wait3A_238] : memref<3x4x2x128xi32, #tpu.memory_space<vmem>> -> memref<1x1x1x128xi32, #tpu.memory_space<vmem>>
    %dma_wait3A_240 = tpu.memref_squeeze %dma_wait3A_239 : memref<1x1x1x128xi32, #tpu.memory_space<vmem>> -> memref<128xi32, #tpu.memory_space<vmem>>
    %dma_wait3A_241 = arith.constant 0 : i32
    %dma_wait3A_242 = arith.constant 0 : i32
    %dma_wait3A_243 = tpu.memref_slice %arg11[%dma_wait3A_241, %dma_wait3A_242] : memref<10240x128xf32, #tpu.memory_space<vmem_shared>> -> memref<10240x128xf32, #tpu.memory_space<vmem_shared>>
    tpu.wait_indirect_dma semaphore(%arg14 : memref<!tpu.dma_semaphore, #tpu.memory_space<semaphore_mem>>) src(%dma_wait3A_237 : memref<128x128xf32, #tpu.memory_space<vmem>>) dst(%dma_wait3A_243 : memref<10240x128xf32, #tpu.memory_space<vmem_shared>>)
    %dma_start3A_244 = arith.constant 1 : i32
    %dma_start3A_245 = arith.constant 0 : i32
    %dma_start3A_246 = arith.constant 0 : i32
    %dma_start3A_247 = arith.constant 0 : i32
    %dma_start3A_248 = arith.constant 0 : i32
    %dma_start3A_249 = arith.constant 0 : i32
    %dma_start3A_250 = tpu.memref_slice %arg10[%dma_start3A_247, %dma_start3A_248, %dma_start3A_249] : memref<2x128x128xf32, #tpu.memory_space<vmem>> -> memref<1x128x128xf32, #tpu.memory_space<vmem>>
    %dma_start3A_251 = tpu.memref_squeeze %dma_start3A_250 : memref<1x128x128xf32, #tpu.memory_space<vmem>> -> memref<128x128xf32, #tpu.memory_space<vmem>>
    %dma_start3A_252 = arith.constant 0 : i32
    %dma_start3A_253 = tpu.memref_slice %arg9[%dma_start3A_244, %dma_start3A_245, %dma_start3A_246, %dma_start3A_252] : memref<3x4x2x128xi32, #tpu.memory_space<vmem>> -> memref<1x1x1x128xi32, #tpu.memory_space<vmem>>
    %dma_start3A_254 = tpu.memref_squeeze %dma_start3A_253 : memref<1x1x1x128xi32, #tpu.memory_space<vmem>> -> memref<128xi32, #tpu.memory_space<vmem>>
    %dma_start3A_255 = arith.constant 0 : i32
    %dma_start3A_256 = arith.constant 0 : i32
    %dma_start3A_257 = tpu.memref_slice %arg4[%dma_start3A_255, %dma_start3A_256] : memref<10240x128xf32, #tpu.memory_space<hbm>> -> memref<10240x128xf32, #tpu.memory_space<hbm>>
    tpu.enqueue_indirect_dma source(%dma_start3A_257 : memref<10240x128xf32, #tpu.memory_space<hbm>>) target(%dma_start3A_251 : memref<128x128xf32, #tpu.memory_space<vmem>>) offsets(%dma_start3A_254 : memref<128xi32, #tpu.memory_space<vmem>>) semaphore(%arg13 : memref<!tpu.dma_semaphore, #tpu.memory_space<semaphore_mem>>)
    %dma_wait3A_258 = arith.constant 0 : i32
    %dma_wait3A_259 = arith.constant 0 : i32
    %dma_wait3A_260 = arith.constant 0 : i32
    %dma_wait3A_261 = arith.constant 1 : i32
    %dma_wait3A_262 = arith.constant 0 : i32
    %dma_wait3A_263 = arith.constant 0 : i32
    %dma_wait3A_264 = tpu.memref_slice %arg10[%dma_wait3A_261, %dma_wait3A_262, %dma_wait3A_263] : memref<2x128x128xf32, #tpu.memory_space<vmem>> -> memref<1x128x128xf32, #tpu.memory_space<vmem>>
    %dma_wait3A_265 = tpu.memref_squeeze %dma_wait3A_264 : memref<1x128x128xf32, #tpu.memory_space<vmem>> -> memref<128x128xf32, #tpu.memory_space<vmem>>
    %dma_wait3A_266 = arith.constant 0 : i32
    %dma_wait3A_267 = tpu.memref_slice %arg9[%dma_wait3A_258, %dma_wait3A_259, %dma_wait3A_260, %dma_wait3A_266] : memref<3x4x2x128xi32, #tpu.memory_space<vmem>> -> memref<1x1x1x128xi32, #tpu.memory_space<vmem>>
    %dma_wait3A_268 = tpu.memref_squeeze %dma_wait3A_267 : memref<1x1x1x128xi32, #tpu.memory_space<vmem>> -> memref<128xi32, #tpu.memory_space<vmem>>
    %dma_wait3A_269 = arith.constant 0 : i32
    %dma_wait3A_270 = arith.constant 0 : i32
    %dma_wait3A_271 = tpu.memref_slice %arg4[%dma_wait3A_269, %dma_wait3A_270] : memref<10240x128xf32, #tpu.memory_space<hbm>> -> memref<10240x128xf32, #tpu.memory_space<hbm>>
    tpu.wait_indirect_dma semaphore(%arg13 : memref<!tpu.dma_semaphore, #tpu.memory_space<semaphore_mem>>) src(%dma_wait3A_271 : memref<10240x128xf32, #tpu.memory_space<hbm>>) dst(%dma_wait3A_265 : memref<128x128xf32, #tpu.memory_space<vmem>>)
    %dma_start3A_272 = arith.constant 1 : i32
    %dma_start3A_273 = arith.constant 0 : i32
    %dma_start3A_274 = arith.constant 3 : i32
    %dma_start3A_275 = arith.constant 1 : i32
    %dma_start3A_276 = arith.constant 0 : i32
    %dma_start3A_277 = arith.constant 0 : i32
    %dma_start3A_278 = tpu.memref_slice %arg10[%dma_start3A_272, %dma_start3A_276, %dma_start3A_277] : memref<2x128x128xf32, #tpu.memory_space<vmem>> -> memref<1x128x128xf32, #tpu.memory_space<vmem>>
    %dma_start3A_279 = tpu.memref_squeeze %dma_start3A_278 : memref<1x128x128xf32, #tpu.memory_space<vmem>> -> memref<128x128xf32, #tpu.memory_space<vmem>>
    %dma_start3A_280 = arith.constant 0 : i32
    %dma_start3A_281 = tpu.memref_slice %arg9[%dma_start3A_273, %dma_start3A_274, %dma_start3A_275, %dma_start3A_280] : memref<3x4x2x128xi32, #tpu.memory_space<vmem>> -> memref<1x1x1x128xi32, #tpu.memory_space<vmem>>
    %dma_start3A_282 = tpu.memref_squeeze %dma_start3A_281 : memref<1x1x1x128xi32, #tpu.memory_space<vmem>> -> memref<128xi32, #tpu.memory_space<vmem>>
    %dma_start3A_283 = arith.constant 0 : i32
    %dma_start3A_284 = arith.constant 0 : i32
    %dma_start3A_285 = tpu.memref_slice %arg11[%dma_start3A_283, %dma_start3A_284] : memref<10240x128xf32, #tpu.memory_space<vmem_shared>> -> memref<10240x128xf32, #tpu.memory_space<vmem_shared>>
    tpu.enqueue_indirect_dma source(%dma_start3A_279 : memref<128x128xf32, #tpu.memory_space<vmem>>) target(%dma_start3A_285 : memref<10240x128xf32, #tpu.memory_space<vmem_shared>>) offsets(%dma_start3A_282 : memref<128xi32, #tpu.memory_space<vmem>>) semaphore(%arg14 : memref<!tpu.dma_semaphore, #tpu.memory_space<semaphore_mem>>) {add = true}
    %scan3A = arith.constant 0 : i32
    %scan3A_286 = arith.constant 1 : i32
    %scan3A_287 = arith.constant 16 : i32
    %scan3A_288 = arith.addi %scan3A_286, %scan3A_287 : i32
    %scan3A_289 = arith.constant 1 : i32
    scf.for %scan3A_1793 = %scan3A_286 to %scan3A_288 step %scan3A_289  : i32 {
      %jit3A = arith.constant 3 : i32
      %eq3A = arith.constant 0 : i32
      %eq3A_1794 = arith.cmpi eq, %jit3A, %eq3A : i32
      %jit3A_1795 = arith.constant 1 : i32
      %select_n3A = arith.select %eq3A_1794, %jit3A_1795, %jit3A : i32
      %rem3A = arith.remsi %scan3A_1793, %select_n3A : i32
      %ne3A = arith.constant 0 : i32
      %ne3A_1796 = arith.cmpi ne, %rem3A, %ne3A : i32
      %lt3A_1797 = arith.constant 0 : i32
      %lt3A_1798 = arith.cmpi slt, %rem3A, %lt3A_1797 : i32
      %lt3A_1799 = arith.constant 0 : i32
      %lt3A_1800 = arith.cmpi slt, %select_n3A, %lt3A_1799 : i32
      %ne3A_1801 = arith.xori %lt3A_1798, %lt3A_1800 : i1
      %and3A = arith.andi %ne3A_1801, %ne3A_1796 : i1
      %add3A_1802 = arith.addi %rem3A, %select_n3A : i32
      %select_n3A_1803 = arith.select %and3A, %add3A_1802, %rem3A : i32
      %add3A_1804 = arith.constant 1 : i32
      %add3A_1805 = arith.addi %scan3A_1793, %add3A_1804 : i32
      %jit3A_1806 = arith.constant 3 : i32
      %eq3A_1807 = arith.constant 0 : i32
      %eq3A_1808 = arith.cmpi eq, %jit3A_1806, %eq3A_1807 : i32
      %jit3A_1809 = arith.constant 1 : i32
      %select_n3A_1810 = arith.select %eq3A_1808, %jit3A_1809, %jit3A_1806 : i32
      %rem3A_1811 = arith.remsi %add3A_1805, %select_n3A_1810 : i32
      %ne3A_1812 = arith.constant 0 : i32
      %ne3A_1813 = arith.cmpi ne, %rem3A_1811, %ne3A_1812 : i32
      %lt3A_1814 = arith.constant 0 : i32
      %lt3A_1815 = arith.cmpi slt, %rem3A_1811, %lt3A_1814 : i32
      %lt3A_1816 = arith.constant 0 : i32
      %lt3A_1817 = arith.cmpi slt, %select_n3A_1810, %lt3A_1816 : i32
      %ne3A_1818 = arith.xori %lt3A_1815, %lt3A_1817 : i1
      %and3A_1819 = arith.andi %ne3A_1818, %ne3A_1813 : i1
      %add3A_1820 = arith.addi %rem3A_1811, %select_n3A_1810 : i32
      %select_n3A_1821 = arith.select %and3A_1819, %add3A_1820, %rem3A_1811 : i32
      %add3A_1822 = arith.constant 2 : i32
      %add3A_1823 = arith.addi %scan3A_1793, %add3A_1822 : i32
      %jit3A_1824 = arith.constant 3 : i32
      %eq3A_1825 = arith.constant 0 : i32
      %eq3A_1826 = arith.cmpi eq, %jit3A_1824, %eq3A_1825 : i32
      %jit3A_1827 = arith.constant 1 : i32
      %select_n3A_1828 = arith.select %eq3A_1826, %jit3A_1827, %jit3A_1824 : i32
      %rem3A_1829 = arith.remsi %add3A_1823, %select_n3A_1828 : i32
      %ne3A_1830 = arith.constant 0 : i32
      %ne3A_1831 = arith.cmpi ne, %rem3A_1829, %ne3A_1830 : i32
      %lt3A_1832 = arith.constant 0 : i32
      %lt3A_1833 = arith.cmpi slt, %rem3A_1829, %lt3A_1832 : i32
      %lt3A_1834 = arith.constant 0 : i32
      %lt3A_1835 = arith.cmpi slt, %select_n3A_1828, %lt3A_1834 : i32
      %ne3A_1836 = arith.xori %lt3A_1833, %lt3A_1835 : i1
      %and3A_1837 = arith.andi %ne3A_1836, %ne3A_1831 : i1
      %add3A_1838 = arith.addi %rem3A_1829, %select_n3A_1828 : i32
      %select_n3A_1839 = arith.select %and3A_1837, %add3A_1838, %rem3A_1829 : i32
      %dma_wait3A_1840 = arith.constant 0 : i32
      %dma_wait3A_1841 = arith.constant 0 : i32
      %dma_wait3A_1842 = arith.constant 0 : i32
      %dma_wait3A_1843 = arith.constant 1 : i32
      %dma_wait3A_1844 = arith.constant 0 : i32
      %dma_wait3A_1845 = arith.constant 0 : i32
      %dma_wait3A_1846 = tpu.memref_slice %arg10[%dma_wait3A_1840, %dma_wait3A_1844, %dma_wait3A_1845] : memref<2x128x128xf32, #tpu.memory_space<vmem>> -> memref<1x128x128xf32, #tpu.memory_space<vmem>>
      %dma_wait3A_1847 = tpu.memref_squeeze %dma_wait3A_1846 : memref<1x128x128xf32, #tpu.memory_space<vmem>> -> memref<128x128xf32, #tpu.memory_space<vmem>>
      %dma_wait3A_1848 = arith.constant 0 : i32
      %dma_wait3A_1849 = tpu.memref_slice %arg9[%dma_wait3A_1841, %dma_wait3A_1842, %dma_wait3A_1843, %dma_wait3A_1848] : memref<3x4x2x128xi32, #tpu.memory_space<vmem>> -> memref<1x1x1x128xi32, #tpu.memory_space<vmem>>
      %dma_wait3A_1850 = tpu.memref_squeeze %dma_wait3A_1849 : memref<1x1x1x128xi32, #tpu.memory_space<vmem>> -> memref<128xi32, #tpu.memory_space<vmem>>
      %dma_wait3A_1851 = arith.constant 0 : i32
      %dma_wait3A_1852 = arith.constant 0 : i32
      %dma_wait3A_1853 = tpu.memref_slice %arg11[%dma_wait3A_1851, %dma_wait3A_1852] : memref<10240x128xf32, #tpu.memory_space<vmem_shared>> -> memref<10240x128xf32, #tpu.memory_space<vmem_shared>>
      tpu.wait_indirect_dma semaphore(%arg14 : memref<!tpu.dma_semaphore, #tpu.memory_space<semaphore_mem>>) src(%dma_wait3A_1847 : memref<128x128xf32, #tpu.memory_space<vmem>>) dst(%dma_wait3A_1853 : memref<10240x128xf32, #tpu.memory_space<vmem_shared>>)
      %dma_start3A_1854 = arith.constant 1 : i32
      %dma_start3A_1855 = arith.constant 0 : i32
      %dma_start3A_1856 = arith.constant 1 : i32
      %dma_start3A_1857 = arith.constant 0 : i32
      %dma_start3A_1858 = arith.constant 0 : i32
      %dma_start3A_1859 = tpu.memref_slice %arg10[%dma_start3A_1856, %dma_start3A_1857, %dma_start3A_1858] : memref<2x128x128xf32, #tpu.memory_space<vmem>> -> memref<1x128x128xf32, #tpu.memory_space<vmem>>
      %dma_start3A_1860 = tpu.memref_squeeze %dma_start3A_1859 : memref<1x128x128xf32, #tpu.memory_space<vmem>> -> memref<128x128xf32, #tpu.memory_space<vmem>>
      %dma_start3A_1861 = arith.constant 0 : i32
      %dma_start3A_1862 = tpu.memref_slice %arg9[%select_n3A_1803, %dma_start3A_1854, %dma_start3A_1855, %dma_start3A_1861] : memref<3x4x2x128xi32, #tpu.memory_space<vmem>> -> memref<1x1x1x128xi32, #tpu.memory_space<vmem>>
      %dma_start3A_1863 = tpu.memref_squeeze %dma_start3A_1862 : memref<1x1x1x128xi32, #tpu.memory_space<vmem>> -> memref<128xi32, #tpu.memory_space<vmem>>
      %dma_start3A_1864 = arith.constant 0 : i32
      %dma_start3A_1865 = arith.constant 0 : i32
      %dma_start3A_1866 = tpu.memref_slice %arg4[%dma_start3A_1864, %dma_start3A_1865] : memref<10240x128xf32, #tpu.memory_space<hbm>> -> memref<10240x128xf32, #tpu.memory_space<hbm>>
      tpu.enqueue_indirect_dma source(%dma_start3A_1866 : memref<10240x128xf32, #tpu.memory_space<hbm>>) target(%dma_start3A_1860 : memref<128x128xf32, #tpu.memory_space<vmem>>) offsets(%dma_start3A_1863 : memref<128xi32, #tpu.memory_space<vmem>>) semaphore(%arg13 : memref<!tpu.dma_semaphore, #tpu.memory_space<semaphore_mem>>)
      %dma_wait3A_1867 = arith.constant 0 : i32
      %dma_wait3A_1868 = arith.constant 0 : i32
      %dma_wait3A_1869 = arith.constant 0 : i32
      %dma_wait3A_1870 = arith.constant 0 : i32
      %dma_wait3A_1871 = arith.constant 0 : i32
      %dma_wait3A_1872 = arith.constant 0 : i32
      %dma_wait3A_1873 = tpu.memref_slice %arg10[%dma_wait3A_1870, %dma_wait3A_1871, %dma_wait3A_1872] : memref<2x128x128xf32, #tpu.memory_space<vmem>> -> memref<1x128x128xf32, #tpu.memory_space<vmem>>
      %dma_wait3A_1874 = tpu.memref_squeeze %dma_wait3A_1873 : memref<1x128x128xf32, #tpu.memory_space<vmem>> -> memref<128x128xf32, #tpu.memory_space<vmem>>
      %dma_wait3A_1875 = arith.constant 0 : i32
      %dma_wait3A_1876 = tpu.memref_slice %arg9[%dma_wait3A_1867, %dma_wait3A_1868, %dma_wait3A_1869, %dma_wait3A_1875] : memref<3x4x2x128xi32, #tpu.memory_space<vmem>> -> memref<1x1x1x128xi32, #tpu.memory_space<vmem>>
      %dma_wait3A_1877 = tpu.memref_squeeze %dma_wait3A_1876 : memref<1x1x1x128xi32, #tpu.memory_space<vmem>> -> memref<128xi32, #tpu.memory_space<vmem>>
      %dma_wait3A_1878 = arith.constant 0 : i32
      %dma_wait3A_1879 = arith.constant 0 : i32
      %dma_wait3A_1880 = tpu.memref_slice %arg4[%dma_wait3A_1878, %dma_wait3A_1879] : memref<10240x128xf32, #tpu.memory_space<hbm>> -> memref<10240x128xf32, #tpu.memory_space<hbm>>
      tpu.wait_indirect_dma semaphore(%arg13 : memref<!tpu.dma_semaphore, #tpu.memory_space<semaphore_mem>>) src(%dma_wait3A_1880 : memref<10240x128xf32, #tpu.memory_space<hbm>>) dst(%dma_wait3A_1874 : memref<128x128xf32, #tpu.memory_space<vmem>>)
      %dma_start3A_1881 = arith.constant 0 : i32
      %dma_start3A_1882 = arith.constant 0 : i32
      %dma_start3A_1883 = arith.constant 1 : i32
      %dma_start3A_1884 = arith.constant 0 : i32
      %dma_start3A_1885 = arith.constant 0 : i32
      %dma_start3A_1886 = tpu.memref_slice %arg10[%dma_start3A_1881, %dma_start3A_1884, %dma_start3A_1885] : memref<2x128x128xf32, #tpu.memory_space<vmem>> -> memref<1x128x128xf32, #tpu.memory_space<vmem>>
      %dma_start3A_1887 = tpu.memref_squeeze %dma_start3A_1886 : memref<1x128x128xf32, #tpu.memory_space<vmem>> -> memref<128x128xf32, #tpu.memory_space<vmem>>
      %dma_start3A_1888 = arith.constant 0 : i32
      %dma_start3A_1889 = tpu.memref_slice %arg9[%select_n3A_1803, %dma_start3A_1882, %dma_start3A_1883, %dma_start3A_1888] : memref<3x4x2x128xi32, #tpu.memory_space<vmem>> -> memref<1x1x1x128xi32, #tpu.memory_space<vmem>>
      %dma_start3A_1890 = tpu.memref_squeeze %dma_start3A_1889 : memref<1x1x1x128xi32, #tpu.memory_space<vmem>> -> memref<128xi32, #tpu.memory_space<vmem>>
      %dma_start3A_1891 = arith.constant 0 : i32
      %dma_start3A_1892 = arith.constant 0 : i32
      %dma_start3A_1893 = tpu.memref_slice %arg11[%dma_start3A_1891, %dma_start3A_1892] : memref<10240x128xf32, #tpu.memory_space<vmem_shared>> -> memref<10240x128xf32, #tpu.memory_space<vmem_shared>>
      tpu.enqueue_indirect_dma source(%dma_start3A_1887 : memref<128x128xf32, #tpu.memory_space<vmem>>) target(%dma_start3A_1893 : memref<10240x128xf32, #tpu.memory_space<vmem_shared>>) offsets(%dma_start3A_1890 : memref<128xi32, #tpu.memory_space<vmem>>) semaphore(%arg14 : memref<!tpu.dma_semaphore, #tpu.memory_space<semaphore_mem>>) {add = true}
      %dma_wait3A_1894 = arith.constant 0 : i32
      %dma_wait3A_1895 = arith.constant 0 : i32
      %dma_wait3A_1896 = arith.constant 0 : i32
      %dma_wait3A_1897 = arith.constant 1 : i32
      %dma_wait3A_1898 = arith.constant 0 : i32
      %dma_wait3A_1899 = arith.constant 0 : i32
      %dma_wait3A_1900 = tpu.memref_slice %arg10[%dma_wait3A_1894, %dma_wait3A_1898, %dma_wait3A_1899] : memref<2x128x128xf32, #tpu.memory_space<vmem>> -> memref<1x128x128xf32, #tpu.memory_space<vmem>>
      %dma_wait3A_1901 = tpu.memref_squeeze %dma_wait3A_1900 : memref<1x128x128xf32, #tpu.memory_space<vmem>> -> memref<128x128xf32, #tpu.memory_space<vmem>>
      %dma_wait3A_1902 = arith.constant 0 : i32
      %dma_wait3A_1903 = tpu.memref_slice %arg9[%dma_wait3A_1895, %dma_wait3A_1896, %dma_wait3A_1897, %dma_wait3A_1902] : memref<3x4x2x128xi32, #tpu.memory_space<vmem>> -> memref<1x1x1x128xi32, #tpu.memory_space<vmem>>
      %dma_wait3A_1904 = tpu.memref_squeeze %dma_wait3A_1903 : memref<1x1x1x128xi32, #tpu.memory_space<vmem>> -> memref<128xi32, #tpu.memory_space<vmem>>
      %dma_wait3A_1905 = arith.constant 0 : i32
      %dma_wait3A_1906 = arith.constant 0 : i32
      %dma_wait3A_1907 = tpu.memref_slice %arg11[%dma_wait3A_1905, %dma_wait3A_1906] : memref<10240x128xf32, #tpu.memory_space<vmem_shared>> -> memref<10240x128xf32, #tpu.memory_space<vmem_shared>>
      tpu.wait_indirect_dma semaphore(%arg14 : memref<!tpu.dma_semaphore, #tpu.memory_space<semaphore_mem>>) src(%dma_wait3A_1901 : memref<128x128xf32, #tpu.memory_space<vmem>>) dst(%dma_wait3A_1907 : memref<10240x128xf32, #tpu.memory_space<vmem_shared>>)
      %dma_start3A_1908 = arith.constant 2 : i32
      %dma_start3A_1909 = arith.constant 0 : i32
      %dma_start3A_1910 = arith.constant 0 : i32
      %dma_start3A_1911 = arith.constant 0 : i32
      %dma_start3A_1912 = arith.constant 0 : i32
      %dma_start3A_1913 = tpu.memref_slice %arg10[%dma_start3A_1910, %dma_start3A_1911, %dma_start3A_1912] : memref<2x128x128xf32, #tpu.memory_space<vmem>> -> memref<1x128x128xf32, #tpu.memory_space<vmem>>
      %dma_start3A_1914 = tpu.memref_squeeze %dma_start3A_1913 : memref<1x128x128xf32, #tpu.memory_space<vmem>> -> memref<128x128xf32, #tpu.memory_space<vmem>>
      %dma_start3A_1915 = arith.constant 0 : i32
      %dma_start3A_1916 = tpu.memref_slice %arg9[%select_n3A_1803, %dma_start3A_1908, %dma_start3A_1909, %dma_start3A_1915] : memref<3x4x2x128xi32, #tpu.memory_space<vmem>> -> memref<1x1x1x128xi32, #tpu.memory_space<vmem>>
      %dma_start3A_1917 = tpu.memref_squeeze %dma_start3A_1916 : memref<1x1x1x128xi32, #tpu.memory_space<vmem>> -> memref<128xi32, #tpu.memory_space<vmem>>
      %dma_start3A_1918 = arith.constant 0 : i32
      %dma_start3A_1919 = arith.constant 0 : i32
      %dma_start3A_1920 = tpu.memref_slice %arg4[%dma_start3A_1918, %dma_start3A_1919] : memref<10240x128xf32, #tpu.memory_space<hbm>> -> memref<10240x128xf32, #tpu.memory_space<hbm>>
      tpu.enqueue_indirect_dma source(%dma_start3A_1920 : memref<10240x128xf32, #tpu.memory_space<hbm>>) target(%dma_start3A_1914 : memref<128x128xf32, #tpu.memory_space<vmem>>) offsets(%dma_start3A_1917 : memref<128xi32, #tpu.memory_space<vmem>>) semaphore(%arg13 : memref<!tpu.dma_semaphore, #tpu.memory_space<semaphore_mem>>)
      %dma_wait3A_1921 = arith.constant 0 : i32
      %dma_wait3A_1922 = arith.constant 0 : i32
      %dma_wait3A_1923 = arith.constant 0 : i32
      %dma_wait3A_1924 = arith.constant 1 : i32
      %dma_wait3A_1925 = arith.constant 0 : i32
      %dma_wait3A_1926 = arith.constant 0 : i32
      %dma_wait3A_1927 = tpu.memref_slice %arg10[%dma_wait3A_1924, %dma_wait3A_1925, %dma_wait3A_1926] : memref<2x128x128xf32, #tpu.memory_space<vmem>> -> memref<1x128x128xf32, #tpu.memory_space<vmem>>
      %dma_wait3A_1928 = tpu.memref_squeeze %dma_wait3A_1927 : memref<1x128x128xf32, #tpu.memory_space<vmem>> -> memref<128x128xf32, #tpu.memory_space<vmem>>
      %dma_wait3A_1929 = arith.constant 0 : i32
      %dma_wait3A_1930 = tpu.memref_slice %arg9[%dma_wait3A_1921, %dma_wait3A_1922, %dma_wait3A_1923, %dma_wait3A_1929] : memref<3x4x2x128xi32, #tpu.memory_space<vmem>> -> memref<1x1x1x128xi32, #tpu.memory_space<vmem>>
      %dma_wait3A_1931 = tpu.memref_squeeze %dma_wait3A_1930 : memref<1x1x1x128xi32, #tpu.memory_space<vmem>> -> memref<128xi32, #tpu.memory_space<vmem>>
      %dma_wait3A_1932 = arith.constant 0 : i32
      %dma_wait3A_1933 = arith.constant 0 : i32
      %dma_wait3A_1934 = tpu.memref_slice %arg4[%dma_wait3A_1932, %dma_wait3A_1933] : memref<10240x128xf32, #tpu.memory_space<hbm>> -> memref<10240x128xf32, #tpu.memory_space<hbm>>
      tpu.wait_indirect_dma semaphore(%arg13 : memref<!tpu.dma_semaphore, #tpu.memory_space<semaphore_mem>>) src(%dma_wait3A_1934 : memref<10240x128xf32, #tpu.memory_space<hbm>>) dst(%dma_wait3A_1928 : memref<128x128xf32, #tpu.memory_space<vmem>>)
      %dma_start3A_1935 = arith.constant 1 : i32
      %dma_start3A_1936 = arith.constant 1 : i32
      %dma_start3A_1937 = arith.constant 1 : i32
      %dma_start3A_1938 = arith.constant 0 : i32
      %dma_start3A_1939 = arith.constant 0 : i32
      %dma_start3A_1940 = tpu.memref_slice %arg10[%dma_start3A_1935, %dma_start3A_1938, %dma_start3A_1939] : memref<2x128x128xf32, #tpu.memory_space<vmem>> -> memref<1x128x128xf32, #tpu.memory_space<vmem>>
      %dma_start3A_1941 = tpu.memref_squeeze %dma_start3A_1940 : memref<1x128x128xf32, #tpu.memory_space<vmem>> -> memref<128x128xf32, #tpu.memory_space<vmem>>
      %dma_start3A_1942 = arith.constant 0 : i32
      %dma_start3A_1943 = tpu.memref_slice %arg9[%select_n3A_1803, %dma_start3A_1936, %dma_start3A_1937, %dma_start3A_1942] : memref<3x4x2x128xi32, #tpu.memory_space<vmem>> -> memref<1x1x1x128xi32, #tpu.memory_space<vmem>>
      %dma_start3A_1944 = tpu.memref_squeeze %dma_start3A_1943 : memref<1x1x1x128xi32, #tpu.memory_space<vmem>> -> memref<128xi32, #tpu.memory_space<vmem>>
      %dma_start3A_1945 = arith.constant 0 : i32
      %dma_start3A_1946 = arith.constant 0 : i32
      %dma_start3A_1947 = tpu.memref_slice %arg11[%dma_start3A_1945, %dma_start3A_1946] : memref<10240x128xf32, #tpu.memory_space<vmem_shared>> -> memref<10240x128xf32, #tpu.memory_space<vmem_shared>>
      tpu.enqueue_indirect_dma source(%dma_start3A_1941 : memref<128x128xf32, #tpu.memory_space<vmem>>) target(%dma_start3A_1947 : memref<10240x128xf32, #tpu.memory_space<vmem_shared>>) offsets(%dma_start3A_1944 : memref<128xi32, #tpu.memory_space<vmem>>) semaphore(%arg14 : memref<!tpu.dma_semaphore, #tpu.memory_space<semaphore_mem>>) {add = true}
      %dma_wait3A_1948 = arith.constant 0 : i32
      %dma_wait3A_1949 = arith.constant 0 : i32
      %dma_wait3A_1950 = arith.constant 0 : i32
      %dma_wait3A_1951 = arith.constant 1 : i32
      %dma_wait3A_1952 = arith.constant 0 : i32
      %dma_wait3A_1953 = arith.constant 0 : i32
      %dma_wait3A_1954 = tpu.memref_slice %arg10[%dma_wait3A_1948, %dma_wait3A_1952, %dma_wait3A_1953] : memref<2x128x128xf32, #tpu.memory_space<vmem>> -> memref<1x128x128xf32, #tpu.memory_space<vmem>>
      %dma_wait3A_1955 = tpu.memref_squeeze %dma_wait3A_1954 : memref<1x128x128xf32, #tpu.memory_space<vmem>> -> memref<128x128xf32, #tpu.memory_space<vmem>>
      %dma_wait3A_1956 = arith.constant 0 : i32
      %dma_wait3A_1957 = tpu.memref_slice %arg9[%dma_wait3A_1949, %dma_wait3A_1950, %dma_wait3A_1951, %dma_wait3A_1956] : memref<3x4x2x128xi32, #tpu.memory_space<vmem>> -> memref<1x1x1x128xi32, #tpu.memory_space<vmem>>
      %dma_wait3A_1958 = tpu.memref_squeeze %dma_wait3A_1957 : memref<1x1x1x128xi32, #tpu.memory_space<vmem>> -> memref<128xi32, #tpu.memory_space<vmem>>
      %dma_wait3A_1959 = arith.constant 0 : i32
      %dma_wait3A_1960 = arith.constant 0 : i32
      %dma_wait3A_1961 = tpu.memref_slice %arg11[%dma_wait3A_1959, %dma_wait3A_1960] : memref<10240x128xf32, #tpu.memory_space<vmem_shared>> -> memref<10240x128xf32, #tpu.memory_space<vmem_shared>>
      tpu.wait_indirect_dma semaphore(%arg14 : memref<!tpu.dma_semaphore, #tpu.memory_space<semaphore_mem>>) src(%dma_wait3A_1955 : memref<128x128xf32, #tpu.memory_space<vmem>>) dst(%dma_wait3A_1961 : memref<10240x128xf32, #tpu.memory_space<vmem_shared>>)
      %dma_start3A_1962 = arith.constant 3 : i32
      %dma_start3A_1963 = arith.constant 0 : i32
      %dma_start3A_1964 = arith.constant 1 : i32
      %dma_start3A_1965 = arith.constant 0 : i32
      %dma_start3A_1966 = arith.constant 0 : i32
      %dma_start3A_1967 = tpu.memref_slice %arg10[%dma_start3A_1964, %dma_start3A_1965, %dma_start3A_1966] : memref<2x128x128xf32, #tpu.memory_space<vmem>> -> memref<1x128x128xf32, #tpu.memory_space<vmem>>
      %dma_start3A_1968 = tpu.memref_squeeze %dma_start3A_1967 : memref<1x128x128xf32, #tpu.memory_space<vmem>> -> memref<128x128xf32, #tpu.memory_space<vmem>>
      %dma_start3A_1969 = arith.constant 0 : i32
      %dma_start3A_1970 = tpu.memref_slice %arg9[%select_n3A_1803, %dma_start3A_1962, %dma_start3A_1963, %dma_start3A_1969] : memref<3x4x2x128xi32, #tpu.memory_space<vmem>> -> memref<1x1x1x128xi32, #tpu.memory_space<vmem>>
      %dma_start3A_1971 = tpu.memref_squeeze %dma_start3A_1970 : memref<1x1x1x128xi32, #tpu.memory_space<vmem>> -> memref<128xi32, #tpu.memory_space<vmem>>
      %dma_start3A_1972 = arith.constant 0 : i32
      %dma_start3A_1973 = arith.constant 0 : i32
      %dma_start3A_1974 = tpu.memref_slice %arg4[%dma_start3A_1972, %dma_start3A_1973] : memref<10240x128xf32, #tpu.memory_space<hbm>> -> memref<10240x128xf32, #tpu.memory_space<hbm>>
      tpu.enqueue_indirect_dma source(%dma_start3A_1974 : memref<10240x128xf32, #tpu.memory_space<hbm>>) target(%dma_start3A_1968 : memref<128x128xf32, #tpu.memory_space<vmem>>) offsets(%dma_start3A_1971 : memref<128xi32, #tpu.memory_space<vmem>>) semaphore(%arg13 : memref<!tpu.dma_semaphore, #tpu.memory_space<semaphore_mem>>)
      %dma_wait3A_1975 = arith.constant 0 : i32
      %dma_wait3A_1976 = arith.constant 0 : i32
      %dma_wait3A_1977 = arith.constant 0 : i32
      %dma_wait3A_1978 = arith.constant 0 : i32
      %dma_wait3A_1979 = arith.constant 0 : i32
      %dma_wait3A_1980 = arith.constant 0 : i32
      %dma_wait3A_1981 = tpu.memref_slice %arg10[%dma_wait3A_1978, %dma_wait3A_1979, %dma_wait3A_1980] : memref<2x128x128xf32, #tpu.memory_space<vmem>> -> memref<1x128x128xf32, #tpu.memory_space<vmem>>
      %dma_wait3A_1982 = tpu.memref_squeeze %dma_wait3A_1981 : memref<1x128x128xf32, #tpu.memory_space<vmem>> -> memref<128x128xf32, #tpu.memory_space<vmem>>
      %dma_wait3A_1983 = arith.constant 0 : i32
      %dma_wait3A_1984 = tpu.memref_slice %arg9[%dma_wait3A_1975, %dma_wait3A_1976, %dma_wait3A_1977, %dma_wait3A_1983] : memref<3x4x2x128xi32, #tpu.memory_space<vmem>> -> memref<1x1x1x128xi32, #tpu.memory_space<vmem>>
      %dma_wait3A_1985 = tpu.memref_squeeze %dma_wait3A_1984 : memref<1x1x1x128xi32, #tpu.memory_space<vmem>> -> memref<128xi32, #tpu.memory_space<vmem>>
      %dma_wait3A_1986 = arith.constant 0 : i32
      %dma_wait3A_1987 = arith.constant 0 : i32
      %dma_wait3A_1988 = tpu.memref_slice %arg4[%dma_wait3A_1986, %dma_wait3A_1987] : memref<10240x128xf32, #tpu.memory_space<hbm>> -> memref<10240x128xf32, #tpu.memory_space<hbm>>
      tpu.wait_indirect_dma semaphore(%arg13 : memref<!tpu.dma_semaphore, #tpu.memory_space<semaphore_mem>>) src(%dma_wait3A_1988 : memref<10240x128xf32, #tpu.memory_space<hbm>>) dst(%dma_wait3A_1982 : memref<128x128xf32, #tpu.memory_space<vmem>>)
      %dma_start3A_1989 = arith.constant 0 : i32
      %dma_start3A_1990 = arith.constant 2 : i32
      %dma_start3A_1991 = arith.constant 1 : i32
      %dma_start3A_1992 = arith.constant 0 : i32
      %dma_start3A_1993 = arith.constant 0 : i32
      %dma_start3A_1994 = tpu.memref_slice %arg10[%dma_start3A_1989, %dma_start3A_1992, %dma_start3A_1993] : memref<2x128x128xf32, #tpu.memory_space<vmem>> -> memref<1x128x128xf32, #tpu.memory_space<vmem>>
      %dma_start3A_1995 = tpu.memref_squeeze %dma_start3A_1994 : memref<1x128x128xf32, #tpu.memory_space<vmem>> -> memref<128x128xf32, #tpu.memory_space<vmem>>
      %dma_start3A_1996 = arith.constant 0 : i32
      %dma_start3A_1997 = tpu.memref_slice %arg9[%select_n3A_1803, %dma_start3A_1990, %dma_start3A_1991, %dma_start3A_1996] : memref<3x4x2x128xi32, #tpu.memory_space<vmem>> -> memref<1x1x1x128xi32, #tpu.memory_space<vmem>>
      %dma_start3A_1998 = tpu.memref_squeeze %dma_start3A_1997 : memref<1x1x1x128xi32, #tpu.memory_space<vmem>> -> memref<128xi32, #tpu.memory_space<vmem>>
      %dma_start3A_1999 = arith.constant 0 : i32
      %dma_start3A_2000 = arith.constant 0 : i32
      %dma_start3A_2001 = tpu.memref_slice %arg11[%dma_start3A_1999, %dma_start3A_2000] : memref<10240x128xf32, #tpu.memory_space<vmem_shared>> -> memref<10240x128xf32, #tpu.memory_space<vmem_shared>>
      tpu.enqueue_indirect_dma source(%dma_start3A_1995 : memref<128x128xf32, #tpu.memory_space<vmem>>) target(%dma_start3A_2001 : memref<10240x128xf32, #tpu.memory_space<vmem_shared>>) offsets(%dma_start3A_1998 : memref<128xi32, #tpu.memory_space<vmem>>) semaphore(%arg14 : memref<!tpu.dma_semaphore, #tpu.memory_space<semaphore_mem>>) {add = true}
      %dma_wait3A_2002 = arith.constant 0 : i32
      %dma_wait3A_2003 = arith.constant 0 : i32
      %dma_wait3A_2004 = arith.constant 0 : i32
      %dma_wait3A_2005 = arith.constant 0 : i32
      %dma_wait3A_2006 = tpu.memref_slice %arg9[%dma_wait3A_2002, %dma_wait3A_2003, %dma_wait3A_2004, %dma_wait3A_2005] : memref<3x4x2x128xi32, #tpu.memory_space<vmem>> -> memref<1x4x2x128xi32, #tpu.memory_space<vmem>>
      %dma_wait3A_2007 = tpu.memref_squeeze %dma_wait3A_2006 : memref<1x4x2x128xi32, #tpu.memory_space<vmem>> -> memref<4x2x128xi32, #tpu.memory_space<vmem>>
      %dma_wait3A_2008 = arith.constant 0 : i32
      %dma_wait3A_2009 = arith.constant 0 : i32
      %dma_wait3A_2010 = tpu.memref_slice %arg2[%add3A_4, %dma_wait3A_2008, %dma_wait3A_2009] : memref<2500x2x128xi32, #tpu.memory_space<hbm>> -> memref<4x2x128xi32, #tpu.memory_space<hbm>>
      %dma_wait3A_2011 = arith.constant 0 : i32
      %dma_wait3A_2012 = arith.constant 0 : i32
      %dma_wait3A_2013 = arith.constant 0 : i32
      %dma_wait3A_2014 = tpu.memref_slice %arg9[%dma_wait3A_2002, %dma_wait3A_2011, %dma_wait3A_2012, %dma_wait3A_2013] : memref<3x4x2x128xi32, #tpu.memory_space<vmem>> -> memref<1x4x2x128xi32, #tpu.memory_space<vmem>>
      %dma_wait3A_2015 = tpu.memref_squeeze %dma_wait3A_2014 : memref<1x4x2x128xi32, #tpu.memory_space<vmem>> -> memref<4x2x128xi32, #tpu.memory_space<vmem>>
      %dma_wait3A_2016 = arith.constant 0 : i32
      %dma_wait3A_2017 = arith.constant 0 : i32
      %dma_wait3A_2018 = tpu.memref_slice %arg2[%add3A_4, %dma_wait3A_2016, %dma_wait3A_2017] : memref<2500x2x128xi32, #tpu.memory_space<hbm>> -> memref<4x2x128xi32, #tpu.memory_space<hbm>>
      tpu.wait_dma2 semaphore(%arg12 : memref<!tpu.dma_semaphore, #tpu.memory_space<semaphore_mem>>) src(%dma_wait3A_2018 : memref<4x2x128xi32, #tpu.memory_space<hbm>>) dst(%dma_wait3A_2015 : memref<4x2x128xi32, #tpu.memory_space<vmem>>)
      %add3A_2019 = arith.constant 2 : i32
      %add3A_2020 = arith.addi %scan3A_1793, %add3A_2019 : i32
      %mul3A_2021 = arith.constant 4 : i32
      %mul3A_2022 = arith.muli %mul3A_2021, %add3A_2020 : i32
      %add3A_2023 = arith.addi %add3A_4, %mul3A_2022 : i32
      %dma_start3A_2024 = arith.constant 0 : i32
      %dma_start3A_2025 = arith.constant 0 : i32
      %dma_start3A_2026 = arith.constant 0 : i32
      %dma_start3A_2027 = tpu.memref_slice %arg9[%select_n3A_1839, %dma_start3A_2024, %dma_start3A_2025, %dma_start3A_2026] : memref<3x4x2x128xi32, #tpu.memory_space<vmem>> -> memref<1x4x2x128xi32, #tpu.memory_space<vmem>>
      %dma_start3A_2028 = tpu.memref_squeeze %dma_start3A_2027 : memref<1x4x2x128xi32, #tpu.memory_space<vmem>> -> memref<4x2x128xi32, #tpu.memory_space<vmem>>
      %dma_start3A_2029 = arith.constant 0 : i32
      %dma_start3A_2030 = arith.constant 0 : i32
      %dma_start3A_2031 = tpu.memref_slice %arg2[%add3A_2023, %dma_start3A_2029, %dma_start3A_2030] : memref<2500x2x128xi32, #tpu.memory_space<hbm>> -> memref<4x2x128xi32, #tpu.memory_space<hbm>>
      %dma_start3A_2032 = arith.constant 0 : i32
      %dma_start3A_2033 = arith.constant 0 : i32
      %dma_start3A_2034 = arith.constant 0 : i32
      %dma_start3A_2035 = tpu.memref_slice %arg9[%select_n3A_1839, %dma_start3A_2032, %dma_start3A_2033, %dma_start3A_2034] : memref<3x4x2x128xi32, #tpu.memory_space<vmem>> -> memref<1x4x2x128xi32, #tpu.memory_space<vmem>>
      %dma_start3A_2036 = tpu.memref_squeeze %dma_start3A_2035 : memref<1x4x2x128xi32, #tpu.memory_space<vmem>> -> memref<4x2x128xi32, #tpu.memory_space<vmem>>
      %dma_start3A_2037 = arith.constant 0 : i32
      %dma_start3A_2038 = arith.constant 0 : i32
      %dma_start3A_2039 = tpu.memref_slice %arg2[%add3A_2023, %dma_start3A_2037, %dma_start3A_2038] : memref<2500x2x128xi32, #tpu.memory_space<hbm>> -> memref<4x2x128xi32, #tpu.memory_space<hbm>>
      tpu.enqueue_dma source(%dma_start3A_2039 : memref<4x2x128xi32, #tpu.memory_space<hbm>>) target(%dma_start3A_2036 : memref<4x2x128xi32, #tpu.memory_space<vmem>>) target_semaphore(%arg12 : memref<!tpu.dma_semaphore, #tpu.memory_space<semaphore_mem>>)
      %dma_wait3A_2040 = arith.constant 0 : i32
      %dma_wait3A_2041 = arith.constant 0 : i32
      %dma_wait3A_2042 = arith.constant 0 : i32
      %dma_wait3A_2043 = arith.constant 1 : i32
      %dma_wait3A_2044 = arith.constant 0 : i32
      %dma_wait3A_2045 = arith.constant 0 : i32
      %dma_wait3A_2046 = tpu.memref_slice %arg10[%dma_wait3A_2040, %dma_wait3A_2044, %dma_wait3A_2045] : memref<2x128x128xf32, #tpu.memory_space<vmem>> -> memref<1x128x128xf32, #tpu.memory_space<vmem>>
      %dma_wait3A_2047 = tpu.memref_squeeze %dma_wait3A_2046 : memref<1x128x128xf32, #tpu.memory_space<vmem>> -> memref<128x128xf32, #tpu.memory_space<vmem>>
      %dma_wait3A_2048 = arith.constant 0 : i32
      %dma_wait3A_2049 = tpu.memref_slice %arg9[%dma_wait3A_2041, %dma_wait3A_2042, %dma_wait3A_2043, %dma_wait3A_2048] : memref<3x4x2x128xi32, #tpu.memory_space<vmem>> -> memref<1x1x1x128xi32, #tpu.memory_space<vmem>>
      %dma_wait3A_2050 = tpu.memref_squeeze %dma_wait3A_2049 : memref<1x1x1x128xi32, #tpu.memory_space<vmem>> -> memref<128xi32, #tpu.memory_space<vmem>>
      %dma_wait3A_2051 = arith.constant 0 : i32
      %dma_wait3A_2052 = arith.constant 0 : i32
      %dma_wait3A_2053 = tpu.memref_slice %arg11[%dma_wait3A_2051, %dma_wait3A_2052] : memref<10240x128xf32, #tpu.memory_space<vmem_shared>> -> memref<10240x128xf32, #tpu.memory_space<vmem_shared>>
      tpu.wait_indirect_dma semaphore(%arg14 : memref<!tpu.dma_semaphore, #tpu.memory_space<semaphore_mem>>) src(%dma_wait3A_2047 : memref<128x128xf32, #tpu.memory_space<vmem>>) dst(%dma_wait3A_2053 : memref<10240x128xf32, #tpu.memory_space<vmem_shared>>)
      %dma_start3A_2054 = arith.constant 0 : i32
      %dma_start3A_2055 = arith.constant 0 : i32
      %dma_start3A_2056 = arith.constant 0 : i32
      %dma_start3A_2057 = arith.constant 0 : i32
      %dma_start3A_2058 = arith.constant 0 : i32
      %dma_start3A_2059 = tpu.memref_slice %arg10[%dma_start3A_2056, %dma_start3A_2057, %dma_start3A_2058] : memref<2x128x128xf32, #tpu.memory_space<vmem>> -> memref<1x128x128xf32, #tpu.memory_space<vmem>>
      %dma_start3A_2060 = tpu.memref_squeeze %dma_start3A_2059 : memref<1x128x128xf32, #tpu.memory_space<vmem>> -> memref<128x128xf32, #tpu.memory_space<vmem>>
      %dma_start3A_2061 = arith.constant 0 : i32
      %dma_start3A_2062 = tpu.memref_slice %arg9[%select_n3A_1821, %dma_start3A_2054, %dma_start3A_2055, %dma_start3A_2061] : memref<3x4x2x128xi32, #tpu.memory_space<vmem>> -> memref<1x1x1x128xi32, #tpu.memory_space<vmem>>
      %dma_start3A_2063 = tpu.memref_squeeze %dma_start3A_2062 : memref<1x1x1x128xi32, #tpu.memory_space<vmem>> -> memref<128xi32, #tpu.memory_space<vmem>>
      %dma_start3A_2064 = arith.constant 0 : i32
      %dma_start3A_2065 = arith.constant 0 : i32
      %dma_start3A_2066 = tpu.memref_slice %arg4[%dma_start3A_2064, %dma_start3A_2065] : memref<10240x128xf32, #tpu.memory_space<hbm>> -> memref<10240x128xf32, #tpu.memory_space<hbm>>
      tpu.enqueue_indirect_dma source(%dma_start3A_2066 : memref<10240x128xf32, #tpu.memory_space<hbm>>) target(%dma_start3A_2060 : memref<128x128xf32, #tpu.memory_space<vmem>>) offsets(%dma_start3A_2063 : memref<128xi32, #tpu.memory_space<vmem>>) semaphore(%arg13 : memref<!tpu.dma_semaphore, #tpu.memory_space<semaphore_mem>>)
      %dma_wait3A_2067 = arith.constant 0 : i32
      %dma_wait3A_2068 = arith.constant 0 : i32
      %dma_wait3A_2069 = arith.constant 0 : i32
      %dma_wait3A_2070 = arith.constant 1 : i32
      %dma_wait3A_2071 = arith.constant 0 : i32
      %dma_wait3A_2072 = arith.constant 0 : i32
      %dma_wait3A_2073 = tpu.memref_slice %arg10[%dma_wait3A_2070, %dma_wait3A_2071, %dma_wait3A_2072] : memref<2x128x128xf32, #tpu.memory_space<vmem>> -> memref<1x128x128xf32, #tpu.memory_space<vmem>>
      %dma_wait3A_2074 = tpu.memref_squeeze %dma_wait3A_2073 : memref<1x128x128xf32, #tpu.memory_space<vmem>> -> memref<128x128xf32, #tpu.memory_space<vmem>>
      %dma_wait3A_2075 = arith.constant 0 : i32
      %dma_wait3A_2076 = tpu.memref_slice %arg9[%dma_wait3A_2067, %dma_wait3A_2068, %dma_wait3A_2069, %dma_wait3A_2075] : memref<3x4x2x128xi32, #tpu.memory_space<vmem>> -> memref<1x1x1x128xi32, #tpu.memory_space<vmem>>
      %dma_wait3A_2077 = tpu.memref_squeeze %dma_wait3A_2076 : memref<1x1x1x128xi32, #tpu.memory_space<vmem>> -> memref<128xi32, #tpu.memory_space<vmem>>
      %dma_wait3A_2078 = arith.constant 0 : i32
      %dma_wait3A_2079 = arith.constant 0 : i32
      %dma_wait3A_2080 = tpu.memref_slice %arg4[%dma_wait3A_2078, %dma_wait3A_2079] : memref<10240x128xf32, #tpu.memory_space<hbm>> -> memref<10240x128xf32, #tpu.memory_space<hbm>>
      tpu.wait_indirect_dma semaphore(%arg13 : memref<!tpu.dma_semaphore, #tpu.memory_space<semaphore_mem>>) src(%dma_wait3A_2080 : memref<10240x128xf32, #tpu.memory_space<hbm>>) dst(%dma_wait3A_2074 : memref<128x128xf32, #tpu.memory_space<vmem>>)
      %dma_start3A_2081 = arith.constant 1 : i32
      %dma_start3A_2082 = arith.constant 3 : i32
      %dma_start3A_2083 = arith.constant 1 : i32
      %dma_start3A_2084 = arith.constant 0 : i32
      %dma_start3A_2085 = arith.constant 0 : i32
      %dma_start3A_2086 = tpu.memref_slice %arg10[%dma_start3A_2081, %dma_start3A_2084, %dma_start3A_2085] : memref<2x128x128xf32, #tpu.memory_space<vmem>> -> memref<1x128x128xf32, #tpu.memory_space<vmem>>
      %dma_start3A_2087 = tpu.memref_squeeze %dma_start3A_2086 : memref<1x128x128xf32, #tpu.memory_space<vmem>> -> memref<128x128xf32, #tpu.memory_space<vmem>>
      %dma_start3A_2088 = arith.constant 0 : i32
      %dma_start3A_2089 = tpu.memref_slice %arg9[%select_n3A_1803, %dma_start3A_2082, %dma_start3A_2083, %dma_start3A_2088] : memref<3x4x2x128xi32, #tpu.memory_space<vmem>> -> memref<1x1x1x128xi32, #tpu.memory_space<vmem>>
      %dma_start3A_2090 = tpu.memref_squeeze %dma_start3A_2089 : memref<1x1x1x128xi32, #tpu.memory_space<vmem>> -> memref<128xi32, #tpu.memory_space<vmem>>
      %dma_start3A_2091 = arith.constant 0 : i32
      %dma_start3A_2092 = arith.constant 0 : i32
      %dma_start3A_2093 = tpu.memref_slice %arg11[%dma_start3A_2091, %dma_start3A_2092] : memref<10240x128xf32, #tpu.memory_space<vmem_shared>> -> memref<10240x128xf32, #tpu.memory_space<vmem_shared>>
      tpu.enqueue_indirect_dma source(%dma_start3A_2087 : memref<128x128xf32, #tpu.memory_space<vmem>>) target(%dma_start3A_2093 : memref<10240x128xf32, #tpu.memory_space<vmem_shared>>) offsets(%dma_start3A_2090 : memref<128xi32, #tpu.memory_space<vmem>>) semaphore(%arg14 : memref<!tpu.dma_semaphore, #tpu.memory_space<semaphore_mem>>) {add = true}
    }
    %scan3A_290 = arith.constant 16 : i32
    %dma_wait3A_291 = arith.constant 0 : i32
    %dma_wait3A_292 = arith.constant 0 : i32
    %dma_wait3A_293 = arith.constant 0 : i32
    %dma_wait3A_294 = arith.constant 1 : i32
    %dma_wait3A_295 = arith.constant 0 : i32
    %dma_wait3A_296 = arith.constant 0 : i32
    %dma_wait3A_297 = tpu.memref_slice %arg10[%dma_wait3A_291, %dma_wait3A_295, %dma_wait3A_296] : memref<2x128x128xf32, #tpu.memory_space<vmem>> -> memref<1x128x128xf32, #tpu.memory_space<vmem>>
    %dma_wait3A_298 = tpu.memref_squeeze %dma_wait3A_297 : memref<1x128x128xf32, #tpu.memory_space<vmem>> -> memref<128x128xf32, #tpu.memory_space<vmem>>
    %dma_wait3A_299 = arith.constant 0 : i32
    %dma_wait3A_300 = tpu.memref_slice %arg9[%dma_wait3A_292, %dma_wait3A_293, %dma_wait3A_294, %dma_wait3A_299] : memref<3x4x2x128xi32, #tpu.memory_space<vmem>> -> memref<1x1x1x128xi32, #tpu.memory_space<vmem>>
    %dma_wait3A_301 = tpu.memref_squeeze %dma_wait3A_300 : memref<1x1x1x128xi32, #tpu.memory_space<vmem>> -> memref<128xi32, #tpu.memory_space<vmem>>
    %dma_wait3A_302 = arith.constant 0 : i32
    %dma_wait3A_303 = arith.constant 0 : i32
    %dma_wait3A_304 = tpu.memref_slice %arg11[%dma_wait3A_302, %dma_wait3A_303] : memref<10240x128xf32, #tpu.memory_space<vmem_shared>> -> memref<10240x128xf32, #tpu.memory_space<vmem_shared>>
    tpu.wait_indirect_dma semaphore(%arg14 : memref<!tpu.dma_semaphore, #tpu.memory_space<semaphore_mem>>) src(%dma_wait3A_298 : memref<128x128xf32, #tpu.memory_space<vmem>>) dst(%dma_wait3A_304 : memref<10240x128xf32, #tpu.memory_space<vmem_shared>>)
    %dma_start3A_305 = arith.constant 2 : i32
    %dma_start3A_306 = arith.constant 1 : i32
    %dma_start3A_307 = arith.constant 0 : i32
    %dma_start3A_308 = arith.constant 1 : i32
    %dma_start3A_309 = arith.constant 0 : i32
    %dma_start3A_310 = arith.constant 0 : i32
    %dma_start3A_311 = tpu.memref_slice %arg10[%dma_start3A_308, %dma_start3A_309, %dma_start3A_310] : memref<2x128x128xf32, #tpu.memory_space<vmem>> -> memref<1x128x128xf32, #tpu.memory_space<vmem>>
    %dma_start3A_312 = tpu.memref_squeeze %dma_start3A_311 : memref<1x128x128xf32, #tpu.memory_space<vmem>> -> memref<128x128xf32, #tpu.memory_space<vmem>>
    %dma_start3A_313 = arith.constant 0 : i32
    %dma_start3A_314 = tpu.memref_slice %arg9[%dma_start3A_305, %dma_start3A_306, %dma_start3A_307, %dma_start3A_313] : memref<3x4x2x128xi32, #tpu.memory_space<vmem>> -> memref<1x1x1x128xi32, #tpu.memory_space<vmem>>
    %dma_start3A_315 = tpu.memref_squeeze %dma_start3A_314 : memref<1x1x1x128xi32, #tpu.memory_space<vmem>> -> memref<128xi32, #tpu.memory_space<vmem>>
    %dma_start3A_316 = arith.constant 0 : i32
    %dma_start3A_317 = arith.constant 0 : i32
    %dma_start3A_318 = tpu.memref_slice %arg4[%dma_start3A_316, %dma_start3A_317] : memref<10240x128xf32, #tpu.memory_space<hbm>> -> memref<10240x128xf32, #tpu.memory_space<hbm>>
    tpu.enqueue_indirect_dma source(%dma_start3A_318 : memref<10240x128xf32, #tpu.memory_space<hbm>>) target(%dma_start3A_312 : memref<128x128xf32, #tpu.memory_space<vmem>>) offsets(%dma_start3A_315 : memref<128xi32, #tpu.memory_space<vmem>>) semaphore(%arg13 : memref<!tpu.dma_semaphore, #tpu.memory_space<semaphore_mem>>)
    %dma_wait3A_319 = arith.constant 0 : i32
    %dma_wait3A_320 = arith.constant 0 : i32
    %dma_wait3A_321 = arith.constant 0 : i32
    %dma_wait3A_322 = arith.constant 0 : i32
    %dma_wait3A_323 = arith.constant 0 : i32
    %dma_wait3A_324 = arith.constant 0 : i32
    %dma_wait3A_325 = tpu.memref_slice %arg10[%dma_wait3A_322, %dma_wait3A_323, %dma_wait3A_324] : memref<2x128x128xf32, #tpu.memory_space<vmem>> -> memref<1x128x128xf32, #tpu.memory_space<vmem>>
    %dma_wait3A_326 = tpu.memref_squeeze %dma_wait3A_325 : memref<1x128x128xf32, #tpu.memory_space<vmem>> -> memref<128x128xf32, #tpu.memory_space<vmem>>
    %dma_wait3A_327 = arith.constant 0 : i32
    %dma_wait3A_328 = tpu.memref_slice %arg9[%dma_wait3A_319, %dma_wait3A_320, %dma_wait3A_321, %dma_wait3A_327] : memref<3x4x2x128xi32, #tpu.memory_space<vmem>> -> memref<1x1x1x128xi32, #tpu.memory_space<vmem>>
    %dma_wait3A_329 = tpu.memref_squeeze %dma_wait3A_328 : memref<1x1x1x128xi32, #tpu.memory_space<vmem>> -> memref<128xi32, #tpu.memory_space<vmem>>
    %dma_wait3A_330 = arith.constant 0 : i32
    %dma_wait3A_331 = arith.constant 0 : i32
    %dma_wait3A_332 = tpu.memref_slice %arg4[%dma_wait3A_330, %dma_wait3A_331] : memref<10240x128xf32, #tpu.memory_space<hbm>> -> memref<10240x128xf32, #tpu.memory_space<hbm>>
    tpu.wait_indirect_dma semaphore(%arg13 : memref<!tpu.dma_semaphore, #tpu.memory_space<semaphore_mem>>) src(%dma_wait3A_332 : memref<10240x128xf32, #tpu.memory_space<hbm>>) dst(%dma_wait3A_326 : memref<128x128xf32, #tpu.memory_space<vmem>>)
    %dma_start3A_333 = arith.constant 0 : i32
    %dma_start3A_334 = arith.constant 2 : i32
    %dma_start3A_335 = arith.constant 0 : i32
    %dma_start3A_336 = arith.constant 1 : i32
    %dma_start3A_337 = arith.constant 0 : i32
    %dma_start3A_338 = arith.constant 0 : i32
    %dma_start3A_339 = tpu.memref_slice %arg10[%dma_start3A_333, %dma_start3A_337, %dma_start3A_338] : memref<2x128x128xf32, #tpu.memory_space<vmem>> -> memref<1x128x128xf32, #tpu.memory_space<vmem>>
    %dma_start3A_340 = tpu.memref_squeeze %dma_start3A_339 : memref<1x128x128xf32, #tpu.memory_space<vmem>> -> memref<128x128xf32, #tpu.memory_space<vmem>>
    %dma_start3A_341 = arith.constant 0 : i32
    %dma_start3A_342 = tpu.memref_slice %arg9[%dma_start3A_334, %dma_start3A_335, %dma_start3A_336, %dma_start3A_341] : memref<3x4x2x128xi32, #tpu.memory_space<vmem>> -> memref<1x1x1x128xi32, #tpu.memory_space<vmem>>
    %dma_start3A_343 = tpu.memref_squeeze %dma_start3A_342 : memref<1x1x1x128xi32, #tpu.memory_space<vmem>> -> memref<128xi32, #tpu.memory_space<vmem>>
    %dma_start3A_344 = arith.constant 0 : i32
    %dma_start3A_345 = arith.constant 0 : i32
    %dma_start3A_346 = tpu.memref_slice %arg11[%dma_start3A_344, %dma_start3A_345] : memref<10240x128xf32, #tpu.memory_space<vmem_shared>> -> memref<10240x128xf32, #tpu.memory_space<vmem_shared>>
    tpu.enqueue_indirect_dma source(%dma_start3A_340 : memref<128x128xf32, #tpu.memory_space<vmem>>) target(%dma_start3A_346 : memref<10240x128xf32, #tpu.memory_space<vmem_shared>>) offsets(%dma_start3A_343 : memref<128xi32, #tpu.memory_space<vmem>>) semaphore(%arg14 : memref<!tpu.dma_semaphore, #tpu.memory_space<semaphore_mem>>) {add = true}
    %dma_wait3A_347 = arith.constant 0 : i32
    %dma_wait3A_348 = arith.constant 0 : i32
    %dma_wait3A_349 = arith.constant 0 : i32
    %dma_wait3A_350 = arith.constant 1 : i32
    %dma_wait3A_351 = arith.constant 0 : i32
    %dma_wait3A_352 = arith.constant 0 : i32
    %dma_wait3A_353 = tpu.memref_slice %arg10[%dma_wait3A_347, %dma_wait3A_351, %dma_wait3A_352] : memref<2x128x128xf32, #tpu.memory_space<vmem>> -> memref<1x128x128xf32, #tpu.memory_space<vmem>>
    %dma_wait3A_354 = tpu.memref_squeeze %dma_wait3A_353 : memref<1x128x128xf32, #tpu.memory_space<vmem>> -> memref<128x128xf32, #tpu.memory_space<vmem>>
    %dma_wait3A_355 = arith.constant 0 : i32
    %dma_wait3A_356 = tpu.memref_slice %arg9[%dma_wait3A_348, %dma_wait3A_349, %dma_wait3A_350, %dma_wait3A_355] : memref<3x4x2x128xi32, #tpu.memory_space<vmem>> -> memref<1x1x1x128xi32, #tpu.memory_space<vmem>>
    %dma_wait3A_357 = tpu.memref_squeeze %dma_wait3A_356 : memref<1x1x1x128xi32, #tpu.memory_space<vmem>> -> memref<128xi32, #tpu.memory_space<vmem>>
    %dma_wait3A_358 = arith.constant 0 : i32
    %dma_wait3A_359 = arith.constant 0 : i32
    %dma_wait3A_360 = tpu.memref_slice %arg11[%dma_wait3A_358, %dma_wait3A_359] : memref<10240x128xf32, #tpu.memory_space<vmem_shared>> -> memref<10240x128xf32, #tpu.memory_space<vmem_shared>>
    tpu.wait_indirect_dma semaphore(%arg14 : memref<!tpu.dma_semaphore, #tpu.memory_space<semaphore_mem>>) src(%dma_wait3A_354 : memref<128x128xf32, #tpu.memory_space<vmem>>) dst(%dma_wait3A_360 : memref<10240x128xf32, #tpu.memory_space<vmem_shared>>)
    %dma_start3A_361 = arith.constant 2 : i32
    %dma_start3A_362 = arith.constant 2 : i32
    %dma_start3A_363 = arith.constant 0 : i32
    %dma_start3A_364 = arith.constant 0 : i32
    %dma_start3A_365 = arith.constant 0 : i32
    %dma_start3A_366 = arith.constant 0 : i32
    %dma_start3A_367 = tpu.memref_slice %arg10[%dma_start3A_364, %dma_start3A_365, %dma_start3A_366] : memref<2x128x128xf32, #tpu.memory_space<vmem>> -> memref<1x128x128xf32, #tpu.memory_space<vmem>>
    %dma_start3A_368 = tpu.memref_squeeze %dma_start3A_367 : memref<1x128x128xf32, #tpu.memory_space<vmem>> -> memref<128x128xf32, #tpu.memory_space<vmem>>
    %dma_start3A_369 = arith.constant 0 : i32
    %dma_start3A_370 = tpu.memref_slice %arg9[%dma_start3A_361, %dma_start3A_362, %dma_start3A_363, %dma_start3A_369] : memref<3x4x2x128xi32, #tpu.memory_space<vmem>> -> memref<1x1x1x128xi32, #tpu.memory_space<vmem>>
    %dma_start3A_371 = tpu.memref_squeeze %dma_start3A_370 : memref<1x1x1x128xi32, #tpu.memory_space<vmem>> -> memref<128xi32, #tpu.memory_space<vmem>>
    %dma_start3A_372 = arith.constant 0 : i32
    %dma_start3A_373 = arith.constant 0 : i32
    %dma_start3A_374 = tpu.memref_slice %arg4[%dma_start3A_372, %dma_start3A_373] : memref<10240x128xf32, #tpu.memory_space<hbm>> -> memref<10240x128xf32, #tpu.memory_space<hbm>>
    tpu.enqueue_indirect_dma source(%dma_start3A_374 : memref<10240x128xf32, #tpu.memory_space<hbm>>) target(%dma_start3A_368 : memref<128x128xf32, #tpu.memory_space<vmem>>) offsets(%dma_start3A_371 : memref<128xi32, #tpu.memory_space<vmem>>) semaphore(%arg13 : memref<!tpu.dma_semaphore, #tpu.memory_space<semaphore_mem>>)
    %dma_wait3A_375 = arith.constant 0 : i32
    %dma_wait3A_376 = arith.constant 0 : i32
    %dma_wait3A_377 = arith.constant 0 : i32
    %dma_wait3A_378 = arith.constant 1 : i32
    %dma_wait3A_379 = arith.constant 0 : i32
    %dma_wait3A_380 = arith.constant 0 : i32
    %dma_wait3A_381 = tpu.memref_slice %arg10[%dma_wait3A_378, %dma_wait3A_379, %dma_wait3A_380] : memref<2x128x128xf32, #tpu.memory_space<vmem>> -> memref<1x128x128xf32, #tpu.memory_space<vmem>>
    %dma_wait3A_382 = tpu.memref_squeeze %dma_wait3A_381 : memref<1x128x128xf32, #tpu.memory_space<vmem>> -> memref<128x128xf32, #tpu.memory_space<vmem>>
    %dma_wait3A_383 = arith.constant 0 : i32
    %dma_wait3A_384 = tpu.memref_slice %arg9[%dma_wait3A_375, %dma_wait3A_376, %dma_wait3A_377, %dma_wait3A_383] : memref<3x4x2x128xi32, #tpu.memory_space<vmem>> -> memref<1x1x1x128xi32, #tpu.memory_space<vmem>>
    %dma_wait3A_385 = tpu.memref_squeeze %dma_wait3A_384 : memref<1x1x1x128xi32, #tpu.memory_space<vmem>> -> memref<128xi32, #tpu.memory_space<vmem>>
    %dma_wait3A_386 = arith.constant 0 : i32
    %dma_wait3A_387 = arith.constant 0 : i32
    %dma_wait3A_388 = tpu.memref_slice %arg4[%dma_wait3A_386, %dma_wait3A_387] : memref<10240x128xf32, #tpu.memory_space<hbm>> -> memref<10240x128xf32, #tpu.memory_space<hbm>>
    tpu.wait_indirect_dma semaphore(%arg13 : memref<!tpu.dma_semaphore, #tpu.memory_space<semaphore_mem>>) src(%dma_wait3A_388 : memref<10240x128xf32, #tpu.memory_space<hbm>>) dst(%dma_wait3A_382 : memref<128x128xf32, #tpu.memory_space<vmem>>)
    %dma_start3A_389 = arith.constant 1 : i32
    %dma_start3A_390 = arith.constant 2 : i32
    %dma_start3A_391 = arith.constant 1 : i32
    %dma_start3A_392 = arith.constant 1 : i32
    %dma_start3A_393 = arith.constant 0 : i32
    %dma_start3A_394 = arith.constant 0 : i32
    %dma_start3A_395 = tpu.memref_slice %arg10[%dma_start3A_389, %dma_start3A_393, %dma_start3A_394] : memref<2x128x128xf32, #tpu.memory_space<vmem>> -> memref<1x128x128xf32, #tpu.memory_space<vmem>>
    %dma_start3A_396 = tpu.memref_squeeze %dma_start3A_395 : memref<1x128x128xf32, #tpu.memory_space<vmem>> -> memref<128x128xf32, #tpu.memory_space<vmem>>
    %dma_start3A_397 = arith.constant 0 : i32
    %dma_start3A_398 = tpu.memref_slice %arg9[%dma_start3A_390, %dma_start3A_391, %dma_start3A_392, %dma_start3A_397] : memref<3x4x2x128xi32, #tpu.memory_space<vmem>> -> memref<1x1x1x128xi32, #tpu.memory_space<vmem>>
    %dma_start3A_399 = tpu.memref_squeeze %dma_start3A_398 : memref<1x1x1x128xi32, #tpu.memory_space<vmem>> -> memref<128xi32, #tpu.memory_space<vmem>>
    %dma_start3A_400 = arith.constant 0 : i32
    %dma_start3A_401 = arith.constant 0 : i32
    %dma_start3A_402 = tpu.memref_slice %arg11[%dma_start3A_400, %dma_start3A_401] : memref<10240x128xf32, #tpu.memory_space<vmem_shared>> -> memref<10240x128xf32, #tpu.memory_space<vmem_shared>>
    tpu.enqueue_indirect_dma source(%dma_start3A_396 : memref<128x128xf32, #tpu.memory_space<vmem>>) target(%dma_start3A_402 : memref<10240x128xf32, #tpu.memory_space<vmem_shared>>) offsets(%dma_start3A_399 : memref<128xi32, #tpu.memory_space<vmem>>) semaphore(%arg14 : memref<!tpu.dma_semaphore, #tpu.memory_space<semaphore_mem>>) {add = true}
    %dma_wait3A_403 = arith.constant 0 : i32
    %dma_wait3A_404 = arith.constant 0 : i32
    %dma_wait3A_405 = arith.constant 0 : i32
    %dma_wait3A_406 = arith.constant 1 : i32
    %dma_wait3A_407 = arith.constant 0 : i32
    %dma_wait3A_408 = arith.constant 0 : i32
    %dma_wait3A_409 = tpu.memref_slice %arg10[%dma_wait3A_403, %dma_wait3A_407, %dma_wait3A_408] : memref<2x128x128xf32, #tpu.memory_space<vmem>> -> memref<1x128x128xf32, #tpu.memory_space<vmem>>
    %dma_wait3A_410 = tpu.memref_squeeze %dma_wait3A_409 : memref<1x128x128xf32, #tpu.memory_space<vmem>> -> memref<128x128xf32, #tpu.memory_space<vmem>>
    %dma_wait3A_411 = arith.constant 0 : i32
    %dma_wait3A_412 = tpu.memref_slice %arg9[%dma_wait3A_404, %dma_wait3A_405, %dma_wait3A_406, %dma_wait3A_411] : memref<3x4x2x128xi32, #tpu.memory_space<vmem>> -> memref<1x1x1x128xi32, #tpu.memory_space<vmem>>
    %dma_wait3A_413 = tpu.memref_squeeze %dma_wait3A_412 : memref<1x1x1x128xi32, #tpu.memory_space<vmem>> -> memref<128xi32, #tpu.memory_space<vmem>>
    %dma_wait3A_414 = arith.constant 0 : i32
    %dma_wait3A_415 = arith.constant 0 : i32
    %dma_wait3A_416 = tpu.memref_slice %arg11[%dma_wait3A_414, %dma_wait3A_415] : memref<10240x128xf32, #tpu.memory_space<vmem_shared>> -> memref<10240x128xf32, #tpu.memory_space<vmem_shared>>
    tpu.wait_indirect_dma semaphore(%arg14 : memref<!tpu.dma_semaphore, #tpu.memory_space<semaphore_mem>>) src(%dma_wait3A_410 : memref<128x128xf32, #tpu.memory_space<vmem>>) dst(%dma_wait3A_416 : memref<10240x128xf32, #tpu.memory_space<vmem_shared>>)
    %dma_start3A_417 = arith.constant 2 : i32
    %dma_start3A_418 = arith.constant 3 : i32
    %dma_start3A_419 = arith.constant 0 : i32
    %dma_start3A_420 = arith.constant 1 : i32
    %dma_start3A_421 = arith.constant 0 : i32
    %dma_start3A_422 = arith.constant 0 : i32
    %dma_start3A_423 = tpu.memref_slice %arg10[%dma_start3A_420, %dma_start3A_421, %dma_start3A_422] : memref<2x128x128xf32, #tpu.memory_space<vmem>> -> memref<1x128x128xf32, #tpu.memory_space<vmem>>
    %dma_start3A_424 = tpu.memref_squeeze %dma_start3A_423 : memref<1x128x128xf32, #tpu.memory_space<vmem>> -> memref<128x128xf32, #tpu.memory_space<vmem>>
    %dma_start3A_425 = arith.constant 0 : i32
    %dma_start3A_426 = tpu.memref_slice %arg9[%dma_start3A_417, %dma_start3A_418, %dma_start3A_419, %dma_start3A_425] : memref<3x4x2x128xi32, #tpu.memory_space<vmem>> -> memref<1x1x1x128xi32, #tpu.memory_space<vmem>>
    %dma_start3A_427 = tpu.memref_squeeze %dma_start3A_426 : memref<1x1x1x128xi32, #tpu.memory_space<vmem>> -> memref<128xi32, #tpu.memory_space<vmem>>
    %dma_start3A_428 = arith.constant 0 : i32
    %dma_start3A_429 = arith.constant 0 : i32
    %dma_start3A_430 = tpu.memref_slice %arg4[%dma_start3A_428, %dma_start3A_429] : memref<10240x128xf32, #tpu.memory_space<hbm>> -> memref<10240x128xf32, #tpu.memory_space<hbm>>
    tpu.enqueue_indirect_dma source(%dma_start3A_430 : memref<10240x128xf32, #tpu.memory_space<hbm>>) target(%dma_start3A_424 : memref<128x128xf32, #tpu.memory_space<vmem>>) offsets(%dma_start3A_427 : memref<128xi32, #tpu.memory_space<vmem>>) semaphore(%arg13 : memref<!tpu.dma_semaphore, #tpu.memory_space<semaphore_mem>>)
    %dma_wait3A_431 = arith.constant 0 : i32
    %dma_wait3A_432 = arith.constant 0 : i32
    %dma_wait3A_433 = arith.constant 0 : i32
    %dma_wait3A_434 = arith.constant 0 : i32
    %dma_wait3A_435 = arith.constant 0 : i32
    %dma_wait3A_436 = arith.constant 0 : i32
    %dma_wait3A_437 = tpu.memref_slice %arg10[%dma_wait3A_434, %dma_wait3A_435, %dma_wait3A_436] : memref<2x128x128xf32, #tpu.memory_space<vmem>> -> memref<1x128x128xf32, #tpu.memory_space<vmem>>
    %dma_wait3A_438 = tpu.memref_squeeze %dma_wait3A_437 : memref<1x128x128xf32, #tpu.memory_space<vmem>> -> memref<128x128xf32, #tpu.memory_space<vmem>>
    %dma_wait3A_439 = arith.constant 0 : i32
    %dma_wait3A_440 = tpu.memref_slice %arg9[%dma_wait3A_431, %dma_wait3A_432, %dma_wait3A_433, %dma_wait3A_439] : memref<3x4x2x128xi32, #tpu.memory_space<vmem>> -> memref<1x1x1x128xi32, #tpu.memory_space<vmem>>
    %dma_wait3A_441 = tpu.memref_squeeze %dma_wait3A_440 : memref<1x1x1x128xi32, #tpu.memory_space<vmem>> -> memref<128xi32, #tpu.memory_space<vmem>>
    %dma_wait3A_442 = arith.constant 0 : i32
    %dma_wait3A_443 = arith.constant 0 : i32
    %dma_wait3A_444 = tpu.memref_slice %arg4[%dma_wait3A_442, %dma_wait3A_443] : memref<10240x128xf32, #tpu.memory_space<hbm>> -> memref<10240x128xf32, #tpu.memory_space<hbm>>
    tpu.wait_indirect_dma semaphore(%arg13 : memref<!tpu.dma_semaphore, #tpu.memory_space<semaphore_mem>>) src(%dma_wait3A_444 : memref<10240x128xf32, #tpu.memory_space<hbm>>) dst(%dma_wait3A_438 : memref<128x128xf32, #tpu.memory_space<vmem>>)
    %dma_start3A_445 = arith.constant 0 : i32
    %dma_start3A_446 = arith.constant 2 : i32
    %dma_start3A_447 = arith.constant 2 : i32
    %dma_start3A_448 = arith.constant 1 : i32
    %dma_start3A_449 = arith.constant 0 : i32
    %dma_start3A_450 = arith.constant 0 : i32
    %dma_start3A_451 = tpu.memref_slice %arg10[%dma_start3A_445, %dma_start3A_449, %dma_start3A_450] : memref<2x128x128xf32, #tpu.memory_space<vmem>> -> memref<1x128x128xf32, #tpu.memory_space<vmem>>
    %dma_start3A_452 = tpu.memref_squeeze %dma_start3A_451 : memref<1x128x128xf32, #tpu.memory_space<vmem>> -> memref<128x128xf32, #tpu.memory_space<vmem>>
    %dma_start3A_453 = arith.constant 0 : i32
    %dma_start3A_454 = tpu.memref_slice %arg9[%dma_start3A_446, %dma_start3A_447, %dma_start3A_448, %dma_start3A_453] : memref<3x4x2x128xi32, #tpu.memory_space<vmem>> -> memref<1x1x1x128xi32, #tpu.memory_space<vmem>>
    %dma_start3A_455 = tpu.memref_squeeze %dma_start3A_454 : memref<1x1x1x128xi32, #tpu.memory_space<vmem>> -> memref<128xi32, #tpu.memory_space<vmem>>
    %dma_start3A_456 = arith.constant 0 : i32
    %dma_start3A_457 = arith.constant 0 : i32
    %dma_start3A_458 = tpu.memref_slice %arg11[%dma_start3A_456, %dma_start3A_457] : memref<10240x128xf32, #tpu.memory_space<vmem_shared>> -> memref<10240x128xf32, #tpu.memory_space<vmem_shared>>
    tpu.enqueue_indirect_dma source(%dma_start3A_452 : memref<128x128xf32, #tpu.memory_space<vmem>>) target(%dma_start3A_458 : memref<10240x128xf32, #tpu.memory_space<vmem_shared>>) offsets(%dma_start3A_455 : memref<128xi32, #tpu.memory_space<vmem>>) semaphore(%arg14 : memref<!tpu.dma_semaphore, #tpu.memory_space<semaphore_mem>>) {add = true}
    %dma_wait3A_459 = arith.constant 0 : i32
    %dma_wait3A_460 = arith.constant 0 : i32
    %dma_wait3A_461 = arith.constant 0 : i32
    %dma_wait3A_462 = arith.constant 0 : i32
    %dma_wait3A_463 = tpu.memref_slice %arg9[%dma_wait3A_459, %dma_wait3A_460, %dma_wait3A_461, %dma_wait3A_462] : memref<3x4x2x128xi32, #tpu.memory_space<vmem>> -> memref<1x4x2x128xi32, #tpu.memory_space<vmem>>
    %dma_wait3A_464 = tpu.memref_squeeze %dma_wait3A_463 : memref<1x4x2x128xi32, #tpu.memory_space<vmem>> -> memref<4x2x128xi32, #tpu.memory_space<vmem>>
    %dma_wait3A_465 = arith.constant 0 : i32
    %dma_wait3A_466 = arith.constant 0 : i32
    %dma_wait3A_467 = tpu.memref_slice %arg2[%add3A_4, %dma_wait3A_465, %dma_wait3A_466] : memref<2500x2x128xi32, #tpu.memory_space<hbm>> -> memref<4x2x128xi32, #tpu.memory_space<hbm>>
    %dma_wait3A_468 = arith.constant 0 : i32
    %dma_wait3A_469 = arith.constant 0 : i32
    %dma_wait3A_470 = arith.constant 0 : i32
    %dma_wait3A_471 = tpu.memref_slice %arg9[%dma_wait3A_459, %dma_wait3A_468, %dma_wait3A_469, %dma_wait3A_470] : memref<3x4x2x128xi32, #tpu.memory_space<vmem>> -> memref<1x4x2x128xi32, #tpu.memory_space<vmem>>
    %dma_wait3A_472 = tpu.memref_squeeze %dma_wait3A_471 : memref<1x4x2x128xi32, #tpu.memory_space<vmem>> -> memref<4x2x128xi32, #tpu.memory_space<vmem>>
    %dma_wait3A_473 = arith.constant 0 : i32
    %dma_wait3A_474 = arith.constant 0 : i32
    %dma_wait3A_475 = tpu.memref_slice %arg2[%add3A_4, %dma_wait3A_473, %dma_wait3A_474] : memref<2500x2x128xi32, #tpu.memory_space<hbm>> -> memref<4x2x128xi32, #tpu.memory_space<hbm>>
    tpu.wait_dma2 semaphore(%arg12 : memref<!tpu.dma_semaphore, #tpu.memory_space<semaphore_mem>>) src(%dma_wait3A_475 : memref<4x2x128xi32, #tpu.memory_space<hbm>>) dst(%dma_wait3A_472 : memref<4x2x128xi32, #tpu.memory_space<vmem>>)
    %dma_wait3A_476 = arith.constant 0 : i32
    %dma_wait3A_477 = arith.constant 0 : i32
    %dma_wait3A_478 = arith.constant 0 : i32
    %dma_wait3A_479 = arith.constant 1 : i32
    %dma_wait3A_480 = arith.constant 0 : i32
    %dma_wait3A_481 = arith.constant 0 : i32
    %dma_wait3A_482 = tpu.memref_slice %arg10[%dma_wait3A_476, %dma_wait3A_480, %dma_wait3A_481] : memref<2x128x128xf32, #tpu.memory_space<vmem>> -> memref<1x128x128xf32, #tpu.memory_space<vmem>>
    %dma_wait3A_483 = tpu.memref_squeeze %dma_wait3A_482 : memref<1x128x128xf32, #tpu.memory_space<vmem>> -> memref<128x128xf32, #tpu.memory_space<vmem>>
    %dma_wait3A_484 = arith.constant 0 : i32
    %dma_wait3A_485 = tpu.memref_slice %arg9[%dma_wait3A_477, %dma_wait3A_478, %dma_wait3A_479, %dma_wait3A_484] : memref<3x4x2x128xi32, #tpu.memory_space<vmem>> -> memref<1x1x1x128xi32, #tpu.memory_space<vmem>>
    %dma_wait3A_486 = tpu.memref_squeeze %dma_wait3A_485 : memref<1x1x1x128xi32, #tpu.memory_space<vmem>> -> memref<128xi32, #tpu.memory_space<vmem>>
    %dma_wait3A_487 = arith.constant 0 : i32
    %dma_wait3A_488 = arith.constant 0 : i32
    %dma_wait3A_489 = tpu.memref_slice %arg11[%dma_wait3A_487, %dma_wait3A_488] : memref<10240x128xf32, #tpu.memory_space<vmem_shared>> -> memref<10240x128xf32, #tpu.memory_space<vmem_shared>>
    tpu.wait_indirect_dma semaphore(%arg14 : memref<!tpu.dma_semaphore, #tpu.memory_space<semaphore_mem>>) src(%dma_wait3A_483 : memref<128x128xf32, #tpu.memory_space<vmem>>) dst(%dma_wait3A_489 : memref<10240x128xf32, #tpu.memory_space<vmem_shared>>)
    %dma_start3A_490 = arith.constant 0 : i32
    %dma_start3A_491 = arith.constant 0 : i32
    %dma_start3A_492 = arith.constant 0 : i32
    %dma_start3A_493 = arith.constant 0 : i32
    %dma_start3A_494 = arith.constant 0 : i32
    %dma_start3A_495 = arith.constant 0 : i32
    %dma_start3A_496 = tpu.memref_slice %arg10[%dma_start3A_493, %dma_start3A_494, %dma_start3A_495] : memref<2x128x128xf32, #tpu.memory_space<vmem>> -> memref<1x128x128xf32, #tpu.memory_space<vmem>>
    %dma_start3A_497 = tpu.memref_squeeze %dma_start3A_496 : memref<1x128x128xf32, #tpu.memory_space<vmem>> -> memref<128x128xf32, #tpu.memory_space<vmem>>
    %dma_start3A_498 = arith.constant 0 : i32
    %dma_start3A_499 = tpu.memref_slice %arg9[%dma_start3A_490, %dma_start3A_491, %dma_start3A_492, %dma_start3A_498] : memref<3x4x2x128xi32, #tpu.memory_space<vmem>> -> memref<1x1x1x128xi32, #tpu.memory_space<vmem>>
    %dma_start3A_500 = tpu.memref_squeeze %dma_start3A_499 : memref<1x1x1x128xi32, #tpu.memory_space<vmem>> -> memref<128xi32, #tpu.memory_space<vmem>>
    %dma_start3A_501 = arith.constant 0 : i32
    %dma_start3A_502 = arith.constant 0 : i32
    %dma_start3A_503 = tpu.memref_slice %arg4[%dma_start3A_501, %dma_start3A_502] : memref<10240x128xf32, #tpu.memory_space<hbm>> -> memref<10240x128xf32, #tpu.memory_space<hbm>>
    tpu.enqueue_indirect_dma source(%dma_start3A_503 : memref<10240x128xf32, #tpu.memory_space<hbm>>) target(%dma_start3A_497 : memref<128x128xf32, #tpu.memory_space<vmem>>) offsets(%dma_start3A_500 : memref<128xi32, #tpu.memory_space<vmem>>) semaphore(%arg13 : memref<!tpu.dma_semaphore, #tpu.memory_space<semaphore_mem>>)
    %dma_wait3A_504 = arith.constant 0 : i32
    %dma_wait3A_505 = arith.constant 0 : i32
    %dma_wait3A_506 = arith.constant 0 : i32
    %dma_wait3A_507 = arith.constant 1 : i32
    %dma_wait3A_508 = arith.constant 0 : i32
    %dma_wait3A_509 = arith.constant 0 : i32
    %dma_wait3A_510 = tpu.memref_slice %arg10[%dma_wait3A_507, %dma_wait3A_508, %dma_wait3A_509] : memref<2x128x128xf32, #tpu.memory_space<vmem>> -> memref<1x128x128xf32, #tpu.memory_space<vmem>>
    %dma_wait3A_511 = tpu.memref_squeeze %dma_wait3A_510 : memref<1x128x128xf32, #tpu.memory_space<vmem>> -> memref<128x128xf32, #tpu.memory_space<vmem>>
    %dma_wait3A_512 = arith.constant 0 : i32
    %dma_wait3A_513 = tpu.memref_slice %arg9[%dma_wait3A_504, %dma_wait3A_505, %dma_wait3A_506, %dma_wait3A_512] : memref<3x4x2x128xi32, #tpu.memory_space<vmem>> -> memref<1x1x1x128xi32, #tpu.memory_space<vmem>>
    %dma_wait3A_514 = tpu.memref_squeeze %dma_wait3A_513 : memref<1x1x1x128xi32, #tpu.memory_space<vmem>> -> memref<128xi32, #tpu.memory_space<vmem>>
    %dma_wait3A_515 = arith.constant 0 : i32
    %dma_wait3A_516 = arith.constant 0 : i32
    %dma_wait3A_517 = tpu.memref_slice %arg4[%dma_wait3A_515, %dma_wait3A_516] : memref<10240x128xf32, #tpu.memory_space<hbm>> -> memref<10240x128xf32, #tpu.memory_space<hbm>>
    tpu.wait_indirect_dma semaphore(%arg13 : memref<!tpu.dma_semaphore, #tpu.memory_space<semaphore_mem>>) src(%dma_wait3A_517 : memref<10240x128xf32, #tpu.memory_space<hbm>>) dst(%dma_wait3A_511 : memref<128x128xf32, #tpu.memory_space<vmem>>)
    %dma_start3A_518 = arith.constant 1 : i32
    %dma_start3A_519 = arith.constant 2 : i32
    %dma_start3A_520 = arith.constant 3 : i32
    %dma_start3A_521 = arith.constant 1 : i32
    %dma_start3A_522 = arith.constant 0 : i32
    %dma_start3A_523 = arith.constant 0 : i32
    %dma_start3A_524 = tpu.memref_slice %arg10[%dma_start3A_518, %dma_start3A_522, %dma_start3A_523] : memref<2x128x128xf32, #tpu.memory_space<vmem>> -> memref<1x128x128xf32, #tpu.memory_space<vmem>>
    %dma_start3A_525 = tpu.memref_squeeze %dma_start3A_524 : memref<1x128x128xf32, #tpu.memory_space<vmem>> -> memref<128x128xf32, #tpu.memory_space<vmem>>
    %dma_start3A_526 = arith.constant 0 : i32
    %dma_start3A_527 = tpu.memref_slice %arg9[%dma_start3A_519, %dma_start3A_520, %dma_start3A_521, %dma_start3A_526] : memref<3x4x2x128xi32, #tpu.memory_space<vmem>> -> memref<1x1x1x128xi32, #tpu.memory_space<vmem>>
    %dma_start3A_528 = tpu.memref_squeeze %dma_start3A_527 : memref<1x1x1x128xi32, #tpu.memory_space<vmem>> -> memref<128xi32, #tpu.memory_space<vmem>>
    %dma_start3A_529 = arith.constant 0 : i32
    %dma_start3A_530 = arith.constant 0 : i32
    %dma_start3A_531 = tpu.memref_slice %arg11[%dma_start3A_529, %dma_start3A_530] : memref<10240x128xf32, #tpu.memory_space<vmem_shared>> -> memref<10240x128xf32, #tpu.memory_space<vmem_shared>>
    tpu.enqueue_indirect_dma source(%dma_start3A_525 : memref<128x128xf32, #tpu.memory_space<vmem>>) target(%dma_start3A_531 : memref<10240x128xf32, #tpu.memory_space<vmem_shared>>) offsets(%dma_start3A_528 : memref<128xi32, #tpu.memory_space<vmem>>) semaphore(%arg14 : memref<!tpu.dma_semaphore, #tpu.memory_space<semaphore_mem>>) {add = true}
    %add3A_532 = arith.constant 76 : i32
    %add3A_533 = arith.addi %add3A_4, %add3A_532 : i32
    %run_scoped3A_534 = arith.constant 1 : i32
    "tpu.region"() ({
      %run_scoped3A_1793 = tpu.sem_alloc : memref<!tpu.dma_semaphore, #tpu.memory_space<semaphore_mem>>
      %dma_start3A_1794 = arith.constant 0 : i32
      %dma_start3A_1795 = arith.constant 0 : i32
      %dma_start3A_1796 = arith.constant 0 : i32
      %dma_start3A_1797 = tpu.memref_slice %arg9[%run_scoped3A_534, %dma_start3A_1794, %dma_start3A_1795, %dma_start3A_1796] : memref<3x4x2x128xi32, #tpu.memory_space<vmem>> -> memref<1x2x2x128xi32, #tpu.memory_space<vmem>>
      %dma_start3A_1798 = tpu.memref_squeeze %dma_start3A_1797 : memref<1x2x2x128xi32, #tpu.memory_space<vmem>> -> memref<2x2x128xi32, #tpu.memory_space<vmem>>
      %dma_start3A_1799 = arith.constant 0 : i32
      %dma_start3A_1800 = arith.constant 0 : i32
      %dma_start3A_1801 = tpu.memref_slice %arg2[%add3A_533, %dma_start3A_1799, %dma_start3A_1800] : memref<2500x2x128xi32, #tpu.memory_space<hbm>> -> memref<2x2x128xi32, #tpu.memory_space<hbm>>
      %dma_start3A_1802 = arith.constant 0 : i32
      %dma_start3A_1803 = arith.constant 0 : i32
      %dma_start3A_1804 = arith.constant 0 : i32
      %dma_start3A_1805 = tpu.memref_slice %arg9[%run_scoped3A_534, %dma_start3A_1802, %dma_start3A_1803, %dma_start3A_1804] : memref<3x4x2x128xi32, #tpu.memory_space<vmem>> -> memref<1x2x2x128xi32, #tpu.memory_space<vmem>>
      %dma_start3A_1806 = tpu.memref_squeeze %dma_start3A_1805 : memref<1x2x2x128xi32, #tpu.memory_space<vmem>> -> memref<2x2x128xi32, #tpu.memory_space<vmem>>
      %dma_start3A_1807 = arith.constant 0 : i32
      %dma_start3A_1808 = arith.constant 0 : i32
      %dma_start3A_1809 = tpu.memref_slice %arg2[%add3A_533, %dma_start3A_1807, %dma_start3A_1808] : memref<2500x2x128xi32, #tpu.memory_space<hbm>> -> memref<2x2x128xi32, #tpu.memory_space<hbm>>
      tpu.enqueue_dma source(%dma_start3A_1809 : memref<2x2x128xi32, #tpu.memory_space<hbm>>) target(%dma_start3A_1806 : memref<2x2x128xi32, #tpu.memory_space<vmem>>) target_semaphore(%run_scoped3A_1793 : memref<!tpu.dma_semaphore, #tpu.memory_space<semaphore_mem>>)
      %dma_wait3A_1810 = arith.constant 0 : i32
      %dma_wait3A_1811 = arith.constant 0 : i32
      %dma_wait3A_1812 = arith.constant 0 : i32
      %dma_wait3A_1813 = tpu.memref_slice %arg9[%run_scoped3A_534, %dma_wait3A_1810, %dma_wait3A_1811, %dma_wait3A_1812] : memref<3x4x2x128xi32, #tpu.memory_space<vmem>> -> memref<1x2x2x128xi32, #tpu.memory_space<vmem>>
      %dma_wait3A_1814 = tpu.memref_squeeze %dma_wait3A_1813 : memref<1x2x2x128xi32, #tpu.memory_space<vmem>> -> memref<2x2x128xi32, #tpu.memory_space<vmem>>
      %dma_wait3A_1815 = arith.constant 0 : i32
      %dma_wait3A_1816 = arith.constant 0 : i32
      %dma_wait3A_1817 = tpu.memref_slice %arg2[%add3A_533, %dma_wait3A_1815, %dma_wait3A_1816] : memref<2500x2x128xi32, #tpu.memory_space<hbm>> -> memref<2x2x128xi32, #tpu.memory_space<hbm>>
      %dma_wait3A_1818 = arith.constant 0 : i32
      %dma_wait3A_1819 = arith.constant 0 : i32
      %dma_wait3A_1820 = arith.constant 0 : i32
      %dma_wait3A_1821 = tpu.memref_slice %arg9[%run_scoped3A_534, %dma_wait3A_1818, %dma_wait3A_1819, %dma_wait3A_1820] : memref<3x4x2x128xi32, #tpu.memory_space<vmem>> -> memref<1x2x2x128xi32, #tpu.memory_space<vmem>>
      %dma_wait3A_1822 = tpu.memref_squeeze %dma_wait3A_1821 : memref<1x2x2x128xi32, #tpu.memory_space<vmem>> -> memref<2x2x128xi32, #tpu.memory_space<vmem>>
      %dma_wait3A_1823 = arith.constant 0 : i32
      %dma_wait3A_1824 = arith.constant 0 : i32
      %dma_wait3A_1825 = tpu.memref_slice %arg2[%add3A_533, %dma_wait3A_1823, %dma_wait3A_1824] : memref<2500x2x128xi32, #tpu.memory_space<hbm>> -> memref<2x2x128xi32, #tpu.memory_space<hbm>>
      tpu.wait_dma2 semaphore(%run_scoped3A_1793 : memref<!tpu.dma_semaphore, #tpu.memory_space<semaphore_mem>>) src(%dma_wait3A_1825 : memref<2x2x128xi32, #tpu.memory_space<hbm>>) dst(%dma_wait3A_1822 : memref<2x2x128xi32, #tpu.memory_space<vmem>>)
      tpu.yield
    }) : () -> ()
    %add3A_535 = arith.constant 78 : i32
    %add3A_536 = arith.addi %add3A_4, %add3A_535 : i32
    %min3A_537 = arith.constant 2499 : i32
    %min3A_538 = arith.minsi %add3A_536, %min3A_537 : i32
    %run_scoped3A_539 = arith.constant 1 : i32
    "tpu.region"() ({
      %run_scoped3A_1793 = tpu.sem_alloc : memref<!tpu.dma_semaphore, #tpu.memory_space<semaphore_mem>>
      %dma_start3A_1794 = arith.constant 2 : i32
      %dma_start3A_1795 = arith.constant 0 : i32
      %dma_start3A_1796 = arith.constant 0 : i32
      %dma_start3A_1797 = tpu.memref_slice %arg9[%run_scoped3A_539, %dma_start3A_1794, %dma_start3A_1795, %dma_start3A_1796] : memref<3x4x2x128xi32, #tpu.memory_space<vmem>> -> memref<1x1x2x128xi32, #tpu.memory_space<vmem>>
      %dma_start3A_1798 = tpu.memref_squeeze %dma_start3A_1797 : memref<1x1x2x128xi32, #tpu.memory_space<vmem>> -> memref<1x2x128xi32, #tpu.memory_space<vmem>>
      %dma_start3A_1799 = arith.constant 0 : i32
      %dma_start3A_1800 = arith.constant 0 : i32
      %dma_start3A_1801 = tpu.memref_slice %arg2[%min3A_538, %dma_start3A_1799, %dma_start3A_1800] : memref<2500x2x128xi32, #tpu.memory_space<hbm>> -> memref<1x2x128xi32, #tpu.memory_space<hbm>>
      %dma_start3A_1802 = arith.constant 2 : i32
      %dma_start3A_1803 = arith.constant 0 : i32
      %dma_start3A_1804 = arith.constant 0 : i32
      %dma_start3A_1805 = tpu.memref_slice %arg9[%run_scoped3A_539, %dma_start3A_1802, %dma_start3A_1803, %dma_start3A_1804] : memref<3x4x2x128xi32, #tpu.memory_space<vmem>> -> memref<1x1x2x128xi32, #tpu.memory_space<vmem>>
      %dma_start3A_1806 = tpu.memref_squeeze %dma_start3A_1805 : memref<1x1x2x128xi32, #tpu.memory_space<vmem>> -> memref<1x2x128xi32, #tpu.memory_space<vmem>>
      %dma_start3A_1807 = arith.constant 0 : i32
      %dma_start3A_1808 = arith.constant 0 : i32
      %dma_start3A_1809 = tpu.memref_slice %arg2[%min3A_538, %dma_start3A_1807, %dma_start3A_1808] : memref<2500x2x128xi32, #tpu.memory_space<hbm>> -> memref<1x2x128xi32, #tpu.memory_space<hbm>>
      tpu.enqueue_dma source(%dma_start3A_1809 : memref<1x2x128xi32, #tpu.memory_space<hbm>>) target(%dma_start3A_1806 : memref<1x2x128xi32, #tpu.memory_space<vmem>>) target_semaphore(%run_scoped3A_1793 : memref<!tpu.dma_semaphore, #tpu.memory_space<semaphore_mem>>)
      %dma_wait3A_1810 = arith.constant 2 : i32
      %dma_wait3A_1811 = arith.constant 0 : i32
      %dma_wait3A_1812 = arith.constant 0 : i32
      %dma_wait3A_1813 = tpu.memref_slice %arg9[%run_scoped3A_539, %dma_wait3A_1810, %dma_wait3A_1811, %dma_wait3A_1812] : memref<3x4x2x128xi32, #tpu.memory_space<vmem>> -> memref<1x1x2x128xi32, #tpu.memory_space<vmem>>
      %dma_wait3A_1814 = tpu.memref_squeeze %dma_wait3A_1813 : memref<1x1x2x128xi32, #tpu.memory_space<vmem>> -> memref<1x2x128xi32, #tpu.memory_space<vmem>>
      %dma_wait3A_1815 = arith.constant 0 : i32
      %dma_wait3A_1816 = arith.constant 0 : i32
      %dma_wait3A_1817 = tpu.memref_slice %arg2[%min3A_538, %dma_wait3A_1815, %dma_wait3A_1816] : memref<2500x2x128xi32, #tpu.memory_space<hbm>> -> memref<1x2x128xi32, #tpu.memory_space<hbm>>
      %dma_wait3A_1818 = arith.constant 2 : i32
      %dma_wait3A_1819 = arith.constant 0 : i32
      %dma_wait3A_1820 = arith.constant 0 : i32
      %dma_wait3A_1821 = tpu.memref_slice %arg9[%run_scoped3A_539, %dma_wait3A_1818, %dma_wait3A_1819, %dma_wait3A_1820] : memref<3x4x2x128xi32, #tpu.memory_space<vmem>> -> memref<1x1x2x128xi32, #tpu.memory_space<vmem>>
      %dma_wait3A_1822 = tpu.memref_squeeze %dma_wait3A_1821 : memref<1x1x2x128xi32, #tpu.memory_space<vmem>> -> memref<1x2x128xi32, #tpu.memory_space<vmem>>
      %dma_wait3A_1823 = arith.constant 0 : i32
      %dma_wait3A_1824 = arith.constant 0 : i32
      %dma_wait3A_1825 = tpu.memref_slice %arg2[%min3A_538, %dma_wait3A_1823, %dma_wait3A_1824] : memref<2500x2x128xi32, #tpu.memory_space<hbm>> -> memref<1x2x128xi32, #tpu.memory_space<hbm>>
      tpu.wait_dma2 semaphore(%run_scoped3A_1793 : memref<!tpu.dma_semaphore, #tpu.memory_space<semaphore_mem>>) src(%dma_wait3A_1825 : memref<1x2x128xi32, #tpu.memory_space<hbm>>) dst(%dma_wait3A_1822 : memref<1x2x128xi32, #tpu.memory_space<vmem>>)
      tpu.yield
    }) : () -> ()
    %dma_wait3A_540 = arith.constant 0 : i32
    %dma_wait3A_541 = arith.constant 0 : i32
    %dma_wait3A_542 = arith.constant 0 : i32
    %dma_wait3A_543 = arith.constant 1 : i32
    %dma_wait3A_544 = arith.constant 0 : i32
    %dma_wait3A_545 = arith.constant 0 : i32
    %dma_wait3A_546 = tpu.memref_slice %arg10[%dma_wait3A_540, %dma_wait3A_544, %dma_wait3A_545] : memref<2x128x128xf32, #tpu.memory_space<vmem>> -> memref<1x128x128xf32, #tpu.memory_space<vmem>>
    %dma_wait3A_547 = tpu.memref_squeeze %dma_wait3A_546 : memref<1x128x128xf32, #tpu.memory_space<vmem>> -> memref<128x128xf32, #tpu.memory_space<vmem>>
    %dma_wait3A_548 = arith.constant 0 : i32
    %dma_wait3A_549 = tpu.memref_slice %arg9[%dma_wait3A_541, %dma_wait3A_542, %dma_wait3A_543, %dma_wait3A_548] : memref<3x4x2x128xi32, #tpu.memory_space<vmem>> -> memref<1x1x1x128xi32, #tpu.memory_space<vmem>>
    %dma_wait3A_550 = tpu.memref_squeeze %dma_wait3A_549 : memref<1x1x1x128xi32, #tpu.memory_space<vmem>> -> memref<128xi32, #tpu.memory_space<vmem>>
    %dma_wait3A_551 = arith.constant 0 : i32
    %dma_wait3A_552 = arith.constant 0 : i32
    %dma_wait3A_553 = tpu.memref_slice %arg11[%dma_wait3A_551, %dma_wait3A_552] : memref<10240x128xf32, #tpu.memory_space<vmem_shared>> -> memref<10240x128xf32, #tpu.memory_space<vmem_shared>>
    tpu.wait_indirect_dma semaphore(%arg14 : memref<!tpu.dma_semaphore, #tpu.memory_space<semaphore_mem>>) src(%dma_wait3A_547 : memref<128x128xf32, #tpu.memory_space<vmem>>) dst(%dma_wait3A_553 : memref<10240x128xf32, #tpu.memory_space<vmem_shared>>)
    %dma_start3A_554 = arith.constant 0 : i32
    %dma_start3A_555 = arith.constant 1 : i32
    %dma_start3A_556 = arith.constant 0 : i32
    %dma_start3A_557 = arith.constant 1 : i32
    %dma_start3A_558 = arith.constant 0 : i32
    %dma_start3A_559 = arith.constant 0 : i32
    %dma_start3A_560 = tpu.memref_slice %arg10[%dma_start3A_557, %dma_start3A_558, %dma_start3A_559] : memref<2x128x128xf32, #tpu.memory_space<vmem>> -> memref<1x128x128xf32, #tpu.memory_space<vmem>>
    %dma_start3A_561 = tpu.memref_squeeze %dma_start3A_560 : memref<1x128x128xf32, #tpu.memory_space<vmem>> -> memref<128x128xf32, #tpu.memory_space<vmem>>
    %dma_start3A_562 = arith.constant 0 : i32
    %dma_start3A_563 = tpu.memref_slice %arg9[%dma_start3A_554, %dma_start3A_555, %dma_start3A_556, %dma_start3A_562] : memref<3x4x2x128xi32, #tpu.memory_space<vmem>> -> memref<1x1x1x128xi32, #tpu.memory_space<vmem>>
    %dma_start3A_564 = tpu.memref_squeeze %dma_start3A_563 : memref<1x1x1x128xi32, #tpu.memory_space<vmem>> -> memref<128xi32, #tpu.memory_space<vmem>>
    %dma_start3A_565 = arith.constant 0 : i32
    %dma_start3A_566 = arith.constant 0 : i32
    %dma_start3A_567 = tpu.memref_slice %arg4[%dma_start3A_565, %dma_start3A_566] : memref<10240x128xf32, #tpu.memory_space<hbm>> -> memref<10240x128xf32, #tpu.memory_space<hbm>>
    tpu.enqueue_indirect_dma source(%dma_start3A_567 : memref<10240x128xf32, #tpu.memory_space<hbm>>) target(%dma_start3A_561 : memref<128x128xf32, #tpu.memory_space<vmem>>) offsets(%dma_start3A_564 : memref<128xi32, #tpu.memory_space<vmem>>) semaphore(%arg13 : memref<!tpu.dma_semaphore, #tpu.memory_space<semaphore_mem>>)
    %dma_wait3A_568 = arith.constant 0 : i32
    %dma_wait3A_569 = arith.constant 0 : i32
    %dma_wait3A_570 = arith.constant 0 : i32
    %dma_wait3A_571 = arith.constant 0 : i32
    %dma_wait3A_572 = arith.constant 0 : i32
    %dma_wait3A_573 = arith.constant 0 : i32
    %dma_wait3A_574 = tpu.memref_slice %arg10[%dma_wait3A_571, %dma_wait3A_572, %dma_wait3A_573] : memref<2x128x128xf32, #tpu.memory_space<vmem>> -> memref<1x128x128xf32, #tpu.memory_space<vmem>>
    %dma_wait3A_575 = tpu.memref_squeeze %dma_wait3A_574 : memref<1x128x128xf32, #tpu.memory_space<vmem>> -> memref<128x128xf32, #tpu.memory_space<vmem>>
    %dma_wait3A_576 = arith.constant 0 : i32
    %dma_wait3A_577 = tpu.memref_slice %arg9[%dma_wait3A_568, %dma_wait3A_569, %dma_wait3A_570, %dma_wait3A_576] : memref<3x4x2x128xi32, #tpu.memory_space<vmem>> -> memref<1x1x1x128xi32, #tpu.memory_space<vmem>>
    %dma_wait3A_578 = tpu.memref_squeeze %dma_wait3A_577 : memref<1x1x1x128xi32, #tpu.memory_space<vmem>> -> memref<128xi32, #tpu.memory_space<vmem>>
    %dma_wait3A_579 = arith.constant 0 : i32
    %dma_wait3A_580 = arith.constant 0 : i32
    %dma_wait3A_581 = tpu.memref_slice %arg4[%dma_wait3A_579, %dma_wait3A_580] : memref<10240x128xf32, #tpu.memory_space<hbm>> -> memref<10240x128xf32, #tpu.memory_space<hbm>>
    tpu.wait_indirect_dma semaphore(%arg13 : memref<!tpu.dma_semaphore, #tpu.memory_space<semaphore_mem>>) src(%dma_wait3A_581 : memref<10240x128xf32, #tpu.memory_space<hbm>>) dst(%dma_wait3A_575 : memref<128x128xf32, #tpu.memory_space<vmem>>)
    %dma_start3A_582 = arith.constant 0 : i32
    %dma_start3A_583 = arith.constant 0 : i32
    %dma_start3A_584 = arith.constant 0 : i32
    %dma_start3A_585 = arith.constant 1 : i32
    %dma_start3A_586 = arith.constant 0 : i32
    %dma_start3A_587 = arith.constant 0 : i32
    %dma_start3A_588 = tpu.memref_slice %arg10[%dma_start3A_582, %dma_start3A_586, %dma_start3A_587] : memref<2x128x128xf32, #tpu.memory_space<vmem>> -> memref<1x128x128xf32, #tpu.memory_space<vmem>>
    %dma_start3A_589 = tpu.memref_squeeze %dma_start3A_588 : memref<1x128x128xf32, #tpu.memory_space<vmem>> -> memref<128x128xf32, #tpu.memory_space<vmem>>
    %dma_start3A_590 = arith.constant 0 : i32
    %dma_start3A_591 = tpu.memref_slice %arg9[%dma_start3A_583, %dma_start3A_584, %dma_start3A_585, %dma_start3A_590] : memref<3x4x2x128xi32, #tpu.memory_space<vmem>> -> memref<1x1x1x128xi32, #tpu.memory_space<vmem>>
    %dma_start3A_592 = tpu.memref_squeeze %dma_start3A_591 : memref<1x1x1x128xi32, #tpu.memory_space<vmem>> -> memref<128xi32, #tpu.memory_space<vmem>>
    %dma_start3A_593 = arith.constant 0 : i32
    %dma_start3A_594 = arith.constant 0 : i32
    %dma_start3A_595 = tpu.memref_slice %arg11[%dma_start3A_593, %dma_start3A_594] : memref<10240x128xf32, #tpu.memory_space<vmem_shared>> -> memref<10240x128xf32, #tpu.memory_space<vmem_shared>>
    tpu.enqueue_indirect_dma source(%dma_start3A_589 : memref<128x128xf32, #tpu.memory_space<vmem>>) target(%dma_start3A_595 : memref<10240x128xf32, #tpu.memory_space<vmem_shared>>) offsets(%dma_start3A_592 : memref<128xi32, #tpu.memory_space<vmem>>) semaphore(%arg14 : memref<!tpu.dma_semaphore, #tpu.memory_space<semaphore_mem>>) {add = true}
    %dma_wait3A_596 = arith.constant 0 : i32
    %dma_wait3A_597 = arith.constant 0 : i32
    %dma_wait3A_598 = arith.constant 0 : i32
    %dma_wait3A_599 = arith.constant 1 : i32
    %dma_wait3A_600 = arith.constant 0 : i32
    %dma_wait3A_601 = arith.constant 0 : i32
    %dma_wait3A_602 = tpu.memref_slice %arg10[%dma_wait3A_596, %dma_wait3A_600, %dma_wait3A_601] : memref<2x128x128xf32, #tpu.memory_space<vmem>> -> memref<1x128x128xf32, #tpu.memory_space<vmem>>
    %dma_wait3A_603 = tpu.memref_squeeze %dma_wait3A_602 : memref<1x128x128xf32, #tpu.memory_space<vmem>> -> memref<128x128xf32, #tpu.memory_space<vmem>>
    %dma_wait3A_604 = arith.constant 0 : i32
    %dma_wait3A_605 = tpu.memref_slice %arg9[%dma_wait3A_597, %dma_wait3A_598, %dma_wait3A_599, %dma_wait3A_604] : memref<3x4x2x128xi32, #tpu.memory_space<vmem>> -> memref<1x1x1x128xi32, #tpu.memory_space<vmem>>
    %dma_wait3A_606 = tpu.memref_squeeze %dma_wait3A_605 : memref<1x1x1x128xi32, #tpu.memory_space<vmem>> -> memref<128xi32, #tpu.memory_space<vmem>>
    %dma_wait3A_607 = arith.constant 0 : i32
    %dma_wait3A_608 = arith.constant 0 : i32
    %dma_wait3A_609 = tpu.memref_slice %arg11[%dma_wait3A_607, %dma_wait3A_608] : memref<10240x128xf32, #tpu.memory_space<vmem_shared>> -> memref<10240x128xf32, #tpu.memory_space<vmem_shared>>
    tpu.wait_indirect_dma semaphore(%arg14 : memref<!tpu.dma_semaphore, #tpu.memory_space<semaphore_mem>>) src(%dma_wait3A_603 : memref<128x128xf32, #tpu.memory_space<vmem>>) dst(%dma_wait3A_609 : memref<10240x128xf32, #tpu.memory_space<vmem_shared>>)
    %dma_start3A_610 = arith.constant 0 : i32
    %dma_start3A_611 = arith.constant 2 : i32
    %dma_start3A_612 = arith.constant 0 : i32
    %dma_start3A_613 = arith.constant 0 : i32
    %dma_start3A_614 = arith.constant 0 : i32
    %dma_start3A_615 = arith.constant 0 : i32
    %dma_start3A_616 = tpu.memref_slice %arg10[%dma_start3A_613, %dma_start3A_614, %dma_start3A_615] : memref<2x128x128xf32, #tpu.memory_space<vmem>> -> memref<1x128x128xf32, #tpu.memory_space<vmem>>
    %dma_start3A_617 = tpu.memref_squeeze %dma_start3A_616 : memref<1x128x128xf32, #tpu.memory_space<vmem>> -> memref<128x128xf32, #tpu.memory_space<vmem>>
    %dma_start3A_618 = arith.constant 0 : i32
    %dma_start3A_619 = tpu.memref_slice %arg9[%dma_start3A_610, %dma_start3A_611, %dma_start3A_612, %dma_start3A_618] : memref<3x4x2x128xi32, #tpu.memory_space<vmem>> -> memref<1x1x1x128xi32, #tpu.memory_space<vmem>>
    %dma_start3A_620 = tpu.memref_squeeze %dma_start3A_619 : memref<1x1x1x128xi32, #tpu.memory_space<vmem>> -> memref<128xi32, #tpu.memory_space<vmem>>
    %dma_start3A_621 = arith.constant 0 : i32
    %dma_start3A_622 = arith.constant 0 : i32
    %dma_start3A_623 = tpu.memref_slice %arg4[%dma_start3A_621, %dma_start3A_622] : memref<10240x128xf32, #tpu.memory_space<hbm>> -> memref<10240x128xf32, #tpu.memory_space<hbm>>
    tpu.enqueue_indirect_dma source(%dma_start3A_623 : memref<10240x128xf32, #tpu.memory_space<hbm>>) target(%dma_start3A_617 : memref<128x128xf32, #tpu.memory_space<vmem>>) offsets(%dma_start3A_620 : memref<128xi32, #tpu.memory_space<vmem>>) semaphore(%arg13 : memref<!tpu.dma_semaphore, #tpu.memory_space<semaphore_mem>>)
    %dma_wait3A_624 = arith.constant 0 : i32
    %dma_wait3A_625 = arith.constant 0 : i32
    %dma_wait3A_626 = arith.constant 0 : i32
    %dma_wait3A_627 = arith.constant 1 : i32
    %dma_wait3A_628 = arith.constant 0 : i32
    %dma_wait3A_629 = arith.constant 0 : i32
    %dma_wait3A_630 = tpu.memref_slice %arg10[%dma_wait3A_627, %dma_wait3A_628, %dma_wait3A_629] : memref<2x128x128xf32, #tpu.memory_space<vmem>> -> memref<1x128x128xf32, #tpu.memory_space<vmem>>
    %dma_wait3A_631 = tpu.memref_squeeze %dma_wait3A_630 : memref<1x128x128xf32, #tpu.memory_space<vmem>> -> memref<128x128xf32, #tpu.memory_space<vmem>>
    %dma_wait3A_632 = arith.constant 0 : i32
    %dma_wait3A_633 = tpu.memref_slice %arg9[%dma_wait3A_624, %dma_wait3A_625, %dma_wait3A_626, %dma_wait3A_632] : memref<3x4x2x128xi32, #tpu.memory_space<vmem>> -> memref<1x1x1x128xi32, #tpu.memory_space<vmem>>
    %dma_wait3A_634 = tpu.memref_squeeze %dma_wait3A_633 : memref<1x1x1x128xi32, #tpu.memory_space<vmem>> -> memref<128xi32, #tpu.memory_space<vmem>>
    %dma_wait3A_635 = arith.constant 0 : i32
    %dma_wait3A_636 = arith.constant 0 : i32
    %dma_wait3A_637 = tpu.memref_slice %arg4[%dma_wait3A_635, %dma_wait3A_636] : memref<10240x128xf32, #tpu.memory_space<hbm>> -> memref<10240x128xf32, #tpu.memory_space<hbm>>
    tpu.wait_indirect_dma semaphore(%arg13 : memref<!tpu.dma_semaphore, #tpu.memory_space<semaphore_mem>>) src(%dma_wait3A_637 : memref<10240x128xf32, #tpu.memory_space<hbm>>) dst(%dma_wait3A_631 : memref<128x128xf32, #tpu.memory_space<vmem>>)
    %dma_start3A_638 = arith.constant 1 : i32
    %dma_start3A_639 = arith.constant 0 : i32
    %dma_start3A_640 = arith.constant 1 : i32
    %dma_start3A_641 = arith.constant 1 : i32
    %dma_start3A_642 = arith.constant 0 : i32
    %dma_start3A_643 = arith.constant 0 : i32
    %dma_start3A_644 = tpu.memref_slice %arg10[%dma_start3A_638, %dma_start3A_642, %dma_start3A_643] : memref<2x128x128xf32, #tpu.memory_space<vmem>> -> memref<1x128x128xf32, #tpu.memory_space<vmem>>
    %dma_start3A_645 = tpu.memref_squeeze %dma_start3A_644 : memref<1x128x128xf32, #tpu.memory_space<vmem>> -> memref<128x128xf32, #tpu.memory_space<vmem>>
    %dma_start3A_646 = arith.constant 0 : i32
    %dma_start3A_647 = tpu.memref_slice %arg9[%dma_start3A_639, %dma_start3A_640, %dma_start3A_641, %dma_start3A_646] : memref<3x4x2x128xi32, #tpu.memory_space<vmem>> -> memref<1x1x1x128xi32, #tpu.memory_space<vmem>>
    %dma_start3A_648 = tpu.memref_squeeze %dma_start3A_647 : memref<1x1x1x128xi32, #tpu.memory_space<vmem>> -> memref<128xi32, #tpu.memory_space<vmem>>
    %dma_start3A_649 = arith.constant 0 : i32
    %dma_start3A_650 = arith.constant 0 : i32
    %dma_start3A_651 = tpu.memref_slice %arg11[%dma_start3A_649, %dma_start3A_650] : memref<10240x128xf32, #tpu.memory_space<vmem_shared>> -> memref<10240x128xf32, #tpu.memory_space<vmem_shared>>
    tpu.enqueue_indirect_dma source(%dma_start3A_645 : memref<128x128xf32, #tpu.memory_space<vmem>>) target(%dma_start3A_651 : memref<10240x128xf32, #tpu.memory_space<vmem_shared>>) offsets(%dma_start3A_648 : memref<128xi32, #tpu.memory_space<vmem>>) semaphore(%arg14 : memref<!tpu.dma_semaphore, #tpu.memory_space<semaphore_mem>>) {add = true}
    %dma_wait3A_652 = arith.constant 0 : i32
    %dma_wait3A_653 = arith.constant 0 : i32
    %dma_wait3A_654 = arith.constant 0 : i32
    %dma_wait3A_655 = arith.constant 1 : i32
    %dma_wait3A_656 = arith.constant 0 : i32
    %dma_wait3A_657 = arith.constant 0 : i32
    %dma_wait3A_658 = tpu.memref_slice %arg10[%dma_wait3A_652, %dma_wait3A_656, %dma_wait3A_657] : memref<2x128x128xf32, #tpu.memory_space<vmem>> -> memref<1x128x128xf32, #tpu.memory_space<vmem>>
    %dma_wait3A_659 = tpu.memref_squeeze %dma_wait3A_658 : memref<1x128x128xf32, #tpu.memory_space<vmem>> -> memref<128x128xf32, #tpu.memory_space<vmem>>
    %dma_wait3A_660 = arith.constant 0 : i32
    %dma_wait3A_661 = tpu.memref_slice %arg9[%dma_wait3A_653, %dma_wait3A_654, %dma_wait3A_655, %dma_wait3A_660] : memref<3x4x2x128xi32, #tpu.memory_space<vmem>> -> memref<1x1x1x128xi32, #tpu.memory_space<vmem>>
    %dma_wait3A_662 = tpu.memref_squeeze %dma_wait3A_661 : memref<1x1x1x128xi32, #tpu.memory_space<vmem>> -> memref<128xi32, #tpu.memory_space<vmem>>
    %dma_wait3A_663 = arith.constant 0 : i32
    %dma_wait3A_664 = arith.constant 0 : i32
    %dma_wait3A_665 = tpu.memref_slice %arg11[%dma_wait3A_663, %dma_wait3A_664] : memref<10240x128xf32, #tpu.memory_space<vmem_shared>> -> memref<10240x128xf32, #tpu.memory_space<vmem_shared>>
    tpu.wait_indirect_dma semaphore(%arg14 : memref<!tpu.dma_semaphore, #tpu.memory_space<semaphore_mem>>) src(%dma_wait3A_659 : memref<128x128xf32, #tpu.memory_space<vmem>>) dst(%dma_wait3A_665 : memref<10240x128xf32, #tpu.memory_space<vmem_shared>>)
    %dma_start3A_666 = arith.constant 0 : i32
    %dma_start3A_667 = arith.constant 3 : i32
    %dma_start3A_668 = arith.constant 0 : i32
    %dma_start3A_669 = arith.constant 1 : i32
    %dma_start3A_670 = arith.constant 0 : i32
    %dma_start3A_671 = arith.constant 0 : i32
    %dma_start3A_672 = tpu.memref_slice %arg10[%dma_start3A_669, %dma_start3A_670, %dma_start3A_671] : memref<2x128x128xf32, #tpu.memory_space<vmem>> -> memref<1x128x128xf32, #tpu.memory_space<vmem>>
    %dma_start3A_673 = tpu.memref_squeeze %dma_start3A_672 : memref<1x128x128xf32, #tpu.memory_space<vmem>> -> memref<128x128xf32, #tpu.memory_space<vmem>>
    %dma_start3A_674 = arith.constant 0 : i32
    %dma_start3A_675 = tpu.memref_slice %arg9[%dma_start3A_666, %dma_start3A_667, %dma_start3A_668, %dma_start3A_674] : memref<3x4x2x128xi32, #tpu.memory_space<vmem>> -> memref<1x1x1x128xi32, #tpu.memory_space<vmem>>
    %dma_start3A_676 = tpu.memref_squeeze %dma_start3A_675 : memref<1x1x1x128xi32, #tpu.memory_space<vmem>> -> memref<128xi32, #tpu.memory_space<vmem>>
    %dma_start3A_677 = arith.constant 0 : i32
    %dma_start3A_678 = arith.constant 0 : i32
    %dma_start3A_679 = tpu.memref_slice %arg4[%dma_start3A_677, %dma_start3A_678] : memref<10240x128xf32, #tpu.memory_space<hbm>> -> memref<10240x128xf32, #tpu.memory_space<hbm>>
    tpu.enqueue_indirect_dma source(%dma_start3A_679 : memref<10240x128xf32, #tpu.memory_space<hbm>>) target(%dma_start3A_673 : memref<128x128xf32, #tpu.memory_space<vmem>>) offsets(%dma_start3A_676 : memref<128xi32, #tpu.memory_space<vmem>>) semaphore(%arg13 : memref<!tpu.dma_semaphore, #tpu.memory_space<semaphore_mem>>)
    %dma_wait3A_680 = arith.constant 0 : i32
    %dma_wait3A_681 = arith.constant 0 : i32
    %dma_wait3A_682 = arith.constant 0 : i32
    %dma_wait3A_683 = arith.constant 0 : i32
    %dma_wait3A_684 = arith.constant 0 : i32
    %dma_wait3A_685 = arith.constant 0 : i32
    %dma_wait3A_686 = tpu.memref_slice %arg10[%dma_wait3A_683, %dma_wait3A_684, %dma_wait3A_685] : memref<2x128x128xf32, #tpu.memory_space<vmem>> -> memref<1x128x128xf32, #tpu.memory_space<vmem>>
    %dma_wait3A_687 = tpu.memref_squeeze %dma_wait3A_686 : memref<1x128x128xf32, #tpu.memory_space<vmem>> -> memref<128x128xf32, #tpu.memory_space<vmem>>
    %dma_wait3A_688 = arith.constant 0 : i32
    %dma_wait3A_689 = tpu.memref_slice %arg9[%dma_wait3A_680, %dma_wait3A_681, %dma_wait3A_682, %dma_wait3A_688] : memref<3x4x2x128xi32, #tpu.memory_space<vmem>> -> memref<1x1x1x128xi32, #tpu.memory_space<vmem>>
    %dma_wait3A_690 = tpu.memref_squeeze %dma_wait3A_689 : memref<1x1x1x128xi32, #tpu.memory_space<vmem>> -> memref<128xi32, #tpu.memory_space<vmem>>
    %dma_wait3A_691 = arith.constant 0 : i32
    %dma_wait3A_692 = arith.constant 0 : i32
    %dma_wait3A_693 = tpu.memref_slice %arg4[%dma_wait3A_691, %dma_wait3A_692] : memref<10240x128xf32, #tpu.memory_space<hbm>> -> memref<10240x128xf32, #tpu.memory_space<hbm>>
    tpu.wait_indirect_dma semaphore(%arg13 : memref<!tpu.dma_semaphore, #tpu.memory_space<semaphore_mem>>) src(%dma_wait3A_693 : memref<10240x128xf32, #tpu.memory_space<hbm>>) dst(%dma_wait3A_687 : memref<128x128xf32, #tpu.memory_space<vmem>>)
    %dma_start3A_694 = arith.constant 0 : i32
    %dma_start3A_695 = arith.constant 0 : i32
    %dma_start3A_696 = arith.constant 2 : i32
    %dma_start3A_697 = arith.constant 1 : i32
    %dma_start3A_698 = arith.constant 0 : i32
    %dma_start3A_699 = arith.constant 0 : i32
    %dma_start3A_700 = tpu.memref_slice %arg10[%dma_start3A_694, %dma_start3A_698, %dma_start3A_699] : memref<2x128x128xf32, #tpu.memory_space<vmem>> -> memref<1x128x128xf32, #tpu.memory_space<vmem>>
    %dma_start3A_701 = tpu.memref_squeeze %dma_start3A_700 : memref<1x128x128xf32, #tpu.memory_space<vmem>> -> memref<128x128xf32, #tpu.memory_space<vmem>>
    %dma_start3A_702 = arith.constant 0 : i32
    %dma_start3A_703 = tpu.memref_slice %arg9[%dma_start3A_695, %dma_start3A_696, %dma_start3A_697, %dma_start3A_702] : memref<3x4x2x128xi32, #tpu.memory_space<vmem>> -> memref<1x1x1x128xi32, #tpu.memory_space<vmem>>
    %dma_start3A_704 = tpu.memref_squeeze %dma_start3A_703 : memref<1x1x1x128xi32, #tpu.memory_space<vmem>> -> memref<128xi32, #tpu.memory_space<vmem>>
    %dma_start3A_705 = arith.constant 0 : i32
    %dma_start3A_706 = arith.constant 0 : i32
    %dma_start3A_707 = tpu.memref_slice %arg11[%dma_start3A_705, %dma_start3A_706] : memref<10240x128xf32, #tpu.memory_space<vmem_shared>> -> memref<10240x128xf32, #tpu.memory_space<vmem_shared>>
    tpu.enqueue_indirect_dma source(%dma_start3A_701 : memref<128x128xf32, #tpu.memory_space<vmem>>) target(%dma_start3A_707 : memref<10240x128xf32, #tpu.memory_space<vmem_shared>>) offsets(%dma_start3A_704 : memref<128xi32, #tpu.memory_space<vmem>>) semaphore(%arg14 : memref<!tpu.dma_semaphore, #tpu.memory_space<semaphore_mem>>) {add = true}
    %dma_wait3A_708 = arith.constant 0 : i32
    %dma_wait3A_709 = arith.constant 0 : i32
    %dma_wait3A_710 = arith.constant 0 : i32
    %dma_wait3A_711 = arith.constant 1 : i32
    %dma_wait3A_712 = arith.constant 0 : i32
    %dma_wait3A_713 = arith.constant 0 : i32
    %dma_wait3A_714 = tpu.memref_slice %arg10[%dma_wait3A_708, %dma_wait3A_712, %dma_wait3A_713] : memref<2x128x128xf32, #tpu.memory_space<vmem>> -> memref<1x128x128xf32, #tpu.memory_space<vmem>>
    %dma_wait3A_715 = tpu.memref_squeeze %dma_wait3A_714 : memref<1x128x128xf32, #tpu.memory_space<vmem>> -> memref<128x128xf32, #tpu.memory_space<vmem>>
    %dma_wait3A_716 = arith.constant 0 : i32
    %dma_wait3A_717 = tpu.memref_slice %arg9[%dma_wait3A_709, %dma_wait3A_710, %dma_wait3A_711, %dma_wait3A_716] : memref<3x4x2x128xi32, #tpu.memory_space<vmem>> -> memref<1x1x1x128xi32, #tpu.memory_space<vmem>>
    %dma_wait3A_718 = tpu.memref_squeeze %dma_wait3A_717 : memref<1x1x1x128xi32, #tpu.memory_space<vmem>> -> memref<128xi32, #tpu.memory_space<vmem>>
    %dma_wait3A_719 = arith.constant 0 : i32
    %dma_wait3A_720 = arith.constant 0 : i32
    %dma_wait3A_721 = tpu.memref_slice %arg11[%dma_wait3A_719, %dma_wait3A_720] : memref<10240x128xf32, #tpu.memory_space<vmem_shared>> -> memref<10240x128xf32, #tpu.memory_space<vmem_shared>>
    tpu.wait_indirect_dma semaphore(%arg14 : memref<!tpu.dma_semaphore, #tpu.memory_space<semaphore_mem>>) src(%dma_wait3A_715 : memref<128x128xf32, #tpu.memory_space<vmem>>) dst(%dma_wait3A_721 : memref<10240x128xf32, #tpu.memory_space<vmem_shared>>)
    %dma_start3A_722 = arith.constant 1 : i32
    %dma_start3A_723 = arith.constant 0 : i32
    %dma_start3A_724 = arith.constant 0 : i32
    %dma_start3A_725 = arith.constant 0 : i32
    %dma_start3A_726 = arith.constant 0 : i32
    %dma_start3A_727 = arith.constant 0 : i32
    %dma_start3A_728 = tpu.memref_slice %arg10[%dma_start3A_725, %dma_start3A_726, %dma_start3A_727] : memref<2x128x128xf32, #tpu.memory_space<vmem>> -> memref<1x128x128xf32, #tpu.memory_space<vmem>>
    %dma_start3A_729 = tpu.memref_squeeze %dma_start3A_728 : memref<1x128x128xf32, #tpu.memory_space<vmem>> -> memref<128x128xf32, #tpu.memory_space<vmem>>
    %dma_start3A_730 = arith.constant 0 : i32
    %dma_start3A_731 = tpu.memref_slice %arg9[%dma_start3A_722, %dma_start3A_723, %dma_start3A_724, %dma_start3A_730] : memref<3x4x2x128xi32, #tpu.memory_space<vmem>> -> memref<1x1x1x128xi32, #tpu.memory_space<vmem>>
    %dma_start3A_732 = tpu.memref_squeeze %dma_start3A_731 : memref<1x1x1x128xi32, #tpu.memory_space<vmem>> -> memref<128xi32, #tpu.memory_space<vmem>>
    %dma_start3A_733 = arith.constant 0 : i32
    %dma_start3A_734 = arith.constant 0 : i32
    %dma_start3A_735 = tpu.memref_slice %arg4[%dma_start3A_733, %dma_start3A_734] : memref<10240x128xf32, #tpu.memory_space<hbm>> -> memref<10240x128xf32, #tpu.memory_space<hbm>>
    tpu.enqueue_indirect_dma source(%dma_start3A_735 : memref<10240x128xf32, #tpu.memory_space<hbm>>) target(%dma_start3A_729 : memref<128x128xf32, #tpu.memory_space<vmem>>) offsets(%dma_start3A_732 : memref<128xi32, #tpu.memory_space<vmem>>) semaphore(%arg13 : memref<!tpu.dma_semaphore, #tpu.memory_space<semaphore_mem>>)
    %dma_wait3A_736 = arith.constant 0 : i32
    %dma_wait3A_737 = arith.constant 0 : i32
    %dma_wait3A_738 = arith.constant 0 : i32
    %dma_wait3A_739 = arith.constant 1 : i32
    %dma_wait3A_740 = arith.constant 0 : i32
    %dma_wait3A_741 = arith.constant 0 : i32
    %dma_wait3A_742 = tpu.memref_slice %arg10[%dma_wait3A_739, %dma_wait3A_740, %dma_wait3A_741] : memref<2x128x128xf32, #tpu.memory_space<vmem>> -> memref<1x128x128xf32, #tpu.memory_space<vmem>>
    %dma_wait3A_743 = tpu.memref_squeeze %dma_wait3A_742 : memref<1x128x128xf32, #tpu.memory_space<vmem>> -> memref<128x128xf32, #tpu.memory_space<vmem>>
    %dma_wait3A_744 = arith.constant 0 : i32
    %dma_wait3A_745 = tpu.memref_slice %arg9[%dma_wait3A_736, %dma_wait3A_737, %dma_wait3A_738, %dma_wait3A_744] : memref<3x4x2x128xi32, #tpu.memory_space<vmem>> -> memref<1x1x1x128xi32, #tpu.memory_space<vmem>>
    %dma_wait3A_746 = tpu.memref_squeeze %dma_wait3A_745 : memref<1x1x1x128xi32, #tpu.memory_space<vmem>> -> memref<128xi32, #tpu.memory_space<vmem>>
    %dma_wait3A_747 = arith.constant 0 : i32
    %dma_wait3A_748 = arith.constant 0 : i32
    %dma_wait3A_749 = tpu.memref_slice %arg4[%dma_wait3A_747, %dma_wait3A_748] : memref<10240x128xf32, #tpu.memory_space<hbm>> -> memref<10240x128xf32, #tpu.memory_space<hbm>>
    tpu.wait_indirect_dma semaphore(%arg13 : memref<!tpu.dma_semaphore, #tpu.memory_space<semaphore_mem>>) src(%dma_wait3A_749 : memref<10240x128xf32, #tpu.memory_space<hbm>>) dst(%dma_wait3A_743 : memref<128x128xf32, #tpu.memory_space<vmem>>)
    %dma_start3A_750 = arith.constant 1 : i32
    %dma_start3A_751 = arith.constant 0 : i32
    %dma_start3A_752 = arith.constant 3 : i32
    %dma_start3A_753 = arith.constant 1 : i32
    %dma_start3A_754 = arith.constant 0 : i32
    %dma_start3A_755 = arith.constant 0 : i32
    %dma_start3A_756 = tpu.memref_slice %arg10[%dma_start3A_750, %dma_start3A_754, %dma_start3A_755] : memref<2x128x128xf32, #tpu.memory_space<vmem>> -> memref<1x128x128xf32, #tpu.memory_space<vmem>>
    %dma_start3A_757 = tpu.memref_squeeze %dma_start3A_756 : memref<1x128x128xf32, #tpu.memory_space<vmem>> -> memref<128x128xf32, #tpu.memory_space<vmem>>
    %dma_start3A_758 = arith.constant 0 : i32
    %dma_start3A_759 = tpu.memref_slice %arg9[%dma_start3A_751, %dma_start3A_752, %dma_start3A_753, %dma_start3A_758] : memref<3x4x2x128xi32, #tpu.memory_space<vmem>> -> memref<1x1x1x128xi32, #tpu.memory_space<vmem>>
    %dma_start3A_760 = tpu.memref_squeeze %dma_start3A_759 : memref<1x1x1x128xi32, #tpu.memory_space<vmem>> -> memref<128xi32, #tpu.memory_space<vmem>>
    %dma_start3A_761 = arith.constant 0 : i32
    %dma_start3A_762 = arith.constant 0 : i32
    %dma_start3A_763 = tpu.memref_slice %arg11[%dma_start3A_761, %dma_start3A_762] : memref<10240x128xf32, #tpu.memory_space<vmem_shared>> -> memref<10240x128xf32, #tpu.memory_space<vmem_shared>>
    tpu.enqueue_indirect_dma source(%dma_start3A_757 : memref<128x128xf32, #tpu.memory_space<vmem>>) target(%dma_start3A_763 : memref<10240x128xf32, #tpu.memory_space<vmem_shared>>) offsets(%dma_start3A_760 : memref<128xi32, #tpu.memory_space<vmem>>) semaphore(%arg14 : memref<!tpu.dma_semaphore, #tpu.memory_space<semaphore_mem>>) {add = true}
    %dma_wait3A_764 = arith.constant 0 : i32
    %dma_wait3A_765 = arith.constant 0 : i32
    %dma_wait3A_766 = arith.constant 0 : i32
    %dma_wait3A_767 = arith.constant 1 : i32
    %dma_wait3A_768 = arith.constant 0 : i32
    %dma_wait3A_769 = arith.constant 0 : i32
    %dma_wait3A_770 = tpu.memref_slice %arg10[%dma_wait3A_764, %dma_wait3A_768, %dma_wait3A_769] : memref<2x128x128xf32, #tpu.memory_space<vmem>> -> memref<1x128x128xf32, #tpu.memory_space<vmem>>
    %dma_wait3A_771 = tpu.memref_squeeze %dma_wait3A_770 : memref<1x128x128xf32, #tpu.memory_space<vmem>> -> memref<128x128xf32, #tpu.memory_space<vmem>>
    %dma_wait3A_772 = arith.constant 0 : i32
    %dma_wait3A_773 = tpu.memref_slice %arg9[%dma_wait3A_765, %dma_wait3A_766, %dma_wait3A_767, %dma_wait3A_772] : memref<3x4x2x128xi32, #tpu.memory_space<vmem>> -> memref<1x1x1x128xi32, #tpu.memory_space<vmem>>
    %dma_wait3A_774 = tpu.memref_squeeze %dma_wait3A_773 : memref<1x1x1x128xi32, #tpu.memory_space<vmem>> -> memref<128xi32, #tpu.memory_space<vmem>>
    %dma_wait3A_775 = arith.constant 0 : i32
    %dma_wait3A_776 = arith.constant 0 : i32
    %dma_wait3A_777 = tpu.memref_slice %arg11[%dma_wait3A_775, %dma_wait3A_776] : memref<10240x128xf32, #tpu.memory_space<vmem_shared>> -> memref<10240x128xf32, #tpu.memory_space<vmem_shared>>
    tpu.wait_indirect_dma semaphore(%arg14 : memref<!tpu.dma_semaphore, #tpu.memory_space<semaphore_mem>>) src(%dma_wait3A_771 : memref<128x128xf32, #tpu.memory_space<vmem>>) dst(%dma_wait3A_777 : memref<10240x128xf32, #tpu.memory_space<vmem_shared>>)
    %dma_start3A_778 = arith.constant 1 : i32
    %dma_start3A_779 = arith.constant 1 : i32
    %dma_start3A_780 = arith.constant 0 : i32
    %dma_start3A_781 = arith.constant 1 : i32
    %dma_start3A_782 = arith.constant 0 : i32
    %dma_start3A_783 = arith.constant 0 : i32
    %dma_start3A_784 = tpu.memref_slice %arg10[%dma_start3A_781, %dma_start3A_782, %dma_start3A_783] : memref<2x128x128xf32, #tpu.memory_space<vmem>> -> memref<1x128x128xf32, #tpu.memory_space<vmem>>
    %dma_start3A_785 = tpu.memref_squeeze %dma_start3A_784 : memref<1x128x128xf32, #tpu.memory_space<vmem>> -> memref<128x128xf32, #tpu.memory_space<vmem>>
    %dma_start3A_786 = arith.constant 0 : i32
    %dma_start3A_787 = tpu.memref_slice %arg9[%dma_start3A_778, %dma_start3A_779, %dma_start3A_780, %dma_start3A_786] : memref<3x4x2x128xi32, #tpu.memory_space<vmem>> -> memref<1x1x1x128xi32, #tpu.memory_space<vmem>>
    %dma_start3A_788 = tpu.memref_squeeze %dma_start3A_787 : memref<1x1x1x128xi32, #tpu.memory_space<vmem>> -> memref<128xi32, #tpu.memory_space<vmem>>
    %dma_start3A_789 = arith.constant 0 : i32
    %dma_start3A_790 = arith.constant 0 : i32
    %dma_start3A_791 = tpu.memref_slice %arg4[%dma_start3A_789, %dma_start3A_790] : memref<10240x128xf32, #tpu.memory_space<hbm>> -> memref<10240x128xf32, #tpu.memory_space<hbm>>
    tpu.enqueue_indirect_dma source(%dma_start3A_791 : memref<10240x128xf32, #tpu.memory_space<hbm>>) target(%dma_start3A_785 : memref<128x128xf32, #tpu.memory_space<vmem>>) offsets(%dma_start3A_788 : memref<128xi32, #tpu.memory_space<vmem>>) semaphore(%arg13 : memref<!tpu.dma_semaphore, #tpu.memory_space<semaphore_mem>>)
    %dma_wait3A_792 = arith.constant 0 : i32
    %dma_wait3A_793 = arith.constant 0 : i32
    %dma_wait3A_794 = arith.constant 0 : i32
    %dma_wait3A_795 = arith.constant 0 : i32
    %dma_wait3A_796 = arith.constant 0 : i32
    %dma_wait3A_797 = arith.constant 0 : i32
    %dma_wait3A_798 = tpu.memref_slice %arg10[%dma_wait3A_795, %dma_wait3A_796, %dma_wait3A_797] : memref<2x128x128xf32, #tpu.memory_space<vmem>> -> memref<1x128x128xf32, #tpu.memory_space<vmem>>
    %dma_wait3A_799 = tpu.memref_squeeze %dma_wait3A_798 : memref<1x128x128xf32, #tpu.memory_space<vmem>> -> memref<128x128xf32, #tpu.memory_space<vmem>>
    %dma_wait3A_800 = arith.constant 0 : i32
    %dma_wait3A_801 = tpu.memref_slice %arg9[%dma_wait3A_792, %dma_wait3A_793, %dma_wait3A_794, %dma_wait3A_800] : memref<3x4x2x128xi32, #tpu.memory_space<vmem>> -> memref<1x1x1x128xi32, #tpu.memory_space<vmem>>
    %dma_wait3A_802 = tpu.memref_squeeze %dma_wait3A_801 : memref<1x1x1x128xi32, #tpu.memory_space<vmem>> -> memref<128xi32, #tpu.memory_space<vmem>>
    %dma_wait3A_803 = arith.constant 0 : i32
    %dma_wait3A_804 = arith.constant 0 : i32
    %dma_wait3A_805 = tpu.memref_slice %arg4[%dma_wait3A_803, %dma_wait3A_804] : memref<10240x128xf32, #tpu.memory_space<hbm>> -> memref<10240x128xf32, #tpu.memory_space<hbm>>
    tpu.wait_indirect_dma semaphore(%arg13 : memref<!tpu.dma_semaphore, #tpu.memory_space<semaphore_mem>>) src(%dma_wait3A_805 : memref<10240x128xf32, #tpu.memory_space<hbm>>) dst(%dma_wait3A_799 : memref<128x128xf32, #tpu.memory_space<vmem>>)
    %dma_start3A_806 = arith.constant 0 : i32
    %dma_start3A_807 = arith.constant 1 : i32
    %dma_start3A_808 = arith.constant 0 : i32
    %dma_start3A_809 = arith.constant 1 : i32
    %dma_start3A_810 = arith.constant 0 : i32
    %dma_start3A_811 = arith.constant 0 : i32
    %dma_start3A_812 = tpu.memref_slice %arg10[%dma_start3A_806, %dma_start3A_810, %dma_start3A_811] : memref<2x128x128xf32, #tpu.memory_space<vmem>> -> memref<1x128x128xf32, #tpu.memory_space<vmem>>
    %dma_start3A_813 = tpu.memref_squeeze %dma_start3A_812 : memref<1x128x128xf32, #tpu.memory_space<vmem>> -> memref<128x128xf32, #tpu.memory_space<vmem>>
    %dma_start3A_814 = arith.constant 0 : i32
    %dma_start3A_815 = tpu.memref_slice %arg9[%dma_start3A_807, %dma_start3A_808, %dma_start3A_809, %dma_start3A_814] : memref<3x4x2x128xi32, #tpu.memory_space<vmem>> -> memref<1x1x1x128xi32, #tpu.memory_space<vmem>>
    %dma_start3A_816 = tpu.memref_squeeze %dma_start3A_815 : memref<1x1x1x128xi32, #tpu.memory_space<vmem>> -> memref<128xi32, #tpu.memory_space<vmem>>
    %dma_start3A_817 = arith.constant 0 : i32
    %dma_start3A_818 = arith.constant 0 : i32
    %dma_start3A_819 = tpu.memref_slice %arg11[%dma_start3A_817, %dma_start3A_818] : memref<10240x128xf32, #tpu.memory_space<vmem_shared>> -> memref<10240x128xf32, #tpu.memory_space<vmem_shared>>
    tpu.enqueue_indirect_dma source(%dma_start3A_813 : memref<128x128xf32, #tpu.memory_space<vmem>>) target(%dma_start3A_819 : memref<10240x128xf32, #tpu.memory_space<vmem_shared>>) offsets(%dma_start3A_816 : memref<128xi32, #tpu.memory_space<vmem>>) semaphore(%arg14 : memref<!tpu.dma_semaphore, #tpu.memory_space<semaphore_mem>>) {add = true}
    %dma_wait3A_820 = arith.constant 0 : i32
    %dma_wait3A_821 = arith.constant 0 : i32
    %dma_wait3A_822 = arith.constant 0 : i32
    %dma_wait3A_823 = arith.constant 1 : i32
    %dma_wait3A_824 = arith.constant 0 : i32
    %dma_wait3A_825 = arith.constant 0 : i32
    %dma_wait3A_826 = tpu.memref_slice %arg10[%dma_wait3A_820, %dma_wait3A_824, %dma_wait3A_825] : memref<2x128x128xf32, #tpu.memory_space<vmem>> -> memref<1x128x128xf32, #tpu.memory_space<vmem>>
    %dma_wait3A_827 = tpu.memref_squeeze %dma_wait3A_826 : memref<1x128x128xf32, #tpu.memory_space<vmem>> -> memref<128x128xf32, #tpu.memory_space<vmem>>
    %dma_wait3A_828 = arith.constant 0 : i32
    %dma_wait3A_829 = tpu.memref_slice %arg9[%dma_wait3A_821, %dma_wait3A_822, %dma_wait3A_823, %dma_wait3A_828] : memref<3x4x2x128xi32, #tpu.memory_space<vmem>> -> memref<1x1x1x128xi32, #tpu.memory_space<vmem>>
    %dma_wait3A_830 = tpu.memref_squeeze %dma_wait3A_829 : memref<1x1x1x128xi32, #tpu.memory_space<vmem>> -> memref<128xi32, #tpu.memory_space<vmem>>
    %dma_wait3A_831 = arith.constant 0 : i32
    %dma_wait3A_832 = arith.constant 0 : i32
    %dma_wait3A_833 = tpu.memref_slice %arg11[%dma_wait3A_831, %dma_wait3A_832] : memref<10240x128xf32, #tpu.memory_space<vmem_shared>> -> memref<10240x128xf32, #tpu.memory_space<vmem_shared>>
    tpu.wait_indirect_dma semaphore(%arg14 : memref<!tpu.dma_semaphore, #tpu.memory_space<semaphore_mem>>) src(%dma_wait3A_827 : memref<128x128xf32, #tpu.memory_space<vmem>>) dst(%dma_wait3A_833 : memref<10240x128xf32, #tpu.memory_space<vmem_shared>>)
    %dma_wait3A_834 = arith.constant 0 : i32
    %dma_wait3A_835 = arith.constant 0 : i32
    %dma_wait3A_836 = arith.constant 0 : i32
    %dma_wait3A_837 = arith.constant 1 : i32
    %dma_wait3A_838 = arith.constant 0 : i32
    %dma_wait3A_839 = arith.constant 0 : i32
    %dma_wait3A_840 = tpu.memref_slice %arg10[%dma_wait3A_837, %dma_wait3A_838, %dma_wait3A_839] : memref<2x128x128xf32, #tpu.memory_space<vmem>> -> memref<1x128x128xf32, #tpu.memory_space<vmem>>
    %dma_wait3A_841 = tpu.memref_squeeze %dma_wait3A_840 : memref<1x128x128xf32, #tpu.memory_space<vmem>> -> memref<128x128xf32, #tpu.memory_space<vmem>>
    %dma_wait3A_842 = arith.constant 0 : i32
    %dma_wait3A_843 = tpu.memref_slice %arg9[%dma_wait3A_834, %dma_wait3A_835, %dma_wait3A_836, %dma_wait3A_842] : memref<3x4x2x128xi32, #tpu.memory_space<vmem>> -> memref<1x1x1x128xi32, #tpu.memory_space<vmem>>
    %dma_wait3A_844 = tpu.memref_squeeze %dma_wait3A_843 : memref<1x1x1x128xi32, #tpu.memory_space<vmem>> -> memref<128xi32, #tpu.memory_space<vmem>>
    %dma_wait3A_845 = arith.constant 0 : i32
    %dma_wait3A_846 = arith.constant 0 : i32
    %dma_wait3A_847 = tpu.memref_slice %arg4[%dma_wait3A_845, %dma_wait3A_846] : memref<10240x128xf32, #tpu.memory_space<hbm>> -> memref<10240x128xf32, #tpu.memory_space<hbm>>
    tpu.wait_indirect_dma semaphore(%arg13 : memref<!tpu.dma_semaphore, #tpu.memory_space<semaphore_mem>>) src(%dma_wait3A_847 : memref<10240x128xf32, #tpu.memory_space<hbm>>) dst(%dma_wait3A_841 : memref<128x128xf32, #tpu.memory_space<vmem>>)
    %dma_start3A_848 = arith.constant 1 : i32
    %dma_start3A_849 = arith.constant 1 : i32
    %dma_start3A_850 = arith.constant 1 : i32
    %dma_start3A_851 = arith.constant 1 : i32
    %dma_start3A_852 = arith.constant 0 : i32
    %dma_start3A_853 = arith.constant 0 : i32
    %dma_start3A_854 = tpu.memref_slice %arg10[%dma_start3A_848, %dma_start3A_852, %dma_start3A_853] : memref<2x128x128xf32, #tpu.memory_space<vmem>> -> memref<1x128x128xf32, #tpu.memory_space<vmem>>
    %dma_start3A_855 = tpu.memref_squeeze %dma_start3A_854 : memref<1x128x128xf32, #tpu.memory_space<vmem>> -> memref<128x128xf32, #tpu.memory_space<vmem>>
    %dma_start3A_856 = arith.constant 0 : i32
    %dma_start3A_857 = tpu.memref_slice %arg9[%dma_start3A_849, %dma_start3A_850, %dma_start3A_851, %dma_start3A_856] : memref<3x4x2x128xi32, #tpu.memory_space<vmem>> -> memref<1x1x1x128xi32, #tpu.memory_space<vmem>>
    %dma_start3A_858 = tpu.memref_squeeze %dma_start3A_857 : memref<1x1x1x128xi32, #tpu.memory_space<vmem>> -> memref<128xi32, #tpu.memory_space<vmem>>
    %dma_start3A_859 = arith.constant 0 : i32
    %dma_start3A_860 = arith.constant 0 : i32
    %dma_start3A_861 = tpu.memref_slice %arg11[%dma_start3A_859, %dma_start3A_860] : memref<10240x128xf32, #tpu.memory_space<vmem_shared>> -> memref<10240x128xf32, #tpu.memory_space<vmem_shared>>
    tpu.enqueue_indirect_dma source(%dma_start3A_855 : memref<128x128xf32, #tpu.memory_space<vmem>>) target(%dma_start3A_861 : memref<10240x128xf32, #tpu.memory_space<vmem_shared>>) offsets(%dma_start3A_858 : memref<128xi32, #tpu.memory_space<vmem>>) semaphore(%arg14 : memref<!tpu.dma_semaphore, #tpu.memory_space<semaphore_mem>>) {add = true}
    %lt3A = arith.constant 4 : i32
    %lt3A_862 = arith.cmpi slt, %add3A, %lt3A : i32
    %convert_element_type3A = arith.extui %lt3A_862 : i1 to i32
    %cond3A = arith.constant 0 : i32
    %cond3A_863 = arith.cmpi ne, %convert_element_type3A, %cond3A : i32
    scf.if %cond3A_863 {
      %dma_start3A_1793 = arith.constant 1 : i32
      %dma_start3A_1794 = arith.constant 2 : i32
      %dma_start3A_1795 = arith.constant 0 : i32
      %dma_start3A_1796 = arith.constant 0 : i32
      %dma_start3A_1797 = arith.constant 0 : i32
      %dma_start3A_1798 = arith.constant 0 : i32
      %dma_start3A_1799 = tpu.memref_slice %arg10[%dma_start3A_1796, %dma_start3A_1797, %dma_start3A_1798] : memref<2x128x128xf32, #tpu.memory_space<vmem>> -> memref<1x128x128xf32, #tpu.memory_space<vmem>>
      %dma_start3A_1800 = tpu.memref_squeeze %dma_start3A_1799 : memref<1x128x128xf32, #tpu.memory_space<vmem>> -> memref<128x128xf32, #tpu.memory_space<vmem>>
      %dma_start3A_1801 = arith.constant 0 : i32
      %dma_start3A_1802 = tpu.memref_slice %arg9[%dma_start3A_1793, %dma_start3A_1794, %dma_start3A_1795, %dma_start3A_1801] : memref<3x4x2x128xi32, #tpu.memory_space<vmem>> -> memref<1x1x1x128xi32, #tpu.memory_space<vmem>>
      %dma_start3A_1803 = tpu.memref_squeeze %dma_start3A_1802 : memref<1x1x1x128xi32, #tpu.memory_space<vmem>> -> memref<128xi32, #tpu.memory_space<vmem>>
      %dma_start3A_1804 = arith.constant 0 : i32
      %dma_start3A_1805 = arith.constant 0 : i32
      %dma_start3A_1806 = tpu.memref_slice %arg4[%dma_start3A_1804, %dma_start3A_1805] : memref<10240x128xf32, #tpu.memory_space<hbm>> -> memref<10240x128xf32, #tpu.memory_space<hbm>>
      tpu.enqueue_indirect_dma source(%dma_start3A_1806 : memref<10240x128xf32, #tpu.memory_space<hbm>>) target(%dma_start3A_1800 : memref<128x128xf32, #tpu.memory_space<vmem>>) offsets(%dma_start3A_1803 : memref<128xi32, #tpu.memory_space<vmem>>) semaphore(%arg13 : memref<!tpu.dma_semaphore, #tpu.memory_space<semaphore_mem>>)
      %dma_wait3A_1807 = arith.constant 0 : i32
      %dma_wait3A_1808 = arith.constant 0 : i32
      %dma_wait3A_1809 = arith.constant 0 : i32
      %dma_wait3A_1810 = arith.constant 0 : i32
      %dma_wait3A_1811 = arith.constant 0 : i32
      %dma_wait3A_1812 = arith.constant 0 : i32
      %dma_wait3A_1813 = tpu.memref_slice %arg10[%dma_wait3A_1810, %dma_wait3A_1811, %dma_wait3A_1812] : memref<2x128x128xf32, #tpu.memory_space<vmem>> -> memref<1x128x128xf32, #tpu.memory_space<vmem>>
      %dma_wait3A_1814 = tpu.memref_squeeze %dma_wait3A_1813 : memref<1x128x128xf32, #tpu.memory_space<vmem>> -> memref<128x128xf32, #tpu.memory_space<vmem>>
      %dma_wait3A_1815 = arith.constant 0 : i32
      %dma_wait3A_1816 = tpu.memref_slice %arg9[%dma_wait3A_1807, %dma_wait3A_1808, %dma_wait3A_1809, %dma_wait3A_1815] : memref<3x4x2x128xi32, #tpu.memory_space<vmem>> -> memref<1x1x1x128xi32, #tpu.memory_space<vmem>>
      %dma_wait3A_1817 = tpu.memref_squeeze %dma_wait3A_1816 : memref<1x1x1x128xi32, #tpu.memory_space<vmem>> -> memref<128xi32, #tpu.memory_space<vmem>>
      %dma_wait3A_1818 = arith.constant 0 : i32
      %dma_wait3A_1819 = arith.constant 0 : i32
      %dma_wait3A_1820 = tpu.memref_slice %arg4[%dma_wait3A_1818, %dma_wait3A_1819] : memref<10240x128xf32, #tpu.memory_space<hbm>> -> memref<10240x128xf32, #tpu.memory_space<hbm>>
      tpu.wait_indirect_dma semaphore(%arg13 : memref<!tpu.dma_semaphore, #tpu.memory_space<semaphore_mem>>) src(%dma_wait3A_1820 : memref<10240x128xf32, #tpu.memory_space<hbm>>) dst(%dma_wait3A_1814 : memref<128x128xf32, #tpu.memory_space<vmem>>)
      %dma_start3A_1821 = arith.constant 0 : i32
      %dma_start3A_1822 = arith.constant 1 : i32
      %dma_start3A_1823 = arith.constant 2 : i32
      %dma_start3A_1824 = arith.constant 1 : i32
      %dma_start3A_1825 = arith.constant 0 : i32
      %dma_start3A_1826 = arith.constant 0 : i32
      %dma_start3A_1827 = tpu.memref_slice %arg10[%dma_start3A_1821, %dma_start3A_1825, %dma_start3A_1826] : memref<2x128x128xf32, #tpu.memory_space<vmem>> -> memref<1x128x128xf32, #tpu.memory_space<vmem>>
      %dma_start3A_1828 = tpu.memref_squeeze %dma_start3A_1827 : memref<1x128x128xf32, #tpu.memory_space<vmem>> -> memref<128x128xf32, #tpu.memory_space<vmem>>
      %dma_start3A_1829 = arith.constant 0 : i32
      %dma_start3A_1830 = tpu.memref_slice %arg9[%dma_start3A_1822, %dma_start3A_1823, %dma_start3A_1824, %dma_start3A_1829] : memref<3x4x2x128xi32, #tpu.memory_space<vmem>> -> memref<1x1x1x128xi32, #tpu.memory_space<vmem>>
      %dma_start3A_1831 = tpu.memref_squeeze %dma_start3A_1830 : memref<1x1x1x128xi32, #tpu.memory_space<vmem>> -> memref<128xi32, #tpu.memory_space<vmem>>
      %dma_start3A_1832 = arith.constant 0 : i32
      %dma_start3A_1833 = arith.constant 0 : i32
      %dma_start3A_1834 = tpu.memref_slice %arg11[%dma_start3A_1832, %dma_start3A_1833] : memref<10240x128xf32, #tpu.memory_space<vmem_shared>> -> memref<10240x128xf32, #tpu.memory_space<vmem_shared>>
      tpu.enqueue_indirect_dma source(%dma_start3A_1828 : memref<128x128xf32, #tpu.memory_space<vmem>>) target(%dma_start3A_1834 : memref<10240x128xf32, #tpu.memory_space<vmem_shared>>) offsets(%dma_start3A_1831 : memref<128xi32, #tpu.memory_space<vmem>>) semaphore(%arg14 : memref<!tpu.dma_semaphore, #tpu.memory_space<semaphore_mem>>) {add = true}
    } else {
    }
    %dma_wait3A_864 = arith.constant 0 : i32
    %dma_wait3A_865 = arith.constant 0 : i32
    %dma_wait3A_866 = arith.constant 0 : i32
    %dma_wait3A_867 = arith.constant 1 : i32
    %dma_wait3A_868 = arith.constant 0 : i32
    %dma_wait3A_869 = arith.constant 0 : i32
    %dma_wait3A_870 = tpu.memref_slice %arg10[%dma_wait3A_864, %dma_wait3A_868, %dma_wait3A_869] : memref<2x128x128xf32, #tpu.memory_space<vmem>> -> memref<1x128x128xf32, #tpu.memory_space<vmem>>
    %dma_wait3A_871 = tpu.memref_squeeze %dma_wait3A_870 : memref<1x128x128xf32, #tpu.memory_space<vmem>> -> memref<128x128xf32, #tpu.memory_space<vmem>>
    %dma_wait3A_872 = arith.constant 0 : i32
    %dma_wait3A_873 = tpu.memref_slice %arg9[%dma_wait3A_865, %dma_wait3A_866, %dma_wait3A_867, %dma_wait3A_872] : memref<3x4x2x128xi32, #tpu.memory_space<vmem>> -> memref<1x1x1x128xi32, #tpu.memory_space<vmem>>
    %dma_wait3A_874 = tpu.memref_squeeze %dma_wait3A_873 : memref<1x1x1x128xi32, #tpu.memory_space<vmem>> -> memref<128xi32, #tpu.memory_space<vmem>>
    %dma_wait3A_875 = arith.constant 0 : i32
    %dma_wait3A_876 = arith.constant 0 : i32
    %dma_wait3A_877 = tpu.memref_slice %arg11[%dma_wait3A_875, %dma_wait3A_876] : memref<10240x128xf32, #tpu.memory_space<vmem_shared>> -> memref<10240x128xf32, #tpu.memory_space<vmem_shared>>
    tpu.wait_indirect_dma semaphore(%arg14 : memref<!tpu.dma_semaphore, #tpu.memory_space<semaphore_mem>>) src(%dma_wait3A_871 : memref<128x128xf32, #tpu.memory_space<vmem>>) dst(%dma_wait3A_877 : memref<10240x128xf32, #tpu.memory_space<vmem_shared>>)
    %lt3A_878 = arith.constant 4 : i32
    %lt3A_879 = arith.cmpi slt, %add3A, %lt3A_878 : i32
    %convert_element_type3A_880 = arith.extui %lt3A_879 : i1 to i32
    %cond3A_881 = arith.constant 0 : i32
    %cond3A_882 = arith.cmpi ne, %convert_element_type3A_880, %cond3A_881 : i32
    scf.if %cond3A_882 {
      %dma_wait3A_1793 = arith.constant 0 : i32
      %dma_wait3A_1794 = arith.constant 0 : i32
      %dma_wait3A_1795 = arith.constant 0 : i32
      %dma_wait3A_1796 = arith.constant 1 : i32
      %dma_wait3A_1797 = arith.constant 0 : i32
      %dma_wait3A_1798 = arith.constant 0 : i32
      %dma_wait3A_1799 = tpu.memref_slice %arg10[%dma_wait3A_1793, %dma_wait3A_1797, %dma_wait3A_1798] : memref<2x128x128xf32, #tpu.memory_space<vmem>> -> memref<1x128x128xf32, #tpu.memory_space<vmem>>
      %dma_wait3A_1800 = tpu.memref_squeeze %dma_wait3A_1799 : memref<1x128x128xf32, #tpu.memory_space<vmem>> -> memref<128x128xf32, #tpu.memory_space<vmem>>
      %dma_wait3A_1801 = arith.constant 0 : i32
      %dma_wait3A_1802 = tpu.memref_slice %arg9[%dma_wait3A_1794, %dma_wait3A_1795, %dma_wait3A_1796, %dma_wait3A_1801] : memref<3x4x2x128xi32, #tpu.memory_space<vmem>> -> memref<1x1x1x128xi32, #tpu.memory_space<vmem>>
      %dma_wait3A_1803 = tpu.memref_squeeze %dma_wait3A_1802 : memref<1x1x1x128xi32, #tpu.memory_space<vmem>> -> memref<128xi32, #tpu.memory_space<vmem>>
      %dma_wait3A_1804 = arith.constant 0 : i32
      %dma_wait3A_1805 = arith.constant 0 : i32
      %dma_wait3A_1806 = tpu.memref_slice %arg11[%dma_wait3A_1804, %dma_wait3A_1805] : memref<10240x128xf32, #tpu.memory_space<vmem_shared>> -> memref<10240x128xf32, #tpu.memory_space<vmem_shared>>
      tpu.wait_indirect_dma semaphore(%arg14 : memref<!tpu.dma_semaphore, #tpu.memory_space<semaphore_mem>>) src(%dma_wait3A_1800 : memref<128x128xf32, #tpu.memory_space<vmem>>) dst(%dma_wait3A_1806 : memref<10240x128xf32, #tpu.memory_space<vmem_shared>>)
    } else {
    }
    %barrier3A_883 = arith.constant 0 : index
    tpu.barrier barrier_id(%barrier3A_883)
    %mul3A_884 = arith.constant 640 : i32
    %mul3A_885 = arith.muli %arg1, %mul3A_884 : i32
    %mul3A_886 = arith.constant 640 : i32
    %mul3A_887 = arith.muli %arg1, %mul3A_886 : i32
    %dma_start3A_888 = arith.constant 0 : i32
    %dma_start3A_889 = tpu.memref_slice %arg7[%arg0, %mul3A_887, %dma_start3A_888] : memref<2x10240x128xf32, #tpu.memory_space<hbm>> -> memref<1x640x128xf32, #tpu.memory_space<hbm>>
    %dma_start3A_890 = tpu.memref_squeeze %dma_start3A_889 : memref<1x640x128xf32, #tpu.memory_space<hbm>> -> memref<640x128xf32, #tpu.memory_space<hbm>>
    %dma_start3A_891 = arith.constant 0 : i32
    %dma_start3A_892 = tpu.memref_slice %arg11[%mul3A_885, %dma_start3A_891] : memref<10240x128xf32, #tpu.memory_space<vmem_shared>> -> memref<640x128xf32, #tpu.memory_space<vmem_shared>>
    tpu.enqueue_dma source(%dma_start3A_892 : memref<640x128xf32, #tpu.memory_space<vmem_shared>>) target(%dma_start3A_890 : memref<640x128xf32, #tpu.memory_space<hbm>>) target_semaphore(%arg15 : memref<!tpu.dma_semaphore, #tpu.memory_space<semaphore_mem>>)
    %run_scoped3A_893 = arith.constant 0 : i32
    "tpu.region"() ({
      %run_scoped3A_1793 = tpu.sem_alloc : memref<!tpu.dma_semaphore, #tpu.memory_space<semaphore_mem>>
      %dma_start3A_1794 = arith.constant 0 : i32
      %dma_start3A_1795 = arith.constant 0 : i32
      %dma_start3A_1796 = arith.constant 0 : i32
      %dma_start3A_1797 = tpu.memref_slice %arg9[%run_scoped3A_893, %dma_start3A_1794, %dma_start3A_1795, %dma_start3A_1796] : memref<3x4x2x128xi32, #tpu.memory_space<vmem>> -> memref<1x4x2x128xi32, #tpu.memory_space<vmem>>
      %dma_start3A_1798 = tpu.memref_squeeze %dma_start3A_1797 : memref<1x4x2x128xi32, #tpu.memory_space<vmem>> -> memref<4x2x128xi32, #tpu.memory_space<vmem>>
      %dma_start3A_1799 = arith.constant 0 : i32
      %dma_start3A_1800 = arith.constant 0 : i32
      %dma_start3A_1801 = tpu.memref_slice %arg3[%add3A_4, %dma_start3A_1799, %dma_start3A_1800] : memref<2500x2x128xi32, #tpu.memory_space<hbm>> -> memref<4x2x128xi32, #tpu.memory_space<hbm>>
      %dma_start3A_1802 = arith.constant 0 : i32
      %dma_start3A_1803 = arith.constant 0 : i32
      %dma_start3A_1804 = arith.constant 0 : i32
      %dma_start3A_1805 = tpu.memref_slice %arg9[%run_scoped3A_893, %dma_start3A_1802, %dma_start3A_1803, %dma_start3A_1804] : memref<3x4x2x128xi32, #tpu.memory_space<vmem>> -> memref<1x4x2x128xi32, #tpu.memory_space<vmem>>
      %dma_start3A_1806 = tpu.memref_squeeze %dma_start3A_1805 : memref<1x4x2x128xi32, #tpu.memory_space<vmem>> -> memref<4x2x128xi32, #tpu.memory_space<vmem>>
      %dma_start3A_1807 = arith.constant 0 : i32
      %dma_start3A_1808 = arith.constant 0 : i32
      %dma_start3A_1809 = tpu.memref_slice %arg3[%add3A_4, %dma_start3A_1807, %dma_start3A_1808] : memref<2500x2x128xi32, #tpu.memory_space<hbm>> -> memref<4x2x128xi32, #tpu.memory_space<hbm>>
      tpu.enqueue_dma source(%dma_start3A_1809 : memref<4x2x128xi32, #tpu.memory_space<hbm>>) target(%dma_start3A_1806 : memref<4x2x128xi32, #tpu.memory_space<vmem>>) target_semaphore(%run_scoped3A_1793 : memref<!tpu.dma_semaphore, #tpu.memory_space<semaphore_mem>>)
      %dma_wait3A_1810 = arith.constant 0 : i32
      %dma_wait3A_1811 = arith.constant 0 : i32
      %dma_wait3A_1812 = arith.constant 0 : i32
      %dma_wait3A_1813 = tpu.memref_slice %arg9[%run_scoped3A_893, %dma_wait3A_1810, %dma_wait3A_1811, %dma_wait3A_1812] : memref<3x4x2x128xi32, #tpu.memory_space<vmem>> -> memref<1x4x2x128xi32, #tpu.memory_space<vmem>>
      %dma_wait3A_1814 = tpu.memref_squeeze %dma_wait3A_1813 : memref<1x4x2x128xi32, #tpu.memory_space<vmem>> -> memref<4x2x128xi32, #tpu.memory_space<vmem>>
      %dma_wait3A_1815 = arith.constant 0 : i32
      %dma_wait3A_1816 = arith.constant 0 : i32
      %dma_wait3A_1817 = tpu.memref_slice %arg3[%add3A_4, %dma_wait3A_1815, %dma_wait3A_1816] : memref<2500x2x128xi32, #tpu.memory_space<hbm>> -> memref<4x2x128xi32, #tpu.memory_space<hbm>>
      %dma_wait3A_1818 = arith.constant 0 : i32
      %dma_wait3A_1819 = arith.constant 0 : i32
      %dma_wait3A_1820 = arith.constant 0 : i32
      %dma_wait3A_1821 = tpu.memref_slice %arg9[%run_scoped3A_893, %dma_wait3A_1818, %dma_wait3A_1819, %dma_wait3A_1820] : memref<3x4x2x128xi32, #tpu.memory_space<vmem>> -> memref<1x4x2x128xi32, #tpu.memory_space<vmem>>
      %dma_wait3A_1822 = tpu.memref_squeeze %dma_wait3A_1821 : memref<1x4x2x128xi32, #tpu.memory_space<vmem>> -> memref<4x2x128xi32, #tpu.memory_space<vmem>>
      %dma_wait3A_1823 = arith.constant 0 : i32
      %dma_wait3A_1824 = arith.constant 0 : i32
      %dma_wait3A_1825 = tpu.memref_slice %arg3[%add3A_4, %dma_wait3A_1823, %dma_wait3A_1824] : memref<2500x2x128xi32, #tpu.memory_space<hbm>> -> memref<4x2x128xi32, #tpu.memory_space<hbm>>
      tpu.wait_dma2 semaphore(%run_scoped3A_1793 : memref<!tpu.dma_semaphore, #tpu.memory_space<semaphore_mem>>) src(%dma_wait3A_1825 : memref<4x2x128xi32, #tpu.memory_space<hbm>>) dst(%dma_wait3A_1822 : memref<4x2x128xi32, #tpu.memory_space<vmem>>)
      tpu.yield
    }) : () -> ()
    %add3A_894 = arith.constant 4 : i32
    %add3A_895 = arith.addi %add3A_4, %add3A_894 : i32
    %dma_start3A_896 = arith.constant 1 : i32
    %dma_start3A_897 = arith.constant 0 : i32
    %dma_start3A_898 = arith.constant 0 : i32
    %dma_start3A_899 = arith.constant 0 : i32
    %dma_start3A_900 = tpu.memref_slice %arg9[%dma_start3A_896, %dma_start3A_897, %dma_start3A_898, %dma_start3A_899] : memref<3x4x2x128xi32, #tpu.memory_space<vmem>> -> memref<1x4x2x128xi32, #tpu.memory_space<vmem>>
    %dma_start3A_901 = tpu.memref_squeeze %dma_start3A_900 : memref<1x4x2x128xi32, #tpu.memory_space<vmem>> -> memref<4x2x128xi32, #tpu.memory_space<vmem>>
    %dma_start3A_902 = arith.constant 0 : i32
    %dma_start3A_903 = arith.constant 0 : i32
    %dma_start3A_904 = tpu.memref_slice %arg3[%add3A_895, %dma_start3A_902, %dma_start3A_903] : memref<2500x2x128xi32, #tpu.memory_space<hbm>> -> memref<4x2x128xi32, #tpu.memory_space<hbm>>
    %dma_start3A_905 = arith.constant 0 : i32
    %dma_start3A_906 = arith.constant 0 : i32
    %dma_start3A_907 = arith.constant 0 : i32
    %dma_start3A_908 = tpu.memref_slice %arg9[%dma_start3A_896, %dma_start3A_905, %dma_start3A_906, %dma_start3A_907] : memref<3x4x2x128xi32, #tpu.memory_space<vmem>> -> memref<1x4x2x128xi32, #tpu.memory_space<vmem>>
    %dma_start3A_909 = tpu.memref_squeeze %dma_start3A_908 : memref<1x4x2x128xi32, #tpu.memory_space<vmem>> -> memref<4x2x128xi32, #tpu.memory_space<vmem>>
    %dma_start3A_910 = arith.constant 0 : i32
    %dma_start3A_911 = arith.constant 0 : i32
    %dma_start3A_912 = tpu.memref_slice %arg3[%add3A_895, %dma_start3A_910, %dma_start3A_911] : memref<2500x2x128xi32, #tpu.memory_space<hbm>> -> memref<4x2x128xi32, #tpu.memory_space<hbm>>
    tpu.enqueue_dma source(%dma_start3A_912 : memref<4x2x128xi32, #tpu.memory_space<hbm>>) target(%dma_start3A_909 : memref<4x2x128xi32, #tpu.memory_space<vmem>>) target_semaphore(%arg12 : memref<!tpu.dma_semaphore, #tpu.memory_space<semaphore_mem>>)
    %mul3A_913 = arith.constant 640 : i32
    %mul3A_914 = arith.muli %arg1, %mul3A_913 : i32
    %mul3A_915 = arith.constant 640 : i32
    %mul3A_916 = arith.muli %arg1, %mul3A_915 : i32
    %dma_wait3A_917 = arith.constant 0 : i32
    %dma_wait3A_918 = tpu.memref_slice %arg7[%arg0, %mul3A_916, %dma_wait3A_917] : memref<2x10240x128xf32, #tpu.memory_space<hbm>> -> memref<1x640x128xf32, #tpu.memory_space<hbm>>
    %dma_wait3A_919 = tpu.memref_squeeze %dma_wait3A_918 : memref<1x640x128xf32, #tpu.memory_space<hbm>> -> memref<640x128xf32, #tpu.memory_space<hbm>>
    %dma_wait3A_920 = arith.constant 0 : i32
    %dma_wait3A_921 = tpu.memref_slice %arg11[%mul3A_914, %dma_wait3A_920] : memref<10240x128xf32, #tpu.memory_space<vmem_shared>> -> memref<640x128xf32, #tpu.memory_space<vmem_shared>>
    tpu.wait_dma2 semaphore(%arg15 : memref<!tpu.dma_semaphore, #tpu.memory_space<semaphore_mem>>) src(%dma_wait3A_921 : memref<640x128xf32, #tpu.memory_space<vmem_shared>>) dst(%dma_wait3A_919 : memref<640x128xf32, #tpu.memory_space<hbm>>)
    %mul3A_922 = arith.constant 640 : i32
    %mul3A_923 = arith.muli %arg1, %mul3A_922 : i32
    %mul3A_924 = arith.constant 640 : i32
    %mul3A_925 = arith.muli %arg1, %mul3A_924 : i32
    "tpu.region"() ({
      %run_scoped3A_1793 = tpu.sem_alloc : memref<!tpu.dma_semaphore, #tpu.memory_space<semaphore_mem>>
      %dma_start3A_1794 = arith.constant 0 : i32
      %dma_start3A_1795 = tpu.memref_slice %arg11[%mul3A_925, %dma_start3A_1794] : memref<10240x128xf32, #tpu.memory_space<vmem_shared>> -> memref<640x128xf32, #tpu.memory_space<vmem_shared>>
      %dma_start3A_1796 = arith.constant 0 : i32
      %dma_start3A_1797 = tpu.memref_slice %arg6[%mul3A_923, %dma_start3A_1796] : memref<10240x128xf32, #tpu.memory_space<hbm>> -> memref<640x128xf32, #tpu.memory_space<hbm>>
      tpu.enqueue_dma source(%dma_start3A_1797 : memref<640x128xf32, #tpu.memory_space<hbm>>) target(%dma_start3A_1795 : memref<640x128xf32, #tpu.memory_space<vmem_shared>>) target_semaphore(%run_scoped3A_1793 : memref<!tpu.dma_semaphore, #tpu.memory_space<semaphore_mem>>)
      %dma_wait3A_1798 = arith.constant 0 : i32
      %dma_wait3A_1799 = tpu.memref_slice %arg11[%mul3A_925, %dma_wait3A_1798] : memref<10240x128xf32, #tpu.memory_space<vmem_shared>> -> memref<640x128xf32, #tpu.memory_space<vmem_shared>>
      %dma_wait3A_1800 = arith.constant 0 : i32
      %dma_wait3A_1801 = tpu.memref_slice %arg6[%mul3A_923, %dma_wait3A_1800] : memref<10240x128xf32, #tpu.memory_space<hbm>> -> memref<640x128xf32, #tpu.memory_space<hbm>>
      tpu.wait_dma2 semaphore(%run_scoped3A_1793 : memref<!tpu.dma_semaphore, #tpu.memory_space<semaphore_mem>>) src(%dma_wait3A_1801 : memref<640x128xf32, #tpu.memory_space<hbm>>) dst(%dma_wait3A_1799 : memref<640x128xf32, #tpu.memory_space<vmem_shared>>)
      tpu.yield
    }) : () -> ()
    %dma_start3A_926 = arith.constant 0 : i32
    %dma_start3A_927 = arith.constant 0 : i32
    %dma_start3A_928 = arith.constant 0 : i32
    %dma_start3A_929 = arith.constant 0 : i32
    %dma_start3A_930 = arith.constant 0 : i32
    %dma_start3A_931 = arith.constant 0 : i32
    %dma_start3A_932 = tpu.memref_slice %arg10[%dma_start3A_929, %dma_start3A_930, %dma_start3A_931] : memref<2x128x128xf32, #tpu.memory_space<vmem>> -> memref<1x128x128xf32, #tpu.memory_space<vmem>>
    %dma_start3A_933 = tpu.memref_squeeze %dma_start3A_932 : memref<1x128x128xf32, #tpu.memory_space<vmem>> -> memref<128x128xf32, #tpu.memory_space<vmem>>
    %dma_start3A_934 = arith.constant 0 : i32
    %dma_start3A_935 = tpu.memref_slice %arg9[%dma_start3A_926, %dma_start3A_927, %dma_start3A_928, %dma_start3A_934] : memref<3x4x2x128xi32, #tpu.memory_space<vmem>> -> memref<1x1x1x128xi32, #tpu.memory_space<vmem>>
    %dma_start3A_936 = tpu.memref_squeeze %dma_start3A_935 : memref<1x1x1x128xi32, #tpu.memory_space<vmem>> -> memref<128xi32, #tpu.memory_space<vmem>>
    %dma_start3A_937 = arith.constant 0 : i32
    %dma_start3A_938 = arith.constant 0 : i32
    %dma_start3A_939 = tpu.memref_slice %arg5[%dma_start3A_937, %dma_start3A_938] : memref<10240x128xf32, #tpu.memory_space<hbm>> -> memref<10240x128xf32, #tpu.memory_space<hbm>>
    tpu.enqueue_indirect_dma source(%dma_start3A_939 : memref<10240x128xf32, #tpu.memory_space<hbm>>) target(%dma_start3A_933 : memref<128x128xf32, #tpu.memory_space<vmem>>) offsets(%dma_start3A_936 : memref<128xi32, #tpu.memory_space<vmem>>) semaphore(%arg13 : memref<!tpu.dma_semaphore, #tpu.memory_space<semaphore_mem>>)
    %barrier3A_940 = arith.constant 0 : index
    tpu.barrier barrier_id(%barrier3A_940)
    %dma_start3A_941 = arith.constant 0 : i32
    %dma_start3A_942 = arith.constant 1 : i32
    %dma_start3A_943 = arith.constant 0 : i32
    %dma_start3A_944 = arith.constant 1 : i32
    %dma_start3A_945 = arith.constant 0 : i32
    %dma_start3A_946 = arith.constant 0 : i32
    %dma_start3A_947 = tpu.memref_slice %arg10[%dma_start3A_944, %dma_start3A_945, %dma_start3A_946] : memref<2x128x128xf32, #tpu.memory_space<vmem>> -> memref<1x128x128xf32, #tpu.memory_space<vmem>>
    %dma_start3A_948 = tpu.memref_squeeze %dma_start3A_947 : memref<1x128x128xf32, #tpu.memory_space<vmem>> -> memref<128x128xf32, #tpu.memory_space<vmem>>
    %dma_start3A_949 = arith.constant 0 : i32
    %dma_start3A_950 = tpu.memref_slice %arg9[%dma_start3A_941, %dma_start3A_942, %dma_start3A_943, %dma_start3A_949] : memref<3x4x2x128xi32, #tpu.memory_space<vmem>> -> memref<1x1x1x128xi32, #tpu.memory_space<vmem>>
    %dma_start3A_951 = tpu.memref_squeeze %dma_start3A_950 : memref<1x1x1x128xi32, #tpu.memory_space<vmem>> -> memref<128xi32, #tpu.memory_space<vmem>>
    %dma_start3A_952 = arith.constant 0 : i32
    %dma_start3A_953 = arith.constant 0 : i32
    %dma_start3A_954 = tpu.memref_slice %arg5[%dma_start3A_952, %dma_start3A_953] : memref<10240x128xf32, #tpu.memory_space<hbm>> -> memref<10240x128xf32, #tpu.memory_space<hbm>>
    tpu.enqueue_indirect_dma source(%dma_start3A_954 : memref<10240x128xf32, #tpu.memory_space<hbm>>) target(%dma_start3A_948 : memref<128x128xf32, #tpu.memory_space<vmem>>) offsets(%dma_start3A_951 : memref<128xi32, #tpu.memory_space<vmem>>) semaphore(%arg13 : memref<!tpu.dma_semaphore, #tpu.memory_space<semaphore_mem>>)
    %dma_wait3A_955 = arith.constant 0 : i32
    %dma_wait3A_956 = arith.constant 0 : i32
    %dma_wait3A_957 = arith.constant 0 : i32
    %dma_wait3A_958 = arith.constant 0 : i32
    %dma_wait3A_959 = arith.constant 0 : i32
    %dma_wait3A_960 = arith.constant 0 : i32
    %dma_wait3A_961 = tpu.memref_slice %arg10[%dma_wait3A_958, %dma_wait3A_959, %dma_wait3A_960] : memref<2x128x128xf32, #tpu.memory_space<vmem>> -> memref<1x128x128xf32, #tpu.memory_space<vmem>>
    %dma_wait3A_962 = tpu.memref_squeeze %dma_wait3A_961 : memref<1x128x128xf32, #tpu.memory_space<vmem>> -> memref<128x128xf32, #tpu.memory_space<vmem>>
    %dma_wait3A_963 = arith.constant 0 : i32
    %dma_wait3A_964 = tpu.memref_slice %arg9[%dma_wait3A_955, %dma_wait3A_956, %dma_wait3A_957, %dma_wait3A_963] : memref<3x4x2x128xi32, #tpu.memory_space<vmem>> -> memref<1x1x1x128xi32, #tpu.memory_space<vmem>>
    %dma_wait3A_965 = tpu.memref_squeeze %dma_wait3A_964 : memref<1x1x1x128xi32, #tpu.memory_space<vmem>> -> memref<128xi32, #tpu.memory_space<vmem>>
    %dma_wait3A_966 = arith.constant 0 : i32
    %dma_wait3A_967 = arith.constant 0 : i32
    %dma_wait3A_968 = tpu.memref_slice %arg5[%dma_wait3A_966, %dma_wait3A_967] : memref<10240x128xf32, #tpu.memory_space<hbm>> -> memref<10240x128xf32, #tpu.memory_space<hbm>>
    tpu.wait_indirect_dma semaphore(%arg13 : memref<!tpu.dma_semaphore, #tpu.memory_space<semaphore_mem>>) src(%dma_wait3A_968 : memref<10240x128xf32, #tpu.memory_space<hbm>>) dst(%dma_wait3A_962 : memref<128x128xf32, #tpu.memory_space<vmem>>)
    %dma_start3A_969 = arith.constant 0 : i32
    %dma_start3A_970 = arith.constant 0 : i32
    %dma_start3A_971 = arith.constant 0 : i32
    %dma_start3A_972 = arith.constant 1 : i32
    %dma_start3A_973 = arith.constant 0 : i32
    %dma_start3A_974 = arith.constant 0 : i32
    %dma_start3A_975 = tpu.memref_slice %arg10[%dma_start3A_969, %dma_start3A_973, %dma_start3A_974] : memref<2x128x128xf32, #tpu.memory_space<vmem>> -> memref<1x128x128xf32, #tpu.memory_space<vmem>>
    %dma_start3A_976 = tpu.memref_squeeze %dma_start3A_975 : memref<1x128x128xf32, #tpu.memory_space<vmem>> -> memref<128x128xf32, #tpu.memory_space<vmem>>
    %dma_start3A_977 = arith.constant 0 : i32
    %dma_start3A_978 = tpu.memref_slice %arg9[%dma_start3A_970, %dma_start3A_971, %dma_start3A_972, %dma_start3A_977] : memref<3x4x2x128xi32, #tpu.memory_space<vmem>> -> memref<1x1x1x128xi32, #tpu.memory_space<vmem>>
    %dma_start3A_979 = tpu.memref_squeeze %dma_start3A_978 : memref<1x1x1x128xi32, #tpu.memory_space<vmem>> -> memref<128xi32, #tpu.memory_space<vmem>>
    %dma_start3A_980 = arith.constant 0 : i32
    %dma_start3A_981 = arith.constant 0 : i32
    %dma_start3A_982 = tpu.memref_slice %arg11[%dma_start3A_980, %dma_start3A_981] : memref<10240x128xf32, #tpu.memory_space<vmem_shared>> -> memref<10240x128xf32, #tpu.memory_space<vmem_shared>>
    tpu.enqueue_indirect_dma source(%dma_start3A_976 : memref<128x128xf32, #tpu.memory_space<vmem>>) target(%dma_start3A_982 : memref<10240x128xf32, #tpu.memory_space<vmem_shared>>) offsets(%dma_start3A_979 : memref<128xi32, #tpu.memory_space<vmem>>) semaphore(%arg14 : memref<!tpu.dma_semaphore, #tpu.memory_space<semaphore_mem>>) {add = true}
    %dma_wait3A_983 = arith.constant 0 : i32
    %dma_wait3A_984 = arith.constant 0 : i32
    %dma_wait3A_985 = arith.constant 0 : i32
    %dma_wait3A_986 = arith.constant 1 : i32
    %dma_wait3A_987 = arith.constant 0 : i32
    %dma_wait3A_988 = arith.constant 0 : i32
    %dma_wait3A_989 = tpu.memref_slice %arg10[%dma_wait3A_983, %dma_wait3A_987, %dma_wait3A_988] : memref<2x128x128xf32, #tpu.memory_space<vmem>> -> memref<1x128x128xf32, #tpu.memory_space<vmem>>
    %dma_wait3A_990 = tpu.memref_squeeze %dma_wait3A_989 : memref<1x128x128xf32, #tpu.memory_space<vmem>> -> memref<128x128xf32, #tpu.memory_space<vmem>>
    %dma_wait3A_991 = arith.constant 0 : i32
    %dma_wait3A_992 = tpu.memref_slice %arg9[%dma_wait3A_984, %dma_wait3A_985, %dma_wait3A_986, %dma_wait3A_991] : memref<3x4x2x128xi32, #tpu.memory_space<vmem>> -> memref<1x1x1x128xi32, #tpu.memory_space<vmem>>
    %dma_wait3A_993 = tpu.memref_squeeze %dma_wait3A_992 : memref<1x1x1x128xi32, #tpu.memory_space<vmem>> -> memref<128xi32, #tpu.memory_space<vmem>>
    %dma_wait3A_994 = arith.constant 0 : i32
    %dma_wait3A_995 = arith.constant 0 : i32
    %dma_wait3A_996 = tpu.memref_slice %arg11[%dma_wait3A_994, %dma_wait3A_995] : memref<10240x128xf32, #tpu.memory_space<vmem_shared>> -> memref<10240x128xf32, #tpu.memory_space<vmem_shared>>
    tpu.wait_indirect_dma semaphore(%arg14 : memref<!tpu.dma_semaphore, #tpu.memory_space<semaphore_mem>>) src(%dma_wait3A_990 : memref<128x128xf32, #tpu.memory_space<vmem>>) dst(%dma_wait3A_996 : memref<10240x128xf32, #tpu.memory_space<vmem_shared>>)
    %dma_start3A_997 = arith.constant 0 : i32
    %dma_start3A_998 = arith.constant 2 : i32
    %dma_start3A_999 = arith.constant 0 : i32
    %dma_start3A_1000 = arith.constant 0 : i32
    %dma_start3A_1001 = arith.constant 0 : i32
    %dma_start3A_1002 = arith.constant 0 : i32
    %dma_start3A_1003 = tpu.memref_slice %arg10[%dma_start3A_1000, %dma_start3A_1001, %dma_start3A_1002] : memref<2x128x128xf32, #tpu.memory_space<vmem>> -> memref<1x128x128xf32, #tpu.memory_space<vmem>>
    %dma_start3A_1004 = tpu.memref_squeeze %dma_start3A_1003 : memref<1x128x128xf32, #tpu.memory_space<vmem>> -> memref<128x128xf32, #tpu.memory_space<vmem>>
    %dma_start3A_1005 = arith.constant 0 : i32
    %dma_start3A_1006 = tpu.memref_slice %arg9[%dma_start3A_997, %dma_start3A_998, %dma_start3A_999, %dma_start3A_1005] : memref<3x4x2x128xi32, #tpu.memory_space<vmem>> -> memref<1x1x1x128xi32, #tpu.memory_space<vmem>>
    %dma_start3A_1007 = tpu.memref_squeeze %dma_start3A_1006 : memref<1x1x1x128xi32, #tpu.memory_space<vmem>> -> memref<128xi32, #tpu.memory_space<vmem>>
    %dma_start3A_1008 = arith.constant 0 : i32
    %dma_start3A_1009 = arith.constant 0 : i32
    %dma_start3A_1010 = tpu.memref_slice %arg5[%dma_start3A_1008, %dma_start3A_1009] : memref<10240x128xf32, #tpu.memory_space<hbm>> -> memref<10240x128xf32, #tpu.memory_space<hbm>>
    tpu.enqueue_indirect_dma source(%dma_start3A_1010 : memref<10240x128xf32, #tpu.memory_space<hbm>>) target(%dma_start3A_1004 : memref<128x128xf32, #tpu.memory_space<vmem>>) offsets(%dma_start3A_1007 : memref<128xi32, #tpu.memory_space<vmem>>) semaphore(%arg13 : memref<!tpu.dma_semaphore, #tpu.memory_space<semaphore_mem>>)
    %dma_wait3A_1011 = arith.constant 0 : i32
    %dma_wait3A_1012 = arith.constant 0 : i32
    %dma_wait3A_1013 = arith.constant 0 : i32
    %dma_wait3A_1014 = arith.constant 1 : i32
    %dma_wait3A_1015 = arith.constant 0 : i32
    %dma_wait3A_1016 = arith.constant 0 : i32
    %dma_wait3A_1017 = tpu.memref_slice %arg10[%dma_wait3A_1014, %dma_wait3A_1015, %dma_wait3A_1016] : memref<2x128x128xf32, #tpu.memory_space<vmem>> -> memref<1x128x128xf32, #tpu.memory_space<vmem>>
    %dma_wait3A_1018 = tpu.memref_squeeze %dma_wait3A_1017 : memref<1x128x128xf32, #tpu.memory_space<vmem>> -> memref<128x128xf32, #tpu.memory_space<vmem>>
    %dma_wait3A_1019 = arith.constant 0 : i32
    %dma_wait3A_1020 = tpu.memref_slice %arg9[%dma_wait3A_1011, %dma_wait3A_1012, %dma_wait3A_1013, %dma_wait3A_1019] : memref<3x4x2x128xi32, #tpu.memory_space<vmem>> -> memref<1x1x1x128xi32, #tpu.memory_space<vmem>>
    %dma_wait3A_1021 = tpu.memref_squeeze %dma_wait3A_1020 : memref<1x1x1x128xi32, #tpu.memory_space<vmem>> -> memref<128xi32, #tpu.memory_space<vmem>>
    %dma_wait3A_1022 = arith.constant 0 : i32
    %dma_wait3A_1023 = arith.constant 0 : i32
    %dma_wait3A_1024 = tpu.memref_slice %arg5[%dma_wait3A_1022, %dma_wait3A_1023] : memref<10240x128xf32, #tpu.memory_space<hbm>> -> memref<10240x128xf32, #tpu.memory_space<hbm>>
    tpu.wait_indirect_dma semaphore(%arg13 : memref<!tpu.dma_semaphore, #tpu.memory_space<semaphore_mem>>) src(%dma_wait3A_1024 : memref<10240x128xf32, #tpu.memory_space<hbm>>) dst(%dma_wait3A_1018 : memref<128x128xf32, #tpu.memory_space<vmem>>)
    %dma_start3A_1025 = arith.constant 1 : i32
    %dma_start3A_1026 = arith.constant 0 : i32
    %dma_start3A_1027 = arith.constant 1 : i32
    %dma_start3A_1028 = arith.constant 1 : i32
    %dma_start3A_1029 = arith.constant 0 : i32
    %dma_start3A_1030 = arith.constant 0 : i32
    %dma_start3A_1031 = tpu.memref_slice %arg10[%dma_start3A_1025, %dma_start3A_1029, %dma_start3A_1030] : memref<2x128x128xf32, #tpu.memory_space<vmem>> -> memref<1x128x128xf32, #tpu.memory_space<vmem>>
    %dma_start3A_1032 = tpu.memref_squeeze %dma_start3A_1031 : memref<1x128x128xf32, #tpu.memory_space<vmem>> -> memref<128x128xf32, #tpu.memory_space<vmem>>
    %dma_start3A_1033 = arith.constant 0 : i32
    %dma_start3A_1034 = tpu.memref_slice %arg9[%dma_start3A_1026, %dma_start3A_1027, %dma_start3A_1028, %dma_start3A_1033] : memref<3x4x2x128xi32, #tpu.memory_space<vmem>> -> memref<1x1x1x128xi32, #tpu.memory_space<vmem>>
    %dma_start3A_1035 = tpu.memref_squeeze %dma_start3A_1034 : memref<1x1x1x128xi32, #tpu.memory_space<vmem>> -> memref<128xi32, #tpu.memory_space<vmem>>
    %dma_start3A_1036 = arith.constant 0 : i32
    %dma_start3A_1037 = arith.constant 0 : i32
    %dma_start3A_1038 = tpu.memref_slice %arg11[%dma_start3A_1036, %dma_start3A_1037] : memref<10240x128xf32, #tpu.memory_space<vmem_shared>> -> memref<10240x128xf32, #tpu.memory_space<vmem_shared>>
    tpu.enqueue_indirect_dma source(%dma_start3A_1032 : memref<128x128xf32, #tpu.memory_space<vmem>>) target(%dma_start3A_1038 : memref<10240x128xf32, #tpu.memory_space<vmem_shared>>) offsets(%dma_start3A_1035 : memref<128xi32, #tpu.memory_space<vmem>>) semaphore(%arg14 : memref<!tpu.dma_semaphore, #tpu.memory_space<semaphore_mem>>) {add = true}
    %dma_wait3A_1039 = arith.constant 0 : i32
    %dma_wait3A_1040 = arith.constant 0 : i32
    %dma_wait3A_1041 = arith.constant 0 : i32
    %dma_wait3A_1042 = arith.constant 1 : i32
    %dma_wait3A_1043 = arith.constant 0 : i32
    %dma_wait3A_1044 = arith.constant 0 : i32
    %dma_wait3A_1045 = tpu.memref_slice %arg10[%dma_wait3A_1039, %dma_wait3A_1043, %dma_wait3A_1044] : memref<2x128x128xf32, #tpu.memory_space<vmem>> -> memref<1x128x128xf32, #tpu.memory_space<vmem>>
    %dma_wait3A_1046 = tpu.memref_squeeze %dma_wait3A_1045 : memref<1x128x128xf32, #tpu.memory_space<vmem>> -> memref<128x128xf32, #tpu.memory_space<vmem>>
    %dma_wait3A_1047 = arith.constant 0 : i32
    %dma_wait3A_1048 = tpu.memref_slice %arg9[%dma_wait3A_1040, %dma_wait3A_1041, %dma_wait3A_1042, %dma_wait3A_1047] : memref<3x4x2x128xi32, #tpu.memory_space<vmem>> -> memref<1x1x1x128xi32, #tpu.memory_space<vmem>>
    %dma_wait3A_1049 = tpu.memref_squeeze %dma_wait3A_1048 : memref<1x1x1x128xi32, #tpu.memory_space<vmem>> -> memref<128xi32, #tpu.memory_space<vmem>>
    %dma_wait3A_1050 = arith.constant 0 : i32
    %dma_wait3A_1051 = arith.constant 0 : i32
    %dma_wait3A_1052 = tpu.memref_slice %arg11[%dma_wait3A_1050, %dma_wait3A_1051] : memref<10240x128xf32, #tpu.memory_space<vmem_shared>> -> memref<10240x128xf32, #tpu.memory_space<vmem_shared>>
    tpu.wait_indirect_dma semaphore(%arg14 : memref<!tpu.dma_semaphore, #tpu.memory_space<semaphore_mem>>) src(%dma_wait3A_1046 : memref<128x128xf32, #tpu.memory_space<vmem>>) dst(%dma_wait3A_1052 : memref<10240x128xf32, #tpu.memory_space<vmem_shared>>)
    %dma_start3A_1053 = arith.constant 0 : i32
    %dma_start3A_1054 = arith.constant 3 : i32
    %dma_start3A_1055 = arith.constant 0 : i32
    %dma_start3A_1056 = arith.constant 1 : i32
    %dma_start3A_1057 = arith.constant 0 : i32
    %dma_start3A_1058 = arith.constant 0 : i32
    %dma_start3A_1059 = tpu.memref_slice %arg10[%dma_start3A_1056, %dma_start3A_1057, %dma_start3A_1058] : memref<2x128x128xf32, #tpu.memory_space<vmem>> -> memref<1x128x128xf32, #tpu.memory_space<vmem>>
    %dma_start3A_1060 = tpu.memref_squeeze %dma_start3A_1059 : memref<1x128x128xf32, #tpu.memory_space<vmem>> -> memref<128x128xf32, #tpu.memory_space<vmem>>
    %dma_start3A_1061 = arith.constant 0 : i32
    %dma_start3A_1062 = tpu.memref_slice %arg9[%dma_start3A_1053, %dma_start3A_1054, %dma_start3A_1055, %dma_start3A_1061] : memref<3x4x2x128xi32, #tpu.memory_space<vmem>> -> memref<1x1x1x128xi32, #tpu.memory_space<vmem>>
    %dma_start3A_1063 = tpu.memref_squeeze %dma_start3A_1062 : memref<1x1x1x128xi32, #tpu.memory_space<vmem>> -> memref<128xi32, #tpu.memory_space<vmem>>
    %dma_start3A_1064 = arith.constant 0 : i32
    %dma_start3A_1065 = arith.constant 0 : i32
    %dma_start3A_1066 = tpu.memref_slice %arg5[%dma_start3A_1064, %dma_start3A_1065] : memref<10240x128xf32, #tpu.memory_space<hbm>> -> memref<10240x128xf32, #tpu.memory_space<hbm>>
    tpu.enqueue_indirect_dma source(%dma_start3A_1066 : memref<10240x128xf32, #tpu.memory_space<hbm>>) target(%dma_start3A_1060 : memref<128x128xf32, #tpu.memory_space<vmem>>) offsets(%dma_start3A_1063 : memref<128xi32, #tpu.memory_space<vmem>>) semaphore(%arg13 : memref<!tpu.dma_semaphore, #tpu.memory_space<semaphore_mem>>)
    %dma_wait3A_1067 = arith.constant 0 : i32
    %dma_wait3A_1068 = arith.constant 0 : i32
    %dma_wait3A_1069 = arith.constant 0 : i32
    %dma_wait3A_1070 = arith.constant 0 : i32
    %dma_wait3A_1071 = arith.constant 0 : i32
    %dma_wait3A_1072 = arith.constant 0 : i32
    %dma_wait3A_1073 = tpu.memref_slice %arg10[%dma_wait3A_1070, %dma_wait3A_1071, %dma_wait3A_1072] : memref<2x128x128xf32, #tpu.memory_space<vmem>> -> memref<1x128x128xf32, #tpu.memory_space<vmem>>
    %dma_wait3A_1074 = tpu.memref_squeeze %dma_wait3A_1073 : memref<1x128x128xf32, #tpu.memory_space<vmem>> -> memref<128x128xf32, #tpu.memory_space<vmem>>
    %dma_wait3A_1075 = arith.constant 0 : i32
    %dma_wait3A_1076 = tpu.memref_slice %arg9[%dma_wait3A_1067, %dma_wait3A_1068, %dma_wait3A_1069, %dma_wait3A_1075] : memref<3x4x2x128xi32, #tpu.memory_space<vmem>> -> memref<1x1x1x128xi32, #tpu.memory_space<vmem>>
    %dma_wait3A_1077 = tpu.memref_squeeze %dma_wait3A_1076 : memref<1x1x1x128xi32, #tpu.memory_space<vmem>> -> memref<128xi32, #tpu.memory_space<vmem>>
    %dma_wait3A_1078 = arith.constant 0 : i32
    %dma_wait3A_1079 = arith.constant 0 : i32
    %dma_wait3A_1080 = tpu.memref_slice %arg5[%dma_wait3A_1078, %dma_wait3A_1079] : memref<10240x128xf32, #tpu.memory_space<hbm>> -> memref<10240x128xf32, #tpu.memory_space<hbm>>
    tpu.wait_indirect_dma semaphore(%arg13 : memref<!tpu.dma_semaphore, #tpu.memory_space<semaphore_mem>>) src(%dma_wait3A_1080 : memref<10240x128xf32, #tpu.memory_space<hbm>>) dst(%dma_wait3A_1074 : memref<128x128xf32, #tpu.memory_space<vmem>>)
    %dma_start3A_1081 = arith.constant 0 : i32
    %dma_start3A_1082 = arith.constant 0 : i32
    %dma_start3A_1083 = arith.constant 2 : i32
    %dma_start3A_1084 = arith.constant 1 : i32
    %dma_start3A_1085 = arith.constant 0 : i32
    %dma_start3A_1086 = arith.constant 0 : i32
    %dma_start3A_1087 = tpu.memref_slice %arg10[%dma_start3A_1081, %dma_start3A_1085, %dma_start3A_1086] : memref<2x128x128xf32, #tpu.memory_space<vmem>> -> memref<1x128x128xf32, #tpu.memory_space<vmem>>
    %dma_start3A_1088 = tpu.memref_squeeze %dma_start3A_1087 : memref<1x128x128xf32, #tpu.memory_space<vmem>> -> memref<128x128xf32, #tpu.memory_space<vmem>>
    %dma_start3A_1089 = arith.constant 0 : i32
    %dma_start3A_1090 = tpu.memref_slice %arg9[%dma_start3A_1082, %dma_start3A_1083, %dma_start3A_1084, %dma_start3A_1089] : memref<3x4x2x128xi32, #tpu.memory_space<vmem>> -> memref<1x1x1x128xi32, #tpu.memory_space<vmem>>
    %dma_start3A_1091 = tpu.memref_squeeze %dma_start3A_1090 : memref<1x1x1x128xi32, #tpu.memory_space<vmem>> -> memref<128xi32, #tpu.memory_space<vmem>>
    %dma_start3A_1092 = arith.constant 0 : i32
    %dma_start3A_1093 = arith.constant 0 : i32
    %dma_start3A_1094 = tpu.memref_slice %arg11[%dma_start3A_1092, %dma_start3A_1093] : memref<10240x128xf32, #tpu.memory_space<vmem_shared>> -> memref<10240x128xf32, #tpu.memory_space<vmem_shared>>
    tpu.enqueue_indirect_dma source(%dma_start3A_1088 : memref<128x128xf32, #tpu.memory_space<vmem>>) target(%dma_start3A_1094 : memref<10240x128xf32, #tpu.memory_space<vmem_shared>>) offsets(%dma_start3A_1091 : memref<128xi32, #tpu.memory_space<vmem>>) semaphore(%arg14 : memref<!tpu.dma_semaphore, #tpu.memory_space<semaphore_mem>>) {add = true}
    %dma_wait3A_1095 = arith.constant 0 : i32
    %dma_wait3A_1096 = arith.constant 0 : i32
    %dma_wait3A_1097 = arith.constant 0 : i32
    %dma_wait3A_1098 = arith.constant 0 : i32
    %dma_wait3A_1099 = tpu.memref_slice %arg9[%dma_wait3A_1095, %dma_wait3A_1096, %dma_wait3A_1097, %dma_wait3A_1098] : memref<3x4x2x128xi32, #tpu.memory_space<vmem>> -> memref<1x4x2x128xi32, #tpu.memory_space<vmem>>
    %dma_wait3A_1100 = tpu.memref_squeeze %dma_wait3A_1099 : memref<1x4x2x128xi32, #tpu.memory_space<vmem>> -> memref<4x2x128xi32, #tpu.memory_space<vmem>>
    %dma_wait3A_1101 = arith.constant 0 : i32
    %dma_wait3A_1102 = arith.constant 0 : i32
    %dma_wait3A_1103 = tpu.memref_slice %arg3[%add3A_4, %dma_wait3A_1101, %dma_wait3A_1102] : memref<2500x2x128xi32, #tpu.memory_space<hbm>> -> memref<4x2x128xi32, #tpu.memory_space<hbm>>
    %dma_wait3A_1104 = arith.constant 0 : i32
    %dma_wait3A_1105 = arith.constant 0 : i32
    %dma_wait3A_1106 = arith.constant 0 : i32
    %dma_wait3A_1107 = tpu.memref_slice %arg9[%dma_wait3A_1095, %dma_wait3A_1104, %dma_wait3A_1105, %dma_wait3A_1106] : memref<3x4x2x128xi32, #tpu.memory_space<vmem>> -> memref<1x4x2x128xi32, #tpu.memory_space<vmem>>
    %dma_wait3A_1108 = tpu.memref_squeeze %dma_wait3A_1107 : memref<1x4x2x128xi32, #tpu.memory_space<vmem>> -> memref<4x2x128xi32, #tpu.memory_space<vmem>>
    %dma_wait3A_1109 = arith.constant 0 : i32
    %dma_wait3A_1110 = arith.constant 0 : i32
    %dma_wait3A_1111 = tpu.memref_slice %arg3[%add3A_4, %dma_wait3A_1109, %dma_wait3A_1110] : memref<2500x2x128xi32, #tpu.memory_space<hbm>> -> memref<4x2x128xi32, #tpu.memory_space<hbm>>
    tpu.wait_dma2 semaphore(%arg12 : memref<!tpu.dma_semaphore, #tpu.memory_space<semaphore_mem>>) src(%dma_wait3A_1111 : memref<4x2x128xi32, #tpu.memory_space<hbm>>) dst(%dma_wait3A_1108 : memref<4x2x128xi32, #tpu.memory_space<vmem>>)
    %add3A_1112 = arith.constant 8 : i32
    %add3A_1113 = arith.addi %add3A_4, %add3A_1112 : i32
    %dma_start3A_1114 = arith.constant 2 : i32
    %dma_start3A_1115 = arith.constant 0 : i32
    %dma_start3A_1116 = arith.constant 0 : i32
    %dma_start3A_1117 = arith.constant 0 : i32
    %dma_start3A_1118 = tpu.memref_slice %arg9[%dma_start3A_1114, %dma_start3A_1115, %dma_start3A_1116, %dma_start3A_1117] : memref<3x4x2x128xi32, #tpu.memory_space<vmem>> -> memref<1x4x2x128xi32, #tpu.memory_space<vmem>>
    %dma_start3A_1119 = tpu.memref_squeeze %dma_start3A_1118 : memref<1x4x2x128xi32, #tpu.memory_space<vmem>> -> memref<4x2x128xi32, #tpu.memory_space<vmem>>
    %dma_start3A_1120 = arith.constant 0 : i32
    %dma_start3A_1121 = arith.constant 0 : i32
    %dma_start3A_1122 = tpu.memref_slice %arg3[%add3A_1113, %dma_start3A_1120, %dma_start3A_1121] : memref<2500x2x128xi32, #tpu.memory_space<hbm>> -> memref<4x2x128xi32, #tpu.memory_space<hbm>>
    %dma_start3A_1123 = arith.constant 0 : i32
    %dma_start3A_1124 = arith.constant 0 : i32
    %dma_start3A_1125 = arith.constant 0 : i32
    %dma_start3A_1126 = tpu.memref_slice %arg9[%dma_start3A_1114, %dma_start3A_1123, %dma_start3A_1124, %dma_start3A_1125] : memref<3x4x2x128xi32, #tpu.memory_space<vmem>> -> memref<1x4x2x128xi32, #tpu.memory_space<vmem>>
    %dma_start3A_1127 = tpu.memref_squeeze %dma_start3A_1126 : memref<1x4x2x128xi32, #tpu.memory_space<vmem>> -> memref<4x2x128xi32, #tpu.memory_space<vmem>>
    %dma_start3A_1128 = arith.constant 0 : i32
    %dma_start3A_1129 = arith.constant 0 : i32
    %dma_start3A_1130 = tpu.memref_slice %arg3[%add3A_1113, %dma_start3A_1128, %dma_start3A_1129] : memref<2500x2x128xi32, #tpu.memory_space<hbm>> -> memref<4x2x128xi32, #tpu.memory_space<hbm>>
    tpu.enqueue_dma source(%dma_start3A_1130 : memref<4x2x128xi32, #tpu.memory_space<hbm>>) target(%dma_start3A_1127 : memref<4x2x128xi32, #tpu.memory_space<vmem>>) target_semaphore(%arg12 : memref<!tpu.dma_semaphore, #tpu.memory_space<semaphore_mem>>)
    %dma_wait3A_1131 = arith.constant 0 : i32
    %dma_wait3A_1132 = arith.constant 0 : i32
    %dma_wait3A_1133 = arith.constant 0 : i32
    %dma_wait3A_1134 = arith.constant 1 : i32
    %dma_wait3A_1135 = arith.constant 0 : i32
    %dma_wait3A_1136 = arith.constant 0 : i32
    %dma_wait3A_1137 = tpu.memref_slice %arg10[%dma_wait3A_1131, %dma_wait3A_1135, %dma_wait3A_1136] : memref<2x128x128xf32, #tpu.memory_space<vmem>> -> memref<1x128x128xf32, #tpu.memory_space<vmem>>
    %dma_wait3A_1138 = tpu.memref_squeeze %dma_wait3A_1137 : memref<1x128x128xf32, #tpu.memory_space<vmem>> -> memref<128x128xf32, #tpu.memory_space<vmem>>
    %dma_wait3A_1139 = arith.constant 0 : i32
    %dma_wait3A_1140 = tpu.memref_slice %arg9[%dma_wait3A_1132, %dma_wait3A_1133, %dma_wait3A_1134, %dma_wait3A_1139] : memref<3x4x2x128xi32, #tpu.memory_space<vmem>> -> memref<1x1x1x128xi32, #tpu.memory_space<vmem>>
    %dma_wait3A_1141 = tpu.memref_squeeze %dma_wait3A_1140 : memref<1x1x1x128xi32, #tpu.memory_space<vmem>> -> memref<128xi32, #tpu.memory_space<vmem>>
    %dma_wait3A_1142 = arith.constant 0 : i32
    %dma_wait3A_1143 = arith.constant 0 : i32
    %dma_wait3A_1144 = tpu.memref_slice %arg11[%dma_wait3A_1142, %dma_wait3A_1143] : memref<10240x128xf32, #tpu.memory_space<vmem_shared>> -> memref<10240x128xf32, #tpu.memory_space<vmem_shared>>
    tpu.wait_indirect_dma semaphore(%arg14 : memref<!tpu.dma_semaphore, #tpu.memory_space<semaphore_mem>>) src(%dma_wait3A_1138 : memref<128x128xf32, #tpu.memory_space<vmem>>) dst(%dma_wait3A_1144 : memref<10240x128xf32, #tpu.memory_space<vmem_shared>>)
    %dma_start3A_1145 = arith.constant 1 : i32
    %dma_start3A_1146 = arith.constant 0 : i32
    %dma_start3A_1147 = arith.constant 0 : i32
    %dma_start3A_1148 = arith.constant 0 : i32
    %dma_start3A_1149 = arith.constant 0 : i32
    %dma_start3A_1150 = arith.constant 0 : i32
    %dma_start3A_1151 = tpu.memref_slice %arg10[%dma_start3A_1148, %dma_start3A_1149, %dma_start3A_1150] : memref<2x128x128xf32, #tpu.memory_space<vmem>> -> memref<1x128x128xf32, #tpu.memory_space<vmem>>
    %dma_start3A_1152 = tpu.memref_squeeze %dma_start3A_1151 : memref<1x128x128xf32, #tpu.memory_space<vmem>> -> memref<128x128xf32, #tpu.memory_space<vmem>>
    %dma_start3A_1153 = arith.constant 0 : i32
    %dma_start3A_1154 = tpu.memref_slice %arg9[%dma_start3A_1145, %dma_start3A_1146, %dma_start3A_1147, %dma_start3A_1153] : memref<3x4x2x128xi32, #tpu.memory_space<vmem>> -> memref<1x1x1x128xi32, #tpu.memory_space<vmem>>
    %dma_start3A_1155 = tpu.memref_squeeze %dma_start3A_1154 : memref<1x1x1x128xi32, #tpu.memory_space<vmem>> -> memref<128xi32, #tpu.memory_space<vmem>>
    %dma_start3A_1156 = arith.constant 0 : i32
    %dma_start3A_1157 = arith.constant 0 : i32
    %dma_start3A_1158 = tpu.memref_slice %arg5[%dma_start3A_1156, %dma_start3A_1157] : memref<10240x128xf32, #tpu.memory_space<hbm>> -> memref<10240x128xf32, #tpu.memory_space<hbm>>
    tpu.enqueue_indirect_dma source(%dma_start3A_1158 : memref<10240x128xf32, #tpu.memory_space<hbm>>) target(%dma_start3A_1152 : memref<128x128xf32, #tpu.memory_space<vmem>>) offsets(%dma_start3A_1155 : memref<128xi32, #tpu.memory_space<vmem>>) semaphore(%arg13 : memref<!tpu.dma_semaphore, #tpu.memory_space<semaphore_mem>>)
    %dma_wait3A_1159 = arith.constant 0 : i32
    %dma_wait3A_1160 = arith.constant 0 : i32
    %dma_wait3A_1161 = arith.constant 0 : i32
    %dma_wait3A_1162 = arith.constant 1 : i32
    %dma_wait3A_1163 = arith.constant 0 : i32
    %dma_wait3A_1164 = arith.constant 0 : i32
    %dma_wait3A_1165 = tpu.memref_slice %arg10[%dma_wait3A_1162, %dma_wait3A_1163, %dma_wait3A_1164] : memref<2x128x128xf32, #tpu.memory_space<vmem>> -> memref<1x128x128xf32, #tpu.memory_space<vmem>>
    %dma_wait3A_1166 = tpu.memref_squeeze %dma_wait3A_1165 : memref<1x128x128xf32, #tpu.memory_space<vmem>> -> memref<128x128xf32, #tpu.memory_space<vmem>>
    %dma_wait3A_1167 = arith.constant 0 : i32
    %dma_wait3A_1168 = tpu.memref_slice %arg9[%dma_wait3A_1159, %dma_wait3A_1160, %dma_wait3A_1161, %dma_wait3A_1167] : memref<3x4x2x128xi32, #tpu.memory_space<vmem>> -> memref<1x1x1x128xi32, #tpu.memory_space<vmem>>
    %dma_wait3A_1169 = tpu.memref_squeeze %dma_wait3A_1168 : memref<1x1x1x128xi32, #tpu.memory_space<vmem>> -> memref<128xi32, #tpu.memory_space<vmem>>
    %dma_wait3A_1170 = arith.constant 0 : i32
    %dma_wait3A_1171 = arith.constant 0 : i32
    %dma_wait3A_1172 = tpu.memref_slice %arg5[%dma_wait3A_1170, %dma_wait3A_1171] : memref<10240x128xf32, #tpu.memory_space<hbm>> -> memref<10240x128xf32, #tpu.memory_space<hbm>>
    tpu.wait_indirect_dma semaphore(%arg13 : memref<!tpu.dma_semaphore, #tpu.memory_space<semaphore_mem>>) src(%dma_wait3A_1172 : memref<10240x128xf32, #tpu.memory_space<hbm>>) dst(%dma_wait3A_1166 : memref<128x128xf32, #tpu.memory_space<vmem>>)
    %dma_start3A_1173 = arith.constant 1 : i32
    %dma_start3A_1174 = arith.constant 0 : i32
    %dma_start3A_1175 = arith.constant 3 : i32
    %dma_start3A_1176 = arith.constant 1 : i32
    %dma_start3A_1177 = arith.constant 0 : i32
    %dma_start3A_1178 = arith.constant 0 : i32
    %dma_start3A_1179 = tpu.memref_slice %arg10[%dma_start3A_1173, %dma_start3A_1177, %dma_start3A_1178] : memref<2x128x128xf32, #tpu.memory_space<vmem>> -> memref<1x128x128xf32, #tpu.memory_space<vmem>>
    %dma_start3A_1180 = tpu.memref_squeeze %dma_start3A_1179 : memref<1x128x128xf32, #tpu.memory_space<vmem>> -> memref<128x128xf32, #tpu.memory_space<vmem>>
    %dma_start3A_1181 = arith.constant 0 : i32
    %dma_start3A_1182 = tpu.memref_slice %arg9[%dma_start3A_1174, %dma_start3A_1175, %dma_start3A_1176, %dma_start3A_1181] : memref<3x4x2x128xi32, #tpu.memory_space<vmem>> -> memref<1x1x1x128xi32, #tpu.memory_space<vmem>>
    %dma_start3A_1183 = tpu.memref_squeeze %dma_start3A_1182 : memref<1x1x1x128xi32, #tpu.memory_space<vmem>> -> memref<128xi32, #tpu.memory_space<vmem>>
    %dma_start3A_1184 = arith.constant 0 : i32
    %dma_start3A_1185 = arith.constant 0 : i32
    %dma_start3A_1186 = tpu.memref_slice %arg11[%dma_start3A_1184, %dma_start3A_1185] : memref<10240x128xf32, #tpu.memory_space<vmem_shared>> -> memref<10240x128xf32, #tpu.memory_space<vmem_shared>>
    tpu.enqueue_indirect_dma source(%dma_start3A_1180 : memref<128x128xf32, #tpu.memory_space<vmem>>) target(%dma_start3A_1186 : memref<10240x128xf32, #tpu.memory_space<vmem_shared>>) offsets(%dma_start3A_1183 : memref<128xi32, #tpu.memory_space<vmem>>) semaphore(%arg14 : memref<!tpu.dma_semaphore, #tpu.memory_space<semaphore_mem>>) {add = true}
    %scan3A_1187 = arith.constant 0 : i32
    %scan3A_1188 = arith.constant 1 : i32
    %scan3A_1189 = arith.constant 16 : i32
    %scan3A_1190 = arith.addi %scan3A_1188, %scan3A_1189 : i32
    %scan3A_1191 = arith.constant 1 : i32
    scf.for %scan3A_1793 = %scan3A_1188 to %scan3A_1190 step %scan3A_1191  : i32 {
      %jit3A = arith.constant 3 : i32
      %eq3A = arith.constant 0 : i32
      %eq3A_1794 = arith.cmpi eq, %jit3A, %eq3A : i32
      %jit3A_1795 = arith.constant 1 : i32
      %select_n3A = arith.select %eq3A_1794, %jit3A_1795, %jit3A : i32
      %rem3A = arith.remsi %scan3A_1793, %select_n3A : i32
      %ne3A = arith.constant 0 : i32
      %ne3A_1796 = arith.cmpi ne, %rem3A, %ne3A : i32
      %lt3A_1797 = arith.constant 0 : i32
      %lt3A_1798 = arith.cmpi slt, %rem3A, %lt3A_1797 : i32
      %lt3A_1799 = arith.constant 0 : i32
      %lt3A_1800 = arith.cmpi slt, %select_n3A, %lt3A_1799 : i32
      %ne3A_1801 = arith.xori %lt3A_1798, %lt3A_1800 : i1
      %and3A = arith.andi %ne3A_1801, %ne3A_1796 : i1
      %add3A_1802 = arith.addi %rem3A, %select_n3A : i32
      %select_n3A_1803 = arith.select %and3A, %add3A_1802, %rem3A : i32
      %add3A_1804 = arith.constant 1 : i32
      %add3A_1805 = arith.addi %scan3A_1793, %add3A_1804 : i32
      %jit3A_1806 = arith.constant 3 : i32
      %eq3A_1807 = arith.constant 0 : i32
      %eq3A_1808 = arith.cmpi eq, %jit3A_1806, %eq3A_1807 : i32
      %jit3A_1809 = arith.constant 1 : i32
      %select_n3A_1810 = arith.select %eq3A_1808, %jit3A_1809, %jit3A_1806 : i32
      %rem3A_1811 = arith.remsi %add3A_1805, %select_n3A_1810 : i32
      %ne3A_1812 = arith.constant 0 : i32
      %ne3A_1813 = arith.cmpi ne, %rem3A_1811, %ne3A_1812 : i32
      %lt3A_1814 = arith.constant 0 : i32
      %lt3A_1815 = arith.cmpi slt, %rem3A_1811, %lt3A_1814 : i32
      %lt3A_1816 = arith.constant 0 : i32
      %lt3A_1817 = arith.cmpi slt, %select_n3A_1810, %lt3A_1816 : i32
      %ne3A_1818 = arith.xori %lt3A_1815, %lt3A_1817 : i1
      %and3A_1819 = arith.andi %ne3A_1818, %ne3A_1813 : i1
      %add3A_1820 = arith.addi %rem3A_1811, %select_n3A_1810 : i32
      %select_n3A_1821 = arith.select %and3A_1819, %add3A_1820, %rem3A_1811 : i32
      %add3A_1822 = arith.constant 2 : i32
      %add3A_1823 = arith.addi %scan3A_1793, %add3A_1822 : i32
      %jit3A_1824 = arith.constant 3 : i32
      %eq3A_1825 = arith.constant 0 : i32
      %eq3A_1826 = arith.cmpi eq, %jit3A_1824, %eq3A_1825 : i32
      %jit3A_1827 = arith.constant 1 : i32
      %select_n3A_1828 = arith.select %eq3A_1826, %jit3A_1827, %jit3A_1824 : i32
      %rem3A_1829 = arith.remsi %add3A_1823, %select_n3A_1828 : i32
      %ne3A_1830 = arith.constant 0 : i32
      %ne3A_1831 = arith.cmpi ne, %rem3A_1829, %ne3A_1830 : i32
      %lt3A_1832 = arith.constant 0 : i32
      %lt3A_1833 = arith.cmpi slt, %rem3A_1829, %lt3A_1832 : i32
      %lt3A_1834 = arith.constant 0 : i32
      %lt3A_1835 = arith.cmpi slt, %select_n3A_1828, %lt3A_1834 : i32
      %ne3A_1836 = arith.xori %lt3A_1833, %lt3A_1835 : i1
      %and3A_1837 = arith.andi %ne3A_1836, %ne3A_1831 : i1
      %add3A_1838 = arith.addi %rem3A_1829, %select_n3A_1828 : i32
      %select_n3A_1839 = arith.select %and3A_1837, %add3A_1838, %rem3A_1829 : i32
      %dma_wait3A_1840 = arith.constant 0 : i32
      %dma_wait3A_1841 = arith.constant 0 : i32
      %dma_wait3A_1842 = arith.constant 0 : i32
      %dma_wait3A_1843 = arith.constant 1 : i32
      %dma_wait3A_1844 = arith.constant 0 : i32
      %dma_wait3A_1845 = arith.constant 0 : i32
      %dma_wait3A_1846 = tpu.memref_slice %arg10[%dma_wait3A_1840, %dma_wait3A_1844, %dma_wait3A_1845] : memref<2x128x128xf32, #tpu.memory_space<vmem>> -> memref<1x128x128xf32, #tpu.memory_space<vmem>>
      %dma_wait3A_1847 = tpu.memref_squeeze %dma_wait3A_1846 : memref<1x128x128xf32, #tpu.memory_space<vmem>> -> memref<128x128xf32, #tpu.memory_space<vmem>>
      %dma_wait3A_1848 = arith.constant 0 : i32
      %dma_wait3A_1849 = tpu.memref_slice %arg9[%dma_wait3A_1841, %dma_wait3A_1842, %dma_wait3A_1843, %dma_wait3A_1848] : memref<3x4x2x128xi32, #tpu.memory_space<vmem>> -> memref<1x1x1x128xi32, #tpu.memory_space<vmem>>
      %dma_wait3A_1850 = tpu.memref_squeeze %dma_wait3A_1849 : memref<1x1x1x128xi32, #tpu.memory_space<vmem>> -> memref<128xi32, #tpu.memory_space<vmem>>
      %dma_wait3A_1851 = arith.constant 0 : i32
      %dma_wait3A_1852 = arith.constant 0 : i32
      %dma_wait3A_1853 = tpu.memref_slice %arg11[%dma_wait3A_1851, %dma_wait3A_1852] : memref<10240x128xf32, #tpu.memory_space<vmem_shared>> -> memref<10240x128xf32, #tpu.memory_space<vmem_shared>>
      tpu.wait_indirect_dma semaphore(%arg14 : memref<!tpu.dma_semaphore, #tpu.memory_space<semaphore_mem>>) src(%dma_wait3A_1847 : memref<128x128xf32, #tpu.memory_space<vmem>>) dst(%dma_wait3A_1853 : memref<10240x128xf32, #tpu.memory_space<vmem_shared>>)
      %dma_start3A_1854 = arith.constant 1 : i32
      %dma_start3A_1855 = arith.constant 0 : i32
      %dma_start3A_1856 = arith.constant 1 : i32
      %dma_start3A_1857 = arith.constant 0 : i32
      %dma_start3A_1858 = arith.constant 0 : i32
      %dma_start3A_1859 = tpu.memref_slice %arg10[%dma_start3A_1856, %dma_start3A_1857, %dma_start3A_1858] : memref<2x128x128xf32, #tpu.memory_space<vmem>> -> memref<1x128x128xf32, #tpu.memory_space<vmem>>
      %dma_start3A_1860 = tpu.memref_squeeze %dma_start3A_1859 : memref<1x128x128xf32, #tpu.memory_space<vmem>> -> memref<128x128xf32, #tpu.memory_space<vmem>>
      %dma_start3A_1861 = arith.constant 0 : i32
      %dma_start3A_1862 = tpu.memref_slice %arg9[%select_n3A_1803, %dma_start3A_1854, %dma_start3A_1855, %dma_start3A_1861] : memref<3x4x2x128xi32, #tpu.memory_space<vmem>> -> memref<1x1x1x128xi32, #tpu.memory_space<vmem>>
      %dma_start3A_1863 = tpu.memref_squeeze %dma_start3A_1862 : memref<1x1x1x128xi32, #tpu.memory_space<vmem>> -> memref<128xi32, #tpu.memory_space<vmem>>
      %dma_start3A_1864 = arith.constant 0 : i32
      %dma_start3A_1865 = arith.constant 0 : i32
      %dma_start3A_1866 = tpu.memref_slice %arg5[%dma_start3A_1864, %dma_start3A_1865] : memref<10240x128xf32, #tpu.memory_space<hbm>> -> memref<10240x128xf32, #tpu.memory_space<hbm>>
      tpu.enqueue_indirect_dma source(%dma_start3A_1866 : memref<10240x128xf32, #tpu.memory_space<hbm>>) target(%dma_start3A_1860 : memref<128x128xf32, #tpu.memory_space<vmem>>) offsets(%dma_start3A_1863 : memref<128xi32, #tpu.memory_space<vmem>>) semaphore(%arg13 : memref<!tpu.dma_semaphore, #tpu.memory_space<semaphore_mem>>)
      %dma_wait3A_1867 = arith.constant 0 : i32
      %dma_wait3A_1868 = arith.constant 0 : i32
      %dma_wait3A_1869 = arith.constant 0 : i32
      %dma_wait3A_1870 = arith.constant 0 : i32
      %dma_wait3A_1871 = arith.constant 0 : i32
      %dma_wait3A_1872 = arith.constant 0 : i32
      %dma_wait3A_1873 = tpu.memref_slice %arg10[%dma_wait3A_1870, %dma_wait3A_1871, %dma_wait3A_1872] : memref<2x128x128xf32, #tpu.memory_space<vmem>> -> memref<1x128x128xf32, #tpu.memory_space<vmem>>
      %dma_wait3A_1874 = tpu.memref_squeeze %dma_wait3A_1873 : memref<1x128x128xf32, #tpu.memory_space<vmem>> -> memref<128x128xf32, #tpu.memory_space<vmem>>
      %dma_wait3A_1875 = arith.constant 0 : i32
      %dma_wait3A_1876 = tpu.memref_slice %arg9[%dma_wait3A_1867, %dma_wait3A_1868, %dma_wait3A_1869, %dma_wait3A_1875] : memref<3x4x2x128xi32, #tpu.memory_space<vmem>> -> memref<1x1x1x128xi32, #tpu.memory_space<vmem>>
      %dma_wait3A_1877 = tpu.memref_squeeze %dma_wait3A_1876 : memref<1x1x1x128xi32, #tpu.memory_space<vmem>> -> memref<128xi32, #tpu.memory_space<vmem>>
      %dma_wait3A_1878 = arith.constant 0 : i32
      %dma_wait3A_1879 = arith.constant 0 : i32
      %dma_wait3A_1880 = tpu.memref_slice %arg5[%dma_wait3A_1878, %dma_wait3A_1879] : memref<10240x128xf32, #tpu.memory_space<hbm>> -> memref<10240x128xf32, #tpu.memory_space<hbm>>
      tpu.wait_indirect_dma semaphore(%arg13 : memref<!tpu.dma_semaphore, #tpu.memory_space<semaphore_mem>>) src(%dma_wait3A_1880 : memref<10240x128xf32, #tpu.memory_space<hbm>>) dst(%dma_wait3A_1874 : memref<128x128xf32, #tpu.memory_space<vmem>>)
      %dma_start3A_1881 = arith.constant 0 : i32
      %dma_start3A_1882 = arith.constant 0 : i32
      %dma_start3A_1883 = arith.constant 1 : i32
      %dma_start3A_1884 = arith.constant 0 : i32
      %dma_start3A_1885 = arith.constant 0 : i32
      %dma_start3A_1886 = tpu.memref_slice %arg10[%dma_start3A_1881, %dma_start3A_1884, %dma_start3A_1885] : memref<2x128x128xf32, #tpu.memory_space<vmem>> -> memref<1x128x128xf32, #tpu.memory_space<vmem>>
      %dma_start3A_1887 = tpu.memref_squeeze %dma_start3A_1886 : memref<1x128x128xf32, #tpu.memory_space<vmem>> -> memref<128x128xf32, #tpu.memory_space<vmem>>
      %dma_start3A_1888 = arith.constant 0 : i32
      %dma_start3A_1889 = tpu.memref_slice %arg9[%select_n3A_1803, %dma_start3A_1882, %dma_start3A_1883, %dma_start3A_1888] : memref<3x4x2x128xi32, #tpu.memory_space<vmem>> -> memref<1x1x1x128xi32, #tpu.memory_space<vmem>>
      %dma_start3A_1890 = tpu.memref_squeeze %dma_start3A_1889 : memref<1x1x1x128xi32, #tpu.memory_space<vmem>> -> memref<128xi32, #tpu.memory_space<vmem>>
      %dma_start3A_1891 = arith.constant 0 : i32
      %dma_start3A_1892 = arith.constant 0 : i32
      %dma_start3A_1893 = tpu.memref_slice %arg11[%dma_start3A_1891, %dma_start3A_1892] : memref<10240x128xf32, #tpu.memory_space<vmem_shared>> -> memref<10240x128xf32, #tpu.memory_space<vmem_shared>>
      tpu.enqueue_indirect_dma source(%dma_start3A_1887 : memref<128x128xf32, #tpu.memory_space<vmem>>) target(%dma_start3A_1893 : memref<10240x128xf32, #tpu.memory_space<vmem_shared>>) offsets(%dma_start3A_1890 : memref<128xi32, #tpu.memory_space<vmem>>) semaphore(%arg14 : memref<!tpu.dma_semaphore, #tpu.memory_space<semaphore_mem>>) {add = true}
      %dma_wait3A_1894 = arith.constant 0 : i32
      %dma_wait3A_1895 = arith.constant 0 : i32
      %dma_wait3A_1896 = arith.constant 0 : i32
      %dma_wait3A_1897 = arith.constant 1 : i32
      %dma_wait3A_1898 = arith.constant 0 : i32
      %dma_wait3A_1899 = arith.constant 0 : i32
      %dma_wait3A_1900 = tpu.memref_slice %arg10[%dma_wait3A_1894, %dma_wait3A_1898, %dma_wait3A_1899] : memref<2x128x128xf32, #tpu.memory_space<vmem>> -> memref<1x128x128xf32, #tpu.memory_space<vmem>>
      %dma_wait3A_1901 = tpu.memref_squeeze %dma_wait3A_1900 : memref<1x128x128xf32, #tpu.memory_space<vmem>> -> memref<128x128xf32, #tpu.memory_space<vmem>>
      %dma_wait3A_1902 = arith.constant 0 : i32
      %dma_wait3A_1903 = tpu.memref_slice %arg9[%dma_wait3A_1895, %dma_wait3A_1896, %dma_wait3A_1897, %dma_wait3A_1902] : memref<3x4x2x128xi32, #tpu.memory_space<vmem>> -> memref<1x1x1x128xi32, #tpu.memory_space<vmem>>
      %dma_wait3A_1904 = tpu.memref_squeeze %dma_wait3A_1903 : memref<1x1x1x128xi32, #tpu.memory_space<vmem>> -> memref<128xi32, #tpu.memory_space<vmem>>
      %dma_wait3A_1905 = arith.constant 0 : i32
      %dma_wait3A_1906 = arith.constant 0 : i32
      %dma_wait3A_1907 = tpu.memref_slice %arg11[%dma_wait3A_1905, %dma_wait3A_1906] : memref<10240x128xf32, #tpu.memory_space<vmem_shared>> -> memref<10240x128xf32, #tpu.memory_space<vmem_shared>>
      tpu.wait_indirect_dma semaphore(%arg14 : memref<!tpu.dma_semaphore, #tpu.memory_space<semaphore_mem>>) src(%dma_wait3A_1901 : memref<128x128xf32, #tpu.memory_space<vmem>>) dst(%dma_wait3A_1907 : memref<10240x128xf32, #tpu.memory_space<vmem_shared>>)
      %dma_start3A_1908 = arith.constant 2 : i32
      %dma_start3A_1909 = arith.constant 0 : i32
      %dma_start3A_1910 = arith.constant 0 : i32
      %dma_start3A_1911 = arith.constant 0 : i32
      %dma_start3A_1912 = arith.constant 0 : i32
      %dma_start3A_1913 = tpu.memref_slice %arg10[%dma_start3A_1910, %dma_start3A_1911, %dma_start3A_1912] : memref<2x128x128xf32, #tpu.memory_space<vmem>> -> memref<1x128x128xf32, #tpu.memory_space<vmem>>
      %dma_start3A_1914 = tpu.memref_squeeze %dma_start3A_1913 : memref<1x128x128xf32, #tpu.memory_space<vmem>> -> memref<128x128xf32, #tpu.memory_space<vmem>>
      %dma_start3A_1915 = arith.constant 0 : i32
      %dma_start3A_1916 = tpu.memref_slice %arg9[%select_n3A_1803, %dma_start3A_1908, %dma_start3A_1909, %dma_start3A_1915] : memref<3x4x2x128xi32, #tpu.memory_space<vmem>> -> memref<1x1x1x128xi32, #tpu.memory_space<vmem>>
      %dma_start3A_1917 = tpu.memref_squeeze %dma_start3A_1916 : memref<1x1x1x128xi32, #tpu.memory_space<vmem>> -> memref<128xi32, #tpu.memory_space<vmem>>
      %dma_start3A_1918 = arith.constant 0 : i32
      %dma_start3A_1919 = arith.constant 0 : i32
      %dma_start3A_1920 = tpu.memref_slice %arg5[%dma_start3A_1918, %dma_start3A_1919] : memref<10240x128xf32, #tpu.memory_space<hbm>> -> memref<10240x128xf32, #tpu.memory_space<hbm>>
      tpu.enqueue_indirect_dma source(%dma_start3A_1920 : memref<10240x128xf32, #tpu.memory_space<hbm>>) target(%dma_start3A_1914 : memref<128x128xf32, #tpu.memory_space<vmem>>) offsets(%dma_start3A_1917 : memref<128xi32, #tpu.memory_space<vmem>>) semaphore(%arg13 : memref<!tpu.dma_semaphore, #tpu.memory_space<semaphore_mem>>)
      %dma_wait3A_1921 = arith.constant 0 : i32
      %dma_wait3A_1922 = arith.constant 0 : i32
      %dma_wait3A_1923 = arith.constant 0 : i32
      %dma_wait3A_1924 = arith.constant 1 : i32
      %dma_wait3A_1925 = arith.constant 0 : i32
      %dma_wait3A_1926 = arith.constant 0 : i32
      %dma_wait3A_1927 = tpu.memref_slice %arg10[%dma_wait3A_1924, %dma_wait3A_1925, %dma_wait3A_1926] : memref<2x128x128xf32, #tpu.memory_space<vmem>> -> memref<1x128x128xf32, #tpu.memory_space<vmem>>
      %dma_wait3A_1928 = tpu.memref_squeeze %dma_wait3A_1927 : memref<1x128x128xf32, #tpu.memory_space<vmem>> -> memref<128x128xf32, #tpu.memory_space<vmem>>
      %dma_wait3A_1929 = arith.constant 0 : i32
      %dma_wait3A_1930 = tpu.memref_slice %arg9[%dma_wait3A_1921, %dma_wait3A_1922, %dma_wait3A_1923, %dma_wait3A_1929] : memref<3x4x2x128xi32, #tpu.memory_space<vmem>> -> memref<1x1x1x128xi32, #tpu.memory_space<vmem>>
      %dma_wait3A_1931 = tpu.memref_squeeze %dma_wait3A_1930 : memref<1x1x1x128xi32, #tpu.memory_space<vmem>> -> memref<128xi32, #tpu.memory_space<vmem>>
      %dma_wait3A_1932 = arith.constant 0 : i32
      %dma_wait3A_1933 = arith.constant 0 : i32
      %dma_wait3A_1934 = tpu.memref_slice %arg5[%dma_wait3A_1932, %dma_wait3A_1933] : memref<10240x128xf32, #tpu.memory_space<hbm>> -> memref<10240x128xf32, #tpu.memory_space<hbm>>
      tpu.wait_indirect_dma semaphore(%arg13 : memref<!tpu.dma_semaphore, #tpu.memory_space<semaphore_mem>>) src(%dma_wait3A_1934 : memref<10240x128xf32, #tpu.memory_space<hbm>>) dst(%dma_wait3A_1928 : memref<128x128xf32, #tpu.memory_space<vmem>>)
      %dma_start3A_1935 = arith.constant 1 : i32
      %dma_start3A_1936 = arith.constant 1 : i32
      %dma_start3A_1937 = arith.constant 1 : i32
      %dma_start3A_1938 = arith.constant 0 : i32
      %dma_start3A_1939 = arith.constant 0 : i32
      %dma_start3A_1940 = tpu.memref_slice %arg10[%dma_start3A_1935, %dma_start3A_1938, %dma_start3A_1939] : memref<2x128x128xf32, #tpu.memory_space<vmem>> -> memref<1x128x128xf32, #tpu.memory_space<vmem>>
      %dma_start3A_1941 = tpu.memref_squeeze %dma_start3A_1940 : memref<1x128x128xf32, #tpu.memory_space<vmem>> -> memref<128x128xf32, #tpu.memory_space<vmem>>
      %dma_start3A_1942 = arith.constant 0 : i32
      %dma_start3A_1943 = tpu.memref_slice %arg9[%select_n3A_1803, %dma_start3A_1936, %dma_start3A_1937, %dma_start3A_1942] : memref<3x4x2x128xi32, #tpu.memory_space<vmem>> -> memref<1x1x1x128xi32, #tpu.memory_space<vmem>>
      %dma_start3A_1944 = tpu.memref_squeeze %dma_start3A_1943 : memref<1x1x1x128xi32, #tpu.memory_space<vmem>> -> memref<128xi32, #tpu.memory_space<vmem>>
      %dma_start3A_1945 = arith.constant 0 : i32
      %dma_start3A_1946 = arith.constant 0 : i32
      %dma_start3A_1947 = tpu.memref_slice %arg11[%dma_start3A_1945, %dma_start3A_1946] : memref<10240x128xf32, #tpu.memory_space<vmem_shared>> -> memref<10240x128xf32, #tpu.memory_space<vmem_shared>>
      tpu.enqueue_indirect_dma source(%dma_start3A_1941 : memref<128x128xf32, #tpu.memory_space<vmem>>) target(%dma_start3A_1947 : memref<10240x128xf32, #tpu.memory_space<vmem_shared>>) offsets(%dma_start3A_1944 : memref<128xi32, #tpu.memory_space<vmem>>) semaphore(%arg14 : memref<!tpu.dma_semaphore, #tpu.memory_space<semaphore_mem>>) {add = true}
      %dma_wait3A_1948 = arith.constant 0 : i32
      %dma_wait3A_1949 = arith.constant 0 : i32
      %dma_wait3A_1950 = arith.constant 0 : i32
      %dma_wait3A_1951 = arith.constant 1 : i32
      %dma_wait3A_1952 = arith.constant 0 : i32
      %dma_wait3A_1953 = arith.constant 0 : i32
      %dma_wait3A_1954 = tpu.memref_slice %arg10[%dma_wait3A_1948, %dma_wait3A_1952, %dma_wait3A_1953] : memref<2x128x128xf32, #tpu.memory_space<vmem>> -> memref<1x128x128xf32, #tpu.memory_space<vmem>>
      %dma_wait3A_1955 = tpu.memref_squeeze %dma_wait3A_1954 : memref<1x128x128xf32, #tpu.memory_space<vmem>> -> memref<128x128xf32, #tpu.memory_space<vmem>>
      %dma_wait3A_1956 = arith.constant 0 : i32
      %dma_wait3A_1957 = tpu.memref_slice %arg9[%dma_wait3A_1949, %dma_wait3A_1950, %dma_wait3A_1951, %dma_wait3A_1956] : memref<3x4x2x128xi32, #tpu.memory_space<vmem>> -> memref<1x1x1x128xi32, #tpu.memory_space<vmem>>
      %dma_wait3A_1958 = tpu.memref_squeeze %dma_wait3A_1957 : memref<1x1x1x128xi32, #tpu.memory_space<vmem>> -> memref<128xi32, #tpu.memory_space<vmem>>
      %dma_wait3A_1959 = arith.constant 0 : i32
      %dma_wait3A_1960 = arith.constant 0 : i32
      %dma_wait3A_1961 = tpu.memref_slice %arg11[%dma_wait3A_1959, %dma_wait3A_1960] : memref<10240x128xf32, #tpu.memory_space<vmem_shared>> -> memref<10240x128xf32, #tpu.memory_space<vmem_shared>>
      tpu.wait_indirect_dma semaphore(%arg14 : memref<!tpu.dma_semaphore, #tpu.memory_space<semaphore_mem>>) src(%dma_wait3A_1955 : memref<128x128xf32, #tpu.memory_space<vmem>>) dst(%dma_wait3A_1961 : memref<10240x128xf32, #tpu.memory_space<vmem_shared>>)
      %dma_start3A_1962 = arith.constant 3 : i32
      %dma_start3A_1963 = arith.constant 0 : i32
      %dma_start3A_1964 = arith.constant 1 : i32
      %dma_start3A_1965 = arith.constant 0 : i32
      %dma_start3A_1966 = arith.constant 0 : i32
      %dma_start3A_1967 = tpu.memref_slice %arg10[%dma_start3A_1964, %dma_start3A_1965, %dma_start3A_1966] : memref<2x128x128xf32, #tpu.memory_space<vmem>> -> memref<1x128x128xf32, #tpu.memory_space<vmem>>
      %dma_start3A_1968 = tpu.memref_squeeze %dma_start3A_1967 : memref<1x128x128xf32, #tpu.memory_space<vmem>> -> memref<128x128xf32, #tpu.memory_space<vmem>>
      %dma_start3A_1969 = arith.constant 0 : i32
      %dma_start3A_1970 = tpu.memref_slice %arg9[%select_n3A_1803, %dma_start3A_1962, %dma_start3A_1963, %dma_start3A_1969] : memref<3x4x2x128xi32, #tpu.memory_space<vmem>> -> memref<1x1x1x128xi32, #tpu.memory_space<vmem>>
      %dma_start3A_1971 = tpu.memref_squeeze %dma_start3A_1970 : memref<1x1x1x128xi32, #tpu.memory_space<vmem>> -> memref<128xi32, #tpu.memory_space<vmem>>
      %dma_start3A_1972 = arith.constant 0 : i32
      %dma_start3A_1973 = arith.constant 0 : i32
      %dma_start3A_1974 = tpu.memref_slice %arg5[%dma_start3A_1972, %dma_start3A_1973] : memref<10240x128xf32, #tpu.memory_space<hbm>> -> memref<10240x128xf32, #tpu.memory_space<hbm>>
      tpu.enqueue_indirect_dma source(%dma_start3A_1974 : memref<10240x128xf32, #tpu.memory_space<hbm>>) target(%dma_start3A_1968 : memref<128x128xf32, #tpu.memory_space<vmem>>) offsets(%dma_start3A_1971 : memref<128xi32, #tpu.memory_space<vmem>>) semaphore(%arg13 : memref<!tpu.dma_semaphore, #tpu.memory_space<semaphore_mem>>)
      %dma_wait3A_1975 = arith.constant 0 : i32
      %dma_wait3A_1976 = arith.constant 0 : i32
      %dma_wait3A_1977 = arith.constant 0 : i32
      %dma_wait3A_1978 = arith.constant 0 : i32
      %dma_wait3A_1979 = arith.constant 0 : i32
      %dma_wait3A_1980 = arith.constant 0 : i32
      %dma_wait3A_1981 = tpu.memref_slice %arg10[%dma_wait3A_1978, %dma_wait3A_1979, %dma_wait3A_1980] : memref<2x128x128xf32, #tpu.memory_space<vmem>> -> memref<1x128x128xf32, #tpu.memory_space<vmem>>
      %dma_wait3A_1982 = tpu.memref_squeeze %dma_wait3A_1981 : memref<1x128x128xf32, #tpu.memory_space<vmem>> -> memref<128x128xf32, #tpu.memory_space<vmem>>
      %dma_wait3A_1983 = arith.constant 0 : i32
      %dma_wait3A_1984 = tpu.memref_slice %arg9[%dma_wait3A_1975, %dma_wait3A_1976, %dma_wait3A_1977, %dma_wait3A_1983] : memref<3x4x2x128xi32, #tpu.memory_space<vmem>> -> memref<1x1x1x128xi32, #tpu.memory_space<vmem>>
      %dma_wait3A_1985 = tpu.memref_squeeze %dma_wait3A_1984 : memref<1x1x1x128xi32, #tpu.memory_space<vmem>> -> memref<128xi32, #tpu.memory_space<vmem>>
      %dma_wait3A_1986 = arith.constant 0 : i32
      %dma_wait3A_1987 = arith.constant 0 : i32
      %dma_wait3A_1988 = tpu.memref_slice %arg5[%dma_wait3A_1986, %dma_wait3A_1987] : memref<10240x128xf32, #tpu.memory_space<hbm>> -> memref<10240x128xf32, #tpu.memory_space<hbm>>
      tpu.wait_indirect_dma semaphore(%arg13 : memref<!tpu.dma_semaphore, #tpu.memory_space<semaphore_mem>>) src(%dma_wait3A_1988 : memref<10240x128xf32, #tpu.memory_space<hbm>>) dst(%dma_wait3A_1982 : memref<128x128xf32, #tpu.memory_space<vmem>>)
      %dma_start3A_1989 = arith.constant 0 : i32
      %dma_start3A_1990 = arith.constant 2 : i32
      %dma_start3A_1991 = arith.constant 1 : i32
      %dma_start3A_1992 = arith.constant 0 : i32
      %dma_start3A_1993 = arith.constant 0 : i32
      %dma_start3A_1994 = tpu.memref_slice %arg10[%dma_start3A_1989, %dma_start3A_1992, %dma_start3A_1993] : memref<2x128x128xf32, #tpu.memory_space<vmem>> -> memref<1x128x128xf32, #tpu.memory_space<vmem>>
      %dma_start3A_1995 = tpu.memref_squeeze %dma_start3A_1994 : memref<1x128x128xf32, #tpu.memory_space<vmem>> -> memref<128x128xf32, #tpu.memory_space<vmem>>
      %dma_start3A_1996 = arith.constant 0 : i32
      %dma_start3A_1997 = tpu.memref_slice %arg9[%select_n3A_1803, %dma_start3A_1990, %dma_start3A_1991, %dma_start3A_1996] : memref<3x4x2x128xi32, #tpu.memory_space<vmem>> -> memref<1x1x1x128xi32, #tpu.memory_space<vmem>>
      %dma_start3A_1998 = tpu.memref_squeeze %dma_start3A_1997 : memref<1x1x1x128xi32, #tpu.memory_space<vmem>> -> memref<128xi32, #tpu.memory_space<vmem>>
      %dma_start3A_1999 = arith.constant 0 : i32
      %dma_start3A_2000 = arith.constant 0 : i32
      %dma_start3A_2001 = tpu.memref_slice %arg11[%dma_start3A_1999, %dma_start3A_2000] : memref<10240x128xf32, #tpu.memory_space<vmem_shared>> -> memref<10240x128xf32, #tpu.memory_space<vmem_shared>>
      tpu.enqueue_indirect_dma source(%dma_start3A_1995 : memref<128x128xf32, #tpu.memory_space<vmem>>) target(%dma_start3A_2001 : memref<10240x128xf32, #tpu.memory_space<vmem_shared>>) offsets(%dma_start3A_1998 : memref<128xi32, #tpu.memory_space<vmem>>) semaphore(%arg14 : memref<!tpu.dma_semaphore, #tpu.memory_space<semaphore_mem>>) {add = true}
      %dma_wait3A_2002 = arith.constant 0 : i32
      %dma_wait3A_2003 = arith.constant 0 : i32
      %dma_wait3A_2004 = arith.constant 0 : i32
      %dma_wait3A_2005 = arith.constant 0 : i32
      %dma_wait3A_2006 = tpu.memref_slice %arg9[%dma_wait3A_2002, %dma_wait3A_2003, %dma_wait3A_2004, %dma_wait3A_2005] : memref<3x4x2x128xi32, #tpu.memory_space<vmem>> -> memref<1x4x2x128xi32, #tpu.memory_space<vmem>>
      %dma_wait3A_2007 = tpu.memref_squeeze %dma_wait3A_2006 : memref<1x4x2x128xi32, #tpu.memory_space<vmem>> -> memref<4x2x128xi32, #tpu.memory_space<vmem>>
      %dma_wait3A_2008 = arith.constant 0 : i32
      %dma_wait3A_2009 = arith.constant 0 : i32
      %dma_wait3A_2010 = tpu.memref_slice %arg3[%add3A_4, %dma_wait3A_2008, %dma_wait3A_2009] : memref<2500x2x128xi32, #tpu.memory_space<hbm>> -> memref<4x2x128xi32, #tpu.memory_space<hbm>>
      %dma_wait3A_2011 = arith.constant 0 : i32
      %dma_wait3A_2012 = arith.constant 0 : i32
      %dma_wait3A_2013 = arith.constant 0 : i32
      %dma_wait3A_2014 = tpu.memref_slice %arg9[%dma_wait3A_2002, %dma_wait3A_2011, %dma_wait3A_2012, %dma_wait3A_2013] : memref<3x4x2x128xi32, #tpu.memory_space<vmem>> -> memref<1x4x2x128xi32, #tpu.memory_space<vmem>>
      %dma_wait3A_2015 = tpu.memref_squeeze %dma_wait3A_2014 : memref<1x4x2x128xi32, #tpu.memory_space<vmem>> -> memref<4x2x128xi32, #tpu.memory_space<vmem>>
      %dma_wait3A_2016 = arith.constant 0 : i32
      %dma_wait3A_2017 = arith.constant 0 : i32
      %dma_wait3A_2018 = tpu.memref_slice %arg3[%add3A_4, %dma_wait3A_2016, %dma_wait3A_2017] : memref<2500x2x128xi32, #tpu.memory_space<hbm>> -> memref<4x2x128xi32, #tpu.memory_space<hbm>>
      tpu.wait_dma2 semaphore(%arg12 : memref<!tpu.dma_semaphore, #tpu.memory_space<semaphore_mem>>) src(%dma_wait3A_2018 : memref<4x2x128xi32, #tpu.memory_space<hbm>>) dst(%dma_wait3A_2015 : memref<4x2x128xi32, #tpu.memory_space<vmem>>)
      %add3A_2019 = arith.constant 2 : i32
      %add3A_2020 = arith.addi %scan3A_1793, %add3A_2019 : i32
      %mul3A_2021 = arith.constant 4 : i32
      %mul3A_2022 = arith.muli %mul3A_2021, %add3A_2020 : i32
      %add3A_2023 = arith.addi %add3A_4, %mul3A_2022 : i32
      %dma_start3A_2024 = arith.constant 0 : i32
      %dma_start3A_2025 = arith.constant 0 : i32
      %dma_start3A_2026 = arith.constant 0 : i32
      %dma_start3A_2027 = tpu.memref_slice %arg9[%select_n3A_1839, %dma_start3A_2024, %dma_start3A_2025, %dma_start3A_2026] : memref<3x4x2x128xi32, #tpu.memory_space<vmem>> -> memref<1x4x2x128xi32, #tpu.memory_space<vmem>>
      %dma_start3A_2028 = tpu.memref_squeeze %dma_start3A_2027 : memref<1x4x2x128xi32, #tpu.memory_space<vmem>> -> memref<4x2x128xi32, #tpu.memory_space<vmem>>
      %dma_start3A_2029 = arith.constant 0 : i32
      %dma_start3A_2030 = arith.constant 0 : i32
      %dma_start3A_2031 = tpu.memref_slice %arg3[%add3A_2023, %dma_start3A_2029, %dma_start3A_2030] : memref<2500x2x128xi32, #tpu.memory_space<hbm>> -> memref<4x2x128xi32, #tpu.memory_space<hbm>>
      %dma_start3A_2032 = arith.constant 0 : i32
      %dma_start3A_2033 = arith.constant 0 : i32
      %dma_start3A_2034 = arith.constant 0 : i32
      %dma_start3A_2035 = tpu.memref_slice %arg9[%select_n3A_1839, %dma_start3A_2032, %dma_start3A_2033, %dma_start3A_2034] : memref<3x4x2x128xi32, #tpu.memory_space<vmem>> -> memref<1x4x2x128xi32, #tpu.memory_space<vmem>>
      %dma_start3A_2036 = tpu.memref_squeeze %dma_start3A_2035 : memref<1x4x2x128xi32, #tpu.memory_space<vmem>> -> memref<4x2x128xi32, #tpu.memory_space<vmem>>
      %dma_start3A_2037 = arith.constant 0 : i32
      %dma_start3A_2038 = arith.constant 0 : i32
      %dma_start3A_2039 = tpu.memref_slice %arg3[%add3A_2023, %dma_start3A_2037, %dma_start3A_2038] : memref<2500x2x128xi32, #tpu.memory_space<hbm>> -> memref<4x2x128xi32, #tpu.memory_space<hbm>>
      tpu.enqueue_dma source(%dma_start3A_2039 : memref<4x2x128xi32, #tpu.memory_space<hbm>>) target(%dma_start3A_2036 : memref<4x2x128xi32, #tpu.memory_space<vmem>>) target_semaphore(%arg12 : memref<!tpu.dma_semaphore, #tpu.memory_space<semaphore_mem>>)
      %dma_wait3A_2040 = arith.constant 0 : i32
      %dma_wait3A_2041 = arith.constant 0 : i32
      %dma_wait3A_2042 = arith.constant 0 : i32
      %dma_wait3A_2043 = arith.constant 1 : i32
      %dma_wait3A_2044 = arith.constant 0 : i32
      %dma_wait3A_2045 = arith.constant 0 : i32
      %dma_wait3A_2046 = tpu.memref_slice %arg10[%dma_wait3A_2040, %dma_wait3A_2044, %dma_wait3A_2045] : memref<2x128x128xf32, #tpu.memory_space<vmem>> -> memref<1x128x128xf32, #tpu.memory_space<vmem>>
      %dma_wait3A_2047 = tpu.memref_squeeze %dma_wait3A_2046 : memref<1x128x128xf32, #tpu.memory_space<vmem>> -> memref<128x128xf32, #tpu.memory_space<vmem>>
      %dma_wait3A_2048 = arith.constant 0 : i32
      %dma_wait3A_2049 = tpu.memref_slice %arg9[%dma_wait3A_2041, %dma_wait3A_2042, %dma_wait3A_2043, %dma_wait3A_2048] : memref<3x4x2x128xi32, #tpu.memory_space<vmem>> -> memref<1x1x1x128xi32, #tpu.memory_space<vmem>>
      %dma_wait3A_2050 = tpu.memref_squeeze %dma_wait3A_2049 : memref<1x1x1x128xi32, #tpu.memory_space<vmem>> -> memref<128xi32, #tpu.memory_space<vmem>>
      %dma_wait3A_2051 = arith.constant 0 : i32
      %dma_wait3A_2052 = arith.constant 0 : i32
      %dma_wait3A_2053 = tpu.memref_slice %arg11[%dma_wait3A_2051, %dma_wait3A_2052] : memref<10240x128xf32, #tpu.memory_space<vmem_shared>> -> memref<10240x128xf32, #tpu.memory_space<vmem_shared>>
      tpu.wait_indirect_dma semaphore(%arg14 : memref<!tpu.dma_semaphore, #tpu.memory_space<semaphore_mem>>) src(%dma_wait3A_2047 : memref<128x128xf32, #tpu.memory_space<vmem>>) dst(%dma_wait3A_2053 : memref<10240x128xf32, #tpu.memory_space<vmem_shared>>)
      %dma_start3A_2054 = arith.constant 0 : i32
      %dma_start3A_2055 = arith.constant 0 : i32
      %dma_start3A_2056 = arith.constant 0 : i32
      %dma_start3A_2057 = arith.constant 0 : i32
      %dma_start3A_2058 = arith.constant 0 : i32
      %dma_start3A_2059 = tpu.memref_slice %arg10[%dma_start3A_2056, %dma_start3A_2057, %dma_start3A_2058] : memref<2x128x128xf32, #tpu.memory_space<vmem>> -> memref<1x128x128xf32, #tpu.memory_space<vmem>>
      %dma_start3A_2060 = tpu.memref_squeeze %dma_start3A_2059 : memref<1x128x128xf32, #tpu.memory_space<vmem>> -> memref<128x128xf32, #tpu.memory_space<vmem>>
      %dma_start3A_2061 = arith.constant 0 : i32
      %dma_start3A_2062 = tpu.memref_slice %arg9[%select_n3A_1821, %dma_start3A_2054, %dma_start3A_2055, %dma_start3A_2061] : memref<3x4x2x128xi32, #tpu.memory_space<vmem>> -> memref<1x1x1x128xi32, #tpu.memory_space<vmem>>
      %dma_start3A_2063 = tpu.memref_squeeze %dma_start3A_2062 : memref<1x1x1x128xi32, #tpu.memory_space<vmem>> -> memref<128xi32, #tpu.memory_space<vmem>>
      %dma_start3A_2064 = arith.constant 0 : i32
      %dma_start3A_2065 = arith.constant 0 : i32
      %dma_start3A_2066 = tpu.memref_slice %arg5[%dma_start3A_2064, %dma_start3A_2065] : memref<10240x128xf32, #tpu.memory_space<hbm>> -> memref<10240x128xf32, #tpu.memory_space<hbm>>
      tpu.enqueue_indirect_dma source(%dma_start3A_2066 : memref<10240x128xf32, #tpu.memory_space<hbm>>) target(%dma_start3A_2060 : memref<128x128xf32, #tpu.memory_space<vmem>>) offsets(%dma_start3A_2063 : memref<128xi32, #tpu.memory_space<vmem>>) semaphore(%arg13 : memref<!tpu.dma_semaphore, #tpu.memory_space<semaphore_mem>>)
      %dma_wait3A_2067 = arith.constant 0 : i32
      %dma_wait3A_2068 = arith.constant 0 : i32
      %dma_wait3A_2069 = arith.constant 0 : i32
      %dma_wait3A_2070 = arith.constant 1 : i32
      %dma_wait3A_2071 = arith.constant 0 : i32
      %dma_wait3A_2072 = arith.constant 0 : i32
      %dma_wait3A_2073 = tpu.memref_slice %arg10[%dma_wait3A_2070, %dma_wait3A_2071, %dma_wait3A_2072] : memref<2x128x128xf32, #tpu.memory_space<vmem>> -> memref<1x128x128xf32, #tpu.memory_space<vmem>>
      %dma_wait3A_2074 = tpu.memref_squeeze %dma_wait3A_2073 : memref<1x128x128xf32, #tpu.memory_space<vmem>> -> memref<128x128xf32, #tpu.memory_space<vmem>>
      %dma_wait3A_2075 = arith.constant 0 : i32
      %dma_wait3A_2076 = tpu.memref_slice %arg9[%dma_wait3A_2067, %dma_wait3A_2068, %dma_wait3A_2069, %dma_wait3A_2075] : memref<3x4x2x128xi32, #tpu.memory_space<vmem>> -> memref<1x1x1x128xi32, #tpu.memory_space<vmem>>
      %dma_wait3A_2077 = tpu.memref_squeeze %dma_wait3A_2076 : memref<1x1x1x128xi32, #tpu.memory_space<vmem>> -> memref<128xi32, #tpu.memory_space<vmem>>
      %dma_wait3A_2078 = arith.constant 0 : i32
      %dma_wait3A_2079 = arith.constant 0 : i32
      %dma_wait3A_2080 = tpu.memref_slice %arg5[%dma_wait3A_2078, %dma_wait3A_2079] : memref<10240x128xf32, #tpu.memory_space<hbm>> -> memref<10240x128xf32, #tpu.memory_space<hbm>>
      tpu.wait_indirect_dma semaphore(%arg13 : memref<!tpu.dma_semaphore, #tpu.memory_space<semaphore_mem>>) src(%dma_wait3A_2080 : memref<10240x128xf32, #tpu.memory_space<hbm>>) dst(%dma_wait3A_2074 : memref<128x128xf32, #tpu.memory_space<vmem>>)
      %dma_start3A_2081 = arith.constant 1 : i32
      %dma_start3A_2082 = arith.constant 3 : i32
      %dma_start3A_2083 = arith.constant 1 : i32
      %dma_start3A_2084 = arith.constant 0 : i32
      %dma_start3A_2085 = arith.constant 0 : i32
      %dma_start3A_2086 = tpu.memref_slice %arg10[%dma_start3A_2081, %dma_start3A_2084, %dma_start3A_2085] : memref<2x128x128xf32, #tpu.memory_space<vmem>> -> memref<1x128x128xf32, #tpu.memory_space<vmem>>
      %dma_start3A_2087 = tpu.memref_squeeze %dma_start3A_2086 : memref<1x128x128xf32, #tpu.memory_space<vmem>> -> memref<128x128xf32, #tpu.memory_space<vmem>>
      %dma_start3A_2088 = arith.constant 0 : i32
      %dma_start3A_2089 = tpu.memref_slice %arg9[%select_n3A_1803, %dma_start3A_2082, %dma_start3A_2083, %dma_start3A_2088] : memref<3x4x2x128xi32, #tpu.memory_space<vmem>> -> memref<1x1x1x128xi32, #tpu.memory_space<vmem>>
      %dma_start3A_2090 = tpu.memref_squeeze %dma_start3A_2089 : memref<1x1x1x128xi32, #tpu.memory_space<vmem>> -> memref<128xi32, #tpu.memory_space<vmem>>
      %dma_start3A_2091 = arith.constant 0 : i32
      %dma_start3A_2092 = arith.constant 0 : i32
      %dma_start3A_2093 = tpu.memref_slice %arg11[%dma_start3A_2091, %dma_start3A_2092] : memref<10240x128xf32, #tpu.memory_space<vmem_shared>> -> memref<10240x128xf32, #tpu.memory_space<vmem_shared>>
      tpu.enqueue_indirect_dma source(%dma_start3A_2087 : memref<128x128xf32, #tpu.memory_space<vmem>>) target(%dma_start3A_2093 : memref<10240x128xf32, #tpu.memory_space<vmem_shared>>) offsets(%dma_start3A_2090 : memref<128xi32, #tpu.memory_space<vmem>>) semaphore(%arg14 : memref<!tpu.dma_semaphore, #tpu.memory_space<semaphore_mem>>) {add = true}
    }
    %scan3A_1192 = arith.constant 16 : i32
    %dma_wait3A_1193 = arith.constant 0 : i32
    %dma_wait3A_1194 = arith.constant 0 : i32
    %dma_wait3A_1195 = arith.constant 0 : i32
    %dma_wait3A_1196 = arith.constant 1 : i32
    %dma_wait3A_1197 = arith.constant 0 : i32
    %dma_wait3A_1198 = arith.constant 0 : i32
    %dma_wait3A_1199 = tpu.memref_slice %arg10[%dma_wait3A_1193, %dma_wait3A_1197, %dma_wait3A_1198] : memref<2x128x128xf32, #tpu.memory_space<vmem>> -> memref<1x128x128xf32, #tpu.memory_space<vmem>>
    %dma_wait3A_1200 = tpu.memref_squeeze %dma_wait3A_1199 : memref<1x128x128xf32, #tpu.memory_space<vmem>> -> memref<128x128xf32, #tpu.memory_space<vmem>>
    %dma_wait3A_1201 = arith.constant 0 : i32
    %dma_wait3A_1202 = tpu.memref_slice %arg9[%dma_wait3A_1194, %dma_wait3A_1195, %dma_wait3A_1196, %dma_wait3A_1201] : memref<3x4x2x128xi32, #tpu.memory_space<vmem>> -> memref<1x1x1x128xi32, #tpu.memory_space<vmem>>
    %dma_wait3A_1203 = tpu.memref_squeeze %dma_wait3A_1202 : memref<1x1x1x128xi32, #tpu.memory_space<vmem>> -> memref<128xi32, #tpu.memory_space<vmem>>
    %dma_wait3A_1204 = arith.constant 0 : i32
    %dma_wait3A_1205 = arith.constant 0 : i32
    %dma_wait3A_1206 = tpu.memref_slice %arg11[%dma_wait3A_1204, %dma_wait3A_1205] : memref<10240x128xf32, #tpu.memory_space<vmem_shared>> -> memref<10240x128xf32, #tpu.memory_space<vmem_shared>>
    tpu.wait_indirect_dma semaphore(%arg14 : memref<!tpu.dma_semaphore, #tpu.memory_space<semaphore_mem>>) src(%dma_wait3A_1200 : memref<128x128xf32, #tpu.memory_space<vmem>>) dst(%dma_wait3A_1206 : memref<10240x128xf32, #tpu.memory_space<vmem_shared>>)
    %dma_start3A_1207 = arith.constant 2 : i32
    %dma_start3A_1208 = arith.constant 1 : i32
    %dma_start3A_1209 = arith.constant 0 : i32
    %dma_start3A_1210 = arith.constant 1 : i32
    %dma_start3A_1211 = arith.constant 0 : i32
    %dma_start3A_1212 = arith.constant 0 : i32
    %dma_start3A_1213 = tpu.memref_slice %arg10[%dma_start3A_1210, %dma_start3A_1211, %dma_start3A_1212] : memref<2x128x128xf32, #tpu.memory_space<vmem>> -> memref<1x128x128xf32, #tpu.memory_space<vmem>>
    %dma_start3A_1214 = tpu.memref_squeeze %dma_start3A_1213 : memref<1x128x128xf32, #tpu.memory_space<vmem>> -> memref<128x128xf32, #tpu.memory_space<vmem>>
    %dma_start3A_1215 = arith.constant 0 : i32
    %dma_start3A_1216 = tpu.memref_slice %arg9[%dma_start3A_1207, %dma_start3A_1208, %dma_start3A_1209, %dma_start3A_1215] : memref<3x4x2x128xi32, #tpu.memory_space<vmem>> -> memref<1x1x1x128xi32, #tpu.memory_space<vmem>>
    %dma_start3A_1217 = tpu.memref_squeeze %dma_start3A_1216 : memref<1x1x1x128xi32, #tpu.memory_space<vmem>> -> memref<128xi32, #tpu.memory_space<vmem>>
    %dma_start3A_1218 = arith.constant 0 : i32
    %dma_start3A_1219 = arith.constant 0 : i32
    %dma_start3A_1220 = tpu.memref_slice %arg5[%dma_start3A_1218, %dma_start3A_1219] : memref<10240x128xf32, #tpu.memory_space<hbm>> -> memref<10240x128xf32, #tpu.memory_space<hbm>>
    tpu.enqueue_indirect_dma source(%dma_start3A_1220 : memref<10240x128xf32, #tpu.memory_space<hbm>>) target(%dma_start3A_1214 : memref<128x128xf32, #tpu.memory_space<vmem>>) offsets(%dma_start3A_1217 : memref<128xi32, #tpu.memory_space<vmem>>) semaphore(%arg13 : memref<!tpu.dma_semaphore, #tpu.memory_space<semaphore_mem>>)
    %dma_wait3A_1221 = arith.constant 0 : i32
    %dma_wait3A_1222 = arith.constant 0 : i32
    %dma_wait3A_1223 = arith.constant 0 : i32
    %dma_wait3A_1224 = arith.constant 0 : i32
    %dma_wait3A_1225 = arith.constant 0 : i32
    %dma_wait3A_1226 = arith.constant 0 : i32
    %dma_wait3A_1227 = tpu.memref_slice %arg10[%dma_wait3A_1224, %dma_wait3A_1225, %dma_wait3A_1226] : memref<2x128x128xf32, #tpu.memory_space<vmem>> -> memref<1x128x128xf32, #tpu.memory_space<vmem>>
    %dma_wait3A_1228 = tpu.memref_squeeze %dma_wait3A_1227 : memref<1x128x128xf32, #tpu.memory_space<vmem>> -> memref<128x128xf32, #tpu.memory_space<vmem>>
    %dma_wait3A_1229 = arith.constant 0 : i32
    %dma_wait3A_1230 = tpu.memref_slice %arg9[%dma_wait3A_1221, %dma_wait3A_1222, %dma_wait3A_1223, %dma_wait3A_1229] : memref<3x4x2x128xi32, #tpu.memory_space<vmem>> -> memref<1x1x1x128xi32, #tpu.memory_space<vmem>>
    %dma_wait3A_1231 = tpu.memref_squeeze %dma_wait3A_1230 : memref<1x1x1x128xi32, #tpu.memory_space<vmem>> -> memref<128xi32, #tpu.memory_space<vmem>>
    %dma_wait3A_1232 = arith.constant 0 : i32
    %dma_wait3A_1233 = arith.constant 0 : i32
    %dma_wait3A_1234 = tpu.memref_slice %arg5[%dma_wait3A_1232, %dma_wait3A_1233] : memref<10240x128xf32, #tpu.memory_space<hbm>> -> memref<10240x128xf32, #tpu.memory_space<hbm>>
    tpu.wait_indirect_dma semaphore(%arg13 : memref<!tpu.dma_semaphore, #tpu.memory_space<semaphore_mem>>) src(%dma_wait3A_1234 : memref<10240x128xf32, #tpu.memory_space<hbm>>) dst(%dma_wait3A_1228 : memref<128x128xf32, #tpu.memory_space<vmem>>)
    %dma_start3A_1235 = arith.constant 0 : i32
    %dma_start3A_1236 = arith.constant 2 : i32
    %dma_start3A_1237 = arith.constant 0 : i32
    %dma_start3A_1238 = arith.constant 1 : i32
    %dma_start3A_1239 = arith.constant 0 : i32
    %dma_start3A_1240 = arith.constant 0 : i32
    %dma_start3A_1241 = tpu.memref_slice %arg10[%dma_start3A_1235, %dma_start3A_1239, %dma_start3A_1240] : memref<2x128x128xf32, #tpu.memory_space<vmem>> -> memref<1x128x128xf32, #tpu.memory_space<vmem>>
    %dma_start3A_1242 = tpu.memref_squeeze %dma_start3A_1241 : memref<1x128x128xf32, #tpu.memory_space<vmem>> -> memref<128x128xf32, #tpu.memory_space<vmem>>
    %dma_start3A_1243 = arith.constant 0 : i32
    %dma_start3A_1244 = tpu.memref_slice %arg9[%dma_start3A_1236, %dma_start3A_1237, %dma_start3A_1238, %dma_start3A_1243] : memref<3x4x2x128xi32, #tpu.memory_space<vmem>> -> memref<1x1x1x128xi32, #tpu.memory_space<vmem>>
    %dma_start3A_1245 = tpu.memref_squeeze %dma_start3A_1244 : memref<1x1x1x128xi32, #tpu.memory_space<vmem>> -> memref<128xi32, #tpu.memory_space<vmem>>
    %dma_start3A_1246 = arith.constant 0 : i32
    %dma_start3A_1247 = arith.constant 0 : i32
    %dma_start3A_1248 = tpu.memref_slice %arg11[%dma_start3A_1246, %dma_start3A_1247] : memref<10240x128xf32, #tpu.memory_space<vmem_shared>> -> memref<10240x128xf32, #tpu.memory_space<vmem_shared>>
    tpu.enqueue_indirect_dma source(%dma_start3A_1242 : memref<128x128xf32, #tpu.memory_space<vmem>>) target(%dma_start3A_1248 : memref<10240x128xf32, #tpu.memory_space<vmem_shared>>) offsets(%dma_start3A_1245 : memref<128xi32, #tpu.memory_space<vmem>>) semaphore(%arg14 : memref<!tpu.dma_semaphore, #tpu.memory_space<semaphore_mem>>) {add = true}
    %dma_wait3A_1249 = arith.constant 0 : i32
    %dma_wait3A_1250 = arith.constant 0 : i32
    %dma_wait3A_1251 = arith.constant 0 : i32
    %dma_wait3A_1252 = arith.constant 1 : i32
    %dma_wait3A_1253 = arith.constant 0 : i32
    %dma_wait3A_1254 = arith.constant 0 : i32
    %dma_wait3A_1255 = tpu.memref_slice %arg10[%dma_wait3A_1249, %dma_wait3A_1253, %dma_wait3A_1254] : memref<2x128x128xf32, #tpu.memory_space<vmem>> -> memref<1x128x128xf32, #tpu.memory_space<vmem>>
    %dma_wait3A_1256 = tpu.memref_squeeze %dma_wait3A_1255 : memref<1x128x128xf32, #tpu.memory_space<vmem>> -> memref<128x128xf32, #tpu.memory_space<vmem>>
    %dma_wait3A_1257 = arith.constant 0 : i32
    %dma_wait3A_1258 = tpu.memref_slice %arg9[%dma_wait3A_1250, %dma_wait3A_1251, %dma_wait3A_1252, %dma_wait3A_1257] : memref<3x4x2x128xi32, #tpu.memory_space<vmem>> -> memref<1x1x1x128xi32, #tpu.memory_space<vmem>>
    %dma_wait3A_1259 = tpu.memref_squeeze %dma_wait3A_1258 : memref<1x1x1x128xi32, #tpu.memory_space<vmem>> -> memref<128xi32, #tpu.memory_space<vmem>>
    %dma_wait3A_1260 = arith.constant 0 : i32
    %dma_wait3A_1261 = arith.constant 0 : i32
    %dma_wait3A_1262 = tpu.memref_slice %arg11[%dma_wait3A_1260, %dma_wait3A_1261] : memref<10240x128xf32, #tpu.memory_space<vmem_shared>> -> memref<10240x128xf32, #tpu.memory_space<vmem_shared>>
    tpu.wait_indirect_dma semaphore(%arg14 : memref<!tpu.dma_semaphore, #tpu.memory_space<semaphore_mem>>) src(%dma_wait3A_1256 : memref<128x128xf32, #tpu.memory_space<vmem>>) dst(%dma_wait3A_1262 : memref<10240x128xf32, #tpu.memory_space<vmem_shared>>)
    %dma_start3A_1263 = arith.constant 2 : i32
    %dma_start3A_1264 = arith.constant 2 : i32
    %dma_start3A_1265 = arith.constant 0 : i32
    %dma_start3A_1266 = arith.constant 0 : i32
    %dma_start3A_1267 = arith.constant 0 : i32
    %dma_start3A_1268 = arith.constant 0 : i32
    %dma_start3A_1269 = tpu.memref_slice %arg10[%dma_start3A_1266, %dma_start3A_1267, %dma_start3A_1268] : memref<2x128x128xf32, #tpu.memory_space<vmem>> -> memref<1x128x128xf32, #tpu.memory_space<vmem>>
    %dma_start3A_1270 = tpu.memref_squeeze %dma_start3A_1269 : memref<1x128x128xf32, #tpu.memory_space<vmem>> -> memref<128x128xf32, #tpu.memory_space<vmem>>
    %dma_start3A_1271 = arith.constant 0 : i32
    %dma_start3A_1272 = tpu.memref_slice %arg9[%dma_start3A_1263, %dma_start3A_1264, %dma_start3A_1265, %dma_start3A_1271] : memref<3x4x2x128xi32, #tpu.memory_space<vmem>> -> memref<1x1x1x128xi32, #tpu.memory_space<vmem>>
    %dma_start3A_1273 = tpu.memref_squeeze %dma_start3A_1272 : memref<1x1x1x128xi32, #tpu.memory_space<vmem>> -> memref<128xi32, #tpu.memory_space<vmem>>
    %dma_start3A_1274 = arith.constant 0 : i32
    %dma_start3A_1275 = arith.constant 0 : i32
    %dma_start3A_1276 = tpu.memref_slice %arg5[%dma_start3A_1274, %dma_start3A_1275] : memref<10240x128xf32, #tpu.memory_space<hbm>> -> memref<10240x128xf32, #tpu.memory_space<hbm>>
    tpu.enqueue_indirect_dma source(%dma_start3A_1276 : memref<10240x128xf32, #tpu.memory_space<hbm>>) target(%dma_start3A_1270 : memref<128x128xf32, #tpu.memory_space<vmem>>) offsets(%dma_start3A_1273 : memref<128xi32, #tpu.memory_space<vmem>>) semaphore(%arg13 : memref<!tpu.dma_semaphore, #tpu.memory_space<semaphore_mem>>)
    %dma_wait3A_1277 = arith.constant 0 : i32
    %dma_wait3A_1278 = arith.constant 0 : i32
    %dma_wait3A_1279 = arith.constant 0 : i32
    %dma_wait3A_1280 = arith.constant 1 : i32
    %dma_wait3A_1281 = arith.constant 0 : i32
    %dma_wait3A_1282 = arith.constant 0 : i32
    %dma_wait3A_1283 = tpu.memref_slice %arg10[%dma_wait3A_1280, %dma_wait3A_1281, %dma_wait3A_1282] : memref<2x128x128xf32, #tpu.memory_space<vmem>> -> memref<1x128x128xf32, #tpu.memory_space<vmem>>
    %dma_wait3A_1284 = tpu.memref_squeeze %dma_wait3A_1283 : memref<1x128x128xf32, #tpu.memory_space<vmem>> -> memref<128x128xf32, #tpu.memory_space<vmem>>
    %dma_wait3A_1285 = arith.constant 0 : i32
    %dma_wait3A_1286 = tpu.memref_slice %arg9[%dma_wait3A_1277, %dma_wait3A_1278, %dma_wait3A_1279, %dma_wait3A_1285] : memref<3x4x2x128xi32, #tpu.memory_space<vmem>> -> memref<1x1x1x128xi32, #tpu.memory_space<vmem>>
    %dma_wait3A_1287 = tpu.memref_squeeze %dma_wait3A_1286 : memref<1x1x1x128xi32, #tpu.memory_space<vmem>> -> memref<128xi32, #tpu.memory_space<vmem>>
    %dma_wait3A_1288 = arith.constant 0 : i32
    %dma_wait3A_1289 = arith.constant 0 : i32
    %dma_wait3A_1290 = tpu.memref_slice %arg5[%dma_wait3A_1288, %dma_wait3A_1289] : memref<10240x128xf32, #tpu.memory_space<hbm>> -> memref<10240x128xf32, #tpu.memory_space<hbm>>
    tpu.wait_indirect_dma semaphore(%arg13 : memref<!tpu.dma_semaphore, #tpu.memory_space<semaphore_mem>>) src(%dma_wait3A_1290 : memref<10240x128xf32, #tpu.memory_space<hbm>>) dst(%dma_wait3A_1284 : memref<128x128xf32, #tpu.memory_space<vmem>>)
    %dma_start3A_1291 = arith.constant 1 : i32
    %dma_start3A_1292 = arith.constant 2 : i32
    %dma_start3A_1293 = arith.constant 1 : i32
    %dma_start3A_1294 = arith.constant 1 : i32
    %dma_start3A_1295 = arith.constant 0 : i32
    %dma_start3A_1296 = arith.constant 0 : i32
    %dma_start3A_1297 = tpu.memref_slice %arg10[%dma_start3A_1291, %dma_start3A_1295, %dma_start3A_1296] : memref<2x128x128xf32, #tpu.memory_space<vmem>> -> memref<1x128x128xf32, #tpu.memory_space<vmem>>
    %dma_start3A_1298 = tpu.memref_squeeze %dma_start3A_1297 : memref<1x128x128xf32, #tpu.memory_space<vmem>> -> memref<128x128xf32, #tpu.memory_space<vmem>>
    %dma_start3A_1299 = arith.constant 0 : i32
    %dma_start3A_1300 = tpu.memref_slice %arg9[%dma_start3A_1292, %dma_start3A_1293, %dma_start3A_1294, %dma_start3A_1299] : memref<3x4x2x128xi32, #tpu.memory_space<vmem>> -> memref<1x1x1x128xi32, #tpu.memory_space<vmem>>
    %dma_start3A_1301 = tpu.memref_squeeze %dma_start3A_1300 : memref<1x1x1x128xi32, #tpu.memory_space<vmem>> -> memref<128xi32, #tpu.memory_space<vmem>>
    %dma_start3A_1302 = arith.constant 0 : i32
    %dma_start3A_1303 = arith.constant 0 : i32
    %dma_start3A_1304 = tpu.memref_slice %arg11[%dma_start3A_1302, %dma_start3A_1303] : memref<10240x128xf32, #tpu.memory_space<vmem_shared>> -> memref<10240x128xf32, #tpu.memory_space<vmem_shared>>
    tpu.enqueue_indirect_dma source(%dma_start3A_1298 : memref<128x128xf32, #tpu.memory_space<vmem>>) target(%dma_start3A_1304 : memref<10240x128xf32, #tpu.memory_space<vmem_shared>>) offsets(%dma_start3A_1301 : memref<128xi32, #tpu.memory_space<vmem>>) semaphore(%arg14 : memref<!tpu.dma_semaphore, #tpu.memory_space<semaphore_mem>>) {add = true}
    %dma_wait3A_1305 = arith.constant 0 : i32
    %dma_wait3A_1306 = arith.constant 0 : i32
    %dma_wait3A_1307 = arith.constant 0 : i32
    %dma_wait3A_1308 = arith.constant 1 : i32
    %dma_wait3A_1309 = arith.constant 0 : i32
    %dma_wait3A_1310 = arith.constant 0 : i32
    %dma_wait3A_1311 = tpu.memref_slice %arg10[%dma_wait3A_1305, %dma_wait3A_1309, %dma_wait3A_1310] : memref<2x128x128xf32, #tpu.memory_space<vmem>> -> memref<1x128x128xf32, #tpu.memory_space<vmem>>
    %dma_wait3A_1312 = tpu.memref_squeeze %dma_wait3A_1311 : memref<1x128x128xf32, #tpu.memory_space<vmem>> -> memref<128x128xf32, #tpu.memory_space<vmem>>
    %dma_wait3A_1313 = arith.constant 0 : i32
    %dma_wait3A_1314 = tpu.memref_slice %arg9[%dma_wait3A_1306, %dma_wait3A_1307, %dma_wait3A_1308, %dma_wait3A_1313] : memref<3x4x2x128xi32, #tpu.memory_space<vmem>> -> memref<1x1x1x128xi32, #tpu.memory_space<vmem>>
    %dma_wait3A_1315 = tpu.memref_squeeze %dma_wait3A_1314 : memref<1x1x1x128xi32, #tpu.memory_space<vmem>> -> memref<128xi32, #tpu.memory_space<vmem>>
    %dma_wait3A_1316 = arith.constant 0 : i32
    %dma_wait3A_1317 = arith.constant 0 : i32
    %dma_wait3A_1318 = tpu.memref_slice %arg11[%dma_wait3A_1316, %dma_wait3A_1317] : memref<10240x128xf32, #tpu.memory_space<vmem_shared>> -> memref<10240x128xf32, #tpu.memory_space<vmem_shared>>
    tpu.wait_indirect_dma semaphore(%arg14 : memref<!tpu.dma_semaphore, #tpu.memory_space<semaphore_mem>>) src(%dma_wait3A_1312 : memref<128x128xf32, #tpu.memory_space<vmem>>) dst(%dma_wait3A_1318 : memref<10240x128xf32, #tpu.memory_space<vmem_shared>>)
    %dma_start3A_1319 = arith.constant 2 : i32
    %dma_start3A_1320 = arith.constant 3 : i32
    %dma_start3A_1321 = arith.constant 0 : i32
    %dma_start3A_1322 = arith.constant 1 : i32
    %dma_start3A_1323 = arith.constant 0 : i32
    %dma_start3A_1324 = arith.constant 0 : i32
    %dma_start3A_1325 = tpu.memref_slice %arg10[%dma_start3A_1322, %dma_start3A_1323, %dma_start3A_1324] : memref<2x128x128xf32, #tpu.memory_space<vmem>> -> memref<1x128x128xf32, #tpu.memory_space<vmem>>
    %dma_start3A_1326 = tpu.memref_squeeze %dma_start3A_1325 : memref<1x128x128xf32, #tpu.memory_space<vmem>> -> memref<128x128xf32, #tpu.memory_space<vmem>>
    %dma_start3A_1327 = arith.constant 0 : i32
    %dma_start3A_1328 = tpu.memref_slice %arg9[%dma_start3A_1319, %dma_start3A_1320, %dma_start3A_1321, %dma_start3A_1327] : memref<3x4x2x128xi32, #tpu.memory_space<vmem>> -> memref<1x1x1x128xi32, #tpu.memory_space<vmem>>
    %dma_start3A_1329 = tpu.memref_squeeze %dma_start3A_1328 : memref<1x1x1x128xi32, #tpu.memory_space<vmem>> -> memref<128xi32, #tpu.memory_space<vmem>>
    %dma_start3A_1330 = arith.constant 0 : i32
    %dma_start3A_1331 = arith.constant 0 : i32
    %dma_start3A_1332 = tpu.memref_slice %arg5[%dma_start3A_1330, %dma_start3A_1331] : memref<10240x128xf32, #tpu.memory_space<hbm>> -> memref<10240x128xf32, #tpu.memory_space<hbm>>
    tpu.enqueue_indirect_dma source(%dma_start3A_1332 : memref<10240x128xf32, #tpu.memory_space<hbm>>) target(%dma_start3A_1326 : memref<128x128xf32, #tpu.memory_space<vmem>>) offsets(%dma_start3A_1329 : memref<128xi32, #tpu.memory_space<vmem>>) semaphore(%arg13 : memref<!tpu.dma_semaphore, #tpu.memory_space<semaphore_mem>>)
    %dma_wait3A_1333 = arith.constant 0 : i32
    %dma_wait3A_1334 = arith.constant 0 : i32
    %dma_wait3A_1335 = arith.constant 0 : i32
    %dma_wait3A_1336 = arith.constant 0 : i32
    %dma_wait3A_1337 = arith.constant 0 : i32
    %dma_wait3A_1338 = arith.constant 0 : i32
    %dma_wait3A_1339 = tpu.memref_slice %arg10[%dma_wait3A_1336, %dma_wait3A_1337, %dma_wait3A_1338] : memref<2x128x128xf32, #tpu.memory_space<vmem>> -> memref<1x128x128xf32, #tpu.memory_space<vmem>>
    %dma_wait3A_1340 = tpu.memref_squeeze %dma_wait3A_1339 : memref<1x128x128xf32, #tpu.memory_space<vmem>> -> memref<128x128xf32, #tpu.memory_space<vmem>>
    %dma_wait3A_1341 = arith.constant 0 : i32
    %dma_wait3A_1342 = tpu.memref_slice %arg9[%dma_wait3A_1333, %dma_wait3A_1334, %dma_wait3A_1335, %dma_wait3A_1341] : memref<3x4x2x128xi32, #tpu.memory_space<vmem>> -> memref<1x1x1x128xi32, #tpu.memory_space<vmem>>
    %dma_wait3A_1343 = tpu.memref_squeeze %dma_wait3A_1342 : memref<1x1x1x128xi32, #tpu.memory_space<vmem>> -> memref<128xi32, #tpu.memory_space<vmem>>
    %dma_wait3A_1344 = arith.constant 0 : i32
    %dma_wait3A_1345 = arith.constant 0 : i32
    %dma_wait3A_1346 = tpu.memref_slice %arg5[%dma_wait3A_1344, %dma_wait3A_1345] : memref<10240x128xf32, #tpu.memory_space<hbm>> -> memref<10240x128xf32, #tpu.memory_space<hbm>>
    tpu.wait_indirect_dma semaphore(%arg13 : memref<!tpu.dma_semaphore, #tpu.memory_space<semaphore_mem>>) src(%dma_wait3A_1346 : memref<10240x128xf32, #tpu.memory_space<hbm>>) dst(%dma_wait3A_1340 : memref<128x128xf32, #tpu.memory_space<vmem>>)
    %dma_start3A_1347 = arith.constant 0 : i32
    %dma_start3A_1348 = arith.constant 2 : i32
    %dma_start3A_1349 = arith.constant 2 : i32
    %dma_start3A_1350 = arith.constant 1 : i32
    %dma_start3A_1351 = arith.constant 0 : i32
    %dma_start3A_1352 = arith.constant 0 : i32
    %dma_start3A_1353 = tpu.memref_slice %arg10[%dma_start3A_1347, %dma_start3A_1351, %dma_start3A_1352] : memref<2x128x128xf32, #tpu.memory_space<vmem>> -> memref<1x128x128xf32, #tpu.memory_space<vmem>>
    %dma_start3A_1354 = tpu.memref_squeeze %dma_start3A_1353 : memref<1x128x128xf32, #tpu.memory_space<vmem>> -> memref<128x128xf32, #tpu.memory_space<vmem>>
    %dma_start3A_1355 = arith.constant 0 : i32
    %dma_start3A_1356 = tpu.memref_slice %arg9[%dma_start3A_1348, %dma_start3A_1349, %dma_start3A_1350, %dma_start3A_1355] : memref<3x4x2x128xi32, #tpu.memory_space<vmem>> -> memref<1x1x1x128xi32, #tpu.memory_space<vmem>>
    %dma_start3A_1357 = tpu.memref_squeeze %dma_start3A_1356 : memref<1x1x1x128xi32, #tpu.memory_space<vmem>> -> memref<128xi32, #tpu.memory_space<vmem>>
    %dma_start3A_1358 = arith.constant 0 : i32
    %dma_start3A_1359 = arith.constant 0 : i32
    %dma_start3A_1360 = tpu.memref_slice %arg11[%dma_start3A_1358, %dma_start3A_1359] : memref<10240x128xf32, #tpu.memory_space<vmem_shared>> -> memref<10240x128xf32, #tpu.memory_space<vmem_shared>>
    tpu.enqueue_indirect_dma source(%dma_start3A_1354 : memref<128x128xf32, #tpu.memory_space<vmem>>) target(%dma_start3A_1360 : memref<10240x128xf32, #tpu.memory_space<vmem_shared>>) offsets(%dma_start3A_1357 : memref<128xi32, #tpu.memory_space<vmem>>) semaphore(%arg14 : memref<!tpu.dma_semaphore, #tpu.memory_space<semaphore_mem>>) {add = true}
    %dma_wait3A_1361 = arith.constant 0 : i32
    %dma_wait3A_1362 = arith.constant 0 : i32
    %dma_wait3A_1363 = arith.constant 0 : i32
    %dma_wait3A_1364 = arith.constant 0 : i32
    %dma_wait3A_1365 = tpu.memref_slice %arg9[%dma_wait3A_1361, %dma_wait3A_1362, %dma_wait3A_1363, %dma_wait3A_1364] : memref<3x4x2x128xi32, #tpu.memory_space<vmem>> -> memref<1x4x2x128xi32, #tpu.memory_space<vmem>>
    %dma_wait3A_1366 = tpu.memref_squeeze %dma_wait3A_1365 : memref<1x4x2x128xi32, #tpu.memory_space<vmem>> -> memref<4x2x128xi32, #tpu.memory_space<vmem>>
    %dma_wait3A_1367 = arith.constant 0 : i32
    %dma_wait3A_1368 = arith.constant 0 : i32
    %dma_wait3A_1369 = tpu.memref_slice %arg3[%add3A_4, %dma_wait3A_1367, %dma_wait3A_1368] : memref<2500x2x128xi32, #tpu.memory_space<hbm>> -> memref<4x2x128xi32, #tpu.memory_space<hbm>>
    %dma_wait3A_1370 = arith.constant 0 : i32
    %dma_wait3A_1371 = arith.constant 0 : i32
    %dma_wait3A_1372 = arith.constant 0 : i32
    %dma_wait3A_1373 = tpu.memref_slice %arg9[%dma_wait3A_1361, %dma_wait3A_1370, %dma_wait3A_1371, %dma_wait3A_1372] : memref<3x4x2x128xi32, #tpu.memory_space<vmem>> -> memref<1x4x2x128xi32, #tpu.memory_space<vmem>>
    %dma_wait3A_1374 = tpu.memref_squeeze %dma_wait3A_1373 : memref<1x4x2x128xi32, #tpu.memory_space<vmem>> -> memref<4x2x128xi32, #tpu.memory_space<vmem>>
    %dma_wait3A_1375 = arith.constant 0 : i32
    %dma_wait3A_1376 = arith.constant 0 : i32
    %dma_wait3A_1377 = tpu.memref_slice %arg3[%add3A_4, %dma_wait3A_1375, %dma_wait3A_1376] : memref<2500x2x128xi32, #tpu.memory_space<hbm>> -> memref<4x2x128xi32, #tpu.memory_space<hbm>>
    tpu.wait_dma2 semaphore(%arg12 : memref<!tpu.dma_semaphore, #tpu.memory_space<semaphore_mem>>) src(%dma_wait3A_1377 : memref<4x2x128xi32, #tpu.memory_space<hbm>>) dst(%dma_wait3A_1374 : memref<4x2x128xi32, #tpu.memory_space<vmem>>)
    %dma_wait3A_1378 = arith.constant 0 : i32
    %dma_wait3A_1379 = arith.constant 0 : i32
    %dma_wait3A_1380 = arith.constant 0 : i32
    %dma_wait3A_1381 = arith.constant 1 : i32
    %dma_wait3A_1382 = arith.constant 0 : i32
    %dma_wait3A_1383 = arith.constant 0 : i32
    %dma_wait3A_1384 = tpu.memref_slice %arg10[%dma_wait3A_1378, %dma_wait3A_1382, %dma_wait3A_1383] : memref<2x128x128xf32, #tpu.memory_space<vmem>> -> memref<1x128x128xf32, #tpu.memory_space<vmem>>
    %dma_wait3A_1385 = tpu.memref_squeeze %dma_wait3A_1384 : memref<1x128x128xf32, #tpu.memory_space<vmem>> -> memref<128x128xf32, #tpu.memory_space<vmem>>
    %dma_wait3A_1386 = arith.constant 0 : i32
    %dma_wait3A_1387 = tpu.memref_slice %arg9[%dma_wait3A_1379, %dma_wait3A_1380, %dma_wait3A_1381, %dma_wait3A_1386] : memref<3x4x2x128xi32, #tpu.memory_space<vmem>> -> memref<1x1x1x128xi32, #tpu.memory_space<vmem>>
    %dma_wait3A_1388 = tpu.memref_squeeze %dma_wait3A_1387 : memref<1x1x1x128xi32, #tpu.memory_space<vmem>> -> memref<128xi32, #tpu.memory_space<vmem>>
    %dma_wait3A_1389 = arith.constant 0 : i32
    %dma_wait3A_1390 = arith.constant 0 : i32
    %dma_wait3A_1391 = tpu.memref_slice %arg11[%dma_wait3A_1389, %dma_wait3A_1390] : memref<10240x128xf32, #tpu.memory_space<vmem_shared>> -> memref<10240x128xf32, #tpu.memory_space<vmem_shared>>
    tpu.wait_indirect_dma semaphore(%arg14 : memref<!tpu.dma_semaphore, #tpu.memory_space<semaphore_mem>>) src(%dma_wait3A_1385 : memref<128x128xf32, #tpu.memory_space<vmem>>) dst(%dma_wait3A_1391 : memref<10240x128xf32, #tpu.memory_space<vmem_shared>>)
    %dma_start3A_1392 = arith.constant 0 : i32
    %dma_start3A_1393 = arith.constant 0 : i32
    %dma_start3A_1394 = arith.constant 0 : i32
    %dma_start3A_1395 = arith.constant 0 : i32
    %dma_start3A_1396 = arith.constant 0 : i32
    %dma_start3A_1397 = arith.constant 0 : i32
    %dma_start3A_1398 = tpu.memref_slice %arg10[%dma_start3A_1395, %dma_start3A_1396, %dma_start3A_1397] : memref<2x128x128xf32, #tpu.memory_space<vmem>> -> memref<1x128x128xf32, #tpu.memory_space<vmem>>
    %dma_start3A_1399 = tpu.memref_squeeze %dma_start3A_1398 : memref<1x128x128xf32, #tpu.memory_space<vmem>> -> memref<128x128xf32, #tpu.memory_space<vmem>>
    %dma_start3A_1400 = arith.constant 0 : i32
    %dma_start3A_1401 = tpu.memref_slice %arg9[%dma_start3A_1392, %dma_start3A_1393, %dma_start3A_1394, %dma_start3A_1400] : memref<3x4x2x128xi32, #tpu.memory_space<vmem>> -> memref<1x1x1x128xi32, #tpu.memory_space<vmem>>
    %dma_start3A_1402 = tpu.memref_squeeze %dma_start3A_1401 : memref<1x1x1x128xi32, #tpu.memory_space<vmem>> -> memref<128xi32, #tpu.memory_space<vmem>>
    %dma_start3A_1403 = arith.constant 0 : i32
    %dma_start3A_1404 = arith.constant 0 : i32
    %dma_start3A_1405 = tpu.memref_slice %arg5[%dma_start3A_1403, %dma_start3A_1404] : memref<10240x128xf32, #tpu.memory_space<hbm>> -> memref<10240x128xf32, #tpu.memory_space<hbm>>
    tpu.enqueue_indirect_dma source(%dma_start3A_1405 : memref<10240x128xf32, #tpu.memory_space<hbm>>) target(%dma_start3A_1399 : memref<128x128xf32, #tpu.memory_space<vmem>>) offsets(%dma_start3A_1402 : memref<128xi32, #tpu.memory_space<vmem>>) semaphore(%arg13 : memref<!tpu.dma_semaphore, #tpu.memory_space<semaphore_mem>>)
    %dma_wait3A_1406 = arith.constant 0 : i32
    %dma_wait3A_1407 = arith.constant 0 : i32
    %dma_wait3A_1408 = arith.constant 0 : i32
    %dma_wait3A_1409 = arith.constant 1 : i32
    %dma_wait3A_1410 = arith.constant 0 : i32
    %dma_wait3A_1411 = arith.constant 0 : i32
    %dma_wait3A_1412 = tpu.memref_slice %arg10[%dma_wait3A_1409, %dma_wait3A_1410, %dma_wait3A_1411] : memref<2x128x128xf32, #tpu.memory_space<vmem>> -> memref<1x128x128xf32, #tpu.memory_space<vmem>>
    %dma_wait3A_1413 = tpu.memref_squeeze %dma_wait3A_1412 : memref<1x128x128xf32, #tpu.memory_space<vmem>> -> memref<128x128xf32, #tpu.memory_space<vmem>>
    %dma_wait3A_1414 = arith.constant 0 : i32
    %dma_wait3A_1415 = tpu.memref_slice %arg9[%dma_wait3A_1406, %dma_wait3A_1407, %dma_wait3A_1408, %dma_wait3A_1414] : memref<3x4x2x128xi32, #tpu.memory_space<vmem>> -> memref<1x1x1x128xi32, #tpu.memory_space<vmem>>
    %dma_wait3A_1416 = tpu.memref_squeeze %dma_wait3A_1415 : memref<1x1x1x128xi32, #tpu.memory_space<vmem>> -> memref<128xi32, #tpu.memory_space<vmem>>
    %dma_wait3A_1417 = arith.constant 0 : i32
    %dma_wait3A_1418 = arith.constant 0 : i32
    %dma_wait3A_1419 = tpu.memref_slice %arg5[%dma_wait3A_1417, %dma_wait3A_1418] : memref<10240x128xf32, #tpu.memory_space<hbm>> -> memref<10240x128xf32, #tpu.memory_space<hbm>>
    tpu.wait_indirect_dma semaphore(%arg13 : memref<!tpu.dma_semaphore, #tpu.memory_space<semaphore_mem>>) src(%dma_wait3A_1419 : memref<10240x128xf32, #tpu.memory_space<hbm>>) dst(%dma_wait3A_1413 : memref<128x128xf32, #tpu.memory_space<vmem>>)
    %dma_start3A_1420 = arith.constant 1 : i32
    %dma_start3A_1421 = arith.constant 2 : i32
    %dma_start3A_1422 = arith.constant 3 : i32
    %dma_start3A_1423 = arith.constant 1 : i32
    %dma_start3A_1424 = arith.constant 0 : i32
    %dma_start3A_1425 = arith.constant 0 : i32
    %dma_start3A_1426 = tpu.memref_slice %arg10[%dma_start3A_1420, %dma_start3A_1424, %dma_start3A_1425] : memref<2x128x128xf32, #tpu.memory_space<vmem>> -> memref<1x128x128xf32, #tpu.memory_space<vmem>>
    %dma_start3A_1427 = tpu.memref_squeeze %dma_start3A_1426 : memref<1x128x128xf32, #tpu.memory_space<vmem>> -> memref<128x128xf32, #tpu.memory_space<vmem>>
    %dma_start3A_1428 = arith.constant 0 : i32
    %dma_start3A_1429 = tpu.memref_slice %arg9[%dma_start3A_1421, %dma_start3A_1422, %dma_start3A_1423, %dma_start3A_1428] : memref<3x4x2x128xi32, #tpu.memory_space<vmem>> -> memref<1x1x1x128xi32, #tpu.memory_space<vmem>>
    %dma_start3A_1430 = tpu.memref_squeeze %dma_start3A_1429 : memref<1x1x1x128xi32, #tpu.memory_space<vmem>> -> memref<128xi32, #tpu.memory_space<vmem>>
    %dma_start3A_1431 = arith.constant 0 : i32
    %dma_start3A_1432 = arith.constant 0 : i32
    %dma_start3A_1433 = tpu.memref_slice %arg11[%dma_start3A_1431, %dma_start3A_1432] : memref<10240x128xf32, #tpu.memory_space<vmem_shared>> -> memref<10240x128xf32, #tpu.memory_space<vmem_shared>>
    tpu.enqueue_indirect_dma source(%dma_start3A_1427 : memref<128x128xf32, #tpu.memory_space<vmem>>) target(%dma_start3A_1433 : memref<10240x128xf32, #tpu.memory_space<vmem_shared>>) offsets(%dma_start3A_1430 : memref<128xi32, #tpu.memory_space<vmem>>) semaphore(%arg14 : memref<!tpu.dma_semaphore, #tpu.memory_space<semaphore_mem>>) {add = true}
    %add3A_1434 = arith.constant 76 : i32
    %add3A_1435 = arith.addi %add3A_4, %add3A_1434 : i32
    %run_scoped3A_1436 = arith.constant 1 : i32
    "tpu.region"() ({
      %run_scoped3A_1793 = tpu.sem_alloc : memref<!tpu.dma_semaphore, #tpu.memory_space<semaphore_mem>>
      %dma_start3A_1794 = arith.constant 0 : i32
      %dma_start3A_1795 = arith.constant 0 : i32
      %dma_start3A_1796 = arith.constant 0 : i32
      %dma_start3A_1797 = tpu.memref_slice %arg9[%run_scoped3A_1436, %dma_start3A_1794, %dma_start3A_1795, %dma_start3A_1796] : memref<3x4x2x128xi32, #tpu.memory_space<vmem>> -> memref<1x2x2x128xi32, #tpu.memory_space<vmem>>
      %dma_start3A_1798 = tpu.memref_squeeze %dma_start3A_1797 : memref<1x2x2x128xi32, #tpu.memory_space<vmem>> -> memref<2x2x128xi32, #tpu.memory_space<vmem>>
      %dma_start3A_1799 = arith.constant 0 : i32
      %dma_start3A_1800 = arith.constant 0 : i32
      %dma_start3A_1801 = tpu.memref_slice %arg3[%add3A_1435, %dma_start3A_1799, %dma_start3A_1800] : memref<2500x2x128xi32, #tpu.memory_space<hbm>> -> memref<2x2x128xi32, #tpu.memory_space<hbm>>
      %dma_start3A_1802 = arith.constant 0 : i32
      %dma_start3A_1803 = arith.constant 0 : i32
      %dma_start3A_1804 = arith.constant 0 : i32
      %dma_start3A_1805 = tpu.memref_slice %arg9[%run_scoped3A_1436, %dma_start3A_1802, %dma_start3A_1803, %dma_start3A_1804] : memref<3x4x2x128xi32, #tpu.memory_space<vmem>> -> memref<1x2x2x128xi32, #tpu.memory_space<vmem>>
      %dma_start3A_1806 = tpu.memref_squeeze %dma_start3A_1805 : memref<1x2x2x128xi32, #tpu.memory_space<vmem>> -> memref<2x2x128xi32, #tpu.memory_space<vmem>>
      %dma_start3A_1807 = arith.constant 0 : i32
      %dma_start3A_1808 = arith.constant 0 : i32
      %dma_start3A_1809 = tpu.memref_slice %arg3[%add3A_1435, %dma_start3A_1807, %dma_start3A_1808] : memref<2500x2x128xi32, #tpu.memory_space<hbm>> -> memref<2x2x128xi32, #tpu.memory_space<hbm>>
      tpu.enqueue_dma source(%dma_start3A_1809 : memref<2x2x128xi32, #tpu.memory_space<hbm>>) target(%dma_start3A_1806 : memref<2x2x128xi32, #tpu.memory_space<vmem>>) target_semaphore(%run_scoped3A_1793 : memref<!tpu.dma_semaphore, #tpu.memory_space<semaphore_mem>>)
      %dma_wait3A_1810 = arith.constant 0 : i32
      %dma_wait3A_1811 = arith.constant 0 : i32
      %dma_wait3A_1812 = arith.constant 0 : i32
      %dma_wait3A_1813 = tpu.memref_slice %arg9[%run_scoped3A_1436, %dma_wait3A_1810, %dma_wait3A_1811, %dma_wait3A_1812] : memref<3x4x2x128xi32, #tpu.memory_space<vmem>> -> memref<1x2x2x128xi32, #tpu.memory_space<vmem>>
      %dma_wait3A_1814 = tpu.memref_squeeze %dma_wait3A_1813 : memref<1x2x2x128xi32, #tpu.memory_space<vmem>> -> memref<2x2x128xi32, #tpu.memory_space<vmem>>
      %dma_wait3A_1815 = arith.constant 0 : i32
      %dma_wait3A_1816 = arith.constant 0 : i32
      %dma_wait3A_1817 = tpu.memref_slice %arg3[%add3A_1435, %dma_wait3A_1815, %dma_wait3A_1816] : memref<2500x2x128xi32, #tpu.memory_space<hbm>> -> memref<2x2x128xi32, #tpu.memory_space<hbm>>
      %dma_wait3A_1818 = arith.constant 0 : i32
      %dma_wait3A_1819 = arith.constant 0 : i32
      %dma_wait3A_1820 = arith.constant 0 : i32
      %dma_wait3A_1821 = tpu.memref_slice %arg9[%run_scoped3A_1436, %dma_wait3A_1818, %dma_wait3A_1819, %dma_wait3A_1820] : memref<3x4x2x128xi32, #tpu.memory_space<vmem>> -> memref<1x2x2x128xi32, #tpu.memory_space<vmem>>
      %dma_wait3A_1822 = tpu.memref_squeeze %dma_wait3A_1821 : memref<1x2x2x128xi32, #tpu.memory_space<vmem>> -> memref<2x2x128xi32, #tpu.memory_space<vmem>>
      %dma_wait3A_1823 = arith.constant 0 : i32
      %dma_wait3A_1824 = arith.constant 0 : i32
      %dma_wait3A_1825 = tpu.memref_slice %arg3[%add3A_1435, %dma_wait3A_1823, %dma_wait3A_1824] : memref<2500x2x128xi32, #tpu.memory_space<hbm>> -> memref<2x2x128xi32, #tpu.memory_space<hbm>>
      tpu.wait_dma2 semaphore(%run_scoped3A_1793 : memref<!tpu.dma_semaphore, #tpu.memory_space<semaphore_mem>>) src(%dma_wait3A_1825 : memref<2x2x128xi32, #tpu.memory_space<hbm>>) dst(%dma_wait3A_1822 : memref<2x2x128xi32, #tpu.memory_space<vmem>>)
      tpu.yield
    }) : () -> ()
    %add3A_1437 = arith.constant 78 : i32
    %add3A_1438 = arith.addi %add3A_4, %add3A_1437 : i32
    %min3A_1439 = arith.constant 2499 : i32
    %min3A_1440 = arith.minsi %add3A_1438, %min3A_1439 : i32
    %run_scoped3A_1441 = arith.constant 1 : i32
    "tpu.region"() ({
      %run_scoped3A_1793 = tpu.sem_alloc : memref<!tpu.dma_semaphore, #tpu.memory_space<semaphore_mem>>
      %dma_start3A_1794 = arith.constant 2 : i32
      %dma_start3A_1795 = arith.constant 0 : i32
      %dma_start3A_1796 = arith.constant 0 : i32
      %dma_start3A_1797 = tpu.memref_slice %arg9[%run_scoped3A_1441, %dma_start3A_1794, %dma_start3A_1795, %dma_start3A_1796] : memref<3x4x2x128xi32, #tpu.memory_space<vmem>> -> memref<1x1x2x128xi32, #tpu.memory_space<vmem>>
      %dma_start3A_1798 = tpu.memref_squeeze %dma_start3A_1797 : memref<1x1x2x128xi32, #tpu.memory_space<vmem>> -> memref<1x2x128xi32, #tpu.memory_space<vmem>>
      %dma_start3A_1799 = arith.constant 0 : i32
      %dma_start3A_1800 = arith.constant 0 : i32
      %dma_start3A_1801 = tpu.memref_slice %arg3[%min3A_1440, %dma_start3A_1799, %dma_start3A_1800] : memref<2500x2x128xi32, #tpu.memory_space<hbm>> -> memref<1x2x128xi32, #tpu.memory_space<hbm>>
      %dma_start3A_1802 = arith.constant 2 : i32
      %dma_start3A_1803 = arith.constant 0 : i32
      %dma_start3A_1804 = arith.constant 0 : i32
      %dma_start3A_1805 = tpu.memref_slice %arg9[%run_scoped3A_1441, %dma_start3A_1802, %dma_start3A_1803, %dma_start3A_1804] : memref<3x4x2x128xi32, #tpu.memory_space<vmem>> -> memref<1x1x2x128xi32, #tpu.memory_space<vmem>>
      %dma_start3A_1806 = tpu.memref_squeeze %dma_start3A_1805 : memref<1x1x2x128xi32, #tpu.memory_space<vmem>> -> memref<1x2x128xi32, #tpu.memory_space<vmem>>
      %dma_start3A_1807 = arith.constant 0 : i32
      %dma_start3A_1808 = arith.constant 0 : i32
      %dma_start3A_1809 = tpu.memref_slice %arg3[%min3A_1440, %dma_start3A_1807, %dma_start3A_1808] : memref<2500x2x128xi32, #tpu.memory_space<hbm>> -> memref<1x2x128xi32, #tpu.memory_space<hbm>>
      tpu.enqueue_dma source(%dma_start3A_1809 : memref<1x2x128xi32, #tpu.memory_space<hbm>>) target(%dma_start3A_1806 : memref<1x2x128xi32, #tpu.memory_space<vmem>>) target_semaphore(%run_scoped3A_1793 : memref<!tpu.dma_semaphore, #tpu.memory_space<semaphore_mem>>)
      %dma_wait3A_1810 = arith.constant 2 : i32
      %dma_wait3A_1811 = arith.constant 0 : i32
      %dma_wait3A_1812 = arith.constant 0 : i32
      %dma_wait3A_1813 = tpu.memref_slice %arg9[%run_scoped3A_1441, %dma_wait3A_1810, %dma_wait3A_1811, %dma_wait3A_1812] : memref<3x4x2x128xi32, #tpu.memory_space<vmem>> -> memref<1x1x2x128xi32, #tpu.memory_space<vmem>>
      %dma_wait3A_1814 = tpu.memref_squeeze %dma_wait3A_1813 : memref<1x1x2x128xi32, #tpu.memory_space<vmem>> -> memref<1x2x128xi32, #tpu.memory_space<vmem>>
      %dma_wait3A_1815 = arith.constant 0 : i32
      %dma_wait3A_1816 = arith.constant 0 : i32
      %dma_wait3A_1817 = tpu.memref_slice %arg3[%min3A_1440, %dma_wait3A_1815, %dma_wait3A_1816] : memref<2500x2x128xi32, #tpu.memory_space<hbm>> -> memref<1x2x128xi32, #tpu.memory_space<hbm>>
      %dma_wait3A_1818 = arith.constant 2 : i32
      %dma_wait3A_1819 = arith.constant 0 : i32
      %dma_wait3A_1820 = arith.constant 0 : i32
      %dma_wait3A_1821 = tpu.memref_slice %arg9[%run_scoped3A_1441, %dma_wait3A_1818, %dma_wait3A_1819, %dma_wait3A_1820] : memref<3x4x2x128xi32, #tpu.memory_space<vmem>> -> memref<1x1x2x128xi32, #tpu.memory_space<vmem>>
      %dma_wait3A_1822 = tpu.memref_squeeze %dma_wait3A_1821 : memref<1x1x2x128xi32, #tpu.memory_space<vmem>> -> memref<1x2x128xi32, #tpu.memory_space<vmem>>
      %dma_wait3A_1823 = arith.constant 0 : i32
      %dma_wait3A_1824 = arith.constant 0 : i32
      %dma_wait3A_1825 = tpu.memref_slice %arg3[%min3A_1440, %dma_wait3A_1823, %dma_wait3A_1824] : memref<2500x2x128xi32, #tpu.memory_space<hbm>> -> memref<1x2x128xi32, #tpu.memory_space<hbm>>
      tpu.wait_dma2 semaphore(%run_scoped3A_1793 : memref<!tpu.dma_semaphore, #tpu.memory_space<semaphore_mem>>) src(%dma_wait3A_1825 : memref<1x2x128xi32, #tpu.memory_space<hbm>>) dst(%dma_wait3A_1822 : memref<1x2x128xi32, #tpu.memory_space<vmem>>)
      tpu.yield
    }) : () -> ()
    %dma_wait3A_1442 = arith.constant 0 : i32
    %dma_wait3A_1443 = arith.constant 0 : i32
    %dma_wait3A_1444 = arith.constant 0 : i32
    %dma_wait3A_1445 = arith.constant 1 : i32
    %dma_wait3A_1446 = arith.constant 0 : i32
    %dma_wait3A_1447 = arith.constant 0 : i32
    %dma_wait3A_1448 = tpu.memref_slice %arg10[%dma_wait3A_1442, %dma_wait3A_1446, %dma_wait3A_1447] : memref<2x128x128xf32, #tpu.memory_space<vmem>> -> memref<1x128x128xf32, #tpu.memory_space<vmem>>
    %dma_wait3A_1449 = tpu.memref_squeeze %dma_wait3A_1448 : memref<1x128x128xf32, #tpu.memory_space<vmem>> -> memref<128x128xf32, #tpu.memory_space<vmem>>
    %dma_wait3A_1450 = arith.constant 0 : i32
    %dma_wait3A_1451 = tpu.memref_slice %arg9[%dma_wait3A_1443, %dma_wait3A_1444, %dma_wait3A_1445, %dma_wait3A_1450] : memref<3x4x2x128xi32, #tpu.memory_space<vmem>> -> memref<1x1x1x128xi32, #tpu.memory_space<vmem>>
    %dma_wait3A_1452 = tpu.memref_squeeze %dma_wait3A_1451 : memref<1x1x1x128xi32, #tpu.memory_space<vmem>> -> memref<128xi32, #tpu.memory_space<vmem>>
    %dma_wait3A_1453 = arith.constant 0 : i32
    %dma_wait3A_1454 = arith.constant 0 : i32
    %dma_wait3A_1455 = tpu.memref_slice %arg11[%dma_wait3A_1453, %dma_wait3A_1454] : memref<10240x128xf32, #tpu.memory_space<vmem_shared>> -> memref<10240x128xf32, #tpu.memory_space<vmem_shared>>
    tpu.wait_indirect_dma semaphore(%arg14 : memref<!tpu.dma_semaphore, #tpu.memory_space<semaphore_mem>>) src(%dma_wait3A_1449 : memref<128x128xf32, #tpu.memory_space<vmem>>) dst(%dma_wait3A_1455 : memref<10240x128xf32, #tpu.memory_space<vmem_shared>>)
    %dma_start3A_1456 = arith.constant 0 : i32
    %dma_start3A_1457 = arith.constant 1 : i32
    %dma_start3A_1458 = arith.constant 0 : i32
    %dma_start3A_1459 = arith.constant 1 : i32
    %dma_start3A_1460 = arith.constant 0 : i32
    %dma_start3A_1461 = arith.constant 0 : i32
    %dma_start3A_1462 = tpu.memref_slice %arg10[%dma_start3A_1459, %dma_start3A_1460, %dma_start3A_1461] : memref<2x128x128xf32, #tpu.memory_space<vmem>> -> memref<1x128x128xf32, #tpu.memory_space<vmem>>
    %dma_start3A_1463 = tpu.memref_squeeze %dma_start3A_1462 : memref<1x128x128xf32, #tpu.memory_space<vmem>> -> memref<128x128xf32, #tpu.memory_space<vmem>>
    %dma_start3A_1464 = arith.constant 0 : i32
    %dma_start3A_1465 = tpu.memref_slice %arg9[%dma_start3A_1456, %dma_start3A_1457, %dma_start3A_1458, %dma_start3A_1464] : memref<3x4x2x128xi32, #tpu.memory_space<vmem>> -> memref<1x1x1x128xi32, #tpu.memory_space<vmem>>
    %dma_start3A_1466 = tpu.memref_squeeze %dma_start3A_1465 : memref<1x1x1x128xi32, #tpu.memory_space<vmem>> -> memref<128xi32, #tpu.memory_space<vmem>>
    %dma_start3A_1467 = arith.constant 0 : i32
    %dma_start3A_1468 = arith.constant 0 : i32
    %dma_start3A_1469 = tpu.memref_slice %arg5[%dma_start3A_1467, %dma_start3A_1468] : memref<10240x128xf32, #tpu.memory_space<hbm>> -> memref<10240x128xf32, #tpu.memory_space<hbm>>
    tpu.enqueue_indirect_dma source(%dma_start3A_1469 : memref<10240x128xf32, #tpu.memory_space<hbm>>) target(%dma_start3A_1463 : memref<128x128xf32, #tpu.memory_space<vmem>>) offsets(%dma_start3A_1466 : memref<128xi32, #tpu.memory_space<vmem>>) semaphore(%arg13 : memref<!tpu.dma_semaphore, #tpu.memory_space<semaphore_mem>>)
    %dma_wait3A_1470 = arith.constant 0 : i32
    %dma_wait3A_1471 = arith.constant 0 : i32
    %dma_wait3A_1472 = arith.constant 0 : i32
    %dma_wait3A_1473 = arith.constant 0 : i32
    %dma_wait3A_1474 = arith.constant 0 : i32
    %dma_wait3A_1475 = arith.constant 0 : i32
    %dma_wait3A_1476 = tpu.memref_slice %arg10[%dma_wait3A_1473, %dma_wait3A_1474, %dma_wait3A_1475] : memref<2x128x128xf32, #tpu.memory_space<vmem>> -> memref<1x128x128xf32, #tpu.memory_space<vmem>>
    %dma_wait3A_1477 = tpu.memref_squeeze %dma_wait3A_1476 : memref<1x128x128xf32, #tpu.memory_space<vmem>> -> memref<128x128xf32, #tpu.memory_space<vmem>>
    %dma_wait3A_1478 = arith.constant 0 : i32
    %dma_wait3A_1479 = tpu.memref_slice %arg9[%dma_wait3A_1470, %dma_wait3A_1471, %dma_wait3A_1472, %dma_wait3A_1478] : memref<3x4x2x128xi32, #tpu.memory_space<vmem>> -> memref<1x1x1x128xi32, #tpu.memory_space<vmem>>
    %dma_wait3A_1480 = tpu.memref_squeeze %dma_wait3A_1479 : memref<1x1x1x128xi32, #tpu.memory_space<vmem>> -> memref<128xi32, #tpu.memory_space<vmem>>
    %dma_wait3A_1481 = arith.constant 0 : i32
    %dma_wait3A_1482 = arith.constant 0 : i32
    %dma_wait3A_1483 = tpu.memref_slice %arg5[%dma_wait3A_1481, %dma_wait3A_1482] : memref<10240x128xf32, #tpu.memory_space<hbm>> -> memref<10240x128xf32, #tpu.memory_space<hbm>>
    tpu.wait_indirect_dma semaphore(%arg13 : memref<!tpu.dma_semaphore, #tpu.memory_space<semaphore_mem>>) src(%dma_wait3A_1483 : memref<10240x128xf32, #tpu.memory_space<hbm>>) dst(%dma_wait3A_1477 : memref<128x128xf32, #tpu.memory_space<vmem>>)
    %dma_start3A_1484 = arith.constant 0 : i32
    %dma_start3A_1485 = arith.constant 0 : i32
    %dma_start3A_1486 = arith.constant 0 : i32
    %dma_start3A_1487 = arith.constant 1 : i32
    %dma_start3A_1488 = arith.constant 0 : i32
    %dma_start3A_1489 = arith.constant 0 : i32
    %dma_start3A_1490 = tpu.memref_slice %arg10[%dma_start3A_1484, %dma_start3A_1488, %dma_start3A_1489] : memref<2x128x128xf32, #tpu.memory_space<vmem>> -> memref<1x128x128xf32, #tpu.memory_space<vmem>>
    %dma_start3A_1491 = tpu.memref_squeeze %dma_start3A_1490 : memref<1x128x128xf32, #tpu.memory_space<vmem>> -> memref<128x128xf32, #tpu.memory_space<vmem>>
    %dma_start3A_1492 = arith.constant 0 : i32
    %dma_start3A_1493 = tpu.memref_slice %arg9[%dma_start3A_1485, %dma_start3A_1486, %dma_start3A_1487, %dma_start3A_1492] : memref<3x4x2x128xi32, #tpu.memory_space<vmem>> -> memref<1x1x1x128xi32, #tpu.memory_space<vmem>>
    %dma_start3A_1494 = tpu.memref_squeeze %dma_start3A_1493 : memref<1x1x1x128xi32, #tpu.memory_space<vmem>> -> memref<128xi32, #tpu.memory_space<vmem>>
    %dma_start3A_1495 = arith.constant 0 : i32
    %dma_start3A_1496 = arith.constant 0 : i32
    %dma_start3A_1497 = tpu.memref_slice %arg11[%dma_start3A_1495, %dma_start3A_1496] : memref<10240x128xf32, #tpu.memory_space<vmem_shared>> -> memref<10240x128xf32, #tpu.memory_space<vmem_shared>>
    tpu.enqueue_indirect_dma source(%dma_start3A_1491 : memref<128x128xf32, #tpu.memory_space<vmem>>) target(%dma_start3A_1497 : memref<10240x128xf32, #tpu.memory_space<vmem_shared>>) offsets(%dma_start3A_1494 : memref<128xi32, #tpu.memory_space<vmem>>) semaphore(%arg14 : memref<!tpu.dma_semaphore, #tpu.memory_space<semaphore_mem>>) {add = true}
    %dma_wait3A_1498 = arith.constant 0 : i32
    %dma_wait3A_1499 = arith.constant 0 : i32
    %dma_wait3A_1500 = arith.constant 0 : i32
    %dma_wait3A_1501 = arith.constant 1 : i32
    %dma_wait3A_1502 = arith.constant 0 : i32
    %dma_wait3A_1503 = arith.constant 0 : i32
    %dma_wait3A_1504 = tpu.memref_slice %arg10[%dma_wait3A_1498, %dma_wait3A_1502, %dma_wait3A_1503] : memref<2x128x128xf32, #tpu.memory_space<vmem>> -> memref<1x128x128xf32, #tpu.memory_space<vmem>>
    %dma_wait3A_1505 = tpu.memref_squeeze %dma_wait3A_1504 : memref<1x128x128xf32, #tpu.memory_space<vmem>> -> memref<128x128xf32, #tpu.memory_space<vmem>>
    %dma_wait3A_1506 = arith.constant 0 : i32
    %dma_wait3A_1507 = tpu.memref_slice %arg9[%dma_wait3A_1499, %dma_wait3A_1500, %dma_wait3A_1501, %dma_wait3A_1506] : memref<3x4x2x128xi32, #tpu.memory_space<vmem>> -> memref<1x1x1x128xi32, #tpu.memory_space<vmem>>
    %dma_wait3A_1508 = tpu.memref_squeeze %dma_wait3A_1507 : memref<1x1x1x128xi32, #tpu.memory_space<vmem>> -> memref<128xi32, #tpu.memory_space<vmem>>
    %dma_wait3A_1509 = arith.constant 0 : i32
    %dma_wait3A_1510 = arith.constant 0 : i32
    %dma_wait3A_1511 = tpu.memref_slice %arg11[%dma_wait3A_1509, %dma_wait3A_1510] : memref<10240x128xf32, #tpu.memory_space<vmem_shared>> -> memref<10240x128xf32, #tpu.memory_space<vmem_shared>>
    tpu.wait_indirect_dma semaphore(%arg14 : memref<!tpu.dma_semaphore, #tpu.memory_space<semaphore_mem>>) src(%dma_wait3A_1505 : memref<128x128xf32, #tpu.memory_space<vmem>>) dst(%dma_wait3A_1511 : memref<10240x128xf32, #tpu.memory_space<vmem_shared>>)
    %dma_start3A_1512 = arith.constant 0 : i32
    %dma_start3A_1513 = arith.constant 2 : i32
    %dma_start3A_1514 = arith.constant 0 : i32
    %dma_start3A_1515 = arith.constant 0 : i32
    %dma_start3A_1516 = arith.constant 0 : i32
    %dma_start3A_1517 = arith.constant 0 : i32
    %dma_start3A_1518 = tpu.memref_slice %arg10[%dma_start3A_1515, %dma_start3A_1516, %dma_start3A_1517] : memref<2x128x128xf32, #tpu.memory_space<vmem>> -> memref<1x128x128xf32, #tpu.memory_space<vmem>>
    %dma_start3A_1519 = tpu.memref_squeeze %dma_start3A_1518 : memref<1x128x128xf32, #tpu.memory_space<vmem>> -> memref<128x128xf32, #tpu.memory_space<vmem>>
    %dma_start3A_1520 = arith.constant 0 : i32
    %dma_start3A_1521 = tpu.memref_slice %arg9[%dma_start3A_1512, %dma_start3A_1513, %dma_start3A_1514, %dma_start3A_1520] : memref<3x4x2x128xi32, #tpu.memory_space<vmem>> -> memref<1x1x1x128xi32, #tpu.memory_space<vmem>>
    %dma_start3A_1522 = tpu.memref_squeeze %dma_start3A_1521 : memref<1x1x1x128xi32, #tpu.memory_space<vmem>> -> memref<128xi32, #tpu.memory_space<vmem>>
    %dma_start3A_1523 = arith.constant 0 : i32
    %dma_start3A_1524 = arith.constant 0 : i32
    %dma_start3A_1525 = tpu.memref_slice %arg5[%dma_start3A_1523, %dma_start3A_1524] : memref<10240x128xf32, #tpu.memory_space<hbm>> -> memref<10240x128xf32, #tpu.memory_space<hbm>>
    tpu.enqueue_indirect_dma source(%dma_start3A_1525 : memref<10240x128xf32, #tpu.memory_space<hbm>>) target(%dma_start3A_1519 : memref<128x128xf32, #tpu.memory_space<vmem>>) offsets(%dma_start3A_1522 : memref<128xi32, #tpu.memory_space<vmem>>) semaphore(%arg13 : memref<!tpu.dma_semaphore, #tpu.memory_space<semaphore_mem>>)
    %dma_wait3A_1526 = arith.constant 0 : i32
    %dma_wait3A_1527 = arith.constant 0 : i32
    %dma_wait3A_1528 = arith.constant 0 : i32
    %dma_wait3A_1529 = arith.constant 1 : i32
    %dma_wait3A_1530 = arith.constant 0 : i32
    %dma_wait3A_1531 = arith.constant 0 : i32
    %dma_wait3A_1532 = tpu.memref_slice %arg10[%dma_wait3A_1529, %dma_wait3A_1530, %dma_wait3A_1531] : memref<2x128x128xf32, #tpu.memory_space<vmem>> -> memref<1x128x128xf32, #tpu.memory_space<vmem>>
    %dma_wait3A_1533 = tpu.memref_squeeze %dma_wait3A_1532 : memref<1x128x128xf32, #tpu.memory_space<vmem>> -> memref<128x128xf32, #tpu.memory_space<vmem>>
    %dma_wait3A_1534 = arith.constant 0 : i32
    %dma_wait3A_1535 = tpu.memref_slice %arg9[%dma_wait3A_1526, %dma_wait3A_1527, %dma_wait3A_1528, %dma_wait3A_1534] : memref<3x4x2x128xi32, #tpu.memory_space<vmem>> -> memref<1x1x1x128xi32, #tpu.memory_space<vmem>>
    %dma_wait3A_1536 = tpu.memref_squeeze %dma_wait3A_1535 : memref<1x1x1x128xi32, #tpu.memory_space<vmem>> -> memref<128xi32, #tpu.memory_space<vmem>>
    %dma_wait3A_1537 = arith.constant 0 : i32
    %dma_wait3A_1538 = arith.constant 0 : i32
    %dma_wait3A_1539 = tpu.memref_slice %arg5[%dma_wait3A_1537, %dma_wait3A_1538] : memref<10240x128xf32, #tpu.memory_space<hbm>> -> memref<10240x128xf32, #tpu.memory_space<hbm>>
    tpu.wait_indirect_dma semaphore(%arg13 : memref<!tpu.dma_semaphore, #tpu.memory_space<semaphore_mem>>) src(%dma_wait3A_1539 : memref<10240x128xf32, #tpu.memory_space<hbm>>) dst(%dma_wait3A_1533 : memref<128x128xf32, #tpu.memory_space<vmem>>)
    %dma_start3A_1540 = arith.constant 1 : i32
    %dma_start3A_1541 = arith.constant 0 : i32
    %dma_start3A_1542 = arith.constant 1 : i32
    %dma_start3A_1543 = arith.constant 1 : i32
    %dma_start3A_1544 = arith.constant 0 : i32
    %dma_start3A_1545 = arith.constant 0 : i32
    %dma_start3A_1546 = tpu.memref_slice %arg10[%dma_start3A_1540, %dma_start3A_1544, %dma_start3A_1545] : memref<2x128x128xf32, #tpu.memory_space<vmem>> -> memref<1x128x128xf32, #tpu.memory_space<vmem>>
    %dma_start3A_1547 = tpu.memref_squeeze %dma_start3A_1546 : memref<1x128x128xf32, #tpu.memory_space<vmem>> -> memref<128x128xf32, #tpu.memory_space<vmem>>
    %dma_start3A_1548 = arith.constant 0 : i32
    %dma_start3A_1549 = tpu.memref_slice %arg9[%dma_start3A_1541, %dma_start3A_1542, %dma_start3A_1543, %dma_start3A_1548] : memref<3x4x2x128xi32, #tpu.memory_space<vmem>> -> memref<1x1x1x128xi32, #tpu.memory_space<vmem>>
    %dma_start3A_1550 = tpu.memref_squeeze %dma_start3A_1549 : memref<1x1x1x128xi32, #tpu.memory_space<vmem>> -> memref<128xi32, #tpu.memory_space<vmem>>
    %dma_start3A_1551 = arith.constant 0 : i32
    %dma_start3A_1552 = arith.constant 0 : i32
    %dma_start3A_1553 = tpu.memref_slice %arg11[%dma_start3A_1551, %dma_start3A_1552] : memref<10240x128xf32, #tpu.memory_space<vmem_shared>> -> memref<10240x128xf32, #tpu.memory_space<vmem_shared>>
    tpu.enqueue_indirect_dma source(%dma_start3A_1547 : memref<128x128xf32, #tpu.memory_space<vmem>>) target(%dma_start3A_1553 : memref<10240x128xf32, #tpu.memory_space<vmem_shared>>) offsets(%dma_start3A_1550 : memref<128xi32, #tpu.memory_space<vmem>>) semaphore(%arg14 : memref<!tpu.dma_semaphore, #tpu.memory_space<semaphore_mem>>) {add = true}
    %dma_wait3A_1554 = arith.constant 0 : i32
    %dma_wait3A_1555 = arith.constant 0 : i32
    %dma_wait3A_1556 = arith.constant 0 : i32
    %dma_wait3A_1557 = arith.constant 1 : i32
    %dma_wait3A_1558 = arith.constant 0 : i32
    %dma_wait3A_1559 = arith.constant 0 : i32
    %dma_wait3A_1560 = tpu.memref_slice %arg10[%dma_wait3A_1554, %dma_wait3A_1558, %dma_wait3A_1559] : memref<2x128x128xf32, #tpu.memory_space<vmem>> -> memref<1x128x128xf32, #tpu.memory_space<vmem>>
    %dma_wait3A_1561 = tpu.memref_squeeze %dma_wait3A_1560 : memref<1x128x128xf32, #tpu.memory_space<vmem>> -> memref<128x128xf32, #tpu.memory_space<vmem>>
    %dma_wait3A_1562 = arith.constant 0 : i32
    %dma_wait3A_1563 = tpu.memref_slice %arg9[%dma_wait3A_1555, %dma_wait3A_1556, %dma_wait3A_1557, %dma_wait3A_1562] : memref<3x4x2x128xi32, #tpu.memory_space<vmem>> -> memref<1x1x1x128xi32, #tpu.memory_space<vmem>>
    %dma_wait3A_1564 = tpu.memref_squeeze %dma_wait3A_1563 : memref<1x1x1x128xi32, #tpu.memory_space<vmem>> -> memref<128xi32, #tpu.memory_space<vmem>>
    %dma_wait3A_1565 = arith.constant 0 : i32
    %dma_wait3A_1566 = arith.constant 0 : i32
    %dma_wait3A_1567 = tpu.memref_slice %arg11[%dma_wait3A_1565, %dma_wait3A_1566] : memref<10240x128xf32, #tpu.memory_space<vmem_shared>> -> memref<10240x128xf32, #tpu.memory_space<vmem_shared>>
    tpu.wait_indirect_dma semaphore(%arg14 : memref<!tpu.dma_semaphore, #tpu.memory_space<semaphore_mem>>) src(%dma_wait3A_1561 : memref<128x128xf32, #tpu.memory_space<vmem>>) dst(%dma_wait3A_1567 : memref<10240x128xf32, #tpu.memory_space<vmem_shared>>)
    %dma_start3A_1568 = arith.constant 0 : i32
    %dma_start3A_1569 = arith.constant 3 : i32
    %dma_start3A_1570 = arith.constant 0 : i32
    %dma_start3A_1571 = arith.constant 1 : i32
    %dma_start3A_1572 = arith.constant 0 : i32
    %dma_start3A_1573 = arith.constant 0 : i32
    %dma_start3A_1574 = tpu.memref_slice %arg10[%dma_start3A_1571, %dma_start3A_1572, %dma_start3A_1573] : memref<2x128x128xf32, #tpu.memory_space<vmem>> -> memref<1x128x128xf32, #tpu.memory_space<vmem>>
    %dma_start3A_1575 = tpu.memref_squeeze %dma_start3A_1574 : memref<1x128x128xf32, #tpu.memory_space<vmem>> -> memref<128x128xf32, #tpu.memory_space<vmem>>
    %dma_start3A_1576 = arith.constant 0 : i32
    %dma_start3A_1577 = tpu.memref_slice %arg9[%dma_start3A_1568, %dma_start3A_1569, %dma_start3A_1570, %dma_start3A_1576] : memref<3x4x2x128xi32, #tpu.memory_space<vmem>> -> memref<1x1x1x128xi32, #tpu.memory_space<vmem>>
    %dma_start3A_1578 = tpu.memref_squeeze %dma_start3A_1577 : memref<1x1x1x128xi32, #tpu.memory_space<vmem>> -> memref<128xi32, #tpu.memory_space<vmem>>
    %dma_start3A_1579 = arith.constant 0 : i32
    %dma_start3A_1580 = arith.constant 0 : i32
    %dma_start3A_1581 = tpu.memref_slice %arg5[%dma_start3A_1579, %dma_start3A_1580] : memref<10240x128xf32, #tpu.memory_space<hbm>> -> memref<10240x128xf32, #tpu.memory_space<hbm>>
    tpu.enqueue_indirect_dma source(%dma_start3A_1581 : memref<10240x128xf32, #tpu.memory_space<hbm>>) target(%dma_start3A_1575 : memref<128x128xf32, #tpu.memory_space<vmem>>) offsets(%dma_start3A_1578 : memref<128xi32, #tpu.memory_space<vmem>>) semaphore(%arg13 : memref<!tpu.dma_semaphore, #tpu.memory_space<semaphore_mem>>)
    %dma_wait3A_1582 = arith.constant 0 : i32
    %dma_wait3A_1583 = arith.constant 0 : i32
    %dma_wait3A_1584 = arith.constant 0 : i32
    %dma_wait3A_1585 = arith.constant 0 : i32
    %dma_wait3A_1586 = arith.constant 0 : i32
    %dma_wait3A_1587 = arith.constant 0 : i32
    %dma_wait3A_1588 = tpu.memref_slice %arg10[%dma_wait3A_1585, %dma_wait3A_1586, %dma_wait3A_1587] : memref<2x128x128xf32, #tpu.memory_space<vmem>> -> memref<1x128x128xf32, #tpu.memory_space<vmem>>
    %dma_wait3A_1589 = tpu.memref_squeeze %dma_wait3A_1588 : memref<1x128x128xf32, #tpu.memory_space<vmem>> -> memref<128x128xf32, #tpu.memory_space<vmem>>
    %dma_wait3A_1590 = arith.constant 0 : i32
    %dma_wait3A_1591 = tpu.memref_slice %arg9[%dma_wait3A_1582, %dma_wait3A_1583, %dma_wait3A_1584, %dma_wait3A_1590] : memref<3x4x2x128xi32, #tpu.memory_space<vmem>> -> memref<1x1x1x128xi32, #tpu.memory_space<vmem>>
    %dma_wait3A_1592 = tpu.memref_squeeze %dma_wait3A_1591 : memref<1x1x1x128xi32, #tpu.memory_space<vmem>> -> memref<128xi32, #tpu.memory_space<vmem>>
    %dma_wait3A_1593 = arith.constant 0 : i32
    %dma_wait3A_1594 = arith.constant 0 : i32
    %dma_wait3A_1595 = tpu.memref_slice %arg5[%dma_wait3A_1593, %dma_wait3A_1594] : memref<10240x128xf32, #tpu.memory_space<hbm>> -> memref<10240x128xf32, #tpu.memory_space<hbm>>
    tpu.wait_indirect_dma semaphore(%arg13 : memref<!tpu.dma_semaphore, #tpu.memory_space<semaphore_mem>>) src(%dma_wait3A_1595 : memref<10240x128xf32, #tpu.memory_space<hbm>>) dst(%dma_wait3A_1589 : memref<128x128xf32, #tpu.memory_space<vmem>>)
    %dma_start3A_1596 = arith.constant 0 : i32
    %dma_start3A_1597 = arith.constant 0 : i32
    %dma_start3A_1598 = arith.constant 2 : i32
    %dma_start3A_1599 = arith.constant 1 : i32
    %dma_start3A_1600 = arith.constant 0 : i32
    %dma_start3A_1601 = arith.constant 0 : i32
    %dma_start3A_1602 = tpu.memref_slice %arg10[%dma_start3A_1596, %dma_start3A_1600, %dma_start3A_1601] : memref<2x128x128xf32, #tpu.memory_space<vmem>> -> memref<1x128x128xf32, #tpu.memory_space<vmem>>
    %dma_start3A_1603 = tpu.memref_squeeze %dma_start3A_1602 : memref<1x128x128xf32, #tpu.memory_space<vmem>> -> memref<128x128xf32, #tpu.memory_space<vmem>>
    %dma_start3A_1604 = arith.constant 0 : i32
    %dma_start3A_1605 = tpu.memref_slice %arg9[%dma_start3A_1597, %dma_start3A_1598, %dma_start3A_1599, %dma_start3A_1604] : memref<3x4x2x128xi32, #tpu.memory_space<vmem>> -> memref<1x1x1x128xi32, #tpu.memory_space<vmem>>
    %dma_start3A_1606 = tpu.memref_squeeze %dma_start3A_1605 : memref<1x1x1x128xi32, #tpu.memory_space<vmem>> -> memref<128xi32, #tpu.memory_space<vmem>>
    %dma_start3A_1607 = arith.constant 0 : i32
    %dma_start3A_1608 = arith.constant 0 : i32
    %dma_start3A_1609 = tpu.memref_slice %arg11[%dma_start3A_1607, %dma_start3A_1608] : memref<10240x128xf32, #tpu.memory_space<vmem_shared>> -> memref<10240x128xf32, #tpu.memory_space<vmem_shared>>
    tpu.enqueue_indirect_dma source(%dma_start3A_1603 : memref<128x128xf32, #tpu.memory_space<vmem>>) target(%dma_start3A_1609 : memref<10240x128xf32, #tpu.memory_space<vmem_shared>>) offsets(%dma_start3A_1606 : memref<128xi32, #tpu.memory_space<vmem>>) semaphore(%arg14 : memref<!tpu.dma_semaphore, #tpu.memory_space<semaphore_mem>>) {add = true}
    %dma_wait3A_1610 = arith.constant 0 : i32
    %dma_wait3A_1611 = arith.constant 0 : i32
    %dma_wait3A_1612 = arith.constant 0 : i32
    %dma_wait3A_1613 = arith.constant 1 : i32
    %dma_wait3A_1614 = arith.constant 0 : i32
    %dma_wait3A_1615 = arith.constant 0 : i32
    %dma_wait3A_1616 = tpu.memref_slice %arg10[%dma_wait3A_1610, %dma_wait3A_1614, %dma_wait3A_1615] : memref<2x128x128xf32, #tpu.memory_space<vmem>> -> memref<1x128x128xf32, #tpu.memory_space<vmem>>
    %dma_wait3A_1617 = tpu.memref_squeeze %dma_wait3A_1616 : memref<1x128x128xf32, #tpu.memory_space<vmem>> -> memref<128x128xf32, #tpu.memory_space<vmem>>
    %dma_wait3A_1618 = arith.constant 0 : i32
    %dma_wait3A_1619 = tpu.memref_slice %arg9[%dma_wait3A_1611, %dma_wait3A_1612, %dma_wait3A_1613, %dma_wait3A_1618] : memref<3x4x2x128xi32, #tpu.memory_space<vmem>> -> memref<1x1x1x128xi32, #tpu.memory_space<vmem>>
    %dma_wait3A_1620 = tpu.memref_squeeze %dma_wait3A_1619 : memref<1x1x1x128xi32, #tpu.memory_space<vmem>> -> memref<128xi32, #tpu.memory_space<vmem>>
    %dma_wait3A_1621 = arith.constant 0 : i32
    %dma_wait3A_1622 = arith.constant 0 : i32
    %dma_wait3A_1623 = tpu.memref_slice %arg11[%dma_wait3A_1621, %dma_wait3A_1622] : memref<10240x128xf32, #tpu.memory_space<vmem_shared>> -> memref<10240x128xf32, #tpu.memory_space<vmem_shared>>
    tpu.wait_indirect_dma semaphore(%arg14 : memref<!tpu.dma_semaphore, #tpu.memory_space<semaphore_mem>>) src(%dma_wait3A_1617 : memref<128x128xf32, #tpu.memory_space<vmem>>) dst(%dma_wait3A_1623 : memref<10240x128xf32, #tpu.memory_space<vmem_shared>>)
    %dma_start3A_1624 = arith.constant 1 : i32
    %dma_start3A_1625 = arith.constant 0 : i32
    %dma_start3A_1626 = arith.constant 0 : i32
    %dma_start3A_1627 = arith.constant 0 : i32
    %dma_start3A_1628 = arith.constant 0 : i32
    %dma_start3A_1629 = arith.constant 0 : i32
    %dma_start3A_1630 = tpu.memref_slice %arg10[%dma_start3A_1627, %dma_start3A_1628, %dma_start3A_1629] : memref<2x128x128xf32, #tpu.memory_space<vmem>> -> memref<1x128x128xf32, #tpu.memory_space<vmem>>
    %dma_start3A_1631 = tpu.memref_squeeze %dma_start3A_1630 : memref<1x128x128xf32, #tpu.memory_space<vmem>> -> memref<128x128xf32, #tpu.memory_space<vmem>>
    %dma_start3A_1632 = arith.constant 0 : i32
    %dma_start3A_1633 = tpu.memref_slice %arg9[%dma_start3A_1624, %dma_start3A_1625, %dma_start3A_1626, %dma_start3A_1632] : memref<3x4x2x128xi32, #tpu.memory_space<vmem>> -> memref<1x1x1x128xi32, #tpu.memory_space<vmem>>
    %dma_start3A_1634 = tpu.memref_squeeze %dma_start3A_1633 : memref<1x1x1x128xi32, #tpu.memory_space<vmem>> -> memref<128xi32, #tpu.memory_space<vmem>>
    %dma_start3A_1635 = arith.constant 0 : i32
    %dma_start3A_1636 = arith.constant 0 : i32
    %dma_start3A_1637 = tpu.memref_slice %arg5[%dma_start3A_1635, %dma_start3A_1636] : memref<10240x128xf32, #tpu.memory_space<hbm>> -> memref<10240x128xf32, #tpu.memory_space<hbm>>
    tpu.enqueue_indirect_dma source(%dma_start3A_1637 : memref<10240x128xf32, #tpu.memory_space<hbm>>) target(%dma_start3A_1631 : memref<128x128xf32, #tpu.memory_space<vmem>>) offsets(%dma_start3A_1634 : memref<128xi32, #tpu.memory_space<vmem>>) semaphore(%arg13 : memref<!tpu.dma_semaphore, #tpu.memory_space<semaphore_mem>>)
    %dma_wait3A_1638 = arith.constant 0 : i32
    %dma_wait3A_1639 = arith.constant 0 : i32
    %dma_wait3A_1640 = arith.constant 0 : i32
    %dma_wait3A_1641 = arith.constant 1 : i32
    %dma_wait3A_1642 = arith.constant 0 : i32
    %dma_wait3A_1643 = arith.constant 0 : i32
    %dma_wait3A_1644 = tpu.memref_slice %arg10[%dma_wait3A_1641, %dma_wait3A_1642, %dma_wait3A_1643] : memref<2x128x128xf32, #tpu.memory_space<vmem>> -> memref<1x128x128xf32, #tpu.memory_space<vmem>>
    %dma_wait3A_1645 = tpu.memref_squeeze %dma_wait3A_1644 : memref<1x128x128xf32, #tpu.memory_space<vmem>> -> memref<128x128xf32, #tpu.memory_space<vmem>>
    %dma_wait3A_1646 = arith.constant 0 : i32
    %dma_wait3A_1647 = tpu.memref_slice %arg9[%dma_wait3A_1638, %dma_wait3A_1639, %dma_wait3A_1640, %dma_wait3A_1646] : memref<3x4x2x128xi32, #tpu.memory_space<vmem>> -> memref<1x1x1x128xi32, #tpu.memory_space<vmem>>
    %dma_wait3A_1648 = tpu.memref_squeeze %dma_wait3A_1647 : memref<1x1x1x128xi32, #tpu.memory_space<vmem>> -> memref<128xi32, #tpu.memory_space<vmem>>
    %dma_wait3A_1649 = arith.constant 0 : i32
    %dma_wait3A_1650 = arith.constant 0 : i32
    %dma_wait3A_1651 = tpu.memref_slice %arg5[%dma_wait3A_1649, %dma_wait3A_1650] : memref<10240x128xf32, #tpu.memory_space<hbm>> -> memref<10240x128xf32, #tpu.memory_space<hbm>>
    tpu.wait_indirect_dma semaphore(%arg13 : memref<!tpu.dma_semaphore, #tpu.memory_space<semaphore_mem>>) src(%dma_wait3A_1651 : memref<10240x128xf32, #tpu.memory_space<hbm>>) dst(%dma_wait3A_1645 : memref<128x128xf32, #tpu.memory_space<vmem>>)
    %dma_start3A_1652 = arith.constant 1 : i32
    %dma_start3A_1653 = arith.constant 0 : i32
    %dma_start3A_1654 = arith.constant 3 : i32
    %dma_start3A_1655 = arith.constant 1 : i32
    %dma_start3A_1656 = arith.constant 0 : i32
    %dma_start3A_1657 = arith.constant 0 : i32
    %dma_start3A_1658 = tpu.memref_slice %arg10[%dma_start3A_1652, %dma_start3A_1656, %dma_start3A_1657] : memref<2x128x128xf32, #tpu.memory_space<vmem>> -> memref<1x128x128xf32, #tpu.memory_space<vmem>>
    %dma_start3A_1659 = tpu.memref_squeeze %dma_start3A_1658 : memref<1x128x128xf32, #tpu.memory_space<vmem>> -> memref<128x128xf32, #tpu.memory_space<vmem>>
    %dma_start3A_1660 = arith.constant 0 : i32
    %dma_start3A_1661 = tpu.memref_slice %arg9[%dma_start3A_1653, %dma_start3A_1654, %dma_start3A_1655, %dma_start3A_1660] : memref<3x4x2x128xi32, #tpu.memory_space<vmem>> -> memref<1x1x1x128xi32, #tpu.memory_space<vmem>>
    %dma_start3A_1662 = tpu.memref_squeeze %dma_start3A_1661 : memref<1x1x1x128xi32, #tpu.memory_space<vmem>> -> memref<128xi32, #tpu.memory_space<vmem>>
    %dma_start3A_1663 = arith.constant 0 : i32
    %dma_start3A_1664 = arith.constant 0 : i32
    %dma_start3A_1665 = tpu.memref_slice %arg11[%dma_start3A_1663, %dma_start3A_1664] : memref<10240x128xf32, #tpu.memory_space<vmem_shared>> -> memref<10240x128xf32, #tpu.memory_space<vmem_shared>>
    tpu.enqueue_indirect_dma source(%dma_start3A_1659 : memref<128x128xf32, #tpu.memory_space<vmem>>) target(%dma_start3A_1665 : memref<10240x128xf32, #tpu.memory_space<vmem_shared>>) offsets(%dma_start3A_1662 : memref<128xi32, #tpu.memory_space<vmem>>) semaphore(%arg14 : memref<!tpu.dma_semaphore, #tpu.memory_space<semaphore_mem>>) {add = true}
    %dma_wait3A_1666 = arith.constant 0 : i32
    %dma_wait3A_1667 = arith.constant 0 : i32
    %dma_wait3A_1668 = arith.constant 0 : i32
    %dma_wait3A_1669 = arith.constant 1 : i32
    %dma_wait3A_1670 = arith.constant 0 : i32
    %dma_wait3A_1671 = arith.constant 0 : i32
    %dma_wait3A_1672 = tpu.memref_slice %arg10[%dma_wait3A_1666, %dma_wait3A_1670, %dma_wait3A_1671] : memref<2x128x128xf32, #tpu.memory_space<vmem>> -> memref<1x128x128xf32, #tpu.memory_space<vmem>>
    %dma_wait3A_1673 = tpu.memref_squeeze %dma_wait3A_1672 : memref<1x128x128xf32, #tpu.memory_space<vmem>> -> memref<128x128xf32, #tpu.memory_space<vmem>>
    %dma_wait3A_1674 = arith.constant 0 : i32
    %dma_wait3A_1675 = tpu.memref_slice %arg9[%dma_wait3A_1667, %dma_wait3A_1668, %dma_wait3A_1669, %dma_wait3A_1674] : memref<3x4x2x128xi32, #tpu.memory_space<vmem>> -> memref<1x1x1x128xi32, #tpu.memory_space<vmem>>
    %dma_wait3A_1676 = tpu.memref_squeeze %dma_wait3A_1675 : memref<1x1x1x128xi32, #tpu.memory_space<vmem>> -> memref<128xi32, #tpu.memory_space<vmem>>
    %dma_wait3A_1677 = arith.constant 0 : i32
    %dma_wait3A_1678 = arith.constant 0 : i32
    %dma_wait3A_1679 = tpu.memref_slice %arg11[%dma_wait3A_1677, %dma_wait3A_1678] : memref<10240x128xf32, #tpu.memory_space<vmem_shared>> -> memref<10240x128xf32, #tpu.memory_space<vmem_shared>>
    tpu.wait_indirect_dma semaphore(%arg14 : memref<!tpu.dma_semaphore, #tpu.memory_space<semaphore_mem>>) src(%dma_wait3A_1673 : memref<128x128xf32, #tpu.memory_space<vmem>>) dst(%dma_wait3A_1679 : memref<10240x128xf32, #tpu.memory_space<vmem_shared>>)
    %dma_start3A_1680 = arith.constant 1 : i32
    %dma_start3A_1681 = arith.constant 1 : i32
    %dma_start3A_1682 = arith.constant 0 : i32
    %dma_start3A_1683 = arith.constant 1 : i32
    %dma_start3A_1684 = arith.constant 0 : i32
    %dma_start3A_1685 = arith.constant 0 : i32
    %dma_start3A_1686 = tpu.memref_slice %arg10[%dma_start3A_1683, %dma_start3A_1684, %dma_start3A_1685] : memref<2x128x128xf32, #tpu.memory_space<vmem>> -> memref<1x128x128xf32, #tpu.memory_space<vmem>>
    %dma_start3A_1687 = tpu.memref_squeeze %dma_start3A_1686 : memref<1x128x128xf32, #tpu.memory_space<vmem>> -> memref<128x128xf32, #tpu.memory_space<vmem>>
    %dma_start3A_1688 = arith.constant 0 : i32
    %dma_start3A_1689 = tpu.memref_slice %arg9[%dma_start3A_1680, %dma_start3A_1681, %dma_start3A_1682, %dma_start3A_1688] : memref<3x4x2x128xi32, #tpu.memory_space<vmem>> -> memref<1x1x1x128xi32, #tpu.memory_space<vmem>>
    %dma_start3A_1690 = tpu.memref_squeeze %dma_start3A_1689 : memref<1x1x1x128xi32, #tpu.memory_space<vmem>> -> memref<128xi32, #tpu.memory_space<vmem>>
    %dma_start3A_1691 = arith.constant 0 : i32
    %dma_start3A_1692 = arith.constant 0 : i32
    %dma_start3A_1693 = tpu.memref_slice %arg5[%dma_start3A_1691, %dma_start3A_1692] : memref<10240x128xf32, #tpu.memory_space<hbm>> -> memref<10240x128xf32, #tpu.memory_space<hbm>>
    tpu.enqueue_indirect_dma source(%dma_start3A_1693 : memref<10240x128xf32, #tpu.memory_space<hbm>>) target(%dma_start3A_1687 : memref<128x128xf32, #tpu.memory_space<vmem>>) offsets(%dma_start3A_1690 : memref<128xi32, #tpu.memory_space<vmem>>) semaphore(%arg13 : memref<!tpu.dma_semaphore, #tpu.memory_space<semaphore_mem>>)
    %dma_wait3A_1694 = arith.constant 0 : i32
    %dma_wait3A_1695 = arith.constant 0 : i32
    %dma_wait3A_1696 = arith.constant 0 : i32
    %dma_wait3A_1697 = arith.constant 0 : i32
    %dma_wait3A_1698 = arith.constant 0 : i32
    %dma_wait3A_1699 = arith.constant 0 : i32
    %dma_wait3A_1700 = tpu.memref_slice %arg10[%dma_wait3A_1697, %dma_wait3A_1698, %dma_wait3A_1699] : memref<2x128x128xf32, #tpu.memory_space<vmem>> -> memref<1x128x128xf32, #tpu.memory_space<vmem>>
    %dma_wait3A_1701 = tpu.memref_squeeze %dma_wait3A_1700 : memref<1x128x128xf32, #tpu.memory_space<vmem>> -> memref<128x128xf32, #tpu.memory_space<vmem>>
    %dma_wait3A_1702 = arith.constant 0 : i32
    %dma_wait3A_1703 = tpu.memref_slice %arg9[%dma_wait3A_1694, %dma_wait3A_1695, %dma_wait3A_1696, %dma_wait3A_1702] : memref<3x4x2x128xi32, #tpu.memory_space<vmem>> -> memref<1x1x1x128xi32, #tpu.memory_space<vmem>>
    %dma_wait3A_1704 = tpu.memref_squeeze %dma_wait3A_1703 : memref<1x1x1x128xi32, #tpu.memory_space<vmem>> -> memref<128xi32, #tpu.memory_space<vmem>>
    %dma_wait3A_1705 = arith.constant 0 : i32
    %dma_wait3A_1706 = arith.constant 0 : i32
    %dma_wait3A_1707 = tpu.memref_slice %arg5[%dma_wait3A_1705, %dma_wait3A_1706] : memref<10240x128xf32, #tpu.memory_space<hbm>> -> memref<10240x128xf32, #tpu.memory_space<hbm>>
    tpu.wait_indirect_dma semaphore(%arg13 : memref<!tpu.dma_semaphore, #tpu.memory_space<semaphore_mem>>) src(%dma_wait3A_1707 : memref<10240x128xf32, #tpu.memory_space<hbm>>) dst(%dma_wait3A_1701 : memref<128x128xf32, #tpu.memory_space<vmem>>)
    %dma_start3A_1708 = arith.constant 0 : i32
    %dma_start3A_1709 = arith.constant 1 : i32
    %dma_start3A_1710 = arith.constant 0 : i32
    %dma_start3A_1711 = arith.constant 1 : i32
    %dma_start3A_1712 = arith.constant 0 : i32
    %dma_start3A_1713 = arith.constant 0 : i32
    %dma_start3A_1714 = tpu.memref_slice %arg10[%dma_start3A_1708, %dma_start3A_1712, %dma_start3A_1713] : memref<2x128x128xf32, #tpu.memory_space<vmem>> -> memref<1x128x128xf32, #tpu.memory_space<vmem>>
    %dma_start3A_1715 = tpu.memref_squeeze %dma_start3A_1714 : memref<1x128x128xf32, #tpu.memory_space<vmem>> -> memref<128x128xf32, #tpu.memory_space<vmem>>
    %dma_start3A_1716 = arith.constant 0 : i32
    %dma_start3A_1717 = tpu.memref_slice %arg9[%dma_start3A_1709, %dma_start3A_1710, %dma_start3A_1711, %dma_start3A_1716] : memref<3x4x2x128xi32, #tpu.memory_space<vmem>> -> memref<1x1x1x128xi32, #tpu.memory_space<vmem>>
    %dma_start3A_1718 = tpu.memref_squeeze %dma_start3A_1717 : memref<1x1x1x128xi32, #tpu.memory_space<vmem>> -> memref<128xi32, #tpu.memory_space<vmem>>
    %dma_start3A_1719 = arith.constant 0 : i32
    %dma_start3A_1720 = arith.constant 0 : i32
    %dma_start3A_1721 = tpu.memref_slice %arg11[%dma_start3A_1719, %dma_start3A_1720] : memref<10240x128xf32, #tpu.memory_space<vmem_shared>> -> memref<10240x128xf32, #tpu.memory_space<vmem_shared>>
    tpu.enqueue_indirect_dma source(%dma_start3A_1715 : memref<128x128xf32, #tpu.memory_space<vmem>>) target(%dma_start3A_1721 : memref<10240x128xf32, #tpu.memory_space<vmem_shared>>) offsets(%dma_start3A_1718 : memref<128xi32, #tpu.memory_space<vmem>>) semaphore(%arg14 : memref<!tpu.dma_semaphore, #tpu.memory_space<semaphore_mem>>) {add = true}
    %dma_wait3A_1722 = arith.constant 0 : i32
    %dma_wait3A_1723 = arith.constant 0 : i32
    %dma_wait3A_1724 = arith.constant 0 : i32
    %dma_wait3A_1725 = arith.constant 1 : i32
    %dma_wait3A_1726 = arith.constant 0 : i32
    %dma_wait3A_1727 = arith.constant 0 : i32
    %dma_wait3A_1728 = tpu.memref_slice %arg10[%dma_wait3A_1722, %dma_wait3A_1726, %dma_wait3A_1727] : memref<2x128x128xf32, #tpu.memory_space<vmem>> -> memref<1x128x128xf32, #tpu.memory_space<vmem>>
    %dma_wait3A_1729 = tpu.memref_squeeze %dma_wait3A_1728 : memref<1x128x128xf32, #tpu.memory_space<vmem>> -> memref<128x128xf32, #tpu.memory_space<vmem>>
    %dma_wait3A_1730 = arith.constant 0 : i32
    %dma_wait3A_1731 = tpu.memref_slice %arg9[%dma_wait3A_1723, %dma_wait3A_1724, %dma_wait3A_1725, %dma_wait3A_1730] : memref<3x4x2x128xi32, #tpu.memory_space<vmem>> -> memref<1x1x1x128xi32, #tpu.memory_space<vmem>>
    %dma_wait3A_1732 = tpu.memref_squeeze %dma_wait3A_1731 : memref<1x1x1x128xi32, #tpu.memory_space<vmem>> -> memref<128xi32, #tpu.memory_space<vmem>>
    %dma_wait3A_1733 = arith.constant 0 : i32
    %dma_wait3A_1734 = arith.constant 0 : i32
    %dma_wait3A_1735 = tpu.memref_slice %arg11[%dma_wait3A_1733, %dma_wait3A_1734] : memref<10240x128xf32, #tpu.memory_space<vmem_shared>> -> memref<10240x128xf32, #tpu.memory_space<vmem_shared>>
    tpu.wait_indirect_dma semaphore(%arg14 : memref<!tpu.dma_semaphore, #tpu.memory_space<semaphore_mem>>) src(%dma_wait3A_1729 : memref<128x128xf32, #tpu.memory_space<vmem>>) dst(%dma_wait3A_1735 : memref<10240x128xf32, #tpu.memory_space<vmem_shared>>)
    %dma_wait3A_1736 = arith.constant 0 : i32
    %dma_wait3A_1737 = arith.constant 0 : i32
    %dma_wait3A_1738 = arith.constant 0 : i32
    %dma_wait3A_1739 = arith.constant 1 : i32
    %dma_wait3A_1740 = arith.constant 0 : i32
    %dma_wait3A_1741 = arith.constant 0 : i32
    %dma_wait3A_1742 = tpu.memref_slice %arg10[%dma_wait3A_1739, %dma_wait3A_1740, %dma_wait3A_1741] : memref<2x128x128xf32, #tpu.memory_space<vmem>> -> memref<1x128x128xf32, #tpu.memory_space<vmem>>
    %dma_wait3A_1743 = tpu.memref_squeeze %dma_wait3A_1742 : memref<1x128x128xf32, #tpu.memory_space<vmem>> -> memref<128x128xf32, #tpu.memory_space<vmem>>
    %dma_wait3A_1744 = arith.constant 0 : i32
    %dma_wait3A_1745 = tpu.memref_slice %arg9[%dma_wait3A_1736, %dma_wait3A_1737, %dma_wait3A_1738, %dma_wait3A_1744] : memref<3x4x2x128xi32, #tpu.memory_space<vmem>> -> memref<1x1x1x128xi32, #tpu.memory_space<vmem>>
    %dma_wait3A_1746 = tpu.memref_squeeze %dma_wait3A_1745 : memref<1x1x1x128xi32, #tpu.memory_space<vmem>> -> memref<128xi32, #tpu.memory_space<vmem>>
    %dma_wait3A_1747 = arith.constant 0 : i32
    %dma_wait3A_1748 = arith.constant 0 : i32
    %dma_wait3A_1749 = tpu.memref_slice %arg5[%dma_wait3A_1747, %dma_wait3A_1748] : memref<10240x128xf32, #tpu.memory_space<hbm>> -> memref<10240x128xf32, #tpu.memory_space<hbm>>
    tpu.wait_indirect_dma semaphore(%arg13 : memref<!tpu.dma_semaphore, #tpu.memory_space<semaphore_mem>>) src(%dma_wait3A_1749 : memref<10240x128xf32, #tpu.memory_space<hbm>>) dst(%dma_wait3A_1743 : memref<128x128xf32, #tpu.memory_space<vmem>>)
    %dma_start3A_1750 = arith.constant 1 : i32
    %dma_start3A_1751 = arith.constant 1 : i32
    %dma_start3A_1752 = arith.constant 1 : i32
    %dma_start3A_1753 = arith.constant 1 : i32
    %dma_start3A_1754 = arith.constant 0 : i32
    %dma_start3A_1755 = arith.constant 0 : i32
    %dma_start3A_1756 = tpu.memref_slice %arg10[%dma_start3A_1750, %dma_start3A_1754, %dma_start3A_1755] : memref<2x128x128xf32, #tpu.memory_space<vmem>> -> memref<1x128x128xf32, #tpu.memory_space<vmem>>
    %dma_start3A_1757 = tpu.memref_squeeze %dma_start3A_1756 : memref<1x128x128xf32, #tpu.memory_space<vmem>> -> memref<128x128xf32, #tpu.memory_space<vmem>>
    %dma_start3A_1758 = arith.constant 0 : i32
    %dma_start3A_1759 = tpu.memref_slice %arg9[%dma_start3A_1751, %dma_start3A_1752, %dma_start3A_1753, %dma_start3A_1758] : memref<3x4x2x128xi32, #tpu.memory_space<vmem>> -> memref<1x1x1x128xi32, #tpu.memory_space<vmem>>
    %dma_start3A_1760 = tpu.memref_squeeze %dma_start3A_1759 : memref<1x1x1x128xi32, #tpu.memory_space<vmem>> -> memref<128xi32, #tpu.memory_space<vmem>>
    %dma_start3A_1761 = arith.constant 0 : i32
    %dma_start3A_1762 = arith.constant 0 : i32
    %dma_start3A_1763 = tpu.memref_slice %arg11[%dma_start3A_1761, %dma_start3A_1762] : memref<10240x128xf32, #tpu.memory_space<vmem_shared>> -> memref<10240x128xf32, #tpu.memory_space<vmem_shared>>
    tpu.enqueue_indirect_dma source(%dma_start3A_1757 : memref<128x128xf32, #tpu.memory_space<vmem>>) target(%dma_start3A_1763 : memref<10240x128xf32, #tpu.memory_space<vmem_shared>>) offsets(%dma_start3A_1760 : memref<128xi32, #tpu.memory_space<vmem>>) semaphore(%arg14 : memref<!tpu.dma_semaphore, #tpu.memory_space<semaphore_mem>>) {add = true}
    %lt3A_1764 = arith.constant 4 : i32
    %lt3A_1765 = arith.cmpi slt, %add3A, %lt3A_1764 : i32
    %convert_element_type3A_1766 = arith.extui %lt3A_1765 : i1 to i32
    %cond3A_1767 = arith.constant 0 : i32
    %cond3A_1768 = arith.cmpi ne, %convert_element_type3A_1766, %cond3A_1767 : i32
    scf.if %cond3A_1768 {
      %dma_start3A_1793 = arith.constant 1 : i32
      %dma_start3A_1794 = arith.constant 2 : i32
      %dma_start3A_1795 = arith.constant 0 : i32
      %dma_start3A_1796 = arith.constant 0 : i32
      %dma_start3A_1797 = arith.constant 0 : i32
      %dma_start3A_1798 = arith.constant 0 : i32
      %dma_start3A_1799 = tpu.memref_slice %arg10[%dma_start3A_1796, %dma_start3A_1797, %dma_start3A_1798] : memref<2x128x128xf32, #tpu.memory_space<vmem>> -> memref<1x128x128xf32, #tpu.memory_space<vmem>>
      %dma_start3A_1800 = tpu.memref_squeeze %dma_start3A_1799 : memref<1x128x128xf32, #tpu.memory_space<vmem>> -> memref<128x128xf32, #tpu.memory_space<vmem>>
      %dma_start3A_1801 = arith.constant 0 : i32
      %dma_start3A_1802 = tpu.memref_slice %arg9[%dma_start3A_1793, %dma_start3A_1794, %dma_start3A_1795, %dma_start3A_1801] : memref<3x4x2x128xi32, #tpu.memory_space<vmem>> -> memref<1x1x1x128xi32, #tpu.memory_space<vmem>>
      %dma_start3A_1803 = tpu.memref_squeeze %dma_start3A_1802 : memref<1x1x1x128xi32, #tpu.memory_space<vmem>> -> memref<128xi32, #tpu.memory_space<vmem>>
      %dma_start3A_1804 = arith.constant 0 : i32
      %dma_start3A_1805 = arith.constant 0 : i32
      %dma_start3A_1806 = tpu.memref_slice %arg5[%dma_start3A_1804, %dma_start3A_1805] : memref<10240x128xf32, #tpu.memory_space<hbm>> -> memref<10240x128xf32, #tpu.memory_space<hbm>>
      tpu.enqueue_indirect_dma source(%dma_start3A_1806 : memref<10240x128xf32, #tpu.memory_space<hbm>>) target(%dma_start3A_1800 : memref<128x128xf32, #tpu.memory_space<vmem>>) offsets(%dma_start3A_1803 : memref<128xi32, #tpu.memory_space<vmem>>) semaphore(%arg13 : memref<!tpu.dma_semaphore, #tpu.memory_space<semaphore_mem>>)
      %dma_wait3A_1807 = arith.constant 0 : i32
      %dma_wait3A_1808 = arith.constant 0 : i32
      %dma_wait3A_1809 = arith.constant 0 : i32
      %dma_wait3A_1810 = arith.constant 0 : i32
      %dma_wait3A_1811 = arith.constant 0 : i32
      %dma_wait3A_1812 = arith.constant 0 : i32
      %dma_wait3A_1813 = tpu.memref_slice %arg10[%dma_wait3A_1810, %dma_wait3A_1811, %dma_wait3A_1812] : memref<2x128x128xf32, #tpu.memory_space<vmem>> -> memref<1x128x128xf32, #tpu.memory_space<vmem>>
      %dma_wait3A_1814 = tpu.memref_squeeze %dma_wait3A_1813 : memref<1x128x128xf32, #tpu.memory_space<vmem>> -> memref<128x128xf32, #tpu.memory_space<vmem>>
      %dma_wait3A_1815 = arith.constant 0 : i32
      %dma_wait3A_1816 = tpu.memref_slice %arg9[%dma_wait3A_1807, %dma_wait3A_1808, %dma_wait3A_1809, %dma_wait3A_1815] : memref<3x4x2x128xi32, #tpu.memory_space<vmem>> -> memref<1x1x1x128xi32, #tpu.memory_space<vmem>>
      %dma_wait3A_1817 = tpu.memref_squeeze %dma_wait3A_1816 : memref<1x1x1x128xi32, #tpu.memory_space<vmem>> -> memref<128xi32, #tpu.memory_space<vmem>>
      %dma_wait3A_1818 = arith.constant 0 : i32
      %dma_wait3A_1819 = arith.constant 0 : i32
      %dma_wait3A_1820 = tpu.memref_slice %arg5[%dma_wait3A_1818, %dma_wait3A_1819] : memref<10240x128xf32, #tpu.memory_space<hbm>> -> memref<10240x128xf32, #tpu.memory_space<hbm>>
      tpu.wait_indirect_dma semaphore(%arg13 : memref<!tpu.dma_semaphore, #tpu.memory_space<semaphore_mem>>) src(%dma_wait3A_1820 : memref<10240x128xf32, #tpu.memory_space<hbm>>) dst(%dma_wait3A_1814 : memref<128x128xf32, #tpu.memory_space<vmem>>)
      %dma_start3A_1821 = arith.constant 0 : i32
      %dma_start3A_1822 = arith.constant 1 : i32
      %dma_start3A_1823 = arith.constant 2 : i32
      %dma_start3A_1824 = arith.constant 1 : i32
      %dma_start3A_1825 = arith.constant 0 : i32
      %dma_start3A_1826 = arith.constant 0 : i32
      %dma_start3A_1827 = tpu.memref_slice %arg10[%dma_start3A_1821, %dma_start3A_1825, %dma_start3A_1826] : memref<2x128x128xf32, #tpu.memory_space<vmem>> -> memref<1x128x128xf32, #tpu.memory_space<vmem>>
      %dma_start3A_1828 = tpu.memref_squeeze %dma_start3A_1827 : memref<1x128x128xf32, #tpu.memory_space<vmem>> -> memref<128x128xf32, #tpu.memory_space<vmem>>
      %dma_start3A_1829 = arith.constant 0 : i32
      %dma_start3A_1830 = tpu.memref_slice %arg9[%dma_start3A_1822, %dma_start3A_1823, %dma_start3A_1824, %dma_start3A_1829] : memref<3x4x2x128xi32, #tpu.memory_space<vmem>> -> memref<1x1x1x128xi32, #tpu.memory_space<vmem>>
      %dma_start3A_1831 = tpu.memref_squeeze %dma_start3A_1830 : memref<1x1x1x128xi32, #tpu.memory_space<vmem>> -> memref<128xi32, #tpu.memory_space<vmem>>
      %dma_start3A_1832 = arith.constant 0 : i32
      %dma_start3A_1833 = arith.constant 0 : i32
      %dma_start3A_1834 = tpu.memref_slice %arg11[%dma_start3A_1832, %dma_start3A_1833] : memref<10240x128xf32, #tpu.memory_space<vmem_shared>> -> memref<10240x128xf32, #tpu.memory_space<vmem_shared>>
      tpu.enqueue_indirect_dma source(%dma_start3A_1828 : memref<128x128xf32, #tpu.memory_space<vmem>>) target(%dma_start3A_1834 : memref<10240x128xf32, #tpu.memory_space<vmem_shared>>) offsets(%dma_start3A_1831 : memref<128xi32, #tpu.memory_space<vmem>>) semaphore(%arg14 : memref<!tpu.dma_semaphore, #tpu.memory_space<semaphore_mem>>) {add = true}
    } else {
    }
    %dma_wait3A_1769 = arith.constant 0 : i32
    %dma_wait3A_1770 = arith.constant 0 : i32
    %dma_wait3A_1771 = arith.constant 0 : i32
    %dma_wait3A_1772 = arith.constant 1 : i32
    %dma_wait3A_1773 = arith.constant 0 : i32
    %dma_wait3A_1774 = arith.constant 0 : i32
    %dma_wait3A_1775 = tpu.memref_slice %arg10[%dma_wait3A_1769, %dma_wait3A_1773, %dma_wait3A_1774] : memref<2x128x128xf32, #tpu.memory_space<vmem>> -> memref<1x128x128xf32, #tpu.memory_space<vmem>>
    %dma_wait3A_1776 = tpu.memref_squeeze %dma_wait3A_1775 : memref<1x128x128xf32, #tpu.memory_space<vmem>> -> memref<128x128xf32, #tpu.memory_space<vmem>>
    %dma_wait3A_1777 = arith.constant 0 : i32
    %dma_wait3A_1778 = tpu.memref_slice %arg9[%dma_wait3A_1770, %dma_wait3A_1771, %dma_wait3A_1772, %dma_wait3A_1777] : memref<3x4x2x128xi32, #tpu.memory_space<vmem>> -> memref<1x1x1x128xi32, #tpu.memory_space<vmem>>
    %dma_wait3A_1779 = tpu.memref_squeeze %dma_wait3A_1778 : memref<1x1x1x128xi32, #tpu.memory_space<vmem>> -> memref<128xi32, #tpu.memory_space<vmem>>
    %dma_wait3A_1780 = arith.constant 0 : i32
    %dma_wait3A_1781 = arith.constant 0 : i32
    %dma_wait3A_1782 = tpu.memref_slice %arg11[%dma_wait3A_1780, %dma_wait3A_1781] : memref<10240x128xf32, #tpu.memory_space<vmem_shared>> -> memref<10240x128xf32, #tpu.memory_space<vmem_shared>>
    tpu.wait_indirect_dma semaphore(%arg14 : memref<!tpu.dma_semaphore, #tpu.memory_space<semaphore_mem>>) src(%dma_wait3A_1776 : memref<128x128xf32, #tpu.memory_space<vmem>>) dst(%dma_wait3A_1782 : memref<10240x128xf32, #tpu.memory_space<vmem_shared>>)
    %lt3A_1783 = arith.constant 4 : i32
    %lt3A_1784 = arith.cmpi slt, %add3A, %lt3A_1783 : i32
    %convert_element_type3A_1785 = arith.extui %lt3A_1784 : i1 to i32
    %cond3A_1786 = arith.constant 0 : i32
    %cond3A_1787 = arith.cmpi ne, %convert_element_type3A_1785, %cond3A_1786 : i32
    scf.if %cond3A_1787 {
      %dma_wait3A_1793 = arith.constant 0 : i32
      %dma_wait3A_1794 = arith.constant 0 : i32
      %dma_wait3A_1795 = arith.constant 0 : i32
      %dma_wait3A_1796 = arith.constant 1 : i32
      %dma_wait3A_1797 = arith.constant 0 : i32
      %dma_wait3A_1798 = arith.constant 0 : i32
      %dma_wait3A_1799 = tpu.memref_slice %arg10[%dma_wait3A_1793, %dma_wait3A_1797, %dma_wait3A_1798] : memref<2x128x128xf32, #tpu.memory_space<vmem>> -> memref<1x128x128xf32, #tpu.memory_space<vmem>>
      %dma_wait3A_1800 = tpu.memref_squeeze %dma_wait3A_1799 : memref<1x128x128xf32, #tpu.memory_space<vmem>> -> memref<128x128xf32, #tpu.memory_space<vmem>>
      %dma_wait3A_1801 = arith.constant 0 : i32
      %dma_wait3A_1802 = tpu.memref_slice %arg9[%dma_wait3A_1794, %dma_wait3A_1795, %dma_wait3A_1796, %dma_wait3A_1801] : memref<3x4x2x128xi32, #tpu.memory_space<vmem>> -> memref<1x1x1x128xi32, #tpu.memory_space<vmem>>
      %dma_wait3A_1803 = tpu.memref_squeeze %dma_wait3A_1802 : memref<1x1x1x128xi32, #tpu.memory_space<vmem>> -> memref<128xi32, #tpu.memory_space<vmem>>
      %dma_wait3A_1804 = arith.constant 0 : i32
      %dma_wait3A_1805 = arith.constant 0 : i32
      %dma_wait3A_1806 = tpu.memref_slice %arg11[%dma_wait3A_1804, %dma_wait3A_1805] : memref<10240x128xf32, #tpu.memory_space<vmem_shared>> -> memref<10240x128xf32, #tpu.memory_space<vmem_shared>>
      tpu.wait_indirect_dma semaphore(%arg14 : memref<!tpu.dma_semaphore, #tpu.memory_space<semaphore_mem>>) src(%dma_wait3A_1800 : memref<128x128xf32, #tpu.memory_space<vmem>>) dst(%dma_wait3A_1806 : memref<10240x128xf32, #tpu.memory_space<vmem_shared>>)
    } else {
    }
    %barrier3A_1788 = arith.constant 0 : index
    tpu.barrier barrier_id(%barrier3A_1788)
    %mul3A_1789 = arith.constant 640 : i32
    %mul3A_1790 = arith.muli %arg1, %mul3A_1789 : i32
    %mul3A_1791 = arith.constant 640 : i32
    %mul3A_1792 = arith.muli %arg1, %mul3A_1791 : i32
    "tpu.region"() ({
      %run_scoped3A_1793 = tpu.sem_alloc : memref<!tpu.dma_semaphore, #tpu.memory_space<semaphore_mem>>
      %dma_start3A_1794 = arith.constant 0 : i32
      %dma_start3A_1795 = tpu.memref_slice %arg8[%arg0, %mul3A_1792, %dma_start3A_1794] : memref<2x10240x128xf32, #tpu.memory_space<hbm>> -> memref<1x640x128xf32, #tpu.memory_space<hbm>>
      %dma_start3A_1796 = tpu.memref_squeeze %dma_start3A_1795 : memref<1x640x128xf32, #tpu.memory_space<hbm>> -> memref<640x128xf32, #tpu.memory_space<hbm>>
      %dma_start3A_1797 = arith.constant 0 : i32
      %dma_start3A_1798 = tpu.memref_slice %arg11[%mul3A_1790, %dma_start3A_1797] : memref<10240x128xf32, #tpu.memory_space<vmem_shared>> -> memref<640x128xf32, #tpu.memory_space<vmem_shared>>
      tpu.enqueue_dma source(%dma_start3A_1798 : memref<640x128xf32, #tpu.memory_space<vmem_shared>>) target(%dma_start3A_1796 : memref<640x128xf32, #tpu.memory_space<hbm>>) target_semaphore(%run_scoped3A_1793 : memref<!tpu.dma_semaphore, #tpu.memory_space<semaphore_mem>>)
      %dma_wait3A_1799 = arith.constant 0 : i32
      %dma_wait3A_1800 = tpu.memref_slice %arg8[%arg0, %mul3A_1792, %dma_wait3A_1799] : memref<2x10240x128xf32, #tpu.memory_space<hbm>> -> memref<1x640x128xf32, #tpu.memory_space<hbm>>
      %dma_wait3A_1801 = tpu.memref_squeeze %dma_wait3A_1800 : memref<1x640x128xf32, #tpu.memory_space<hbm>> -> memref<640x128xf32, #tpu.memory_space<hbm>>
      %dma_wait3A_1802 = arith.constant 0 : i32
      %dma_wait3A_1803 = tpu.memref_slice %arg11[%mul3A_1790, %dma_wait3A_1802] : memref<10240x128xf32, #tpu.memory_space<vmem_shared>> -> memref<640x128xf32, #tpu.memory_space<vmem_shared>>
      tpu.wait_dma2 semaphore(%run_scoped3A_1793 : memref<!tpu.dma_semaphore, #tpu.memory_space<semaphore_mem>>) src(%dma_wait3A_1803 : memref<640x128xf32, #tpu.memory_space<vmem_shared>>) dst(%dma_wait3A_1801 : memref<640x128xf32, #tpu.memory_space<hbm>>)
      tpu.yield
    }) : () -> ()
    return
  }
}

</mosaic_0001>

<sc_bundles>
// kernel: _sc_stage_call.3.cloned.1.call-start
scs
__scs_entry_jumppad:
0x0: {  	(pc) =	sbr.rel $0x88, $3  }
0x1: {  	(tag) =	ssettag $0x0;
	lr =	simm.s32 $0x1  }
0x2: {  	[smem:$0x3F9C] =	sst lr;
	_ =	strace $0xD0000000  }
0x3: {  	_ = 	snop  }
0x4: {  	_ = 	snop  }
0x5: {  	_ = 	snop  }
0x6: {  	_ = 	snop  }
0x7: {  	_ = 	snop  }
__scs_overlays_trampoline_lowered:
0x8: {  	[smem:$0x3FAB] =	sst s0  }
0x9: {  	[smem:$0x3FAC] =	sst s1  }
0xa: {  	[smem:$0x3FAD] =	sst s2  }
0xb: {  	[smem:$0x3FAE] =	sst s3  }
0xc: {  	[smem:$0x3FAF] =	sst s4  }
0xd: {  	[smem:$0x3FB0] =	sst s5  }
0xe: {  	[smem:$0x3FB1] =	sst s6  }
0xf: {  	[smem:$0x3FB2] =	sst s7  }
0x10: {  	[smem:$0x3FB3] =	sst s8  }
0x11: {  	[smem:$0x3FB4] =	sst s9;
	s0 =	simm.s32 @!p0 $0x0  }
0x12: {  	s1 =	sld [smem:$0x3F9A];
	s0 =	simm.s32 @p0 $0x1  }
0x13: {  	[smem:$0x3FB5] =	sst s0;
	s0 =	simm.s32 @!p1 $0x0  }
0x14: {  	s2 =	sld [smem:$0x3F99];
	s0 =	simm.s32 @p1 $0x1  }
0x15: {  	[smem:$0x3FB6] =	sst s0;
	s0 =	simm.s32 @!p2 $0x0  }
0x16: {  	s3 =	sld [smem:$0x3FDB];
	s0 =	simm.s32 @p2 $0x1  }
0x17: {  	s4 =	simm.s32 $0x1BF5;
	[smem:$0x3FB8] =	sst s0  }
0x18: {  	s0 =	sld [smem:$0x3F9B];
	_ =	swait.ge [sflag:s4], $0x0  }
0x19: {  	s7 =	sld [smem:$0x3F9C]  }
0x1a: {  	s8 =	sadd.s32 $0xFFFFE003, lr  }
0x1b: {  	s9 =	sadd.s32 $0xFFFFFEF7, lr;
	s5 =	simm.s32 $0xFFFFFFFF;
	p2 =	slt.u32 s8, $0xFFFFF086  }
0x1c: {  	p1 =	slt.u32 s9, $0xF7A;
	s5 =	simm.s32 @!p2 $0x0  }
0x1d: {  	s5 =	simm.s32 @p1 $0x1;
	p0 =	seq.s32 s7, s2  }
0x1e: {  	s7 =	smul.u32 @!p0 $0xF7A, s2;
	p2 =	seq.s32 @!p0 s5, $0x0  }
0x1f: {  	s9 =	smul.u32 $0xF7A, s1;
	s8 =	simm.s32 @!p0 $0x1BF5;
	p2 =	por !p2, p0  }
0x20: {  	[sflag:s8] =	ssyncset.s32 @!p0 $0xFFFFF086;
	s6 =	sadd.s32 @!p0 s3, s7;
	s7 =	simm.s32 @!p0 $0x108  }
0x21: {  	s3 =	sadd.s32 s3, s9;
	s6 =	sadd.s32 @!p0 $0x88, s6;
	s7 =	simm.s32 @p2 $0x1082  }
0x22: {  	[simem:s7], [sflag:s8] =	dma.local @!p0 [hbm:s6], $0xF7A  }
0x23: {  	s9 =	sor.u32 $0xD0000000, s2;
	s6 =	simm.s32 $0x108;
	_ =	swait.ge @!p0 [sflag:s8], $0x0  }
0x24: {  	s3 =	sadd.s32 $0x88, s3;
	s6 =	simm.s32 @!p1 $0x1082;
	[sflag:s4] =	ssyncset.s32 $0xFFFFF086  }
0x25: {  	[simem:s6], [sflag:s4] =	dma.local [hbm:s3], $0xF7A  }
0x26: {  	[smem:$0x3F9C] =	sst s1;
	(tag) =	ssettag s2;
	_ =	strace s9  }
0x27: {  	s1 =	sld [smem:$0x3FAC]  }
0x28: {  	s2 =	sld [smem:$0x3FAD]  }
0x29: {  	s4 =	sld [smem:$0x3FAF]  }
0x2a: {  	p0 =	seq.s32 s5, $0x0;
	s5 =	sld [smem:$0x3FB0]  }
0x2b: {  	s6 =	sld [smem:$0x3FB1]  }
0x2c: {  	s7 =	sld [smem:$0x3FB2]  }
0x2d: {  	s3 =	simm.s32 $0x108;
	s8 =	sld [smem:$0x3FB3]  }
0x2e: {  	s3 =	simm.s32 @!p0 $0x1082;
	s9 =	sld [smem:$0x3FB4]  }
0x2f: {  	lr =	sadd.s32 s0, s3;
	s0 =	sld [smem:$0x3FAB]  }
0x30: {  	s3 =	sld [smem:$0x3FAE]  }
0x31: {  	[smem:$0x3FB7] =	sst s10  }
0x32: {  	s10 =	sld [smem:$0x3FB5];
	_ =	sdelay $0x3  }
0x33: {  	p0 =	seq.s32 s10, $0x1;
	s10 =	sld [smem:$0x3FB7];
	_ =	sdelay $0x3  }
0x34: {  	[smem:$0x3FB7] =	sst s10  }
0x35: {  	s10 =	sld [smem:$0x3FB6];
	_ =	sdelay $0x3  }
0x36: {  	p1 =	seq.s32 s10, $0x1;
	s10 =	sld [smem:$0x3FB7];
	_ =	sdelay $0x3  }
0x37: {  	[smem:$0x3FB7] =	sst s10  }
0x38: {  	s10 =	sld [smem:$0x3FB8]  }
0x39: {  	_ = 	snop;
	(pc) =	sbr.ind lr, $3  }
0x3a: {  	_ = 	snop  }
0x3b: {  	_ = 	snop  }
0x3c: {  	p2 =	seq.s32 s10, $0x1;
	s10 =	sld [smem:$0x3FB7]  }
0x3d: {  	_ =	shalt  }
0x3e: {  	_ =	shalt  }
0x3f: {  	_ =	shalt  }
0x40: {  	_ =	shalt  }
0x41: {  	_ =	shalt  }
0x42: {  	_ =	shalt  }
0x43: {  	_ =	shalt  }
0x44: {  	_ =	shalt  }
0x45: {  	_ =	shalt  }
0x46: {  	_ =	shalt  }
0x47: {  	_ =	shalt  }
0x48: {  	_ =	shalt  }
0x49: {  	_ =	shalt  }
0x4a: {  	_ =	shalt  }
0x4b: {  	_ =	shalt  }
0x4c: {  	_ =	shalt  }
0x4d: {  	_ =	shalt  }
0x4e: {  	_ =	shalt  }
0x4f: {  	_ =	shalt  }
0x50: {  	_ =	shalt  }
0x51: {  	_ =	shalt  }
0x52: {  	_ =	shalt  }
0x53: {  	_ =	shalt  }
0x54: {  	_ =	shalt  }
0x55: {  	_ =	shalt  }
0x56: {  	_ =	shalt  }
0x57: {  	_ =	shalt  }
0x58: {  	_ =	shalt  }
0x59: {  	_ =	shalt  }
0x5a: {  	_ =	shalt  }
0x5b: {  	_ =	shalt  }
0x5c: {  	_ =	shalt  }
0x5d: {  	_ =	shalt  }
0x5e: {  	_ =	shalt  }
0x5f: {  	_ =	shalt  }
0x60: {  	_ =	shalt  }
0x61: {  	_ =	shalt  }
0x62: {  	_ =	shalt  }
0x63: {  	_ =	shalt  }
0x64: {  	_ =	shalt  }
0x65: {  	_ =	shalt  }
0x66: {  	_ =	shalt  }
0x67: {  	_ =	shalt  }
0x68: {  	_ =	shalt  }
0x69: {  	_ =	shalt  }
0x6a: {  	_ =	shalt  }
0x6b: {  	_ =	shalt  }
0x6c: {  	_ =	shalt  }
0x6d: {  	_ =	shalt  }
0x6e: {  	_ =	shalt  }
0x6f: {  	_ =	shalt  }
0x70: {  	_ =	shalt  }
0x71: {  	_ =	shalt  }
0x72: {  	_ =	shalt  }
0x73: {  	_ =	shalt  }
0x74: {  	_ =	shalt  }
0x75: {  	_ =	shalt  }
0x76: {  	_ =	shalt  }
0x77: {  	_ =	shalt  }
0x78: {  	_ =	shalt  }
0x79: {  	_ =	shalt  }
0x7a: {  	_ =	shalt  }
0x7b: {  	_ =	shalt  }
0x7c: {  	_ =	shalt  }
0x7d: {  	_ =	shalt  }
0x7e: {  	_ =	shalt  }
0x7f: {  	_ =	shalt  }
0x80: {  	_ =	shalt  }
0x81: {  	_ =	shalt  }
0x82: {  	_ =	shalt  }
0x83: {  	_ =	shalt  }
0x84: {  	_ =	shalt  }
0x85: {  	_ =	shalt  }
0x86: {  	_ =	shalt  }
0x87: {  	_ =	shalt  }
.Lfunc_end0:
.L_simem_size_0:
called_computation_lowered:
.L_overlay_start_0:
0x88: {  	s2 =	sld [smem:$0x3FD9]  }
0x89: {  	s3 =	sld [smem:$0x3FFE];
	_ =	sdelay $0x1  }
0x8a: {  	s1 =	srdreg.scid  }
0x8b: {  	s0 =	sand.u32 $0x1, s1  }
0x8c: {  	s15 =	sshll.u32 s0, $0xA;
	s2 =	sadd.s32 s3, s2  }
0x8d: {  	s2 =	sadd.s32 s2, s15  }
0x8e: {  	[smem:$0x3FC3] =	sst s2  }
0x8f: {  	_ = 	snop  }
0x90: {  	s2 =	sld [smem:$0x3FC9]  }
0x91: {  	s16 =	sld [smem:$0x3FC8]  }
0x92: {  	s4 =	sld [smem:$0x3FD0]  }
0x93: {  	s5 =	sld [smem:$0x3FC7]  }
0x94: {  	s6 =	sld [smem:$0x3FC6]  }
0x95: {  	s8 =	simm.s32 $0xA;
	s9 =	simm.s32 $0x10;
	s7 =	sld [smem:$0x3FC5]  }
0x96: {  	[smem:s9], [sflag:s8] =	dma.local [hbm:s4], $0x1  }
0x97: {  	_ =	swait.eq [sflag:s8], $0x1  }
0x98: {  	[sflag:s8] =	ssyncset.done $0x0  }
0x99: {  	s17 =	sld [smem:$0x10];
	[sflag:s8] =	ssyncadd.s32 $0xFFFFFFFF  }
0x9a: {  	s18 =	sld [smem:$0x11];
	(tm) =	ssettm $0x1  }
0x9b: {  	s19 =	sld [smem:$0x3FFB];
	_ =	sdelay $0x3  }
0x9c: {  	_ =	strace s19  }
0x9d: {  	s9 =	sld [smem:$0x3FFC];
	_ =	sdelay $0x3  }
0x9e: {  	_ =	strace s9  }
0x9f: {  	s9 =	sld [smem:$0x3FFD];
	_ =	sdelay $0x3  }
0xa0: {  	_ =	strace s9  }
0xa1: {  	_ =	strace $0x8FFFFFFF  }
0xa2: {  	s20 =	sld [smem:$0x3FDB];
	_ =	sdelay $0x1  }
0xa3: {  	s10 =	simm.s32 $_scs_section_size  }
0xa4: {  	s11 =	simm.s32 $_size__tile_overlayer_lowered;
	s12 =	simm.s32 $_tile_overlayer_lowered  }
0xa5: {  	s23 =	simm.s32 $0x1BFF;
	s22 =	sshll.u32 s12, $0x1;
	s9 =	sadd.s32 s10, s20  }
0xa6: {  	s13 =	simm.s32 $0x0;
	s21 =	sshll.u32 s11, $0x1;
	s11 =	sadd.s32 s22, s9  }
0xa7: {  	[timem:s13], [sflag:s23] =	dma.local [hbm:s11], s21  }
0xa8: {  	_ =	swait.ge [sflag:s23], s21  }
0xa9: {  	s10 =	ssub.s32 $0x0, s21;
	[sflag:s23] =	ssyncset.done $0x0  }
0xaa: {  	[sflag:s23] =	ssyncadd.s32 s10;
	_ =	sdelay $0x1  }
0xab: {  	s24 =	simm.s32 $0x1B8B  }
0xac: {  	_ =	swait.ge [sflag:s24], $0x1  }
0xad: {  	[sflag:s24] =	ssyncset.done $0x0  }
0xae: {  	s25 =	simm.s32 $0x1B8E;
	[sflag:s24] =	ssyncadd.s32 $0xFFFFFFFF  }
0xaf: {  	s26 =	simm.s32 $execute0_lowered;
	[smem:$0x3FD2] =	sst s25  }
0xb0: {  	s10 =	sshll.u32 s26, $0x1;
	_ =	strace $0x80000046;
	[dreg:$0x1] =	wrdreg $0xFFFFFFFF  }
0xb1: {  	s28 =	simm.s32 $_size_execute0_lowered;
	s9 =	sadd.s32 s9, s10;
	[dreg:$0x0] =	wrdreg $0x0  }
0xb2: {  	s10 =	sshll.u32 s28, $0x1;
	[dreg:$0x2] =	wrdreg s9  }
0xb3: {  	[dreg:$0x3] =	wrdreg s10  }
0xb4: {  	[dreg:$0x4] =	wrdreg $0xC0  }
0xb5: {  	_ =	task [dreg:s13], $0x5FFFF  }
0xb6: {  	[dreg:$0x1] =	wrdreg $0xFFFFFFFF  }
0xb7: {  	[dreg:$0x0] =	wrdreg $0x60  }
0xb8: {  	[dreg:$0x2] =	wrdreg s2  }
0xb9: {  	[dreg:$0x3] =	wrdreg s16  }
0xba: {  	[dreg:$0x4] =	wrdreg s5  }
0xbb: {  	[dreg:$0x5] =	wrdreg s6  }
0xbc: {  	[dreg:$0x6] =	wrdreg s7  }
0xbd: {  	[dreg:$0x7] =	wrdreg s17  }
0xbe: {  	[dreg:$0x8] =	wrdreg s18  }
0xbf: {  	[dreg:$0x9] =	wrdreg $0x8C000  }
0xc0: {  	[dreg:$0xa] =	wrdreg $0x9  }
0xc1: {  	_ =	task.clear_ibuf [dreg:s13], $0xBFFFF;
	_ =	strace $0x90000046  }
0xc2: {  	s29 =	simm.s32 $0x9;
	_ =	strace $0x80000048  }
0xc3: {  	_ =	swait.ge [sflag:s29], $0x1  }
0xc4: {  	[sflag:s29] =	ssyncadd.s32 $0xFFFFFFFF  }
0xc5: {  	_ =	strace $0x90000048  }
0xc6: {  	_ =	sfence  }
0xc7: {  	s30 =	sld [smem:$0x0];
	_ =	sdelay $0x2  }
0xc8: {  	s31 =	sshll.u32 s1, $0xD;
	s1 =	sshrl.u32 s1, $0x2  }
0xc9: {  	s3 =	sand.u32 $0x4000, s31;
	s1 =	sadd.s32 s1, s30  }
0xca: {  	s0 =	sor.u32 s3, s0;
	s1 =	sshll.u32 s1, $0x11  }
0xcb: {  	s0 =	sor.u32 s1, s0  }
0xcc: {  	s0 =	sadd.s32 $0x8F2B, s0  }
0xcd: {  	[sflag:s0] =	ssyncadd.remote.s32 $0x1  }
0xce: {  	_ =	sfence.sel $0xFFFF  }
0xcf: {  	[dreg:$0x0] =	wrdreg $0xFFFFFFFF;
	(pc) =	sbr.abs _section_cstart, $3  }
0xd0: {  	[dreg:$0x1] =	wrdreg $0xFFFFFFFF  }
0xd1: {  	_ =	task.clear_ibuf [dreg:s13], $0x2FFFF;
	_ =	strace $0x9FFFFFFF  }
0xd2: {  	(tm) =	ssettm $0x7FFFFFFF  }
0xd3: {  	_ =	shalt  }
tec
execute0_lowered:
.L_overlay_start_1:
0x0: {  	(tag) =	ssettag $0x1  }
0x1: {  	s2 =	rddreg [dreg:$0x0]  }
0x2: {  	s3 =	rddreg [dreg:$0x1]  }
0x3: {  	s0 =	rddreg [dreg:$0x2]  }
0x4: {  	s1 =	rddreg [dreg:$0x3]  }
0x5: {  	s6 =	rddreg [dreg:$0x4];
	s4 =	srdreg.scid  }
0x6: {  	s7 =	rddreg [dreg:$0x5];
	s20 =	stileid.u32  }
0x7: {  	s10 =	rddreg [dreg:$0x6];
	s29 =	simm.s32 $0x4C00;
	s16 =	smul.u32 $0x50000, s20  }
0x8: {  	s30 =	simm.s32 $0x2;
	s8 =	sand.u32 $0x1, s4;
	s28 =	smul.u32 $0x4E, s20  }
0x9: {  	s4 =	rddreg [dreg:$0x7];
	s5 =	sshll.u32 s8, $0x4;
	s26 =	smul.u32 $0x140000, s8  }
0xa: {  	s13 =	ssub.s32 $0x2, s8;
	s8 =	smul.u32 $0x4E0, s8;
	s11 =	sor.u32 s20, s5  }
0xb: {  	s5 =	simm.s32 $0x0;
	s18 =	sshrl.u32 s13, $0x1;
	s22 =	sshrl.u32 s16, $0x2  }
0xc: {  	s16 =	simm.s32 $0x100;
	s9 =	smul.u32 $0x4E, s11;
	[smem:$0x7FF] =	sst s5  }
0xd: {  	s12 =	smin.u32 s11, $0x4;
	s13 =	ssub.s32 s13, s18;
	s18 =	smul.u32 $0x14000, s20  }
0xe: {  	p0 =	sgt.u32 s11, $0x3;
	s11 =	simm.s32 $0x3;
	_ =	strace $0x80000047  }
0xf: {  	s8 =	sor.u32 s8, s12;
	s14 =	sadd.s32 s12, s9;
	s9 =	sadd.s32 s22, s4  }
0x10: {  	s23 =	sshrl.u32 s18, $0x3;
	s8 =	sadd.s32 s28, s8;
	s15 =	sshll.u32 s14, $0x5  }
0x11: {  	[dreg:$0xb] =	wrdreg s9;
	s31 =	sadd.s32 s6, s23;
	s14 =	smin.u32 s14, $0x975  }
0x12: {  	s6 =	sadd.s32 s18, s26;
	s26 =	smax.u32 s13, $0x1;
	s13 =	simm.s32 $0x0  }
0x13: {  	s17 =	sadd.s32 $0x80, s15;
	s19 =	sadd.s32 s2, s15;
	s24 =	sadd.s32 $0x100, s15  }
0x14: {  	s14 =	sshll.u32 s14, $0x5;
	s6 =	sshrl.u32 s6, $0x3;
	[dreg:$0x16] =	wrdreg s26  }
0x15: {  	s20 =	sadd.s32 s3, s15;
	s26 =	simm.s32 $0xC00;
	[dreg:$0x9] =	wrdreg s19  }
0x16: {  	s21 =	sadd.s32 s2, s17;
	s25 =	sadd.s32 s2, s24;
	[dreg:$0x10] =	wrdreg s20  }
0x17: {  	s19 =	sadd.s32 $0x980, s15;
	s14 =	sadd.s32 $0x9C0, s14;
	[dreg:$0xa] =	wrdreg s21  }
0x18: {  	s7 =	sadd.s32 s7, s6;
	s22 =	sadd.s32 s3, s24;
	[dreg:$0xc] =	wrdreg s25  }
0x19: {  	s24 =	sshll.u32 s8, $0x5;
	s6 =	sadd.s32 s10, s6;
	[dreg:$0xf] =	wrdreg s7  }
0x1a: {  	s10 =	simm.s32 $0x380;
	s12 =	sadd.s32 s2, s19;
	[dreg:$0x12] =	wrdreg s22  }
0x1b: {  	s18 =	sadd.s32 s2, s14;
	s21 =	sadd.s32 s3, s17;
	[dreg:$0x15] =	wrdreg s6  }
0x1c: {  	s23 =	sadd.s32 s3, s19;
	s25 =	sadd.s32 s3, s14;
	[dreg:$0xd] =	wrdreg s12  }
0x1d: {  	s2 =	sadd.s32 s24, s2;
	s28 =	sadd.s32 s24, s3;
	[dreg:$0xe] =	wrdreg s18  }
0x1e: {  	s24 =	simm.s32 $0x400;
	s17 =	simm.s32 $0x200;
	[dreg:$0x11] =	wrdreg s21  }
0x1f: {  	s6 =	simm.s32 $0x280;
	s7 =	simm.s32 $0x1;
	[dreg:$0x13] =	wrdreg s23  }
0x20: {  	[dreg:$0x14] =	wrdreg s25;
	s2 =	sadd.s32 $0x180, s2;
	s23 =	simm.s32 $0x5  }
0x21: {  	s25 =	simm.s32 $0x80;
	[dreg:$0x17] =	wrdreg s2;
	s2 =	sadd.s32 $0x180, s28  }
0x22: {  	s18 =	simm.s32 $0x180;
	[dreg:$0x18] =	wrdreg s2;
	s2 =	simm.s32 $0x300  }
.LBB2_1:
0x23: {  	s8 =	rddreg [dreg:$0x9];
	s22 =	stileid.u32  }
0x24: {  	[tilespmem:s5], [sflag:$0x5] =	stream.linear.gather [hbm4b:s8+s5], $0x400, $0x38;
	[tilespmem:$0x1CC00] =	vst v63  }
0x25: {  	s15 =	sshll.u32 s22, $0x6;
	_ =	swait.ge [sflag:s23], $0x400  }
0x26: {  	s22 =	sor.u32 $0x1C05, s15;
	[sflag:s23] =	ssyncset.done $0x0;
	s28 =	rddreg [dreg:$0xb]  }
0x27: {  	s21 =	rddreg [dreg:$0xa];
	[sflag:s23] =	ssyncadd.s32 $0xFFFFFC00;
	s14 =	sshrl.u32 s28, $0x3  }
0x28: {  	[tilespmem:s24], [sflag:$0x1] =	stream.linear.gather [hbm4b:s21+s5], $0x400, $0x38;
	[tilespmem:$0x1CC00] =	vst v63  }
0x29: {  	[spmem:s14], [sflag:s22] =	dma.local [hbm:s31], $0x2800  }
0x2a: {  	_ =	swait.ge [sflag:s23], $0x2800  }
0x2b: {  	[sflag:s23] =	ssyncset.done $0x0  }
0x2c: {  	[sflag:s23] =	ssyncadd.s32 $0xFFFFD800  }
0x2d: {  	[tilespmem:s26], [sflag:$0x2] =	stream.indirect.gather [hbm4b:s0+s25], $0x80, s5, s25, $0xb8;
	[tilespmem:$0x1CC00] =	vst v63  }
0x2e: {  	[bflag:$0x0] =	sbarrier.arrive $0xFFFF  }
0x2f: {  	[tilespmem:s29], [sflag:$0x2] =	stream.indirect.gather [hbm4b:s0+s25], $0x80, s16, s25, $0xb8;
	[tilespmem:$0x1CC00] =	vst v63  }
0x30: {  	_ =	swait.ge [sflag:s30], $0x4000  }
0x31: {  	[sflag:s30] =	ssyncset.done $0x0  }
0x32: {  	[sflag:s30] =	ssyncadd.s32 $0xFFFFC000  }
0x33: {  	[spmem:s4] =	stream.indirect.scatter.add.f32 [tilespmem:s26], [sflag:$0x3], $0x80, s25, s25, $0xb8;
	[tilespmem:$0x1CC00] =	vst v63  }
0x34: {  	_ =	swait.ge [sflag:s11], $0x4000  }
0x35: {  	[sflag:s11] =	ssyncset.done $0x0  }
0x36: {  	[sflag:s11] =	ssyncadd.s32 $0xFFFFC000  }
0x37: {  	[tilespmem:s26], [sflag:$0x2] =	stream.indirect.gather [hbm4b:s0+s25], $0x80, s17, s25, $0xb8;
	[tilespmem:$0x1CC00] =	vst v63  }
0x38: {  	_ =	swait.ge [sflag:s30], $0x4000  }
0x39: {  	[sflag:s30] =	ssyncset.done $0x0  }
0x3a: {  	[sflag:s30] =	ssyncadd.s32 $0xFFFFC000  }
0x3b: {  	[spmem:s4] =	stream.indirect.scatter.add.f32 [tilespmem:s29], [sflag:$0x3], $0x80, s18, s25, $0xb8;
	[tilespmem:$0x1CC00] =	vst v63  }
0x3c: {  	_ =	swait.ge [sflag:s11], $0x4000  }
0x3d: {  	[sflag:s11] =	ssyncset.done $0x0  }
0x3e: {  	[sflag:s11] =	ssyncadd.s32 $0xFFFFC000  }
0x3f: {  	[tilespmem:s29], [sflag:$0x2] =	stream.indirect.gather [hbm4b:s0+s25], $0x80, s2, s25, $0xb8;
	[tilespmem:$0x1CC00] =	vst v63  }
0x40: {  	_ =	swait.ge [sflag:s30], $0x4000  }
0x41: {  	[sflag:s30] =	ssyncset.done $0x0  }
0x42: {  	[sflag:s30] =	ssyncadd.s32 $0xFFFFC000  }
0x43: {  	[spmem:s4] =	stream.indirect.scatter.add.f32 [tilespmem:s26], [sflag:$0x3], $0x80, s6, s25, $0xb8;
	[tilespmem:$0x1CC00] =	vst v63  }
0x44: {  	s12 =	smul.u32 $0xAB, s11;
	_ =	swait.ge [sflag:s7], $0x400  }
0x45: {  	s3 =	smov.u32 s31;
	s9 =	simm.s32 $0x800;
	[sflag:s7] =	ssyncset.done $0x0  }
0x46: {  	s18 =	sadd.s32 $0xFFFFFEAA, s12;
	s31 =	rddreg [dreg:$0xc];
	[sflag:s7] =	ssyncadd.s32 $0xFFFFFC00  }
0x47: {  	[tilespmem:s9], [sflag:$0x1] =	stream.linear.gather [hbm4b:s31+s5], $0x400, $0x38;
	[tilespmem:$0x1CC00] =	vst v63  }
0x48: {  	s16 =	sshrl.u32 s18, $0x9;
	_ =	swait.ge [sflag:s11], $0x4000  }
0x49: {  	s16 =	sand.u32 $0x7F, s16;
	[sflag:s11] =	ssyncset.done $0x0  }
0x4a: {  	s16 =	smul.u32 $0x3, s16;
	[sflag:s11] =	ssyncadd.s32 $0xFFFFC000  }
0x4b: {  	[tilespmem:s26], [sflag:$0x2] =	stream.indirect.gather [hbm4b:s0+s25], $0x80, s24, s25, $0xb8;
	[tilespmem:$0x1CC00] =	vst v63  }
0x4c: {  	_ =	swait.ge [sflag:s30], $0x4000  }
0x4d: {  	s16 =	ssub.s32 $0x3, s16;
	[sflag:s30] =	ssyncset.done $0x0  }
0x4e: {  	s16 =	sadd.s32 $0xFFFFFFFE, s16;
	[sflag:s30] =	ssyncadd.s32 $0xFFFFC000  }
0x4f: {  	[spmem:s4] =	stream.indirect.scatter.add.f32 [tilespmem:s29], [sflag:$0x3], $0x80, s10, s25, $0xb8;
	[tilespmem:$0x1CC00] =	vst v63  }
0x50: {  	s16 =	sand.u32 $0xFF, s16;
	_ =	swait.ge [sflag:s11], $0x4000  }
0x51: {  	s16 =	sshll.u32 s16, $0xA;
	[sflag:s11] =	ssyncset.done $0x0  }
0x52: {  	s17 =	sshrl.u32 s12, $0x9;
	s19 =	sor.u32 $0x100, s16;
	[sflag:s11] =	ssyncadd.s32 $0xFFFFC000  }
0x53: {  	[tilespmem:s29], [sflag:$0x2] =	stream.indirect.gather [hbm4b:s0+s25], $0x80, s19, s25, $0xb8;
	[tilespmem:$0x1CC00] =	vst v63  }
0x54: {  	s21 =	sadd.s32 $0xFFFFFF55, s12;
	s17 =	sand.u32 $0x7F, s17;
	_ =	swait.ge [sflag:s30], $0x4000  }
0x55: {  	s17 =	smul.u32 $0x3, s17;
	s18 =	sshrl.u32 s21, $0x9;
	[sflag:s30] =	ssyncset.done $0x0  }
0x56: {  	s18 =	sand.u32 $0x7F, s18;
	s20 =	sor.u32 $0x80, s16;
	[sflag:s30] =	ssyncadd.s32 $0xFFFFC000  }
0x57: {  	[spmem:s4] =	stream.indirect.scatter.add.f32 [tilespmem:s26], [sflag:$0x3], $0x80, s20, s25, $0xb8;
	[tilespmem:$0x1CC00] =	vst v63  }
0x58: {  	s18 =	smul.u32 $0x3, s18;
	_ =	swait.ge [sflag:s11], $0x4000  }
0x59: {  	s17 =	ssub.s32 $0x3, s17;
	[sflag:s11] =	ssyncset.done $0x0  }
0x5a: {  	s18 =	sxor.u32 $0xFFFFFFFF, s18;
	s19 =	sor.u32 $0x200, s16;
	[sflag:s11] =	ssyncadd.s32 $0xFFFFC000  }
0x5b: {  	[tilespmem:s26], [sflag:$0x2] =	stream.indirect.gather [hbm4b:s0+s25], $0x80, s19, s25, $0xb8;
	[tilespmem:$0x1CC00] =	vst v63  }
0x5c: {  	s28 =	sor.u32 $0x180, s16;
	s31 =	sadd.s32 $0x3, s18;
	_ =	swait.ge [sflag:s30], $0x4000  }
0x5d: {  	s18 =	sand.u32 $0xFF, s17;
	s20 =	simm.s32 $0x4;
	[sflag:s30] =	ssyncset.done $0x0  }
0x5e: {  	s19 =	sand.u32 $0xFF, s31;
	s17 =	rddreg [dreg:$0x17];
	[sflag:s30] =	ssyncadd.s32 $0xFFFFC000  }
0x5f: {  	[spmem:s4] =	stream.indirect.scatter.add.f32 [tilespmem:s29], [sflag:$0x3], $0x80, s28, s25, $0xb8;
	[tilespmem:$0x1CC00] =	vst v63  }
.LBB2_2:
0x60: {  	p1 =	sne.s32 s20, $0x12  }
0x61: {  	_ =	swait.ge [sflag:s11], $0x4000;
	s8 =	smov.u32 s20;
	s20 =	sadd.s32 $0x1, s20  }
0x62: {  	s21 =	smul.u32 $0xAB, s8;
	[sflag:s11] =	ssyncset.done $0x0  }
0x63: {  	s12 =	sor.u32 $0x300, s16;
	[sflag:s11] =	ssyncadd.s32 $0xFFFFC000  }
0x64: {  	[tilespmem:s29], [sflag:$0x2] =	stream.indirect.gather [hbm4b:s0+s25], $0x80, s12, s25, $0xb8;
	[tilespmem:$0x1CC00] =	vst v63  }
0x65: {  	s12 =	sshrl.u32 s21, $0x9;
	s9 =	sadd.s32 $0xFFFFFF55, s21;
	_ =	swait.ge [sflag:s30], $0x4000  }
0x66: {  	s21 =	sadd.s32 $0xFFFFFEAA, s21;
	s12 =	sand.u32 $0x7F, s12;
	[sflag:s30] =	ssyncset.done $0x0  }
0x67: {  	s21 =	sshrl.u32 s21, $0x9;
	s12 =	smul.u32 $0x3, s12;
	[sflag:s30] =	ssyncadd.s32 $0xFFFFC000  }
0x68: {  	s28 =	sor.u32 $0x280, s16;
	s31 =	sor.u32 $0x380, s16;
	s21 =	sand.u32 $0x7F, s21  }
0x69: {  	[spmem:s4] =	stream.indirect.scatter.add.f32 [tilespmem:s26], [sflag:$0x3], $0x80, s28, s25, $0xb8;
	[tilespmem:$0x1CC00] =	vst v63  }
0x6a: {  	s16 =	smul.u32 $0x3, s21;
	s12 =	ssub.s32 s8, s12;
	_ =	swait.ge [sflag:s7], $0x400  }
0x6b: {  	s21 =	sshll.u32 s18, $0xA;
	s18 =	sand.u32 $0xFF, s12;
	[sflag:s7] =	ssyncset.done $0x0  }
0x6c: {  	s9 =	sshrl.u32 s9, $0x9;
	s12 =	ssub.s32 s8, s16;
	[sflag:s7] =	ssyncadd.s32 $0xFFFFFC00  }
0x6d: {  	[tilespmem:s21], [sflag:$0x1] =	stream.linear.gather [hbm4b:s17+s5], $0x400, $0x38;
	[tilespmem:$0x1CC00] =	vst v63  }
0x6e: {  	s9 =	sand.u32 $0x7F, s9;
	s12 =	sadd.s32 $0xFFFFFFFE, s12;
	_ =	swait.ge [sflag:s11], $0x4000  }
0x6f: {  	s19 =	sshll.u32 s19, $0xA;
	s12 =	sand.u32 $0xFF, s12;
	[sflag:s11] =	ssyncset.done $0x0  }
0x70: {  	s9 =	smul.u32 $0x3, s9;
	s16 =	sshll.u32 s12, $0xA;
	[sflag:s11] =	ssyncadd.s32 $0xFFFFC000  }
0x71: {  	[tilespmem:s26], [sflag:$0x2] =	stream.indirect.gather [hbm4b:s0+s25], $0x80, s19, s25, $0xb8;
	[tilespmem:$0x1CC00] =	vst v63  }
0x72: {  	s9 =	sxor.u32 $0xFFFFFFFF, s9;
	_ =	swait.ge [sflag:s30], $0x4000  }
0x73: {  	s8 =	sadd.s32 s8, s9;
	[sflag:s30] =	ssyncset.done $0x0  }
0x74: {  	s19 =	sand.u32 $0xFF, s8;
	[sflag:s30] =	ssyncadd.s32 $0xFFFFC000  }
0x75: {  	[spmem:s4] =	stream.indirect.scatter.add.f32 [tilespmem:s29], [sflag:$0x3], $0x80, s31, s25, $0xb8;
	[tilespmem:$0x1CC00] =	vst v63  }
0x76: {  	_ =	swait.ge [sflag:s11], $0x4000  }
0x77: {  	[sflag:s11] =	ssyncset.done $0x0  }
0x78: {  	s8 =	sor.u32 $0x100, s16;
	[sflag:s11] =	ssyncadd.s32 $0xFFFFC000  }
0x79: {  	[tilespmem:s29], [sflag:$0x2] =	stream.indirect.gather [hbm4b:s0+s25], $0x80, s8, s25, $0xb8;
	[tilespmem:$0x1CC00] =	vst v63  }
0x7a: {  	_ =	swait.ge [sflag:s30], $0x4000  }
0x7b: {  	[sflag:s30] =	ssyncset.done $0x0  }
0x7c: {  	s8 =	sor.u32 $0x80, s16;
	[sflag:s30] =	ssyncadd.s32 $0xFFFFC000  }
0x7d: {  	[spmem:s4] =	stream.indirect.scatter.add.f32 [tilespmem:s26], [sflag:$0x3], $0x80, s8, s25, $0xb8;
	[tilespmem:$0x1CC00] =	vst v63  }
0x7e: {  	_ =	swait.ge [sflag:s11], $0x4000  }
0x7f: {  	[sflag:s11] =	ssyncset.done $0x0  }
0x80: {  	s8 =	sor.u32 $0x200, s16;
	[sflag:s11] =	ssyncadd.s32 $0xFFFFC000  }
0x81: {  	[tilespmem:s26], [sflag:$0x2] =	stream.indirect.gather [hbm4b:s0+s25], $0x80, s8, s25, $0xb8;
	[tilespmem:$0x1CC00] =	vst v63  }
.Ltmp0:
0x82: {  	_ = 	snop;
	(pc) =	sbr.rel @p1 .LBB2_2-.Ltmp0, $4  }
0x83: {  	_ =	swait.ge [sflag:s30], $0x4000  }
0x84: {  	[sflag:s30] =	ssyncset.done $0x0  }
0x85: {  	s17 =	sadd.s32 $0x80, s17;
	s8 =	sor.u32 $0x180, s16;
	[sflag:s30] =	ssyncadd.s32 $0xFFFFC000  }
0x86: {  	[spmem:s4] =	stream.indirect.scatter.add.f32 [tilespmem:s29], [sflag:$0x3], $0x80, s8, s25, $0xb8;
	[tilespmem:$0x1CC00] =	vst v63  }
0x87: {  	_ =	swait.ge [sflag:s11], $0x4000  }
0x88: {  	[sflag:s11] =	ssyncset.done $0x0  }
0x89: {  	s8 =	sor.u32 $0x300, s16;
	[sflag:s11] =	ssyncadd.s32 $0xFFFFC000  }
0x8a: {  	[tilespmem:s29], [sflag:$0x2] =	stream.indirect.gather [hbm4b:s0+s25], $0x80, s8, s25, $0xb8;
	[tilespmem:$0x1CC00] =	vst v63  }
0x8b: {  	_ =	swait.ge [sflag:s30], $0x4000  }
0x8c: {  	[sflag:s30] =	ssyncset.done $0x0  }
0x8d: {  	s12 =	sor.u32 $0x280, s16;
	[sflag:s30] =	ssyncadd.s32 $0xFFFFC000  }
0x8e: {  	[spmem:s4] =	stream.indirect.scatter.add.f32 [tilespmem:s26], [sflag:$0x3], $0x80, s12, s25, $0xb8;
	[tilespmem:$0x1CC00] =	vst v63  }
0x8f: {  	_ =	swait.ge [sflag:s7], $0x400  }
0x90: {  	[sflag:s7] =	ssyncset.done $0x0  }
0x91: {  	s20 =	sshll.u32 s18, $0xA;
	[sflag:s7] =	ssyncadd.s32 $0xFFFFFC00  }
0x92: {  	[tilespmem:s20], [sflag:$0x1] =	stream.linear.gather [hbm4b:s17+s5], $0x400, $0x38;
	[tilespmem:$0x1CC00] =	vst v63  }
0x93: {  	_ =	swait.ge [sflag:s11], $0x4000  }
0x94: {  	[sflag:s11] =	ssyncset.done $0x0  }
0x95: {  	s21 =	sshll.u32 s19, $0xA;
	[sflag:s11] =	ssyncadd.s32 $0xFFFFC000  }
0x96: {  	[tilespmem:s26], [sflag:$0x2] =	stream.indirect.gather [hbm4b:s0+s25], $0x80, s21, s25, $0xb8;
	[tilespmem:$0x1CC00] =	vst v63  }
0x97: {  	_ =	swait.ge [sflag:s30], $0x4000  }
0x98: {  	[sflag:s30] =	ssyncset.done $0x0  }
0x99: {  	s28 =	sor.u32 $0x380, s16;
	[sflag:s30] =	ssyncadd.s32 $0xFFFFC000  }
0x9a: {  	[spmem:s4] =	stream.indirect.scatter.add.f32 [tilespmem:s29], [sflag:$0x3], $0x80, s28, s25, $0xb8;
	[tilespmem:$0x1CC00] =	vst v63  }
0x9b: {  	_ =	swait.ge [sflag:s11], $0x4000  }
0x9c: {  	[sflag:s11] =	ssyncset.done $0x0  }
0x9d: {  	s9 =	simm.s32 $0x900;
	[sflag:s11] =	ssyncadd.s32 $0xFFFFC000  }
0x9e: {  	[tilespmem:s29], [sflag:$0x2] =	stream.indirect.gather [hbm4b:s0+s25], $0x80, s9, s25, $0xb8;
	[tilespmem:$0x1CC00] =	vst v63  }
0x9f: {  	_ =	swait.ge [sflag:s30], $0x4000  }
0xa0: {  	[sflag:s30] =	ssyncset.done $0x0  }
0xa1: {  	s12 =	simm.s32 $0x880;
	[sflag:s30] =	ssyncadd.s32 $0xFFFFC000  }
0xa2: {  	[spmem:s4] =	stream.indirect.scatter.add.f32 [tilespmem:s26], [sflag:$0x3], $0x80, s12, s25, $0xb8;
	[tilespmem:$0x1CC00] =	vst v63  }
0xa3: {  	_ =	swait.ge [sflag:s11], $0x4000  }
0xa4: {  	[sflag:s11] =	ssyncset.done $0x0  }
0xa5: {  	s16 =	simm.s32 $0xA00;
	[sflag:s11] =	ssyncadd.s32 $0xFFFFC000  }
0xa6: {  	[tilespmem:s26], [sflag:$0x2] =	stream.indirect.gather [hbm4b:s0+s25], $0x80, s16, s25, $0xb8;
	[tilespmem:$0x1CC00] =	vst v63  }
0xa7: {  	_ =	swait.ge [sflag:s30], $0x4000  }
0xa8: {  	[sflag:s30] =	ssyncset.done $0x0  }
0xa9: {  	s17 =	simm.s32 $0x980;
	[sflag:s30] =	ssyncadd.s32 $0xFFFFC000  }
0xaa: {  	[spmem:s4] =	stream.indirect.scatter.add.f32 [tilespmem:s29], [sflag:$0x3], $0x80, s17, s25, $0xb8;
	[tilespmem:$0x1CC00] =	vst v63  }
0xab: {  	_ =	swait.ge [sflag:s11], $0x4000  }
0xac: {  	[sflag:s11] =	ssyncset.done $0x0  }
0xad: {  	s18 =	simm.s32 $0xB00;
	[sflag:s11] =	ssyncadd.s32 $0xFFFFC000  }
0xae: {  	[tilespmem:s29], [sflag:$0x2] =	stream.indirect.gather [hbm4b:s0+s25], $0x80, s18, s25, $0xb8;
	[tilespmem:$0x1CC00] =	vst v63  }
0xaf: {  	_ =	swait.ge [sflag:s30], $0x4000  }
0xb0: {  	[sflag:s30] =	ssyncset.done $0x0  }
0xb1: {  	s19 =	simm.s32 $0xA80;
	[sflag:s30] =	ssyncadd.s32 $0xFFFFC000  }
0xb2: {  	[spmem:s4] =	stream.indirect.scatter.add.f32 [tilespmem:s26], [sflag:$0x3], $0x80, s19, s25, $0xb8;
	[tilespmem:$0x1CC00] =	vst v63  }
0xb3: {  	_ =	swait.ge [sflag:s7], $0x400  }
0xb4: {  	[sflag:s7] =	ssyncset.done $0x0  }
0xb5: {  	[sflag:s7] =	ssyncadd.s32 $0xFFFFFC00  }
0xb6: {  	_ =	swait.ge [sflag:s11], $0x4000  }
0xb7: {  	[sflag:s11] =	ssyncset.done $0x0  }
0xb8: {  	[sflag:s11] =	ssyncadd.s32 $0xFFFFC000  }
0xb9: {  	[tilespmem:s26], [sflag:$0x2] =	stream.indirect.gather [hbm4b:s0+s25], $0x80, s5, s25, $0xb8;
	[tilespmem:$0x1CC00] =	vst v63  }
0xba: {  	_ =	swait.ge [sflag:s30], $0x4000  }
0xbb: {  	[sflag:s30] =	ssyncset.done $0x0  }
0xbc: {  	s20 =	simm.s32 $0xB80;
	[sflag:s30] =	ssyncadd.s32 $0xFFFFC000  }
0xbd: {  	[spmem:s4] =	stream.indirect.scatter.add.f32 [tilespmem:s29], [sflag:$0x3], $0x80, s20, s25, $0xb8;
	[tilespmem:$0x1CC00] =	vst v63  }
0xbe: {  	s21 =	rddreg [dreg:$0xd]  }
0xbf: {  	[tilespmem:s24], [sflag:$0x5] =	stream.linear.gather [hbm4b:s21+s5], $0x200, $0x38;
	[tilespmem:$0x1CC00] =	vst v63  }
0xc0: {  	_ =	swait.ge [sflag:s23], $0x200  }
0xc1: {  	[sflag:s23] =	ssyncset.done $0x0  }
0xc2: {  	s9 =	simm.s32 $0x600;
	s28 =	rddreg [dreg:$0xe];
	[sflag:s23] =	ssyncadd.s32 $0xFFFFFE00  }
0xc3: {  	[tilespmem:s9], [sflag:$0x5] =	stream.linear.gather [hbm4b:s28+s5], $0x100, $0x38;
	[tilespmem:$0x1CC00] =	vst v63  }
0xc4: {  	_ =	swait.ge [sflag:s23], $0x100  }
0xc5: {  	[sflag:s23] =	ssyncset.done $0x0  }
0xc6: {  	[sflag:s23] =	ssyncadd.s32 $0xFFFFFF00  }
0xc7: {  	_ =	swait.ge [sflag:s11], $0x4000  }
0xc8: {  	[sflag:s11] =	ssyncset.done $0x0  }
0xc9: {  	s16 =	simm.s32 $0x100;
	[sflag:s11] =	ssyncadd.s32 $0xFFFFC000  }
0xca: {  	[tilespmem:s29], [sflag:$0x2] =	stream.indirect.gather [hbm4b:s0+s25], $0x80, s16, s25, $0xb8;
	[tilespmem:$0x1CC00] =	vst v63  }
0xcb: {  	_ =	swait.ge [sflag:s30], $0x4000  }
0xcc: {  	[sflag:s30] =	ssyncset.done $0x0  }
0xcd: {  	[sflag:s30] =	ssyncadd.s32 $0xFFFFC000  }
0xce: {  	[spmem:s4] =	stream.indirect.scatter.add.f32 [tilespmem:s26], [sflag:$0x3], $0x80, s25, s25, $0xb8;
	[tilespmem:$0x1CC00] =	vst v63  }
0xcf: {  	_ =	swait.ge [sflag:s11], $0x4000  }
0xd0: {  	[sflag:s11] =	ssyncset.done $0x0  }
0xd1: {  	s17 =	simm.s32 $0x200;
	[sflag:s11] =	ssyncadd.s32 $0xFFFFC000  }
0xd2: {  	[tilespmem:s26], [sflag:$0x2] =	stream.indirect.gather [hbm4b:s0+s25], $0x80, s17, s25, $0xb8;
	[tilespmem:$0x1CC00] =	vst v63  }
0xd3: {  	_ =	swait.ge [sflag:s30], $0x4000  }
0xd4: {  	[sflag:s30] =	ssyncset.done $0x0  }
0xd5: {  	s18 =	simm.s32 $0x180;
	[sflag:s30] =	ssyncadd.s32 $0xFFFFC000  }
0xd6: {  	[spmem:s4] =	stream.indirect.scatter.add.f32 [tilespmem:s29], [sflag:$0x3], $0x80, s18, s25, $0xb8;
	[tilespmem:$0x1CC00] =	vst v63  }
0xd7: {  	_ =	swait.ge [sflag:s11], $0x4000  }
0xd8: {  	[sflag:s11] =	ssyncset.done $0x0  }
0xd9: {  	[sflag:s11] =	ssyncadd.s32 $0xFFFFC000  }
0xda: {  	[tilespmem:s29], [sflag:$0x2] =	stream.indirect.gather [hbm4b:s0+s25], $0x80, s2, s25, $0xb8;
	[tilespmem:$0x1CC00] =	vst v63  }
0xdb: {  	_ =	swait.ge [sflag:s30], $0x4000  }
0xdc: {  	[sflag:s30] =	ssyncset.done $0x0  }
0xdd: {  	[sflag:s30] =	ssyncadd.s32 $0xFFFFC000  }
0xde: {  	[spmem:s4] =	stream.indirect.scatter.add.f32 [tilespmem:s26], [sflag:$0x3], $0x80, s6, s25, $0xb8;
	[tilespmem:$0x1CC00] =	vst v63  }
0xdf: {  	_ =	swait.ge [sflag:s11], $0x4000  }
0xe0: {  	[sflag:s11] =	ssyncset.done $0x0  }
0xe1: {  	[sflag:s11] =	ssyncadd.s32 $0xFFFFC000  }
0xe2: {  	[tilespmem:s26], [sflag:$0x2] =	stream.indirect.gather [hbm4b:s0+s25], $0x80, s24, s25, $0xb8;
	[tilespmem:$0x1CC00] =	vst v63  }
0xe3: {  	_ =	swait.ge [sflag:s30], $0x4000  }
0xe4: {  	[sflag:s30] =	ssyncset.done $0x0  }
0xe5: {  	[sflag:s30] =	ssyncadd.s32 $0xFFFFC000  }
0xe6: {  	[spmem:s4] =	stream.indirect.scatter.add.f32 [tilespmem:s29], [sflag:$0x3], $0x80, s10, s25, $0xb8;
	[tilespmem:$0x1CC00] =	vst v63  }
0xe7: {  	_ =	swait.ge [sflag:s11], $0x4000  }
0xe8: {  	[sflag:s11] =	ssyncset.done $0x0  }
0xe9: {  	s9 =	simm.s32 $0x500;
	[sflag:s11] =	ssyncadd.s32 $0xFFFFC000  }
0xea: {  	[tilespmem:s29], [sflag:$0x2] =	stream.indirect.gather [hbm4b:s0+s25], $0x80, s9, s25, $0xb8;
	[tilespmem:$0x1CC00] =	vst v63  }
0xeb: {  	_ =	swait.ge [sflag:s30], $0x4000  }
0xec: {  	[sflag:s30] =	ssyncset.done $0x0  }
0xed: {  	s12 =	simm.s32 $0x480;
	[sflag:s30] =	ssyncadd.s32 $0xFFFFC000  }
0xee: {  	[spmem:s4] =	stream.indirect.scatter.add.f32 [tilespmem:s26], [sflag:$0x3], $0x80, s12, s25, $0xb8;
	[tilespmem:$0x1CC00] =	vst v63  }
0xef: {  	_ =	swait.ge [sflag:s11], $0x4000  }
0xf0: {  	[sflag:s11] =	ssyncset.done $0x0  }
0xf1: {  	[sflag:s11] =	ssyncadd.s32 $0xFFFFC000  }
0xf2: {  	_ =	swait.ge [sflag:s30], $0x4000  }
0xf3: {  	[sflag:s30] =	ssyncset.done $0x0  }
0xf4: {  	s19 =	simm.s32 $0x580;
	[sflag:s30] =	ssyncadd.s32 $0xFFFFC000  }
0xf5: {  	[spmem:s4] =	stream.indirect.scatter.add.f32 [tilespmem:s29], [sflag:$0x3], $0x80, s19, s25, $0xb8;
	[tilespmem:$0x1CC00] =	vst v63  }
0xf6: {  	s8 =	simm.s32 @!p0 $0x80;
	s9 =	simm.s32 @!p0 $0x600;
	s12 =	simm.s32 @!p0 $0xC00  }
0xf7: {  	[tilespmem:s12], [sflag:$0x2] =	stream.indirect.gather @!p0 [hbm4b:s0+s8], $0x80, s9, s8, $0xb8;
	[tilespmem:$0x1CC00] =	vst v63  }
0xf8: {  	s9 =	simm.s32 @!p0 $0x2  }
0xf9: {  	_ =	swait.ge @!p0 [sflag:s9], $0x4000  }
0xfa: {  	[sflag:s9] =	ssyncset.done @!p0 $0x0  }
0xfb: {  	[sflag:s9] =	ssyncadd.s32 @!p0 $0xFFFFC000;
	s9 =	simm.s32 @!p0 $0x680  }
0xfc: {  	[spmem:s4] =	stream.indirect.scatter.add.f32 @!p0 [tilespmem:s12], [sflag:$0x3], $0x80, s9, s8, $0xb8;
	[tilespmem:$0x1CC00] =	vst v63  }
0xfd: {  	s8 =	simm.s32 @!p0 $0x3  }
0xfe: {  	_ =	swait.ge @!p0 [sflag:s8], $0x4000  }
0xff: {  	[sflag:s8] =	ssyncset.done @!p0 $0x0  }
0x100: {  	s20 =	simm.s32 $0x3;
	[sflag:s8] =	ssyncadd.s32 @!p0 $0xFFFFC000  }
0x101: {  	_ =	swait.ge [sflag:s20], $0x4000  }
0x102: {  	[sflag:s20] =	ssyncset.done $0x0  }
0x103: {  	[sflag:s20] =	ssyncadd.s32 $0xFFFFC000  }
0x104: {  	[bflag:$0x0] =	sbarrier.arrive $0xFFFF  }
0x105: {  	s21 =	sor.u32 $0x1C04, s15;
	s28 =	rddreg [dreg:$0xf]  }
0x106: {  	[hbm:s28], [sflag:s21] =	dma.local [spmem:s14], $0x2800  }
0x107: {  	s9 =	rddreg [dreg:$0x10]  }
0x108: {  	[tilespmem:s5], [sflag:$0x5] =	stream.linear.gather [hbm4b:s9+s5], $0x400, $0x38;
	[tilespmem:$0x1CC00] =	vst v63  }
0x109: {  	_ =	swait.ge [sflag:s23], $0x400  }
0x10a: {  	[sflag:s23] =	ssyncset.done $0x0  }
0x10b: {  	s15 =	simm.s32 $0x4;
	s12 =	rddreg [dreg:$0x11];
	[sflag:s23] =	ssyncadd.s32 $0xFFFFFC00  }
0x10c: {  	[tilespmem:s24], [sflag:$0x1] =	stream.linear.gather [hbm4b:s12+s5], $0x400, $0x38;
	[tilespmem:$0x1CC00] =	vst v63  }
0x10d: {  	_ =	swait.ge [sflag:s15], $0x2800  }
0x10e: {  	[sflag:s15] =	ssyncset.done $0x0  }
0x10f: {  	[sflag:s15] =	ssyncadd.s32 $0xFFFFD800  }
0x110: {  	[spmem:s14], [sflag:s22] =	dma.local [hbm:s3], $0x2800  }
0x111: {  	_ =	swait.ge [sflag:s23], $0x2800  }
0x112: {  	[sflag:s23] =	ssyncset.done $0x0  }
0x113: {  	[sflag:s23] =	ssyncadd.s32 $0xFFFFD800  }
0x114: {  	[tilespmem:s26], [sflag:$0x2] =	stream.indirect.gather [hbm4b:s1+s25], $0x80, s5, s25, $0xb8;
	[tilespmem:$0x1CC00] =	vst v63  }
0x115: {  	[bflag:$0x0] =	sbarrier.arrive $0xFFFF  }
0x116: {  	[tilespmem:s29], [sflag:$0x2] =	stream.indirect.gather [hbm4b:s1+s25], $0x80, s16, s25, $0xb8;
	[tilespmem:$0x1CC00] =	vst v63  }
0x117: {  	_ =	swait.ge [sflag:s30], $0x4000  }
0x118: {  	[sflag:s30] =	ssyncset.done $0x0  }
0x119: {  	[sflag:s30] =	ssyncadd.s32 $0xFFFFC000  }
0x11a: {  	[spmem:s4] =	stream.indirect.scatter.add.f32 [tilespmem:s26], [sflag:$0x3], $0x80, s25, s25, $0xb8;
	[tilespmem:$0x1CC00] =	vst v63  }
0x11b: {  	_ =	swait.ge [sflag:s20], $0x4000  }
0x11c: {  	[sflag:s20] =	ssyncset.done $0x0  }
0x11d: {  	[sflag:s20] =	ssyncadd.s32 $0xFFFFC000  }
0x11e: {  	[tilespmem:s26], [sflag:$0x2] =	stream.indirect.gather [hbm4b:s1+s25], $0x80, s17, s25, $0xb8;
	[tilespmem:$0x1CC00] =	vst v63  }
0x11f: {  	_ =	swait.ge [sflag:s30], $0x4000  }
0x120: {  	[sflag:s30] =	ssyncset.done $0x0  }
0x121: {  	[sflag:s30] =	ssyncadd.s32 $0xFFFFC000  }
0x122: {  	[spmem:s4] =	stream.indirect.scatter.add.f32 [tilespmem:s29], [sflag:$0x3], $0x80, s18, s25, $0xb8;
	[tilespmem:$0x1CC00] =	vst v63  }
0x123: {  	_ =	swait.ge [sflag:s20], $0x4000  }
0x124: {  	[sflag:s20] =	ssyncset.done $0x0  }
0x125: {  	[sflag:s20] =	ssyncadd.s32 $0xFFFFC000  }
0x126: {  	[tilespmem:s29], [sflag:$0x2] =	stream.indirect.gather [hbm4b:s1+s25], $0x80, s2, s25, $0xb8;
	[tilespmem:$0x1CC00] =	vst v63  }
0x127: {  	_ =	swait.ge [sflag:s30], $0x4000  }
0x128: {  	[sflag:s30] =	ssyncset.done $0x0  }
0x129: {  	[sflag:s30] =	ssyncadd.s32 $0xFFFFC000  }
0x12a: {  	[spmem:s4] =	stream.indirect.scatter.add.f32 [tilespmem:s26], [sflag:$0x3], $0x80, s6, s25, $0xb8;
	[tilespmem:$0x1CC00] =	vst v63  }
0x12b: {  	s8 =	smul.u32 $0xAB, s20;
	_ =	swait.ge [sflag:s7], $0x400  }
0x12c: {  	s17 =	simm.s32 $0x800;
	[sflag:s7] =	ssyncset.done $0x0  }
0x12d: {  	s18 =	sadd.s32 $0xFFFFFEAA, s8;
	s16 =	rddreg [dreg:$0x12];
	[sflag:s7] =	ssyncadd.s32 $0xFFFFFC00  }
0x12e: {  	[tilespmem:s17], [sflag:$0x1] =	stream.linear.gather [hbm4b:s16+s5], $0x400, $0x38;
	[tilespmem:$0x1CC00] =	vst v63  }
0x12f: {  	s9 =	sshrl.u32 s18, $0x9;
	_ =	swait.ge [sflag:s20], $0x4000  }
0x130: {  	s9 =	sand.u32 $0x7F, s9;
	[sflag:s20] =	ssyncset.done $0x0  }
0x131: {  	s9 =	smul.u32 $0x3, s9;
	[sflag:s20] =	ssyncadd.s32 $0xFFFFC000  }
0x132: {  	[tilespmem:s26], [sflag:$0x2] =	stream.indirect.gather [hbm4b:s1+s25], $0x80, s24, s25, $0xb8;
	[tilespmem:$0x1CC00] =	vst v63  }
0x133: {  	_ =	swait.ge [sflag:s30], $0x4000  }
0x134: {  	s9 =	ssub.s32 $0x3, s9;
	[sflag:s30] =	ssyncset.done $0x0  }
0x135: {  	s9 =	sadd.s32 $0xFFFFFFFE, s9;
	[sflag:s30] =	ssyncadd.s32 $0xFFFFC000  }
0x136: {  	[spmem:s4] =	stream.indirect.scatter.add.f32 [tilespmem:s29], [sflag:$0x3], $0x80, s10, s25, $0xb8;
	[tilespmem:$0x1CC00] =	vst v63  }
0x137: {  	s9 =	sand.u32 $0xFF, s9;
	_ =	swait.ge [sflag:s11], $0x4000  }
0x138: {  	s15 =	sshll.u32 s9, $0xA;
	[sflag:s11] =	ssyncset.done $0x0  }
0x139: {  	s9 =	sor.u32 $0x100, s15;
	[sflag:s11] =	ssyncadd.s32 $0xFFFFC000  }
0x13a: {  	[tilespmem:s29], [sflag:$0x2] =	stream.indirect.gather [hbm4b:s1+s25], $0x80, s9, s25, $0xb8;
	[tilespmem:$0x1CC00] =	vst v63  }
0x13b: {  	s31 =	smov.u32 s3;
	s19 =	sor.u32 $0x80, s15;
	_ =	swait.ge [sflag:s30], $0x4000  }
0x13c: {  	s20 =	sadd.s32 $0xFFFFFF55, s8;
	s8 =	sshrl.u32 s8, $0x9;
	[sflag:s30] =	ssyncset.done $0x0  }
0x13d: {  	s21 =	sor.u32 $0x200, s15;
	s8 =	sand.u32 $0x7F, s8;
	[sflag:s30] =	ssyncadd.s32 $0xFFFFC000  }
0x13e: {  	[spmem:s4] =	stream.indirect.scatter.add.f32 [tilespmem:s26], [sflag:$0x3], $0x80, s19, s25, $0xb8;
	[tilespmem:$0x1CC00] =	vst v63  }
0x13f: {  	s8 =	smul.u32 $0x3, s8;
	s9 =	sshrl.u32 s20, $0x9;
	_ =	swait.ge [sflag:s11], $0x4000  }
0x140: {  	s28 =	sor.u32 $0x180, s15;
	s9 =	sand.u32 $0x7F, s9;
	[sflag:s11] =	ssyncset.done $0x0  }
0x141: {  	s8 =	ssub.s32 $0x3, s8;
	s9 =	smul.u32 $0x3, s9;
	[sflag:s11] =	ssyncadd.s32 $0xFFFFC000  }
0x142: {  	[tilespmem:s26], [sflag:$0x2] =	stream.indirect.gather [hbm4b:s1+s25], $0x80, s21, s25, $0xb8;
	[tilespmem:$0x1CC00] =	vst v63  }
0x143: {  	s17 =	sand.u32 $0xFF, s8;
	s9 =	sxor.u32 $0xFFFFFFFF, s9;
	_ =	swait.ge [sflag:s30], $0x4000  }
0x144: {  	s19 =	simm.s32 $0x4;
	s9 =	sadd.s32 $0x3, s9;
	[sflag:s30] =	ssyncset.done $0x0  }
0x145: {  	s18 =	sand.u32 $0xFF, s9;
	s16 =	rddreg [dreg:$0x18];
	[sflag:s30] =	ssyncadd.s32 $0xFFFFC000  }
0x146: {  	[spmem:s4] =	stream.indirect.scatter.add.f32 [tilespmem:s29], [sflag:$0x3], $0x80, s28, s25, $0xb8;
	[tilespmem:$0x1CC00] =	vst v63  }
.LBB2_4:
0x147: {  	p1 =	sne.s32 s19, $0x12  }
0x148: {  	_ =	swait.ge [sflag:s11], $0x4000;
	s8 =	smov.u32 s19;
	s19 =	sadd.s32 $0x1, s19  }
0x149: {  	s9 =	smul.u32 $0xAB, s8;
	[sflag:s11] =	ssyncset.done $0x0  }
0x14a: {  	s12 =	sor.u32 $0x300, s15;
	[sflag:s11] =	ssyncadd.s32 $0xFFFFC000  }
0x14b: {  	[tilespmem:s29], [sflag:$0x2] =	stream.indirect.gather [hbm4b:s1+s25], $0x80, s12, s25, $0xb8;
	[tilespmem:$0x1CC00] =	vst v63  }
0x14c: {  	s12 =	sshrl.u32 s9, $0x9;
	s20 =	sadd.s32 $0xFFFFFF55, s9;
	_ =	swait.ge [sflag:s30], $0x4000  }
0x14d: {  	s9 =	sadd.s32 $0xFFFFFEAA, s9;
	s12 =	sand.u32 $0x7F, s12;
	[sflag:s30] =	ssyncset.done $0x0  }
0x14e: {  	s9 =	sshrl.u32 s9, $0x9;
	s12 =	smul.u32 $0x3, s12;
	[sflag:s30] =	ssyncadd.s32 $0xFFFFC000  }
0x14f: {  	s21 =	sor.u32 $0x280, s15;
	s28 =	sor.u32 $0x380, s15;
	s9 =	sand.u32 $0x7F, s9  }
0x150: {  	[spmem:s4] =	stream.indirect.scatter.add.f32 [tilespmem:s26], [sflag:$0x3], $0x80, s21, s25, $0xb8;
	[tilespmem:$0x1CC00] =	vst v63  }
0x151: {  	s9 =	smul.u32 $0x3, s9;
	s12 =	ssub.s32 s8, s12;
	_ =	swait.ge [sflag:s7], $0x400  }
0x152: {  	s15 =	sshll.u32 s17, $0xA;
	s17 =	sand.u32 $0xFF, s12;
	[sflag:s7] =	ssyncset.done $0x0  }
0x153: {  	s9 =	ssub.s32 s8, s9;
	s12 =	sshrl.u32 s20, $0x9;
	[sflag:s7] =	ssyncadd.s32 $0xFFFFFC00  }
0x154: {  	[tilespmem:s15], [sflag:$0x1] =	stream.linear.gather [hbm4b:s16+s5], $0x400, $0x38;
	[tilespmem:$0x1CC00] =	vst v63  }
0x155: {  	s9 =	sadd.s32 $0xFFFFFFFE, s9;
	s12 =	sand.u32 $0x7F, s12;
	_ =	swait.ge [sflag:s11], $0x4000  }
0x156: {  	s18 =	sshll.u32 s18, $0xA;
	s9 =	sand.u32 $0xFF, s9;
	[sflag:s11] =	ssyncset.done $0x0  }
0x157: {  	s15 =	sshll.u32 s9, $0xA;
	s9 =	smul.u32 $0x3, s12;
	[sflag:s11] =	ssyncadd.s32 $0xFFFFC000  }
0x158: {  	[tilespmem:s26], [sflag:$0x2] =	stream.indirect.gather [hbm4b:s1+s25], $0x80, s18, s25, $0xb8;
	[tilespmem:$0x1CC00] =	vst v63  }
0x159: {  	s9 =	sxor.u32 $0xFFFFFFFF, s9;
	_ =	swait.ge [sflag:s30], $0x4000  }
0x15a: {  	s8 =	sadd.s32 s8, s9;
	[sflag:s30] =	ssyncset.done $0x0  }
0x15b: {  	s18 =	sand.u32 $0xFF, s8;
	[sflag:s30] =	ssyncadd.s32 $0xFFFFC000  }
0x15c: {  	[spmem:s4] =	stream.indirect.scatter.add.f32 [tilespmem:s29], [sflag:$0x3], $0x80, s28, s25, $0xb8;
	[tilespmem:$0x1CC00] =	vst v63  }
0x15d: {  	_ =	swait.ge [sflag:s11], $0x4000  }
0x15e: {  	[sflag:s11] =	ssyncset.done $0x0  }
0x15f: {  	s8 =	sor.u32 $0x100, s15;
	[sflag:s11] =	ssyncadd.s32 $0xFFFFC000  }
0x160: {  	[tilespmem:s29], [sflag:$0x2] =	stream.indirect.gather [hbm4b:s1+s25], $0x80, s8, s25, $0xb8;
	[tilespmem:$0x1CC00] =	vst v63  }
0x161: {  	_ =	swait.ge [sflag:s30], $0x4000  }
0x162: {  	[sflag:s30] =	ssyncset.done $0x0  }
0x163: {  	s8 =	sor.u32 $0x80, s15;
	[sflag:s30] =	ssyncadd.s32 $0xFFFFC000  }
0x164: {  	[spmem:s4] =	stream.indirect.scatter.add.f32 [tilespmem:s26], [sflag:$0x3], $0x80, s8, s25, $0xb8;
	[tilespmem:$0x1CC00] =	vst v63  }
0x165: {  	_ =	swait.ge [sflag:s11], $0x4000  }
0x166: {  	[sflag:s11] =	ssyncset.done $0x0  }
0x167: {  	s8 =	sor.u32 $0x200, s15;
	[sflag:s11] =	ssyncadd.s32 $0xFFFFC000  }
0x168: {  	[tilespmem:s26], [sflag:$0x2] =	stream.indirect.gather [hbm4b:s1+s25], $0x80, s8, s25, $0xb8;
	[tilespmem:$0x1CC00] =	vst v63  }
.Ltmp1:
0x169: {  	_ = 	snop;
	(pc) =	sbr.rel @p1 .LBB2_4-.Ltmp1, $4  }
0x16a: {  	_ =	swait.ge [sflag:s30], $0x4000  }
0x16b: {  	[sflag:s30] =	ssyncset.done $0x0  }
0x16c: {  	s16 =	sadd.s32 $0x80, s16;
	s8 =	sor.u32 $0x180, s15;
	[sflag:s30] =	ssyncadd.s32 $0xFFFFC000  }
0x16d: {  	[spmem:s4] =	stream.indirect.scatter.add.f32 [tilespmem:s29], [sflag:$0x3], $0x80, s8, s25, $0xb8;
	[tilespmem:$0x1CC00] =	vst v63  }
0x16e: {  	_ =	swait.ge [sflag:s11], $0x4000  }
0x16f: {  	[sflag:s11] =	ssyncset.done $0x0  }
0x170: {  	s8 =	sor.u32 $0x300, s15;
	[sflag:s11] =	ssyncadd.s32 $0xFFFFC000  }
0x171: {  	[tilespmem:s29], [sflag:$0x2] =	stream.indirect.gather [hbm4b:s1+s25], $0x80, s8, s25, $0xb8;
	[tilespmem:$0x1CC00] =	vst v63  }
0x172: {  	_ =	swait.ge [sflag:s30], $0x4000  }
0x173: {  	[sflag:s30] =	ssyncset.done $0x0  }
0x174: {  	s3 =	sor.u32 $0x280, s15;
	[sflag:s30] =	ssyncadd.s32 $0xFFFFC000  }
0x175: {  	[spmem:s4] =	stream.indirect.scatter.add.f32 [tilespmem:s26], [sflag:$0x3], $0x80, s3, s25, $0xb8;
	[tilespmem:$0x1CC00] =	vst v63  }
0x176: {  	_ =	swait.ge [sflag:s7], $0x400  }
0x177: {  	[sflag:s7] =	ssyncset.done $0x0  }
0x178: {  	s9 =	sshll.u32 s17, $0xA;
	[sflag:s7] =	ssyncadd.s32 $0xFFFFFC00  }
0x179: {  	[tilespmem:s9], [sflag:$0x1] =	stream.linear.gather [hbm4b:s16+s5], $0x400, $0x38;
	[tilespmem:$0x1CC00] =	vst v63  }
0x17a: {  	_ =	swait.ge [sflag:s11], $0x4000  }
0x17b: {  	[sflag:s11] =	ssyncset.done $0x0  }
0x17c: {  	s12 =	sshll.u32 s18, $0xA;
	[sflag:s11] =	ssyncadd.s32 $0xFFFFC000  }
0x17d: {  	[tilespmem:s26], [sflag:$0x2] =	stream.indirect.gather [hbm4b:s1+s25], $0x80, s12, s25, $0xb8;
	[tilespmem:$0x1CC00] =	vst v63  }
0x17e: {  	_ =	swait.ge [sflag:s30], $0x4000  }
0x17f: {  	[sflag:s30] =	ssyncset.done $0x0  }
0x180: {  	s16 =	sor.u32 $0x380, s15;
	[sflag:s30] =	ssyncadd.s32 $0xFFFFC000  }
0x181: {  	[spmem:s4] =	stream.indirect.scatter.add.f32 [tilespmem:s29], [sflag:$0x3], $0x80, s16, s25, $0xb8;
	[tilespmem:$0x1CC00] =	vst v63  }
0x182: {  	_ =	swait.ge [sflag:s11], $0x4000  }
0x183: {  	[sflag:s11] =	ssyncset.done $0x0  }
0x184: {  	s3 =	simm.s32 $0x900;
	[sflag:s11] =	ssyncadd.s32 $0xFFFFC000  }
0x185: {  	[tilespmem:s29], [sflag:$0x2] =	stream.indirect.gather [hbm4b:s1+s25], $0x80, s3, s25, $0xb8;
	[tilespmem:$0x1CC00] =	vst v63  }
0x186: {  	_ =	swait.ge [sflag:s30], $0x4000  }
0x187: {  	[sflag:s30] =	ssyncset.done $0x0  }
0x188: {  	s17 =	simm.s32 $0x880;
	[sflag:s30] =	ssyncadd.s32 $0xFFFFC000  }
0x189: {  	[spmem:s4] =	stream.indirect.scatter.add.f32 [tilespmem:s26], [sflag:$0x3], $0x80, s17, s25, $0xb8;
	[tilespmem:$0x1CC00] =	vst v63  }
0x18a: {  	_ =	swait.ge [sflag:s11], $0x4000  }
0x18b: {  	[sflag:s11] =	ssyncset.done $0x0  }
0x18c: {  	s18 =	simm.s32 $0xA00;
	[sflag:s11] =	ssyncadd.s32 $0xFFFFC000  }
0x18d: {  	[tilespmem:s26], [sflag:$0x2] =	stream.indirect.gather [hbm4b:s1+s25], $0x80, s18, s25, $0xb8;
	[tilespmem:$0x1CC00] =	vst v63  }
0x18e: {  	_ =	swait.ge [sflag:s30], $0x4000  }
0x18f: {  	[sflag:s30] =	ssyncset.done $0x0  }
0x190: {  	s19 =	simm.s32 $0x980;
	[sflag:s30] =	ssyncadd.s32 $0xFFFFC000  }
0x191: {  	[spmem:s4] =	stream.indirect.scatter.add.f32 [tilespmem:s29], [sflag:$0x3], $0x80, s19, s25, $0xb8;
	[tilespmem:$0x1CC00] =	vst v63  }
0x192: {  	_ =	swait.ge [sflag:s11], $0x4000  }
0x193: {  	[sflag:s11] =	ssyncset.done $0x0  }
0x194: {  	s20 =	simm.s32 $0xB00;
	[sflag:s11] =	ssyncadd.s32 $0xFFFFC000  }
0x195: {  	[tilespmem:s29], [sflag:$0x2] =	stream.indirect.gather [hbm4b:s1+s25], $0x80, s20, s25, $0xb8;
	[tilespmem:$0x1CC00] =	vst v63  }
0x196: {  	_ =	swait.ge [sflag:s30], $0x4000  }
0x197: {  	[sflag:s30] =	ssyncset.done $0x0  }
0x198: {  	s21 =	simm.s32 $0xA80;
	[sflag:s30] =	ssyncadd.s32 $0xFFFFC000  }
0x199: {  	[spmem:s4] =	stream.indirect.scatter.add.f32 [tilespmem:s26], [sflag:$0x3], $0x80, s21, s25, $0xb8;
	[tilespmem:$0x1CC00] =	vst v63  }
0x19a: {  	_ =	swait.ge [sflag:s7], $0x400  }
0x19b: {  	[sflag:s7] =	ssyncset.done $0x0  }
0x19c: {  	[sflag:s7] =	ssyncadd.s32 $0xFFFFFC00  }
0x19d: {  	_ =	swait.ge [sflag:s11], $0x4000  }
0x19e: {  	[sflag:s11] =	ssyncset.done $0x0  }
0x19f: {  	[sflag:s11] =	ssyncadd.s32 $0xFFFFC000  }
0x1a0: {  	[tilespmem:s26], [sflag:$0x2] =	stream.indirect.gather [hbm4b:s1+s25], $0x80, s5, s25, $0xb8;
	[tilespmem:$0x1CC00] =	vst v63  }
0x1a1: {  	_ =	swait.ge [sflag:s30], $0x4000  }
0x1a2: {  	[sflag:s30] =	ssyncset.done $0x0  }
0x1a3: {  	s28 =	simm.s32 $0xB80;
	[sflag:s30] =	ssyncadd.s32 $0xFFFFC000  }
0x1a4: {  	[spmem:s4] =	stream.indirect.scatter.add.f32 [tilespmem:s29], [sflag:$0x3], $0x80, s28, s25, $0xb8;
	[tilespmem:$0x1CC00] =	vst v63  }
0x1a5: {  	s8 =	rddreg [dreg:$0x13]  }
0x1a6: {  	[tilespmem:s24], [sflag:$0x5] =	stream.linear.gather [hbm4b:s8+s5], $0x200, $0x38;
	[tilespmem:$0x1CC00] =	vst v63  }
0x1a7: {  	_ =	swait.ge [sflag:s23], $0x200  }
0x1a8: {  	[sflag:s23] =	ssyncset.done $0x0  }
0x1a9: {  	s12 =	simm.s32 $0x600;
	s9 =	rddreg [dreg:$0x14];
	[sflag:s23] =	ssyncadd.s32 $0xFFFFFE00  }
0x1aa: {  	[tilespmem:s12], [sflag:$0x5] =	stream.linear.gather [hbm4b:s9+s5], $0x100, $0x38;
	[tilespmem:$0x1CC00] =	vst v63  }
0x1ab: {  	_ =	swait.ge [sflag:s23], $0x100  }
0x1ac: {  	[sflag:s23] =	ssyncset.done $0x0  }
0x1ad: {  	[sflag:s23] =	ssyncadd.s32 $0xFFFFFF00  }
0x1ae: {  	_ =	swait.ge [sflag:s11], $0x4000  }
0x1af: {  	[sflag:s11] =	ssyncset.done $0x0  }
0x1b0: {  	s16 =	simm.s32 $0x100;
	[sflag:s11] =	ssyncadd.s32 $0xFFFFC000  }
0x1b1: {  	[tilespmem:s29], [sflag:$0x2] =	stream.indirect.gather [hbm4b:s1+s25], $0x80, s16, s25, $0xb8;
	[tilespmem:$0x1CC00] =	vst v63  }
0x1b2: {  	_ =	swait.ge [sflag:s30], $0x4000  }
0x1b3: {  	[sflag:s30] =	ssyncset.done $0x0  }
0x1b4: {  	[sflag:s30] =	ssyncadd.s32 $0xFFFFC000  }
0x1b5: {  	[spmem:s4] =	stream.indirect.scatter.add.f32 [tilespmem:s26], [sflag:$0x3], $0x80, s25, s25, $0xb8;
	[tilespmem:$0x1CC00] =	vst v63  }
0x1b6: {  	_ =	swait.ge [sflag:s11], $0x4000  }
0x1b7: {  	[sflag:s11] =	ssyncset.done $0x0  }
0x1b8: {  	s17 =	simm.s32 $0x200;
	[sflag:s11] =	ssyncadd.s32 $0xFFFFC000  }
0x1b9: {  	[tilespmem:s26], [sflag:$0x2] =	stream.indirect.gather [hbm4b:s1+s25], $0x80, s17, s25, $0xb8;
	[tilespmem:$0x1CC00] =	vst v63  }
0x1ba: {  	_ =	swait.ge [sflag:s30], $0x4000  }
0x1bb: {  	[sflag:s30] =	ssyncset.done $0x0  }
0x1bc: {  	s18 =	simm.s32 $0x180;
	[sflag:s30] =	ssyncadd.s32 $0xFFFFC000  }
0x1bd: {  	[spmem:s4] =	stream.indirect.scatter.add.f32 [tilespmem:s29], [sflag:$0x3], $0x80, s18, s25, $0xb8;
	[tilespmem:$0x1CC00] =	vst v63  }
0x1be: {  	_ =	swait.ge [sflag:s11], $0x4000  }
0x1bf: {  	[sflag:s11] =	ssyncset.done $0x0  }
0x1c0: {  	[sflag:s11] =	ssyncadd.s32 $0xFFFFC000  }
0x1c1: {  	[tilespmem:s29], [sflag:$0x2] =	stream.indirect.gather [hbm4b:s1+s25], $0x80, s2, s25, $0xb8;
	[tilespmem:$0x1CC00] =	vst v63  }
0x1c2: {  	_ =	swait.ge [sflag:s30], $0x4000  }
0x1c3: {  	[sflag:s30] =	ssyncset.done $0x0  }
0x1c4: {  	[sflag:s30] =	ssyncadd.s32 $0xFFFFC000  }
0x1c5: {  	[spmem:s4] =	stream.indirect.scatter.add.f32 [tilespmem:s26], [sflag:$0x3], $0x80, s6, s25, $0xb8;
	[tilespmem:$0x1CC00] =	vst v63  }
0x1c6: {  	_ =	swait.ge [sflag:s11], $0x4000  }
0x1c7: {  	[sflag:s11] =	ssyncset.done $0x0  }
0x1c8: {  	[sflag:s11] =	ssyncadd.s32 $0xFFFFC000  }
0x1c9: {  	[tilespmem:s26], [sflag:$0x2] =	stream.indirect.gather [hbm4b:s1+s25], $0x80, s24, s25, $0xb8;
	[tilespmem:$0x1CC00] =	vst v63  }
0x1ca: {  	_ =	swait.ge [sflag:s30], $0x4000  }
0x1cb: {  	[sflag:s30] =	ssyncset.done $0x0  }
0x1cc: {  	[sflag:s30] =	ssyncadd.s32 $0xFFFFC000  }
0x1cd: {  	[spmem:s4] =	stream.indirect.scatter.add.f32 [tilespmem:s29], [sflag:$0x3], $0x80, s10, s25, $0xb8;
	[tilespmem:$0x1CC00] =	vst v63  }
0x1ce: {  	_ =	swait.ge [sflag:s11], $0x4000  }
0x1cf: {  	[sflag:s11] =	ssyncset.done $0x0  }
0x1d0: {  	s15 =	simm.s32 $0x500;
	[sflag:s11] =	ssyncadd.s32 $0xFFFFC000  }
0x1d1: {  	[tilespmem:s29], [sflag:$0x2] =	stream.indirect.gather [hbm4b:s1+s25], $0x80, s15, s25, $0xb8;
	[tilespmem:$0x1CC00] =	vst v63  }
0x1d2: {  	_ =	swait.ge [sflag:s30], $0x4000  }
0x1d3: {  	[sflag:s30] =	ssyncset.done $0x0  }
0x1d4: {  	s19 =	simm.s32 $0x480;
	[sflag:s30] =	ssyncadd.s32 $0xFFFFC000  }
0x1d5: {  	[spmem:s4] =	stream.indirect.scatter.add.f32 [tilespmem:s26], [sflag:$0x3], $0x80, s19, s25, $0xb8;
	[tilespmem:$0x1CC00] =	vst v63  }
0x1d6: {  	_ =	swait.ge [sflag:s11], $0x4000  }
0x1d7: {  	[sflag:s11] =	ssyncset.done $0x0  }
0x1d8: {  	[sflag:s11] =	ssyncadd.s32 $0xFFFFC000  }
0x1d9: {  	_ =	swait.ge [sflag:s30], $0x4000  }
0x1da: {  	[sflag:s30] =	ssyncset.done $0x0  }
0x1db: {  	s20 =	simm.s32 $0x580;
	[sflag:s30] =	ssyncadd.s32 $0xFFFFC000  }
0x1dc: {  	[spmem:s4] =	stream.indirect.scatter.add.f32 [tilespmem:s29], [sflag:$0x3], $0x80, s20, s25, $0xb8;
	[tilespmem:$0x1CC00] =	vst v63  }
0x1dd: {  	s8 =	simm.s32 @!p0 $0x80;
	s9 =	simm.s32 @!p0 $0x600;
	s12 =	simm.s32 @!p0 $0xC00  }
0x1de: {  	[tilespmem:s12], [sflag:$0x2] =	stream.indirect.gather @!p0 [hbm4b:s1+s8], $0x80, s9, s8, $0xb8;
	[tilespmem:$0x1CC00] =	vst v63  }
0x1df: {  	s9 =	simm.s32 @!p0 $0x2  }
0x1e0: {  	_ =	swait.ge @!p0 [sflag:s9], $0x4000  }
0x1e1: {  	[sflag:s9] =	ssyncset.done @!p0 $0x0  }
0x1e2: {  	[sflag:s9] =	ssyncadd.s32 @!p0 $0xFFFFC000;
	s9 =	simm.s32 @!p0 $0x680  }
0x1e3: {  	[spmem:s4] =	stream.indirect.scatter.add.f32 @!p0 [tilespmem:s12], [sflag:$0x3], $0x80, s9, s8, $0xb8;
	[tilespmem:$0x1CC00] =	vst v63  }
0x1e4: {  	s8 =	simm.s32 @!p0 $0x3  }
0x1e5: {  	_ =	swait.ge @!p0 [sflag:s8], $0x4000  }
0x1e6: {  	[sflag:s8] =	ssyncset.done @!p0 $0x0  }
0x1e7: {  	[sflag:s8] =	ssyncadd.s32 @!p0 $0xFFFFC000  }
0x1e8: {  	_ =	swait.ge [sflag:s11], $0x4000  }
0x1e9: {  	[sflag:s11] =	ssyncset.done $0x0  }
0x1ea: {  	[sflag:s11] =	ssyncadd.s32 $0xFFFFC000  }
0x1eb: {  	[bflag:$0x0] =	sbarrier.arrive $0xFFFF  }
0x1ec: {  	s21 =	rddreg [dreg:$0x15]  }
0x1ed: {  	[hbm:s21], [sflag:s22] =	dma.local [spmem:s14], $0x2800  }
0x1ee: {  	_ =	swait.ge [sflag:s23], $0x2800  }
0x1ef: {  	s13 =	sadd.s32 $0x1, s13;
	s28 =	rddreg [dreg:$0x16]  }
0x1f0: {  	p1 =	sne.s32 s13, s28  }
.Ltmp2:
0x1f1: {  	_ = 	snop;
	(pc) =	sbr.rel @p1 .LBB2_1-.Ltmp2, $3  }
0x1f2: {  	_ =	sdelay $0x1  }
0x1f3: {  	[sflag:s23] =	ssyncset.done $0x0  }
0x1f4: {  	[sflag:s23] =	ssyncadd.s32 $0xFFFFD800  }
0x1f5: {  	_ =	sfence.sel $0x180000  }
0x1f6: {  	[bflag:$0x0] =	sbarrier.arrive $0xFFFF  }
0x1f7: {  	_ =	strace $0x90000047  }
0x1f8: {  	s0 =	stileid.u32;
	[bflag:$0x2] =	sbarrier.arrive $0xFFFF  }
0x1f9: {  	p0 =	sne.s32 s0, $0x0;
	s0 =	rddreg [dreg:$0x8]  }
0x1fa: {  	s0 =	sadd.s32 @!p0 $0x100000, s0  }
0x1fb: {  	[sflag:s0] =	ssyncadd.tile.s32 @!p0 $0x1;
	_ =	shalt  }
.Lfunc_end2:
_tile_overlayer_lowered:
.L_overlay_start_2:
0x1fc: {  	(tag) =	ssettag $0x2  }
0x1fd: {  	s0 =	rddreg [dreg:$0x0];
	s2 =	stileid.u32  }
0x1fe: {  	s1 =	rddreg [dreg:$0x1];
	p0 =	sne.s32 s2, $0x0  }
0x1ff: {  	s3 =	rddreg [dreg:$0x2];
	[bflag:$0x3] =	sbarrier.arrive $0xFFFF;
	s2 =	simm.s32 @!p0 $0x1C05  }
0x200: {  	[timem:s3], [sflag:s2] =	dma.local @!p0 [hbm:s0], s1  }
0x201: {  	s0 =	simm.s32 @!p0 $0x5  }
0x202: {  	_ =	swait.ge @!p0 [sflag:s0], s1  }
0x203: {  	s1 =	ssub.s32 @!p0 $0x0, s1;
	[sflag:s0] =	ssyncset.done @!p0 $0x0  }
0x204: {  	[sflag:s0] =	ssyncadd.s32 @!p0 s1  }
0x205: {  	[bflag:$0x3] =	sbarrier.arrive $0xFFFF  }
0x206: {  	_ =	shalt  }

</sc_bundles>
